<compile_context>
chip_gen: v7x
topology: tpu7x:2x2x1
jax: 0.10.2.dev20260603
libtpu: 0.0.44.dev20260713+nightly
codegen_flags: <defaults>
</compile_context>

<pallas_src>
import functools

import jax
import jax.numpy as jnp
from jax import lax
from jax.experimental import pallas as pl
from jax.experimental.pallas import tpu as pltpu
from jax.experimental.pallas import tpu_sc as plsc

N = 10000
E = 320000
HID = 128
NCLS = 16
BATCH = 2
HALF = N // BATCH

NC = 2
NS = 16
NW = NC * NS
NP = 10240
RPS = NP // NS
EPW = E // NW
CHUNK = 128
EPAD = 10112
NCHUNK = EPAD // CHUNK
PAD_E = EPAD - EPW
RPW = NP // NW
TPC = 3
HALFN = NP // NC
NBLK = 100
BROWS = 25
CAP = 96
CAPE = CAP * CHUNK
PAD_R = 240

_mesh = plsc.VectorSubcoreMesh(core_axis_name="c", subcore_axis_name="s")



@functools.partial(
    pl.kernel,
    out_type=jax.ShapeDtypeStruct((NC, 2, NP), jnp.float32),
    mesh=_mesh,
    compiler_params=pltpu.CompilerParams(needs_layout_passes=False),
    scratch_types=[
        pltpu.VMEM((NCHUNK, CHUNK), jnp.int32),
        pltpu.VMEM((NCHUNK, CHUNK), jnp.int32),
        pltpu.VMEM((NP,), jnp.float32),
        pltpu.VMEM((NP,), jnp.float32),
        pltpu.VMEM((NS, RPS), jnp.float32),
        pltpu.VMEM((RPS,), jnp.float32),
        pltpu.VMEM_SHARED((2, NS, NP), jnp.float32),
    ],
)
def _sc_degrees(srcp_hbm, dstp_hbm, out_hbm, src_v, dst_v, hs_v, hd_v,
                red_v, strip_v, hstack):
    c = lax.axis_index("c")
    s = lax.axis_index("s")
    r0 = s * RPS
    zero16 = jnp.zeros((16,), jnp.float32)

    def zh(i, carry):
        hs_v[pl.ds(i * 16, 16)] = zero16
        hd_v[pl.ds(i * 16, 16)] = zero16
        return carry

    lax.fori_loop(0, NP // 16, zh, 0)
    pltpu.sync_copy(srcp_hbm.at[c, s], src_v)
    pltpu.sync_copy(dstp_hbm.at[c, s], dst_v)

    def chunk(j, carry):
        for l in range(CHUNK // 16):
            sv = src_v[j, pl.ds(l * 16, 16)]
            cnt, last = plsc.scan_count(sv)
            plsc.addupdate_scatter(hs_v, [sv], cnt.astype(jnp.float32),
                                   mask=last)
            dv = dst_v[j, pl.ds(l * 16, 16)]
            cnt2, last2 = plsc.scan_count(dv)
            plsc.addupdate_scatter(hd_v, [dv], cnt2.astype(jnp.float32),
                                   mask=last2)
        return carry

    lax.fori_loop(0, NCHUNK, chunk, 0)
    pltpu.sync_copy(hs_v, hstack.at[0, s])
    pltpu.sync_copy(hd_v, hstack.at[1, s])
    plsc.subcore_barrier()
    for d in range(2):
        pltpu.sync_copy(hstack.at[d, :, pl.ds(r0, RPS)], red_v)

        def red(t, carry):
            acc = red_v[0, pl.ds(t * 16, 16)]
            for k in range(1, NS):
                acc = acc + red_v[k, pl.ds(t * 16, 16)]
            strip_v[pl.ds(t * 16, 16)] = acc
            return carry

        lax.fori_loop(0, RPS // 16, red, 0)
        pltpu.sync_copy(strip_v, out_hbm.at[c, d, pl.ds(r0, RPS)])


@functools.partial(
    pl.kernel,
    out_type=jax.ShapeDtypeStruct((NC, NP, HID), jnp.float32),
    mesh=_mesh,
    scratch_types=[
        pltpu.VMEM((NCHUNK, CHUNK), jnp.int32),
        pltpu.VMEM((NCHUNK, CHUNK), jnp.int32),
        pltpu.VMEM((CHUNK, HID), jnp.float32),
        pltpu.VMEM_SHARED((NP, HID), jnp.float32),
        pltpu.SemaphoreType.DMA,
    ],
)
def _sc_agg128(h_hbm, srcp_hbm, dstp_hbm, out_hbm, src_v, dst_v,
               rows_v, acc, gsem):
    c = lax.axis_index("c")
    s = lax.axis_index("s")
    r0 = s * RPS
    zero16 = jnp.zeros((16,), jnp.float32)

    def zrow(r, carry):
        for l in range(HID // 16):
            rows_v[r, pl.ds(l * 16, 16)] = zero16
        return carry

    lax.fori_loop(0, CHUNK, zrow, 0)

    def zcp(t, carry):
        pltpu.sync_copy(rows_v, acc.at[pl.ds(r0 + t * CHUNK, CHUNK)])
        return carry

    lax.fori_loop(0, RPS // CHUNK, zcp, 0)
    pltpu.sync_copy(srcp_hbm.at[c, s], src_v)
    pltpu.sync_copy(dstp_hbm.at[c, s], dst_v)
    plsc.subcore_barrier()

    def body(j, carry):
        pltpu.async_copy(h_hbm.at[src_v.at[j]], rows_v, gsem).wait()
        pltpu.sync_copy(rows_v, acc.at[dst_v.at[j]], add=True)
        return carry

    lax.fori_loop(0, NCHUNK, body, 0)
    plsc.subcore_barrier()
    pltpu.sync_copy(acc.at[pl.ds(r0, RPS)], out_hbm.at[c, pl.ds(r0, RPS)])


@functools.partial(
    pl.kernel,
    out_type=(jax.ShapeDtypeStruct((NW, CAPE), jnp.int32),
              jax.ShapeDtypeStruct((NW, CAPE), jnp.int32)),
    mesh=_mesh,
    compiler_params=pltpu.CompilerParams(needs_layout_passes=False),
    scratch_types=[
        pltpu.VMEM((BROWS, CHUNK), jnp.int32),
        pltpu.VMEM((BROWS, CHUNK), jnp.int32),
        pltpu.VMEM((CAPE,), jnp.int32),
        pltpu.VMEM((CAPE,), jnp.int32),
    ],
)
def _sc_bin(srcb_hbm, dstb_hbm, srcl_hbm, dstl_hbm, sb_v, db_v, sl_v, dl_v):
    c = lax.axis_index("c")
    s = lax.axis_index("s")
    w = c * NS + s
    lo = w * RPW
    hi = lo + RPW
    dbase = c * HALFN
    iota = lax.iota(jnp.int32, 16)

    def pre(r, carry):
        for l in range(8):
            slot0 = (r * 8 + l) * 16
            sl_v[pl.ds(slot0, 16)] = N + lax.rem(slot0 + iota, PAD_R)
            dl_v[pl.ds(slot0, 16)] = lax.rem(slot0 + iota, HALFN)
        return carry

    lax.fori_loop(0, CAP, pre, 0)

    def blk(b, off):
        pltpu.sync_copy(srcb_hbm.at[b], sb_v)
        pltpu.sync_copy(dstb_hbm.at[b], db_v)

        def rloop(r, off):
            for l in range(8):
                dv = db_v[r, pl.ds(l * 16, 16)]
                sv = sb_v[r, pl.ds(l * 16, 16)]
                m = (dv >= lo) & (dv < hi)
                plsc.store_compressed(sl_v.at[pl.ds(off, 16)], sv, mask=m)
                plsc.store_compressed(dl_v.at[pl.ds(off, 16)], dv - dbase, mask=m)
                off = off + jnp.max(plsc.all_reduce_population_count(m))
            return off

        return lax.fori_loop(0, BROWS, rloop, off)

    lax.fori_loop(0, NBLK, blk, 0)
    pltpu.sync_copy(sl_v, srcl_hbm.at[w])
    pltpu.sync_copy(dl_v, dstl_hbm.at[w])


@functools.partial(
    pl.kernel,
    out_type=jax.ShapeDtypeStruct((NP, HID), jnp.float32),
    mesh=_mesh,
    scratch_types=[
        pltpu.VMEM((CAP, CHUNK), jnp.int32),
        pltpu.VMEM((CAP, CHUNK), jnp.int32),
        pltpu.VMEM((2, CHUNK, HID), jnp.float32),
        pltpu.VMEM_SHARED((HALFN, HID), jnp.float32),
        pltpu.SemaphoreType.DMA,
    ],
)
def _sc_agg_exact(h_hbm, srcl_hbm, dstl_hbm, out_hbm, src_v, dst_v, rows_v,
                  acc, gsem):
    c = lax.axis_index("c")
    s = lax.axis_index("s")
    w = c * NS + s
    z0 = s * (HALFN // NS)
    zero16 = jnp.zeros((16,), jnp.float32)

    def zrow(r, carry):
        for l in range(HID // 16):
            rows_v[0, r, pl.ds(l * 16, 16)] = zero16
        return carry

    lax.fori_loop(0, 64, zrow, 0)

    def zcp(t, carry):
        pltpu.sync_copy(rows_v.at[0, pl.ds(0, 64)],
                        acc.at[pl.ds(z0 + t * 64, 64)])
        return carry

    lax.fori_loop(0, (HALFN // NS) // 64, zcp, 0)
    pltpu.sync_copy(srcl_hbm.at[w], src_v)
    pltpu.sync_copy(dstl_hbm.at[w], dst_v)
    plsc.subcore_barrier()

    pltpu.async_copy(h_hbm.at[src_v.at[0]], rows_v.at[0], gsem).wait()

    def body(j, carry):
        nxt = pltpu.async_copy(h_hbm.at[src_v.at[j + 1]],
                               rows_v.at[(j + 1) % 2], gsem)
        pltpu.sync_copy(rows_v.at[j % 2], acc.at[dst_v.at[j]], add=True)
        nxt.wait()
        return carry

    lax.fori_loop(0, CAP - 1, body, 0)
    pltpu.sync_copy(rows_v.at[(CAP - 1) % 2], acc.at[dst_v.at[CAP - 1]],
                    add=True)
    plsc.subcore_barrier()
    pltpu.sync_copy(acc.at[pl.ds(z0, HALFN // NS)],
                    out_hbm.at[pl.ds(c * HALFN + z0, HALFN // NS)])


@functools.partial(
    pl.kernel,
    out_type=jax.ShapeDtypeStruct((NC, NP, HID), jnp.float32),
    mesh=_mesh,
    scratch_types=[
        pltpu.VMEM((TPC, CHUNK), jnp.int32),
        pltpu.VMEM((CHUNK, HID), jnp.float32),
        pltpu.VMEM_SHARED((NP, HID), jnp.float32),
    ],
)
def _sc_permute(h_hbm, tgt_hbm, out_hbm, tgt_v, rows_v, acc):
    c = lax.axis_index("c")
    s = lax.axis_index("s")
    r0 = s * RPS
    base = (c * NS + s) * RPW
    zero16 = jnp.zeros((16,), jnp.float32)

    def zrow(r, carry):
        for l in range(HID // 16):
            rows_v[r, pl.ds(l * 16, 16)] = zero16
        return carry

    lax.fori_loop(0, CHUNK, zrow, 0)

    def zcp(t, carry):
        pltpu.sync_copy(rows_v, acc.at[pl.ds(r0 + t * CHUNK, CHUNK)])
        return carry

    lax.fori_loop(0, RPS // CHUNK, zcp, 0)
    pltpu.sync_copy(tgt_hbm.at[c, s], tgt_v)
    plsc.subcore_barrier()
    for jc in range(2):
        pltpu.sync_copy(h_hbm.at[pl.ds(base + jc * CHUNK, CHUNK)], rows_v)
        pltpu.sync_copy(rows_v, acc.at[tgt_v.at[jc]])
    pltpu.sync_copy(h_hbm.at[pl.ds(base + 2 * CHUNK, 64)],
                    rows_v.at[pl.ds(0, 64)])
    pltpu.sync_copy(h_hbm.at[pl.ds(N, 64)], rows_v.at[pl.ds(64, 64)])
    pltpu.sync_copy(rows_v, acc.at[tgt_v.at[2]])
    plsc.subcore_barrier()
    pltpu.sync_copy(acc.at[pl.ds(r0, RPS)], out_hbm.at[c, pl.ds(r0, RPS)])



RB = 2048


def _tc_norms_body(degp_ref, feat_ref, x0_ref, ns_ref, nd_ref):
    dsrc = degp_ref[0] + degp_ref[2]
    ddst = degp_ref[1] + degp_ref[3]
    ns = lax.rsqrt(jnp.maximum(dsrc, 1.0))
    nd = lax.rsqrt(jnp.maximum(ddst, 1.0))
    ns_ref[...] = ns
    nd_ref[...] = nd
    x0_ref[...] = feat_ref[...] * ns


def _tc_layer_body(agg_ref, nd_ref, ns_ref, w_ref, b_ref, out_ref):
    i = pl.program_id(0)
    x = agg_ref[...] * nd_ref[...]
    h = jnp.dot(x, w_ref[...], preferred_element_type=jnp.float32)
    h = jnp.maximum(h + b_ref[...], 0.0)
    row = i * RB + lax.broadcasted_iota(jnp.int32, (RB, 1), 0)
    out_ref[...] = jnp.where(row < N, h * ns_ref[...], 0.0)


def _tc_head_body(agg_ref, nd_ref, w2_ref, b2_ref, h2_ref, k_ref):
    i = pl.program_id(0)
    x = agg_ref[...] * nd_ref[...]
    h2 = jnp.dot(x, w2_ref[...], preferred_element_type=jnp.float32)
    h2 = jnp.maximum(h2 + b2_ref[...], 0.0)
    row = i * RB + lax.broadcasted_iota(jnp.int32, (RB, 1), 0)
    valid = row < N
    h2_ref[...] = jnp.where(valid, h2, 0.0)
    k_ref[...] = jnp.where(valid, h2[:, HID - 1:HID], -1.0)


ITILE = 1000
JT = 512
KPAD = 5120


def _tc_rank_body(kc_ref, kr_ref, out_ref):
    b = pl.program_id(0)
    it = pl.program_id(1)
    ki = kc_ref[0]
    i_idx = it * ITILE + lax.broadcasted_iota(jnp.int32, (ITILE, 1), 0)

    def jt_body(jt, acc):
        kj = kr_ref[0, 0:1, pl.ds(jt * JT, JT)]
        j_idx = jt * JT + lax.broadcasted_iota(jnp.int32, (1, JT), 1)
        gt = kj > ki
        eq = (kj == ki) & (j_idx < i_idx)
        return acc + jnp.sum((gt | eq).astype(jnp.float32), axis=1,
                             keepdims=True)

    acc = lax.fori_loop(0, KPAD // JT, jt_body,
                        jnp.zeros((ITILE, 1), jnp.float32))
    out_ref[0] = acc.astype(jnp.int32) + b * HALF


def _tc_scale_body(hp_ref, ns_ref, out_ref):
    i = pl.program_id(0)
    row = i * RB + lax.broadcasted_iota(jnp.int32, (RB, 1), 0)
    h = hp_ref[0] + hp_ref[1]
    out_ref[...] = jnp.where(row < N, h * ns_ref[...], 0.0)


RBD = 2000


def _tc_final_body(aggp_ref, nd_ref, w3_ref, b3_ref, out_ref):
    x = (aggp_ref[0] + aggp_ref[1]) * nd_ref[...]
    out_ref[...] = jnp.dot(
        x, w3_ref[...], preferred_element_type=jnp.float32) + b3_ref[...]



def kernel(features, edge_index, W1, b1, W2, b2, W3, b3):
    f32 = jnp.float32
    src = edge_index[0].reshape(NW, EPW)
    dst = edge_index[1].reshape(NW, EPW)
    pad_idx = jnp.broadcast_to(
        jnp.arange(N, N + PAD_E, dtype=jnp.int32)[None], (NW, PAD_E))
    srcp = jnp.concatenate([src, pad_idx], axis=1).reshape(
        NC, NS, NCHUNK, CHUNK)
    dstp = jnp.concatenate([dst, pad_idx], axis=1).reshape(
        NC, NS, NCHUNK, CHUNK)

    featp = jnp.pad(features, ((0, NP - N), (0, 0)))

    srcb = edge_index[0].reshape(NBLK, BROWS, CHUNK)
    dstb = edge_index[1].reshape(NBLK, BROWS, CHUNK)
    srcl, dstl = _sc_bin(srcb, dstb)
    srcl = srcl.reshape(NW, CAP, CHUNK)
    dstl = dstl.reshape(NW, CAP, CHUNK)

    degp = _sc_degrees(srcp, dstp)
    degp4 = degp.reshape(NC * 2, NP, 1)

    grid5 = (NP // RB,)
    x0, ns, nd = pl.pallas_call(
        _tc_norms_body,
        grid=grid5,
        in_specs=[
            pl.BlockSpec((NC * 2, RB, 1), lambda i: (0, i, 0)),
            pl.BlockSpec((RB, HID), lambda i: (i, 0)),
        ],
        out_specs=[
            pl.BlockSpec((RB, HID), lambda i: (i, 0)),
            pl.BlockSpec((RB, 1), lambda i: (i, 0)),
            pl.BlockSpec((RB, 1), lambda i: (i, 0)),
        ],
        out_shape=[
            jax.ShapeDtypeStruct((NP, HID), f32),
            jax.ShapeDtypeStruct((NP, 1), f32),
            jax.ShapeDtypeStruct((NP, 1), f32),
        ],
    )(degp4, featp)

    agg1 = _sc_agg_exact(x0, srcl, dstl)

    def dense_layer(agg, W, b):
        return pl.pallas_call(
            _tc_layer_body,
            grid=grid5,
            in_specs=[
                pl.BlockSpec((RB, HID), lambda i: (i, 0)),
                pl.BlockSpec((RB, 1), lambda i: (i, 0)),
                pl.BlockSpec((RB, 1), lambda i: (i, 0)),
                pl.BlockSpec((HID, HID), lambda i: (0, 0)),
                pl.BlockSpec((1, HID), lambda i: (0, 0)),
            ],
            out_specs=pl.BlockSpec((RB, HID), lambda i: (i, 0)),
            out_shape=jax.ShapeDtypeStruct((NP, HID), f32),
        )(agg, nd, ns, W, b.reshape(1, HID))

    h1s = dense_layer(agg1, W1, b1)
    agg2 = _sc_agg_exact(h1s, srcl, dstl)

    h2m, keys = pl.pallas_call(
        _tc_head_body,
        grid=grid5,
        in_specs=[
            pl.BlockSpec((RB, HID), lambda i: (i, 0)),
            pl.BlockSpec((RB, 1), lambda i: (i, 0)),
            pl.BlockSpec((HID, HID), lambda i: (0, 0)),
            pl.BlockSpec((1, HID), lambda i: (0, 0)),
        ],
        out_specs=[
            pl.BlockSpec((RB, HID), lambda i: (i, 0)),
            pl.BlockSpec((RB, 1), lambda i: (i, 0)),
        ],
        out_shape=[
            jax.ShapeDtypeStruct((NP, HID), f32),
            jax.ShapeDtypeStruct((NP, 1), f32),
        ],
    )(agg2, nd, W2, b2.reshape(1, HID))

    kcol = keys[:N].reshape(BATCH, HALF, 1)
    krow = jnp.concatenate(
        [keys[:N].reshape(BATCH, HALF),
         jnp.full((BATCH, KPAD - HALF), -1.0, f32)], axis=1).reshape(
            BATCH, 1, KPAD)

    tgt = pl.pallas_call(
        _tc_rank_body,
        grid=(BATCH, HALF // ITILE),
        in_specs=[
            pl.BlockSpec((1, ITILE, 1), lambda b, i: (b, i, 0)),
            pl.BlockSpec((1, 1, KPAD), lambda b, i: (b, 0, 0)),
        ],
        out_specs=pl.BlockSpec((1, ITILE, 1), lambda b, i: (b, i, 0)),
        out_shape=jax.ShapeDtypeStruct((BATCH, HALF, 1), jnp.int32),
    )(kcol, krow)

    t_all = jnp.concatenate(
        [tgt.reshape(N), jnp.arange(N, NP, dtype=jnp.int32)]).reshape(NW, RPW)
    extra = jnp.broadcast_to(
        jnp.arange(N, N + 64, dtype=jnp.int32)[None], (NW, 64))
    tpad = jnp.concatenate([t_all, extra], axis=1).reshape(
        NC, NS, TPC, CHUNK)

    hperm = _sc_permute(h2m, tpad)

    hps = pl.pallas_call(
        _tc_scale_body,
        grid=grid5,
        in_specs=[
            pl.BlockSpec((NC, RB, HID), lambda i: (0, i, 0)),
            pl.BlockSpec((RB, 1), lambda i: (i, 0)),
        ],
        out_specs=pl.BlockSpec((RB, HID), lambda i: (i, 0)),
        out_shape=jax.ShapeDtypeStruct((NP, HID), f32),
    )(hperm, ns)

    agg3 = _sc_agg128(hps, srcp, dstp)

    out = pl.pallas_call(
        _tc_final_body,
        grid=(N // RBD,),
        in_specs=[
            pl.BlockSpec((NC, RBD, HID), lambda i: (0, i, 0)),
            pl.BlockSpec((RBD, 1), lambda i: (i, 0)),
            pl.BlockSpec((HID, NCLS), lambda i: (0, 0)),
            pl.BlockSpec((1, NCLS), lambda i: (0, 0)),
        ],
        out_specs=pl.BlockSpec((RBD, NCLS), lambda i: (i, 0)),
        out_shape=jax.ShapeDtypeStruct((N, NCLS), f32),
    )(agg3, nd, W3, b3.reshape(1, NCLS))

    return out

# --- scband reference (transcript-rebuilt; emitter-appended) ---
"""Pipeline reference for scband-pooled-gcnsegmentation-35588099015558 (READ-ONLY COPY).

The authoritative reference and input builder live on the scoring server;
editing this copy changes nothing except your own understanding.
"""

import jax, jax.numpy as jnp
import numpy as np

N = 10000
E = 320000
IN_DIM = 128
HID = 128
NCLS = 16
BATCH = 2
K = 5000


def setup_inputs(seed: int = 0) -> dict:
    key = jax.random.key(seed)
    ks = jax.random.split(key, 8)
    features = jax.random.normal(ks[0], (N, IN_DIM), dtype=jnp.float32)
    edge_index = jax.random.randint(ks[1], (2, E), 0, N, dtype=jnp.int32)
    W1 = jax.random.normal(ks[2], (IN_DIM, HID), dtype=jnp.float32) * (1.0 / np.sqrt(IN_DIM))
    b1 = jnp.zeros((HID,), dtype=jnp.float32)
    W2 = jax.random.normal(ks[3], (HID, HID), dtype=jnp.float32) * (1.0 / np.sqrt(HID))
    b2 = jnp.zeros((HID,), dtype=jnp.float32)
    W3 = jax.random.normal(ks[4], (HID, NCLS), dtype=jnp.float32) * (1.0 / np.sqrt(HID))
    b3 = jnp.zeros((NCLS,), dtype=jnp.float32)
    return {"features": features, "edge_index": edge_index,
            "W1": W1, "b1": b1, "W2": W2, "b2": b2, "W3": W3, "b3": b3}


def _graph_conv(x, src, dst, W, b, act):
    # DGL GraphConv, norm='both': D_out^{-1/2} A D_in^{-1/2} X W + b
    ones = jnp.ones((src.shape[0],), dtype=x.dtype)
    deg_out = jax.ops.segment_sum(ones, src, num_segments=N)
    deg_in = jax.ops.segment_sum(ones, dst, num_segments=N)
    norm_src = jnp.clip(deg_out, 1.0, None) ** -0.5
    norm_dst = jnp.clip(deg_in, 1.0, None) ** -0.5
    h = x * norm_src[:, None]
    msg = jnp.take(h, src, axis=0)
    agg = jax.ops.segment_sum(msg, dst, num_segments=N)
    agg = agg * norm_dst[:, None]
    out = agg @ W + b
    if act:
        out = jax.nn.relu(out)
    return out


def _global_sort_pool(x, k):
    # batch vector is BATCH contiguous, equal-size segments of N // BATCH nodes
    f = x.shape[1]
    xb = x.reshape(BATCH, N // BATCH, f)
    order = jnp.argsort(-xb[:, :, -1], axis=1)  # sort nodes by last feature channel, descending
    xs = jnp.take_along_axis(xb, order[:, :, None], axis=1)
    xs = xs[:, :k, :]
    return xs.reshape(BATCH, k * f)


def reference(features, edge_index, W1, b1, W2, b2, W3, b3):
    src = edge_index[0]
    dst = edge_index[1]
    h = _graph_conv(features, src, dst, W1, b1, True)
    h = _graph_conv(h, src, dst, W2, b2, True)
    pooled = _global_sort_pool(h, K)  # [BATCH, K*HID]
    h = pooled.reshape(N, HID)  # BATCH * K == N by construction
    out = _graph_conv(h, src, dst, W3, b3, False)
    return out

if __name__ == "__main__":
    import jax
    _d = setup_inputs()
    print(jax.jit(kernel)(*tuple(_d.values())))

</pallas_src>

<mosaic_0001>
#map = affine_map<(d0, d1) -> (0, 0)>
#map1 = affine_map<(d0, d1) -> (0, 0, 0)>
module attributes {stable_mosaic.version = 14 : i64} {
  func.func @_sc_agg_exact(%arg0: i32, %arg1: i32, %arg2: memref<10240x128xf32, #tpu.memory_space<hbm>>, %arg3: memref<32x96x128xi32, #tpu.memory_space<hbm>>, %arg4: memref<32x96x128xi32, #tpu.memory_space<hbm>>, %arg5: memref<10240x128xf32, #tpu.memory_space<hbm>>, %arg6: memref<96x128xi32, #tpu.memory_space<vmem>>, %arg7: memref<96x128xi32, #tpu.memory_space<vmem>>, %arg8: memref<2x128x128xf32, #tpu.memory_space<vmem>>, %arg9: memref<5120x128xf32, #tpu.memory_space<vmem_shared>>, %arg10: memref<!tpu.dma_semaphore, #tpu.memory_space<semaphore_mem>>) attributes {dimension_semantics = [#tpu.dimension_semantics<core_parallel>, #tpu.dimension_semantics<subcore_parallel>], iteration_bounds = array<i64: 2, 16>, scalar_prefetch = 0 : i64, scratch_operands = 5 : i64, tpu.core_type = #tpu.core_type<sc_vector_subcore>, window_params = [{transform_indices = #map}, {transform_indices = #map1}, {transform_indices = #map1}, {transform_indices = #map}]} {
    %mul3A = arith.constant 16 : i32
    %mul3A_0 = arith.muli %arg0, %mul3A : i32
    %add3A = arith.addi %mul3A_0, %arg1 : i32
    %mul3A_1 = arith.constant 320 : i32
    %mul3A_2 = arith.muli %arg1, %mul3A_1 : i32
    %broadcast_in_dim3A = arith.constant 0.000000e+00 : f32
    %broadcast_in_dim3A_3 = vector.broadcast %broadcast_in_dim3A : f32 to vector<16xf32>
    %scan3A = arith.constant 0 : i32
    %scan3A_4 = arith.constant 0 : i32
    %scan3A_5 = arith.constant 64 : i32
    %scan3A_6 = arith.addi %scan3A_4, %scan3A_5 : i32
    %scan3A_7 = arith.constant 1 : i32
    scf.for %scan3A_48 = %scan3A_4 to %scan3A_6 step %scan3A_7  : i32 {
      %swap3A = arith.constant 0 : i32
      %swap3A_49 = arith.index_cast %swap3A : i32 to index
      %swap3A_50 = arith.index_cast %scan3A_48 : i32 to index
      %swap3A_51 = arith.constant 0 : index
      %swap3A_52 = tpu.vector_load %arg8[%swap3A_49, %swap3A_50, %swap3A_51] {strides = array<i32>} : memref<2x128x128xf32, #tpu.memory_space<vmem>>, vector<1x1x16xf32>,
      %swap3A_53 = vector.shape_cast %swap3A_52 : vector<1x1x16xf32> to vector<16xf32>
      %swap3A_54 = vector.shape_cast %broadcast_in_dim3A_3 : vector<16xf32> to vector<1x1x16xf32>
      tpu.vector_store %arg8[%swap3A_49, %swap3A_50, %swap3A_51], %swap3A_54 {strides = array<i32>} : memref<2x128x128xf32, #tpu.memory_space<vmem>>, vector<1x1x16xf32>,
      %swap3A_55 = arith.constant 0 : i32
      %swap3A_56 = arith.index_cast %swap3A_55 : i32 to index
      %swap3A_57 = arith.index_cast %scan3A_48 : i32 to index
      %swap3A_58 = arith.constant 16 : index
      %swap3A_59 = tpu.vector_load %arg8[%swap3A_56, %swap3A_57, %swap3A_58] {strides = array<i32>} : memref<2x128x128xf32, #tpu.memory_space<vmem>>, vector<1x1x16xf32>,
      %swap3A_60 = vector.shape_cast %swap3A_59 : vector<1x1x16xf32> to vector<16xf32>
      %swap3A_61 = vector.shape_cast %broadcast_in_dim3A_3 : vector<16xf32> to vector<1x1x16xf32>
      tpu.vector_store %arg8[%swap3A_56, %swap3A_57, %swap3A_58], %swap3A_61 {strides = array<i32>} : memref<2x128x128xf32, #tpu.memory_space<vmem>>, vector<1x1x16xf32>,
      %swap3A_62 = arith.constant 0 : i32
      %swap3A_63 = arith.index_cast %swap3A_62 : i32 to index
      %swap3A_64 = arith.index_cast %scan3A_48 : i32 to index
      %swap3A_65 = arith.constant 32 : index
      %swap3A_66 = tpu.vector_load %arg8[%swap3A_63, %swap3A_64, %swap3A_65] {strides = array<i32>} : memref<2x128x128xf32, #tpu.memory_space<vmem>>, vector<1x1x16xf32>,
      %swap3A_67 = vector.shape_cast %swap3A_66 : vector<1x1x16xf32> to vector<16xf32>
      %swap3A_68 = vector.shape_cast %broadcast_in_dim3A_3 : vector<16xf32> to vector<1x1x16xf32>
      tpu.vector_store %arg8[%swap3A_63, %swap3A_64, %swap3A_65], %swap3A_68 {strides = array<i32>} : memref<2x128x128xf32, #tpu.memory_space<vmem>>, vector<1x1x16xf32>,
      %swap3A_69 = arith.constant 0 : i32
      %swap3A_70 = arith.index_cast %swap3A_69 : i32 to index
      %swap3A_71 = arith.index_cast %scan3A_48 : i32 to index
      %swap3A_72 = arith.constant 48 : index
      %swap3A_73 = tpu.vector_load %arg8[%swap3A_70, %swap3A_71, %swap3A_72] {strides = array<i32>} : memref<2x128x128xf32, #tpu.memory_space<vmem>>, vector<1x1x16xf32>,
      %swap3A_74 = vector.shape_cast %swap3A_73 : vector<1x1x16xf32> to vector<16xf32>
      %swap3A_75 = vector.shape_cast %broadcast_in_dim3A_3 : vector<16xf32> to vector<1x1x16xf32>
      tpu.vector_store %arg8[%swap3A_70, %swap3A_71, %swap3A_72], %swap3A_75 {strides = array<i32>} : memref<2x128x128xf32, #tpu.memory_space<vmem>>, vector<1x1x16xf32>,
      %swap3A_76 = arith.constant 0 : i32
      %swap3A_77 = arith.index_cast %swap3A_76 : i32 to index
      %swap3A_78 = arith.index_cast %scan3A_48 : i32 to index
      %swap3A_79 = arith.constant 64 : index
      %swap3A_80 = tpu.vector_load %arg8[%swap3A_77, %swap3A_78, %swap3A_79] {strides = array<i32>} : memref<2x128x128xf32, #tpu.memory_space<vmem>>, vector<1x1x16xf32>,
      %swap3A_81 = vector.shape_cast %swap3A_80 : vector<1x1x16xf32> to vector<16xf32>
      %swap3A_82 = vector.shape_cast %broadcast_in_dim3A_3 : vector<16xf32> to vector<1x1x16xf32>
      tpu.vector_store %arg8[%swap3A_77, %swap3A_78, %swap3A_79], %swap3A_82 {strides = array<i32>} : memref<2x128x128xf32, #tpu.memory_space<vmem>>, vector<1x1x16xf32>,
      %swap3A_83 = arith.constant 0 : i32
      %swap3A_84 = arith.index_cast %swap3A_83 : i32 to index
      %swap3A_85 = arith.index_cast %scan3A_48 : i32 to index
      %swap3A_86 = arith.constant 80 : index
      %swap3A_87 = tpu.vector_load %arg8[%swap3A_84, %swap3A_85, %swap3A_86] {strides = array<i32>} : memref<2x128x128xf32, #tpu.memory_space<vmem>>, vector<1x1x16xf32>,
      %swap3A_88 = vector.shape_cast %swap3A_87 : vector<1x1x16xf32> to vector<16xf32>
      %swap3A_89 = vector.shape_cast %broadcast_in_dim3A_3 : vector<16xf32> to vector<1x1x16xf32>
      tpu.vector_store %arg8[%swap3A_84, %swap3A_85, %swap3A_86], %swap3A_89 {strides = array<i32>} : memref<2x128x128xf32, #tpu.memory_space<vmem>>, vector<1x1x16xf32>,
      %swap3A_90 = arith.constant 0 : i32
      %swap3A_91 = arith.index_cast %swap3A_90 : i32 to index
      %swap3A_92 = arith.index_cast %scan3A_48 : i32 to index
      %swap3A_93 = arith.constant 96 : index
      %swap3A_94 = tpu.vector_load %arg8[%swap3A_91, %swap3A_92, %swap3A_93] {strides = array<i32>} : memref<2x128x128xf32, #tpu.memory_space<vmem>>, vector<1x1x16xf32>,
      %swap3A_95 = vector.shape_cast %swap3A_94 : vector<1x1x16xf32> to vector<16xf32>
      %swap3A_96 = vector.shape_cast %broadcast_in_dim3A_3 : vector<16xf32> to vector<1x1x16xf32>
      tpu.vector_store %arg8[%swap3A_91, %swap3A_92, %swap3A_93], %swap3A_96 {strides = array<i32>} : memref<2x128x128xf32, #tpu.memory_space<vmem>>, vector<1x1x16xf32>,
      %swap3A_97 = arith.constant 0 : i32
      %swap3A_98 = arith.index_cast %swap3A_97 : i32 to index
      %swap3A_99 = arith.index_cast %scan3A_48 : i32 to index
      %swap3A_100 = arith.constant 112 : index
      %swap3A_101 = tpu.vector_load %arg8[%swap3A_98, %swap3A_99, %swap3A_100] {strides = array<i32>} : memref<2x128x128xf32, #tpu.memory_space<vmem>>, vector<1x1x16xf32>,
      %swap3A_102 = vector.shape_cast %swap3A_101 : vector<1x1x16xf32> to vector<16xf32>
      %swap3A_103 = vector.shape_cast %broadcast_in_dim3A_3 : vector<16xf32> to vector<1x1x16xf32>
      tpu.vector_store %arg8[%swap3A_98, %swap3A_99, %swap3A_100], %swap3A_103 {strides = array<i32>} : memref<2x128x128xf32, #tpu.memory_space<vmem>>, vector<1x1x16xf32>,
    }
    %scan3A_8 = arith.constant 64 : i32
    %scan3A_9 = arith.constant 0 : i32
    %scan3A_10 = arith.constant 0 : i32
    %scan3A_11 = arith.constant 5 : i32
    %scan3A_12 = arith.addi %scan3A_10, %scan3A_11 : i32
    %scan3A_13 = arith.constant 1 : i32
    scf.for %scan3A_48 = %scan3A_10 to %scan3A_12 step %scan3A_13  : i32 {
      %mul3A_49 = arith.constant 64 : i32
      %mul3A_50 = arith.muli %scan3A_48, %mul3A_49 : i32
      %add3A_51 = arith.addi %mul3A_2, %mul3A_50 : i32
      %run_scoped3A_52 = arith.constant 0 : i32
      "tpu.region"() ({
        %run_scoped3A_53 = tpu.sem_alloc : memref<!tpu.dma_semaphore, #tpu.memory_space<semaphore_mem>>
        %dma_start3A_54 = arith.constant 0 : i32
        %dma_start3A_55 = arith.constant 0 : i32
        %dma_start3A_56 = tpu.memref_slice %arg8[%run_scoped3A_52, %dma_start3A_54, %dma_start3A_55] : memref<2x128x128xf32, #tpu.memory_space<vmem>> -> memref<1x64x128xf32, #tpu.memory_space<vmem>>
        %dma_start3A_57 = tpu.memref_squeeze %dma_start3A_56 : memref<1x64x128xf32, #tpu.memory_space<vmem>> -> memref<64x128xf32, #tpu.memory_space<vmem>>
        %dma_start3A_58 = arith.constant 0 : i32
        %dma_start3A_59 = tpu.memref_slice %arg9[%add3A_51, %dma_start3A_58] : memref<5120x128xf32, #tpu.memory_space<vmem_shared>> -> memref<64x128xf32, #tpu.memory_space<vmem_shared>>
        %dma_start3A_60 = arith.constant 0 : i32
        %dma_start3A_61 = tpu.memref_slice %arg9[%add3A_51, %dma_start3A_60] : memref<5120x128xf32, #tpu.memory_space<vmem_shared>> -> memref<64x128xf32, #tpu.memory_space<vmem_shared>>
        %dma_start3A_62 = arith.constant 0 : i32
        %dma_start3A_63 = arith.constant 0 : i32
        %dma_start3A_64 = tpu.memref_slice %arg8[%run_scoped3A_52, %dma_start3A_62, %dma_start3A_63] : memref<2x128x128xf32, #tpu.memory_space<vmem>> -> memref<1x64x128xf32, #tpu.memory_space<vmem>>
        %dma_start3A_65 = tpu.memref_squeeze %dma_start3A_64 : memref<1x64x128xf32, #tpu.memory_space<vmem>> -> memref<64x128xf32, #tpu.memory_space<vmem>>
        tpu.enqueue_dma source(%dma_start3A_65 : memref<64x128xf32, #tpu.memory_space<vmem>>) target(%dma_start3A_61 : memref<64x128xf32, #tpu.memory_space<vmem_shared>>) target_semaphore(%run_scoped3A_53 : memref<!tpu.dma_semaphore, #tpu.memory_space<semaphore_mem>>)
        %dma_wait3A_66 = arith.constant 0 : i32
        %dma_wait3A_67 = arith.constant 0 : i32
        %dma_wait3A_68 = tpu.memref_slice %arg8[%run_scoped3A_52, %dma_wait3A_66, %dma_wait3A_67] : memref<2x128x128xf32, #tpu.memory_space<vmem>> -> memref<1x64x128xf32, #tpu.memory_space<vmem>>
        %dma_wait3A_69 = tpu.memref_squeeze %dma_wait3A_68 : memref<1x64x128xf32, #tpu.memory_space<vmem>> -> memref<64x128xf32, #tpu.memory_space<vmem>>
        %dma_wait3A_70 = arith.constant 0 : i32
        %dma_wait3A_71 = tpu.memref_slice %arg9[%add3A_51, %dma_wait3A_70] : memref<5120x128xf32, #tpu.memory_space<vmem_shared>> -> memref<64x128xf32, #tpu.memory_space<vmem_shared>>
        %dma_wait3A_72 = arith.constant 0 : i32
        %dma_wait3A_73 = tpu.memref_slice %arg9[%add3A_51, %dma_wait3A_72] : memref<5120x128xf32, #tpu.memory_space<vmem_shared>> -> memref<64x128xf32, #tpu.memory_space<vmem_shared>>
        %dma_wait3A_74 = arith.constant 0 : i32
        %dma_wait3A_75 = arith.constant 0 : i32
        %dma_wait3A_76 = tpu.memref_slice %arg8[%run_scoped3A_52, %dma_wait3A_74, %dma_wait3A_75] : memref<2x128x128xf32, #tpu.memory_space<vmem>> -> memref<1x64x128xf32, #tpu.memory_space<vmem>>
        %dma_wait3A_77 = tpu.memref_squeeze %dma_wait3A_76 : memref<1x64x128xf32, #tpu.memory_space<vmem>> -> memref<64x128xf32, #tpu.memory_space<vmem>>
        tpu.wait_dma2 semaphore(%run_scoped3A_53 : memref<!tpu.dma_semaphore, #tpu.memory_space<semaphore_mem>>) src(%dma_wait3A_77 : memref<64x128xf32, #tpu.memory_space<vmem>>) dst(%dma_wait3A_73 : memref<64x128xf32, #tpu.memory_space<vmem_shared>>)
        tpu.yield
      }) : () -> ()
    }
    %scan3A_14 = arith.constant 5 : i32
    "tpu.region"() ({
      %run_scoped3A_48 = tpu.sem_alloc : memref<!tpu.dma_semaphore, #tpu.memory_space<semaphore_mem>>
      %dma_start3A_49 = arith.constant 0 : i32
      %dma_start3A_50 = arith.constant 0 : i32
      %dma_start3A_51 = tpu.memref_slice %arg3[%add3A, %dma_start3A_49, %dma_start3A_50] : memref<32x96x128xi32, #tpu.memory_space<hbm>> -> memref<1x96x128xi32, #tpu.memory_space<hbm>>
      %dma_start3A_52 = tpu.memref_squeeze %dma_start3A_51 : memref<1x96x128xi32, #tpu.memory_space<hbm>> -> memref<96x128xi32, #tpu.memory_space<hbm>>
      %dma_start3A_53 = arith.constant 0 : i32
      %dma_start3A_54 = arith.constant 0 : i32
      %dma_start3A_55 = tpu.memref_slice %arg3[%add3A, %dma_start3A_53, %dma_start3A_54] : memref<32x96x128xi32, #tpu.memory_space<hbm>> -> memref<1x96x128xi32, #tpu.memory_space<hbm>>
      %dma_start3A_56 = tpu.memref_squeeze %dma_start3A_55 : memref<1x96x128xi32, #tpu.memory_space<hbm>> -> memref<96x128xi32, #tpu.memory_space<hbm>>
      tpu.enqueue_dma source(%dma_start3A_56 : memref<96x128xi32, #tpu.memory_space<hbm>>) target(%arg6 : memref<96x128xi32, #tpu.memory_space<vmem>>) target_semaphore(%run_scoped3A_48 : memref<!tpu.dma_semaphore, #tpu.memory_space<semaphore_mem>>)
      %dma_wait3A_57 = arith.constant 0 : i32
      %dma_wait3A_58 = arith.constant 0 : i32
      %dma_wait3A_59 = tpu.memref_slice %arg3[%add3A, %dma_wait3A_57, %dma_wait3A_58] : memref<32x96x128xi32, #tpu.memory_space<hbm>> -> memref<1x96x128xi32, #tpu.memory_space<hbm>>
      %dma_wait3A_60 = tpu.memref_squeeze %dma_wait3A_59 : memref<1x96x128xi32, #tpu.memory_space<hbm>> -> memref<96x128xi32, #tpu.memory_space<hbm>>
      %dma_wait3A_61 = arith.constant 0 : i32
      %dma_wait3A_62 = arith.constant 0 : i32
      %dma_wait3A_63 = tpu.memref_slice %arg3[%add3A, %dma_wait3A_61, %dma_wait3A_62] : memref<32x96x128xi32, #tpu.memory_space<hbm>> -> memref<1x96x128xi32, #tpu.memory_space<hbm>>
      %dma_wait3A_64 = tpu.memref_squeeze %dma_wait3A_63 : memref<1x96x128xi32, #tpu.memory_space<hbm>> -> memref<96x128xi32, #tpu.memory_space<hbm>>
      tpu.wait_dma2 semaphore(%run_scoped3A_48 : memref<!tpu.dma_semaphore, #tpu.memory_space<semaphore_mem>>) src(%dma_wait3A_64 : memref<96x128xi32, #tpu.memory_space<hbm>>) dst(%arg6 : memref<96x128xi32, #tpu.memory_space<vmem>>)
      tpu.yield
    }) : () -> ()
    "tpu.region"() ({
      %run_scoped3A_48 = tpu.sem_alloc : memref<!tpu.dma_semaphore, #tpu.memory_space<semaphore_mem>>
      %dma_start3A_49 = arith.constant 0 : i32
      %dma_start3A_50 = arith.constant 0 : i32
      %dma_start3A_51 = tpu.memref_slice %arg4[%add3A, %dma_start3A_49, %dma_start3A_50] : memref<32x96x128xi32, #tpu.memory_space<hbm>> -> memref<1x96x128xi32, #tpu.memory_space<hbm>>
      %dma_start3A_52 = tpu.memref_squeeze %dma_start3A_51 : memref<1x96x128xi32, #tpu.memory_space<hbm>> -> memref<96x128xi32, #tpu.memory_space<hbm>>
      %dma_start3A_53 = arith.constant 0 : i32
      %dma_start3A_54 = arith.constant 0 : i32
      %dma_start3A_55 = tpu.memref_slice %arg4[%add3A, %dma_start3A_53, %dma_start3A_54] : memref<32x96x128xi32, #tpu.memory_space<hbm>> -> memref<1x96x128xi32, #tpu.memory_space<hbm>>
      %dma_start3A_56 = tpu.memref_squeeze %dma_start3A_55 : memref<1x96x128xi32, #tpu.memory_space<hbm>> -> memref<96x128xi32, #tpu.memory_space<hbm>>
      tpu.enqueue_dma source(%dma_start3A_56 : memref<96x128xi32, #tpu.memory_space<hbm>>) target(%arg7 : memref<96x128xi32, #tpu.memory_space<vmem>>) target_semaphore(%run_scoped3A_48 : memref<!tpu.dma_semaphore, #tpu.memory_space<semaphore_mem>>)
      %dma_wait3A_57 = arith.constant 0 : i32
      %dma_wait3A_58 = arith.constant 0 : i32
      %dma_wait3A_59 = tpu.memref_slice %arg4[%add3A, %dma_wait3A_57, %dma_wait3A_58] : memref<32x96x128xi32, #tpu.memory_space<hbm>> -> memref<1x96x128xi32, #tpu.memory_space<hbm>>
      %dma_wait3A_60 = tpu.memref_squeeze %dma_wait3A_59 : memref<1x96x128xi32, #tpu.memory_space<hbm>> -> memref<96x128xi32, #tpu.memory_space<hbm>>
      %dma_wait3A_61 = arith.constant 0 : i32
      %dma_wait3A_62 = arith.constant 0 : i32
      %dma_wait3A_63 = tpu.memref_slice %arg4[%add3A, %dma_wait3A_61, %dma_wait3A_62] : memref<32x96x128xi32, #tpu.memory_space<hbm>> -> memref<1x96x128xi32, #tpu.memory_space<hbm>>
      %dma_wait3A_64 = tpu.memref_squeeze %dma_wait3A_63 : memref<1x96x128xi32, #tpu.memory_space<hbm>> -> memref<96x128xi32, #tpu.memory_space<hbm>>
      tpu.wait_dma2 semaphore(%run_scoped3A_48 : memref<!tpu.dma_semaphore, #tpu.memory_space<semaphore_mem>>) src(%dma_wait3A_64 : memref<96x128xi32, #tpu.memory_space<hbm>>) dst(%arg7 : memref<96x128xi32, #tpu.memory_space<vmem>>)
      tpu.yield
    }) : () -> ()
    %barrier3A = arith.constant 0 : index
    tpu.barrier barrier_id(%barrier3A)
    %dma_start3A = arith.constant 0 : i32
    %dma_start3A_15 = arith.constant 0 : i32
    %dma_start3A_16 = arith.constant 0 : i32
    %dma_start3A_17 = arith.constant 0 : i32
    %dma_start3A_18 = tpu.memref_slice %arg8[%dma_start3A_15, %dma_start3A_16, %dma_start3A_17] : memref<2x128x128xf32, #tpu.memory_space<vmem>> -> memref<1x128x128xf32, #tpu.memory_space<vmem>>
    %dma_start3A_19 = tpu.memref_squeeze %dma_start3A_18 : memref<1x128x128xf32, #tpu.memory_space<vmem>> -> memref<128x128xf32, #tpu.memory_space<vmem>>
    %dma_start3A_20 = arith.constant 0 : i32
    %dma_start3A_21 = tpu.memref_slice %arg6[%dma_start3A, %dma_start3A_20] : memref<96x128xi32, #tpu.memory_space<vmem>> -> memref<1x128xi32, #tpu.memory_space<vmem>>
    %dma_start3A_22 = tpu.memref_squeeze %dma_start3A_21 : memref<1x128xi32, #tpu.memory_space<vmem>> -> memref<128xi32, #tpu.memory_space<vmem>>
    %dma_start3A_23 = arith.constant 0 : i32
    %dma_start3A_24 = arith.constant 0 : i32
    %dma_start3A_25 = tpu.memref_slice %arg2[%dma_start3A_23, %dma_start3A_24] : memref<10240x128xf32, #tpu.memory_space<hbm>> -> memref<10240x128xf32, #tpu.memory_space<hbm>>
    tpu.enqueue_indirect_dma source(%dma_start3A_25 : memref<10240x128xf32, #tpu.memory_space<hbm>>) target(%dma_start3A_19 : memref<128x128xf32, #tpu.memory_space<vmem>>) offsets(%dma_start3A_22 : memref<128xi32, #tpu.memory_space<vmem>>) semaphore(%arg10 : memref<!tpu.dma_semaphore, #tpu.memory_space<semaphore_mem>>)
    %dma_wait3A = arith.constant 0 : i32
    %dma_wait3A_26 = arith.constant 0 : i32
    %dma_wait3A_27 = arith.constant 0 : i32
    %dma_wait3A_28 = arith.constant 0 : i32
    %dma_wait3A_29 = tpu.memref_slice %arg8[%dma_wait3A_26, %dma_wait3A_27, %dma_wait3A_28] : memref<2x128x128xf32, #tpu.memory_space<vmem>> -> memref<1x128x128xf32, #tpu.memory_space<vmem>>
    %dma_wait3A_30 = tpu.memref_squeeze %dma_wait3A_29 : memref<1x128x128xf32, #tpu.memory_space<vmem>> -> memref<128x128xf32, #tpu.memory_space<vmem>>
    %dma_wait3A_31 = arith.constant 0 : i32
    %dma_wait3A_32 = tpu.memref_slice %arg6[%dma_wait3A, %dma_wait3A_31] : memref<96x128xi32, #tpu.memory_space<vmem>> -> memref<1x128xi32, #tpu.memory_space<vmem>>
    %dma_wait3A_33 = tpu.memref_squeeze %dma_wait3A_32 : memref<1x128xi32, #tpu.memory_space<vmem>> -> memref<128xi32, #tpu.memory_space<vmem>>
    %dma_wait3A_34 = arith.constant 0 : i32
    %dma_wait3A_35 = arith.constant 0 : i32
    %dma_wait3A_36 = tpu.memref_slice %arg2[%dma_wait3A_34, %dma_wait3A_35] : memref<10240x128xf32, #tpu.memory_space<hbm>> -> memref<10240x128xf32, #tpu.memory_space<hbm>>
    tpu.wait_indirect_dma semaphore(%arg10 : memref<!tpu.dma_semaphore, #tpu.memory_space<semaphore_mem>>) src(%dma_wait3A_36 : memref<10240x128xf32, #tpu.memory_space<hbm>>) dst(%dma_wait3A_30 : memref<128x128xf32, #tpu.memory_space<vmem>>)
    %scan3A_37 = arith.constant 0 : i32
    %scan3A_38 = arith.constant 0 : i32
    %scan3A_39 = arith.constant 95 : i32
    %scan3A_40 = arith.addi %scan3A_38, %scan3A_39 : i32
    %scan3A_41 = arith.constant 1 : i32
    scf.for %scan3A_48 = %scan3A_38 to %scan3A_40 step %scan3A_41  : i32 {
      %add3A_49 = arith.constant 1 : i32
      %add3A_50 = arith.addi %scan3A_48, %add3A_49 : i32
      %add3A_51 = arith.constant 1 : i32
      %add3A_52 = arith.addi %scan3A_48, %add3A_51 : i32
      %jit3A = arith.constant 2 : i32
      %eq3A = arith.constant 0 : i32
      %eq3A_53 = arith.cmpi eq, %jit3A, %eq3A : i32
      %jit3A_54 = arith.constant 1 : i32
      %select_n3A = arith.select %eq3A_53, %jit3A_54, %jit3A : i32
      %rem3A = arith.remsi %add3A_52, %select_n3A : i32
      %ne3A = arith.constant 0 : i32
      %ne3A_55 = arith.cmpi ne, %rem3A, %ne3A : i32
      %lt3A = arith.constant 0 : i32
      %lt3A_56 = arith.cmpi slt, %rem3A, %lt3A : i32
      %lt3A_57 = arith.constant 0 : i32
      %lt3A_58 = arith.cmpi slt, %select_n3A, %lt3A_57 : i32
      %ne3A_59 = arith.xori %lt3A_56, %lt3A_58 : i1
      %and3A = arith.andi %ne3A_59, %ne3A_55 : i1
      %add3A_60 = arith.addi %rem3A, %select_n3A : i32
      %select_n3A_61 = arith.select %and3A, %add3A_60, %rem3A : i32
      %dma_start3A_62 = arith.constant 0 : i32
      %dma_start3A_63 = arith.constant 0 : i32
      %dma_start3A_64 = tpu.memref_slice %arg8[%select_n3A_61, %dma_start3A_62, %dma_start3A_63] : memref<2x128x128xf32, #tpu.memory_space<vmem>> -> memref<1x128x128xf32, #tpu.memory_space<vmem>>
      %dma_start3A_65 = tpu.memref_squeeze %dma_start3A_64 : memref<1x128x128xf32, #tpu.memory_space<vmem>> -> memref<128x128xf32, #tpu.memory_space<vmem>>
      %dma_start3A_66 = arith.constant 0 : i32
      %dma_start3A_67 = tpu.memref_slice %arg6[%add3A_50, %dma_start3A_66] : memref<96x128xi32, #tpu.memory_space<vmem>> -> memref<1x128xi32, #tpu.memory_space<vmem>>
      %dma_start3A_68 = tpu.memref_squeeze %dma_start3A_67 : memref<1x128xi32, #tpu.memory_space<vmem>> -> memref<128xi32, #tpu.memory_space<vmem>>
      %dma_start3A_69 = arith.constant 0 : i32
      %dma_start3A_70 = arith.constant 0 : i32
      %dma_start3A_71 = tpu.memref_slice %arg2[%dma_start3A_69, %dma_start3A_70] : memref<10240x128xf32, #tpu.memory_space<hbm>> -> memref<10240x128xf32, #tpu.memory_space<hbm>>
      tpu.enqueue_indirect_dma source(%dma_start3A_71 : memref<10240x128xf32, #tpu.memory_space<hbm>>) target(%dma_start3A_65 : memref<128x128xf32, #tpu.memory_space<vmem>>) offsets(%dma_start3A_68 : memref<128xi32, #tpu.memory_space<vmem>>) semaphore(%arg10 : memref<!tpu.dma_semaphore, #tpu.memory_space<semaphore_mem>>)
      %jit3A_72 = arith.constant 2 : i32
      %eq3A_73 = arith.constant 0 : i32
      %eq3A_74 = arith.cmpi eq, %jit3A_72, %eq3A_73 : i32
      %jit3A_75 = arith.constant 1 : i32
      %select_n3A_76 = arith.select %eq3A_74, %jit3A_75, %jit3A_72 : i32
      %rem3A_77 = arith.remsi %scan3A_48, %select_n3A_76 : i32
      %ne3A_78 = arith.constant 0 : i32
      %ne3A_79 = arith.cmpi ne, %rem3A_77, %ne3A_78 : i32
      %lt3A_80 = arith.constant 0 : i32
      %lt3A_81 = arith.cmpi slt, %rem3A_77, %lt3A_80 : i32
      %lt3A_82 = arith.constant 0 : i32
      %lt3A_83 = arith.cmpi slt, %select_n3A_76, %lt3A_82 : i32
      %ne3A_84 = arith.xori %lt3A_81, %lt3A_83 : i1
      %and3A_85 = arith.andi %ne3A_84, %ne3A_79 : i1
      %add3A_86 = arith.addi %rem3A_77, %select_n3A_76 : i32
      %select_n3A_87 = arith.select %and3A_85, %add3A_86, %rem3A_77 : i32
      "tpu.region"() ({
        %run_scoped3A_98 = tpu.sem_alloc : memref<!tpu.dma_semaphore, #tpu.memory_space<semaphore_mem>>
        %dma_start3A_99 = arith.constant 0 : i32
        %dma_start3A_100 = arith.constant 0 : i32
        %dma_start3A_101 = tpu.memref_slice %arg8[%select_n3A_87, %dma_start3A_99, %dma_start3A_100] : memref<2x128x128xf32, #tpu.memory_space<vmem>> -> memref<1x128x128xf32, #tpu.memory_space<vmem>>
        %dma_start3A_102 = tpu.memref_squeeze %dma_start3A_101 : memref<1x128x128xf32, #tpu.memory_space<vmem>> -> memref<128x128xf32, #tpu.memory_space<vmem>>
        %dma_start3A_103 = arith.constant 0 : i32
        %dma_start3A_104 = tpu.memref_slice %arg7[%scan3A_48, %dma_start3A_103] : memref<96x128xi32, #tpu.memory_space<vmem>> -> memref<1x128xi32, #tpu.memory_space<vmem>>
        %dma_start3A_105 = tpu.memref_squeeze %dma_start3A_104 : memref<1x128xi32, #tpu.memory_space<vmem>> -> memref<128xi32, #tpu.memory_space<vmem>>
        %dma_start3A_106 = arith.constant 0 : i32
        %dma_start3A_107 = arith.constant 0 : i32
        %dma_start3A_108 = tpu.memref_slice %arg9[%dma_start3A_106, %dma_start3A_107] : memref<5120x128xf32, #tpu.memory_space<vmem_shared>> -> memref<5120x128xf32, #tpu.memory_space<vmem_shared>>
        tpu.enqueue_indirect_dma source(%dma_start3A_102 : memref<128x128xf32, #tpu.memory_space<vmem>>) target(%dma_start3A_108 : memref<5120x128xf32, #tpu.memory_space<vmem_shared>>) offsets(%dma_start3A_105 : memref<128xi32, #tpu.memory_space<vmem>>) semaphore(%run_scoped3A_98 : memref<!tpu.dma_semaphore, #tpu.memory_space<semaphore_mem>>) {add = true}
        %dma_wait3A_109 = arith.constant 0 : i32
        %dma_wait3A_110 = arith.constant 0 : i32
        %dma_wait3A_111 = tpu.memref_slice %arg8[%select_n3A_87, %dma_wait3A_109, %dma_wait3A_110] : memref<2x128x128xf32, #tpu.memory_space<vmem>> -> memref<1x128x128xf32, #tpu.memory_space<vmem>>
        %dma_wait3A_112 = tpu.memref_squeeze %dma_wait3A_111 : memref<1x128x128xf32, #tpu.memory_space<vmem>> -> memref<128x128xf32, #tpu.memory_space<vmem>>
        %dma_wait3A_113 = arith.constant 0 : i32
        %dma_wait3A_114 = tpu.memref_slice %arg7[%scan3A_48, %dma_wait3A_113] : memref<96x128xi32, #tpu.memory_space<vmem>> -> memref<1x128xi32, #tpu.memory_space<vmem>>
        %dma_wait3A_115 = tpu.memref_squeeze %dma_wait3A_114 : memref<1x128xi32, #tpu.memory_space<vmem>> -> memref<128xi32, #tpu.memory_space<vmem>>
        %dma_wait3A_116 = arith.constant 0 : i32
        %dma_wait3A_117 = arith.constant 0 : i32
        %dma_wait3A_118 = tpu.memref_slice %arg9[%dma_wait3A_116, %dma_wait3A_117] : memref<5120x128xf32, #tpu.memory_space<vmem_shared>> -> memref<5120x128xf32, #tpu.memory_space<vmem_shared>>
        tpu.wait_indirect_dma semaphore(%run_scoped3A_98 : memref<!tpu.dma_semaphore, #tpu.memory_space<semaphore_mem>>) src(%dma_wait3A_112 : memref<128x128xf32, #tpu.memory_space<vmem>>) dst(%dma_wait3A_118 : memref<5120x128xf32, #tpu.memory_space<vmem_shared>>)
        tpu.yield
      }) : () -> ()
      %dma_wait3A_88 = arith.constant 0 : i32
      %dma_wait3A_89 = arith.constant 0 : i32
      %dma_wait3A_90 = tpu.memref_slice %arg8[%select_n3A_61, %dma_wait3A_88, %dma_wait3A_89] : memref<2x128x128xf32, #tpu.memory_space<vmem>> -> memref<1x128x128xf32, #tpu.memory_space<vmem>>
      %dma_wait3A_91 = tpu.memref_squeeze %dma_wait3A_90 : memref<1x128x128xf32, #tpu.memory_space<vmem>> -> memref<128x128xf32, #tpu.memory_space<vmem>>
      %dma_wait3A_92 = arith.constant 0 : i32
      %dma_wait3A_93 = tpu.memref_slice %arg6[%add3A_50, %dma_wait3A_92] : memref<96x128xi32, #tpu.memory_space<vmem>> -> memref<1x128xi32, #tpu.memory_space<vmem>>
      %dma_wait3A_94 = tpu.memref_squeeze %dma_wait3A_93 : memref<1x128xi32, #tpu.memory_space<vmem>> -> memref<128xi32, #tpu.memory_space<vmem>>
      %dma_wait3A_95 = arith.constant 0 : i32
      %dma_wait3A_96 = arith.constant 0 : i32
      %dma_wait3A_97 = tpu.memref_slice %arg2[%dma_wait3A_95, %dma_wait3A_96] : memref<10240x128xf32, #tpu.memory_space<hbm>> -> memref<10240x128xf32, #tpu.memory_space<hbm>>
      tpu.wait_indirect_dma semaphore(%arg10 : memref<!tpu.dma_semaphore, #tpu.memory_space<semaphore_mem>>) src(%dma_wait3A_97 : memref<10240x128xf32, #tpu.memory_space<hbm>>) dst(%dma_wait3A_91 : memref<128x128xf32, #tpu.memory_space<vmem>>)
    }
    %scan3A_42 = arith.constant 95 : i32
    %run_scoped3A = arith.constant 1 : i32
    %run_scoped3A_43 = arith.constant 95 : i32
    "tpu.region"() ({
      %run_scoped3A_48 = tpu.sem_alloc : memref<!tpu.dma_semaphore, #tpu.memory_space<semaphore_mem>>
      %dma_start3A_49 = arith.constant 0 : i32
      %dma_start3A_50 = arith.constant 0 : i32
      %dma_start3A_51 = tpu.memref_slice %arg8[%run_scoped3A, %dma_start3A_49, %dma_start3A_50] : memref<2x128x128xf32, #tpu.memory_space<vmem>> -> memref<1x128x128xf32, #tpu.memory_space<vmem>>
      %dma_start3A_52 = tpu.memref_squeeze %dma_start3A_51 : memref<1x128x128xf32, #tpu.memory_space<vmem>> -> memref<128x128xf32, #tpu.memory_space<vmem>>
      %dma_start3A_53 = arith.constant 0 : i32
      %dma_start3A_54 = tpu.memref_slice %arg7[%run_scoped3A_43, %dma_start3A_53] : memref<96x128xi32, #tpu.memory_space<vmem>> -> memref<1x128xi32, #tpu.memory_space<vmem>>
      %dma_start3A_55 = tpu.memref_squeeze %dma_start3A_54 : memref<1x128xi32, #tpu.memory_space<vmem>> -> memref<128xi32, #tpu.memory_space<vmem>>
      %dma_start3A_56 = arith.constant 0 : i32
      %dma_start3A_57 = arith.constant 0 : i32
      %dma_start3A_58 = tpu.memref_slice %arg9[%dma_start3A_56, %dma_start3A_57] : memref<5120x128xf32, #tpu.memory_space<vmem_shared>> -> memref<5120x128xf32, #tpu.memory_space<vmem_shared>>
      tpu.enqueue_indirect_dma source(%dma_start3A_52 : memref<128x128xf32, #tpu.memory_space<vmem>>) target(%dma_start3A_58 : memref<5120x128xf32, #tpu.memory_space<vmem_shared>>) offsets(%dma_start3A_55 : memref<128xi32, #tpu.memory_space<vmem>>) semaphore(%run_scoped3A_48 : memref<!tpu.dma_semaphore, #tpu.memory_space<semaphore_mem>>) {add = true}
      %dma_wait3A_59 = arith.constant 0 : i32
      %dma_wait3A_60 = arith.constant 0 : i32
      %dma_wait3A_61 = tpu.memref_slice %arg8[%run_scoped3A, %dma_wait3A_59, %dma_wait3A_60] : memref<2x128x128xf32, #tpu.memory_space<vmem>> -> memref<1x128x128xf32, #tpu.memory_space<vmem>>
      %dma_wait3A_62 = tpu.memref_squeeze %dma_wait3A_61 : memref<1x128x128xf32, #tpu.memory_space<vmem>> -> memref<128x128xf32, #tpu.memory_space<vmem>>
      %dma_wait3A_63 = arith.constant 0 : i32
      %dma_wait3A_64 = tpu.memref_slice %arg7[%run_scoped3A_43, %dma_wait3A_63] : memref<96x128xi32, #tpu.memory_space<vmem>> -> memref<1x128xi32, #tpu.memory_space<vmem>>
      %dma_wait3A_65 = tpu.memref_squeeze %dma_wait3A_64 : memref<1x128xi32, #tpu.memory_space<vmem>> -> memref<128xi32, #tpu.memory_space<vmem>>
      %dma_wait3A_66 = arith.constant 0 : i32
      %dma_wait3A_67 = arith.constant 0 : i32
      %dma_wait3A_68 = tpu.memref_slice %arg9[%dma_wait3A_66, %dma_wait3A_67] : memref<5120x128xf32, #tpu.memory_space<vmem_shared>> -> memref<5120x128xf32, #tpu.memory_space<vmem_shared>>
      tpu.wait_indirect_dma semaphore(%run_scoped3A_48 : memref<!tpu.dma_semaphore, #tpu.memory_space<semaphore_mem>>) src(%dma_wait3A_62 : memref<128x128xf32, #tpu.memory_space<vmem>>) dst(%dma_wait3A_68 : memref<5120x128xf32, #tpu.memory_space<vmem_shared>>)
      tpu.yield
    }) : () -> ()
    %barrier3A_44 = arith.constant 0 : index
    tpu.barrier barrier_id(%barrier3A_44)
    %mul3A_45 = arith.constant 5120 : i32
    %mul3A_46 = arith.muli %arg0, %mul3A_45 : i32
    %add3A_47 = arith.addi %mul3A_46, %mul3A_2 : i32
    "tpu.region"() ({
      %run_scoped3A_48 = tpu.sem_alloc : memref<!tpu.dma_semaphore, #tpu.memory_space<semaphore_mem>>
      %dma_start3A_49 = arith.constant 0 : i32
      %dma_start3A_50 = tpu.memref_slice %arg5[%add3A_47, %dma_start3A_49] : memref<10240x128xf32, #tpu.memory_space<hbm>> -> memref<320x128xf32, #tpu.memory_space<hbm>>
      %dma_start3A_51 = arith.constant 0 : i32
      %dma_start3A_52 = tpu.memref_slice %arg9[%mul3A_2, %dma_start3A_51] : memref<5120x128xf32, #tpu.memory_space<vmem_shared>> -> memref<320x128xf32, #tpu.memory_space<vmem_shared>>
      tpu.enqueue_dma source(%dma_start3A_52 : memref<320x128xf32, #tpu.memory_space<vmem_shared>>) target(%dma_start3A_50 : memref<320x128xf32, #tpu.memory_space<hbm>>) target_semaphore(%run_scoped3A_48 : memref<!tpu.dma_semaphore, #tpu.memory_space<semaphore_mem>>)
      %dma_wait3A_53 = arith.constant 0 : i32
      %dma_wait3A_54 = tpu.memref_slice %arg5[%add3A_47, %dma_wait3A_53] : memref<10240x128xf32, #tpu.memory_space<hbm>> -> memref<320x128xf32, #tpu.memory_space<hbm>>
      %dma_wait3A_55 = arith.constant 0 : i32
      %dma_wait3A_56 = tpu.memref_slice %arg9[%mul3A_2, %dma_wait3A_55] : memref<5120x128xf32, #tpu.memory_space<vmem_shared>> -> memref<320x128xf32, #tpu.memory_space<vmem_shared>>
      tpu.wait_dma2 semaphore(%run_scoped3A_48 : memref<!tpu.dma_semaphore, #tpu.memory_space<semaphore_mem>>) src(%dma_wait3A_56 : memref<320x128xf32, #tpu.memory_space<vmem_shared>>) dst(%dma_wait3A_54 : memref<320x128xf32, #tpu.memory_space<hbm>>)
      tpu.yield
    }) : () -> ()
    return
  }
}

#map = affine_map<(d0, d1) -> (0, 0, 0)>
#map1 = affine_map<(d0, d1) -> (0, 0)>
module attributes {stable_mosaic.version = 14 : i64} {
  func.func @_sc_bin(%arg0: i32, %arg1: i32, %arg2: memref<100x25x128xi32, #tpu.memory_space<hbm>>, %arg3: memref<100x25x128xi32, #tpu.memory_space<hbm>>, %arg4: memref<32x12288xi32, #tpu.memory_space<hbm>>, %arg5: memref<32x12288xi32, #tpu.memory_space<hbm>>, %arg6: memref<25x128xi32, #tpu.memory_space<vmem>>, %arg7: memref<25x128xi32, #tpu.memory_space<vmem>>, %arg8: memref<12288xi32, #tpu.memory_space<vmem>>, %arg9: memref<12288xi32, #tpu.memory_space<vmem>>) attributes {dimension_semantics = [#tpu.dimension_semantics<core_parallel>, #tpu.dimension_semantics<subcore_parallel>], iteration_bounds = array<i64: 2, 16>, scalar_prefetch = 0 : i64, scratch_operands = 4 : i64, tpu.core_type = #tpu.core_type<sc_vector_subcore>, window_params = [{transform_indices = #map}, {transform_indices = #map}, {transform_indices = #map1}, {transform_indices = #map1}]} {
    %mul3A = arith.constant 16 : i32
    %mul3A_0 = arith.muli %arg0, %mul3A : i32
    %add3A = arith.addi %mul3A_0, %arg1 : i32
    %mul3A_1 = arith.constant 320 : i32
    %mul3A_2 = arith.muli %add3A, %mul3A_1 : i32
    %add3A_3 = arith.constant 320 : i32
    %add3A_4 = arith.addi %mul3A_2, %add3A_3 : i32
    %mul3A_5 = arith.constant 5120 : i32
    %mul3A_6 = arith.muli %arg0, %mul3A_5 : i32
    %iota3A = tpu.iota {dimensions = array<i32: 0>} : vector<16xi32>
    %scan3A = arith.constant 0 : i32
    %scan3A_7 = arith.constant 0 : i32
    %scan3A_8 = arith.constant 96 : i32
    %scan3A_9 = arith.addi %scan3A_7, %scan3A_8 : i32
    %scan3A_10 = arith.constant 1 : i32
    scf.for %scan3A_19 = %scan3A_7 to %scan3A_9 step %scan3A_10  : i32 {
      %mul3A_20 = arith.constant 8 : i32
      %mul3A_21 = arith.muli %scan3A_19, %mul3A_20 : i32
      %add3A_22 = arith.constant 0 : i32
      %add3A_23 = arith.addi %mul3A_21, %add3A_22 : i32
      %mul3A_24 = arith.constant 16 : i32
      %mul3A_25 = arith.muli %add3A_23, %mul3A_24 : i32
      %add3A_26 = vector.broadcast %mul3A_25 : i32 to vector<16xi32>
      %add3A_27 = arith.addi %add3A_26, %iota3A : vector<16xi32>
      %rem3A = arith.constant 240 : i32
      %rem3A_28 = vector.broadcast %rem3A : i32 to vector<16xi32>
      %rem3A_29 = arith.remsi %add3A_27, %rem3A_28 : vector<16xi32>
      %add3A_30 = arith.constant 10000 : i32
      %add3A_31 = vector.broadcast %add3A_30 : i32 to vector<16xi32>
      %add3A_32 = arith.addi %add3A_31, %rem3A_29 : vector<16xi32>
      %swap3A = arith.index_cast %mul3A_25 : i32 to index
      %swap3A_33 = tpu.vector_load %arg8[%swap3A] {strides = array<i32>} : memref<12288xi32, #tpu.memory_space<vmem>>, vector<16xi32>,
      tpu.vector_store %arg8[%swap3A], %add3A_32 {strides = array<i32>} : memref<12288xi32, #tpu.memory_space<vmem>>, vector<16xi32>,
      %add3A_34 = vector.broadcast %mul3A_25 : i32 to vector<16xi32>
      %add3A_35 = arith.addi %add3A_34, %iota3A : vector<16xi32>
      %rem3A_36 = arith.constant 5120 : i32
      %rem3A_37 = vector.broadcast %rem3A_36 : i32 to vector<16xi32>
      %rem3A_38 = arith.remsi %add3A_35, %rem3A_37 : vector<16xi32>
      %swap3A_39 = arith.index_cast %mul3A_25 : i32 to index
      %swap3A_40 = tpu.vector_load %arg9[%swap3A_39] {strides = array<i32>} : memref<12288xi32, #tpu.memory_space<vmem>>, vector<16xi32>,
      tpu.vector_store %arg9[%swap3A_39], %rem3A_38 {strides = array<i32>} : memref<12288xi32, #tpu.memory_space<vmem>>, vector<16xi32>,
      %mul3A_41 = arith.constant 8 : i32
      %mul3A_42 = arith.muli %scan3A_19, %mul3A_41 : i32
      %add3A_43 = arith.constant 1 : i32
      %add3A_44 = arith.addi %mul3A_42, %add3A_43 : i32
      %mul3A_45 = arith.constant 16 : i32
      %mul3A_46 = arith.muli %add3A_44, %mul3A_45 : i32
      %add3A_47 = vector.broadcast %mul3A_46 : i32 to vector<16xi32>
      %add3A_48 = arith.addi %add3A_47, %iota3A : vector<16xi32>
      %rem3A_49 = arith.constant 240 : i32
      %rem3A_50 = vector.broadcast %rem3A_49 : i32 to vector<16xi32>
      %rem3A_51 = arith.remsi %add3A_48, %rem3A_50 : vector<16xi32>
      %add3A_52 = arith.constant 10000 : i32
      %add3A_53 = vector.broadcast %add3A_52 : i32 to vector<16xi32>
      %add3A_54 = arith.addi %add3A_53, %rem3A_51 : vector<16xi32>
      %swap3A_55 = arith.index_cast %mul3A_46 : i32 to index
      %swap3A_56 = tpu.vector_load %arg8[%swap3A_55] {strides = array<i32>} : memref<12288xi32, #tpu.memory_space<vmem>>, vector<16xi32>,
      tpu.vector_store %arg8[%swap3A_55], %add3A_54 {strides = array<i32>} : memref<12288xi32, #tpu.memory_space<vmem>>, vector<16xi32>,
      %add3A_57 = vector.broadcast %mul3A_46 : i32 to vector<16xi32>
      %add3A_58 = arith.addi %add3A_57, %iota3A : vector<16xi32>
      %rem3A_59 = arith.constant 5120 : i32
      %rem3A_60 = vector.broadcast %rem3A_59 : i32 to vector<16xi32>
      %rem3A_61 = arith.remsi %add3A_58, %rem3A_60 : vector<16xi32>
      %swap3A_62 = arith.index_cast %mul3A_46 : i32 to index
      %swap3A_63 = tpu.vector_load %arg9[%swap3A_62] {strides = array<i32>} : memref<12288xi32, #tpu.memory_space<vmem>>, vector<16xi32>,
      tpu.vector_store %arg9[%swap3A_62], %rem3A_61 {strides = array<i32>} : memref<12288xi32, #tpu.memory_space<vmem>>, vector<16xi32>,
      %mul3A_64 = arith.constant 8 : i32
      %mul3A_65 = arith.muli %scan3A_19, %mul3A_64 : i32
      %add3A_66 = arith.constant 2 : i32
      %add3A_67 = arith.addi %mul3A_65, %add3A_66 : i32
      %mul3A_68 = arith.constant 16 : i32
      %mul3A_69 = arith.muli %add3A_67, %mul3A_68 : i32
      %add3A_70 = vector.broadcast %mul3A_69 : i32 to vector<16xi32>
      %add3A_71 = arith.addi %add3A_70, %iota3A : vector<16xi32>
      %rem3A_72 = arith.constant 240 : i32
      %rem3A_73 = vector.broadcast %rem3A_72 : i32 to vector<16xi32>
      %rem3A_74 = arith.remsi %add3A_71, %rem3A_73 : vector<16xi32>
      %add3A_75 = arith.constant 10000 : i32
      %add3A_76 = vector.broadcast %add3A_75 : i32 to vector<16xi32>
      %add3A_77 = arith.addi %add3A_76, %rem3A_74 : vector<16xi32>
      %swap3A_78 = arith.index_cast %mul3A_69 : i32 to index
      %swap3A_79 = tpu.vector_load %arg8[%swap3A_78] {strides = array<i32>} : memref<12288xi32, #tpu.memory_space<vmem>>, vector<16xi32>,
      tpu.vector_store %arg8[%swap3A_78], %add3A_77 {strides = array<i32>} : memref<12288xi32, #tpu.memory_space<vmem>>, vector<16xi32>,
      %add3A_80 = vector.broadcast %mul3A_69 : i32 to vector<16xi32>
      %add3A_81 = arith.addi %add3A_80, %iota3A : vector<16xi32>
      %rem3A_82 = arith.constant 5120 : i32
      %rem3A_83 = vector.broadcast %rem3A_82 : i32 to vector<16xi32>
      %rem3A_84 = arith.remsi %add3A_81, %rem3A_83 : vector<16xi32>
      %swap3A_85 = arith.index_cast %mul3A_69 : i32 to index
      %swap3A_86 = tpu.vector_load %arg9[%swap3A_85] {strides = array<i32>} : memref<12288xi32, #tpu.memory_space<vmem>>, vector<16xi32>,
      tpu.vector_store %arg9[%swap3A_85], %rem3A_84 {strides = array<i32>} : memref<12288xi32, #tpu.memory_space<vmem>>, vector<16xi32>,
      %mul3A_87 = arith.constant 8 : i32
      %mul3A_88 = arith.muli %scan3A_19, %mul3A_87 : i32
      %add3A_89 = arith.constant 3 : i32
      %add3A_90 = arith.addi %mul3A_88, %add3A_89 : i32
      %mul3A_91 = arith.constant 16 : i32
      %mul3A_92 = arith.muli %add3A_90, %mul3A_91 : i32
      %add3A_93 = vector.broadcast %mul3A_92 : i32 to vector<16xi32>
      %add3A_94 = arith.addi %add3A_93, %iota3A : vector<16xi32>
      %rem3A_95 = arith.constant 240 : i32
      %rem3A_96 = vector.broadcast %rem3A_95 : i32 to vector<16xi32>
      %rem3A_97 = arith.remsi %add3A_94, %rem3A_96 : vector<16xi32>
      %add3A_98 = arith.constant 10000 : i32
      %add3A_99 = vector.broadcast %add3A_98 : i32 to vector<16xi32>
      %add3A_100 = arith.addi %add3A_99, %rem3A_97 : vector<16xi32>
      %swap3A_101 = arith.index_cast %mul3A_92 : i32 to index
      %swap3A_102 = tpu.vector_load %arg8[%swap3A_101] {strides = array<i32>} : memref<12288xi32, #tpu.memory_space<vmem>>, vector<16xi32>,
      tpu.vector_store %arg8[%swap3A_101], %add3A_100 {strides = array<i32>} : memref<12288xi32, #tpu.memory_space<vmem>>, vector<16xi32>,
      %add3A_103 = vector.broadcast %mul3A_92 : i32 to vector<16xi32>
      %add3A_104 = arith.addi %add3A_103, %iota3A : vector<16xi32>
      %rem3A_105 = arith.constant 5120 : i32
      %rem3A_106 = vector.broadcast %rem3A_105 : i32 to vector<16xi32>
      %rem3A_107 = arith.remsi %add3A_104, %rem3A_106 : vector<16xi32>
      %swap3A_108 = arith.index_cast %mul3A_92 : i32 to index
      %swap3A_109 = tpu.vector_load %arg9[%swap3A_108] {strides = array<i32>} : memref<12288xi32, #tpu.memory_space<vmem>>, vector<16xi32>,
      tpu.vector_store %arg9[%swap3A_108], %rem3A_107 {strides = array<i32>} : memref<12288xi32, #tpu.memory_space<vmem>>, vector<16xi32>,
      %mul3A_110 = arith.constant 8 : i32
      %mul3A_111 = arith.muli %scan3A_19, %mul3A_110 : i32
      %add3A_112 = arith.constant 4 : i32
      %add3A_113 = arith.addi %mul3A_111, %add3A_112 : i32
      %mul3A_114 = arith.constant 16 : i32
      %mul3A_115 = arith.muli %add3A_113, %mul3A_114 : i32
      %add3A_116 = vector.broadcast %mul3A_115 : i32 to vector<16xi32>
      %add3A_117 = arith.addi %add3A_116, %iota3A : vector<16xi32>
      %rem3A_118 = arith.constant 240 : i32
      %rem3A_119 = vector.broadcast %rem3A_118 : i32 to vector<16xi32>
      %rem3A_120 = arith.remsi %add3A_117, %rem3A_119 : vector<16xi32>
      %add3A_121 = arith.constant 10000 : i32
      %add3A_122 = vector.broadcast %add3A_121 : i32 to vector<16xi32>
      %add3A_123 = arith.addi %add3A_122, %rem3A_120 : vector<16xi32>
      %swap3A_124 = arith.index_cast %mul3A_115 : i32 to index
      %swap3A_125 = tpu.vector_load %arg8[%swap3A_124] {strides = array<i32>} : memref<12288xi32, #tpu.memory_space<vmem>>, vector<16xi32>,
      tpu.vector_store %arg8[%swap3A_124], %add3A_123 {strides = array<i32>} : memref<12288xi32, #tpu.memory_space<vmem>>, vector<16xi32>,
      %add3A_126 = vector.broadcast %mul3A_115 : i32 to vector<16xi32>
      %add3A_127 = arith.addi %add3A_126, %iota3A : vector<16xi32>
      %rem3A_128 = arith.constant 5120 : i32
      %rem3A_129 = vector.broadcast %rem3A_128 : i32 to vector<16xi32>
      %rem3A_130 = arith.remsi %add3A_127, %rem3A_129 : vector<16xi32>
      %swap3A_131 = arith.index_cast %mul3A_115 : i32 to index
      %swap3A_132 = tpu.vector_load %arg9[%swap3A_131] {strides = array<i32>} : memref<12288xi32, #tpu.memory_space<vmem>>, vector<16xi32>,
      tpu.vector_store %arg9[%swap3A_131], %rem3A_130 {strides = array<i32>} : memref<12288xi32, #tpu.memory_space<vmem>>, vector<16xi32>,
      %mul3A_133 = arith.constant 8 : i32
      %mul3A_134 = arith.muli %scan3A_19, %mul3A_133 : i32
      %add3A_135 = arith.constant 5 : i32
      %add3A_136 = arith.addi %mul3A_134, %add3A_135 : i32
      %mul3A_137 = arith.constant 16 : i32
      %mul3A_138 = arith.muli %add3A_136, %mul3A_137 : i32
      %add3A_139 = vector.broadcast %mul3A_138 : i32 to vector<16xi32>
      %add3A_140 = arith.addi %add3A_139, %iota3A : vector<16xi32>
      %rem3A_141 = arith.constant 240 : i32
      %rem3A_142 = vector.broadcast %rem3A_141 : i32 to vector<16xi32>
      %rem3A_143 = arith.remsi %add3A_140, %rem3A_142 : vector<16xi32>
      %add3A_144 = arith.constant 10000 : i32
      %add3A_145 = vector.broadcast %add3A_144 : i32 to vector<16xi32>
      %add3A_146 = arith.addi %add3A_145, %rem3A_143 : vector<16xi32>
      %swap3A_147 = arith.index_cast %mul3A_138 : i32 to index
      %swap3A_148 = tpu.vector_load %arg8[%swap3A_147] {strides = array<i32>} : memref<12288xi32, #tpu.memory_space<vmem>>, vector<16xi32>,
      tpu.vector_store %arg8[%swap3A_147], %add3A_146 {strides = array<i32>} : memref<12288xi32, #tpu.memory_space<vmem>>, vector<16xi32>,
      %add3A_149 = vector.broadcast %mul3A_138 : i32 to vector<16xi32>
      %add3A_150 = arith.addi %add3A_149, %iota3A : vector<16xi32>
      %rem3A_151 = arith.constant 5120 : i32
      %rem3A_152 = vector.broadcast %rem3A_151 : i32 to vector<16xi32>
      %rem3A_153 = arith.remsi %add3A_150, %rem3A_152 : vector<16xi32>
      %swap3A_154 = arith.index_cast %mul3A_138 : i32 to index
      %swap3A_155 = tpu.vector_load %arg9[%swap3A_154] {strides = array<i32>} : memref<12288xi32, #tpu.memory_space<vmem>>, vector<16xi32>,
      tpu.vector_store %arg9[%swap3A_154], %rem3A_153 {strides = array<i32>} : memref<12288xi32, #tpu.memory_space<vmem>>, vector<16xi32>,
      %mul3A_156 = arith.constant 8 : i32
      %mul3A_157 = arith.muli %scan3A_19, %mul3A_156 : i32
      %add3A_158 = arith.constant 6 : i32
      %add3A_159 = arith.addi %mul3A_157, %add3A_158 : i32
      %mul3A_160 = arith.constant 16 : i32
      %mul3A_161 = arith.muli %add3A_159, %mul3A_160 : i32
      %add3A_162 = vector.broadcast %mul3A_161 : i32 to vector<16xi32>
      %add3A_163 = arith.addi %add3A_162, %iota3A : vector<16xi32>
      %rem3A_164 = arith.constant 240 : i32
      %rem3A_165 = vector.broadcast %rem3A_164 : i32 to vector<16xi32>
      %rem3A_166 = arith.remsi %add3A_163, %rem3A_165 : vector<16xi32>
      %add3A_167 = arith.constant 10000 : i32
      %add3A_168 = vector.broadcast %add3A_167 : i32 to vector<16xi32>
      %add3A_169 = arith.addi %add3A_168, %rem3A_166 : vector<16xi32>
      %swap3A_170 = arith.index_cast %mul3A_161 : i32 to index
      %swap3A_171 = tpu.vector_load %arg8[%swap3A_170] {strides = array<i32>} : memref<12288xi32, #tpu.memory_space<vmem>>, vector<16xi32>,
      tpu.vector_store %arg8[%swap3A_170], %add3A_169 {strides = array<i32>} : memref<12288xi32, #tpu.memory_space<vmem>>, vector<16xi32>,
      %add3A_172 = vector.broadcast %mul3A_161 : i32 to vector<16xi32>
      %add3A_173 = arith.addi %add3A_172, %iota3A : vector<16xi32>
      %rem3A_174 = arith.constant 5120 : i32
      %rem3A_175 = vector.broadcast %rem3A_174 : i32 to vector<16xi32>
      %rem3A_176 = arith.remsi %add3A_173, %rem3A_175 : vector<16xi32>
      %swap3A_177 = arith.index_cast %mul3A_161 : i32 to index
      %swap3A_178 = tpu.vector_load %arg9[%swap3A_177] {strides = array<i32>} : memref<12288xi32, #tpu.memory_space<vmem>>, vector<16xi32>,
      tpu.vector_store %arg9[%swap3A_177], %rem3A_176 {strides = array<i32>} : memref<12288xi32, #tpu.memory_space<vmem>>, vector<16xi32>,
      %mul3A_179 = arith.constant 8 : i32
      %mul3A_180 = arith.muli %scan3A_19, %mul3A_179 : i32
      %add3A_181 = arith.constant 7 : i32
      %add3A_182 = arith.addi %mul3A_180, %add3A_181 : i32
      %mul3A_183 = arith.constant 16 : i32
      %mul3A_184 = arith.muli %add3A_182, %mul3A_183 : i32
      %add3A_185 = vector.broadcast %mul3A_184 : i32 to vector<16xi32>
      %add3A_186 = arith.addi %add3A_185, %iota3A : vector<16xi32>
      %rem3A_187 = arith.constant 240 : i32
      %rem3A_188 = vector.broadcast %rem3A_187 : i32 to vector<16xi32>
      %rem3A_189 = arith.remsi %add3A_186, %rem3A_188 : vector<16xi32>
      %add3A_190 = arith.constant 10000 : i32
      %add3A_191 = vector.broadcast %add3A_190 : i32 to vector<16xi32>
      %add3A_192 = arith.addi %add3A_191, %rem3A_189 : vector<16xi32>
      %swap3A_193 = arith.index_cast %mul3A_184 : i32 to index
      %swap3A_194 = tpu.vector_load %arg8[%swap3A_193] {strides = array<i32>} : memref<12288xi32, #tpu.memory_space<vmem>>, vector<16xi32>,
      tpu.vector_store %arg8[%swap3A_193], %add3A_192 {strides = array<i32>} : memref<12288xi32, #tpu.memory_space<vmem>>, vector<16xi32>,
      %add3A_195 = vector.broadcast %mul3A_184 : i32 to vector<16xi32>
      %add3A_196 = arith.addi %add3A_195, %iota3A : vector<16xi32>
      %rem3A_197 = arith.constant 5120 : i32
      %rem3A_198 = vector.broadcast %rem3A_197 : i32 to vector<16xi32>
      %rem3A_199 = arith.remsi %add3A_196, %rem3A_198 : vector<16xi32>
      %swap3A_200 = arith.index_cast %mul3A_184 : i32 to index
      %swap3A_201 = tpu.vector_load %arg9[%swap3A_200] {strides = array<i32>} : memref<12288xi32, #tpu.memory_space<vmem>>, vector<16xi32>,
      tpu.vector_store %arg9[%swap3A_200], %rem3A_199 {strides = array<i32>} : memref<12288xi32, #tpu.memory_space<vmem>>, vector<16xi32>,
    }
    %scan3A_11 = arith.constant 96 : i32
    %scan3A_12 = arith.constant 0 : i32
    %scan3A_13 = arith.constant 0 : i32
    %scan3A_14 = arith.constant 100 : i32
    %scan3A_15 = arith.addi %scan3A_13, %scan3A_14 : i32
    %scan3A_16 = arith.constant 1 : i32
    %scan3A_17 = scf.for %scan3A_19 = %scan3A_13 to %scan3A_15 step %scan3A_16 iter_args(%scan3A_20 = %scan3A_12) -> (i32)  : i32 {
      "tpu.region"() ({
        %run_scoped3A = tpu.sem_alloc : memref<!tpu.dma_semaphore, #tpu.memory_space<semaphore_mem>>
        %dma_start3A = arith.constant 0 : i32
        %dma_start3A_27 = arith.constant 0 : i32
        %dma_start3A_28 = tpu.memref_slice %arg2[%scan3A_19, %dma_start3A, %dma_start3A_27] : memref<100x25x128xi32, #tpu.memory_space<hbm>> -> memref<1x25x128xi32, #tpu.memory_space<hbm>>
        %dma_start3A_29 = tpu.memref_squeeze %dma_start3A_28 : memref<1x25x128xi32, #tpu.memory_space<hbm>> -> memref<25x128xi32, #tpu.memory_space<hbm>>
        %dma_start3A_30 = arith.constant 0 : i32
        %dma_start3A_31 = arith.constant 0 : i32
        %dma_start3A_32 = tpu.memref_slice %arg2[%scan3A_19, %dma_start3A_30, %dma_start3A_31] : memref<100x25x128xi32, #tpu.memory_space<hbm>> -> memref<1x25x128xi32, #tpu.memory_space<hbm>>
        %dma_start3A_33 = tpu.memref_squeeze %dma_start3A_32 : memref<1x25x128xi32, #tpu.memory_space<hbm>> -> memref<25x128xi32, #tpu.memory_space<hbm>>
        tpu.enqueue_dma source(%dma_start3A_33 : memref<25x128xi32, #tpu.memory_space<hbm>>) target(%arg6 : memref<25x128xi32, #tpu.memory_space<vmem>>) target_semaphore(%run_scoped3A : memref<!tpu.dma_semaphore, #tpu.memory_space<semaphore_mem>>)
        %dma_wait3A = arith.constant 0 : i32
        %dma_wait3A_34 = arith.constant 0 : i32
        %dma_wait3A_35 = tpu.memref_slice %arg2[%scan3A_19, %dma_wait3A, %dma_wait3A_34] : memref<100x25x128xi32, #tpu.memory_space<hbm>> -> memref<1x25x128xi32, #tpu.memory_space<hbm>>
        %dma_wait3A_36 = tpu.memref_squeeze %dma_wait3A_35 : memref<1x25x128xi32, #tpu.memory_space<hbm>> -> memref<25x128xi32, #tpu.memory_space<hbm>>
        %dma_wait3A_37 = arith.constant 0 : i32
        %dma_wait3A_38 = arith.constant 0 : i32
        %dma_wait3A_39 = tpu.memref_slice %arg2[%scan3A_19, %dma_wait3A_37, %dma_wait3A_38] : memref<100x25x128xi32, #tpu.memory_space<hbm>> -> memref<1x25x128xi32, #tpu.memory_space<hbm>>
        %dma_wait3A_40 = tpu.memref_squeeze %dma_wait3A_39 : memref<1x25x128xi32, #tpu.memory_space<hbm>> -> memref<25x128xi32, #tpu.memory_space<hbm>>
        tpu.wait_dma2 semaphore(%run_scoped3A : memref<!tpu.dma_semaphore, #tpu.memory_space<semaphore_mem>>) src(%dma_wait3A_40 : memref<25x128xi32, #tpu.memory_space<hbm>>) dst(%arg6 : memref<25x128xi32, #tpu.memory_space<vmem>>)
        tpu.yield
      }) : () -> ()
      "tpu.region"() ({
        %run_scoped3A = tpu.sem_alloc : memref<!tpu.dma_semaphore, #tpu.memory_space<semaphore_mem>>
        %dma_start3A = arith.constant 0 : i32
        %dma_start3A_27 = arith.constant 0 : i32
        %dma_start3A_28 = tpu.memref_slice %arg3[%scan3A_19, %dma_start3A, %dma_start3A_27] : memref<100x25x128xi32, #tpu.memory_space<hbm>> -> memref<1x25x128xi32, #tpu.memory_space<hbm>>
        %dma_start3A_29 = tpu.memref_squeeze %dma_start3A_28 : memref<1x25x128xi32, #tpu.memory_space<hbm>> -> memref<25x128xi32, #tpu.memory_space<hbm>>
        %dma_start3A_30 = arith.constant 0 : i32
        %dma_start3A_31 = arith.constant 0 : i32
        %dma_start3A_32 = tpu.memref_slice %arg3[%scan3A_19, %dma_start3A_30, %dma_start3A_31] : memref<100x25x128xi32, #tpu.memory_space<hbm>> -> memref<1x25x128xi32, #tpu.memory_space<hbm>>
        %dma_start3A_33 = tpu.memref_squeeze %dma_start3A_32 : memref<1x25x128xi32, #tpu.memory_space<hbm>> -> memref<25x128xi32, #tpu.memory_space<hbm>>
        tpu.enqueue_dma source(%dma_start3A_33 : memref<25x128xi32, #tpu.memory_space<hbm>>) target(%arg7 : memref<25x128xi32, #tpu.memory_space<vmem>>) target_semaphore(%run_scoped3A : memref<!tpu.dma_semaphore, #tpu.memory_space<semaphore_mem>>)
        %dma_wait3A = arith.constant 0 : i32
        %dma_wait3A_34 = arith.constant 0 : i32
        %dma_wait3A_35 = tpu.memref_slice %arg3[%scan3A_19, %dma_wait3A, %dma_wait3A_34] : memref<100x25x128xi32, #tpu.memory_space<hbm>> -> memref<1x25x128xi32, #tpu.memory_space<hbm>>
        %dma_wait3A_36 = tpu.memref_squeeze %dma_wait3A_35 : memref<1x25x128xi32, #tpu.memory_space<hbm>> -> memref<25x128xi32, #tpu.memory_space<hbm>>
        %dma_wait3A_37 = arith.constant 0 : i32
        %dma_wait3A_38 = arith.constant 0 : i32
        %dma_wait3A_39 = tpu.memref_slice %arg3[%scan3A_19, %dma_wait3A_37, %dma_wait3A_38] : memref<100x25x128xi32, #tpu.memory_space<hbm>> -> memref<1x25x128xi32, #tpu.memory_space<hbm>>
        %dma_wait3A_40 = tpu.memref_squeeze %dma_wait3A_39 : memref<1x25x128xi32, #tpu.memory_space<hbm>> -> memref<25x128xi32, #tpu.memory_space<hbm>>
        tpu.wait_dma2 semaphore(%run_scoped3A : memref<!tpu.dma_semaphore, #tpu.memory_space<semaphore_mem>>) src(%dma_wait3A_40 : memref<25x128xi32, #tpu.memory_space<hbm>>) dst(%arg7 : memref<25x128xi32, #tpu.memory_space<vmem>>)
        tpu.yield
      }) : () -> ()
      %scan3A_21 = arith.constant 0 : i32
      %scan3A_22 = arith.constant 25 : i32
      %scan3A_23 = arith.addi %scan3A_21, %scan3A_22 : i32
      %scan3A_24 = arith.constant 1 : i32
      %scan3A_25 = scf.for %scan3A_27 = %scan3A_21 to %scan3A_23 step %scan3A_24 iter_args(%scan3A_28 = %scan3A_20) -> (i32)  : i32 {
        %get3A = arith.index_cast %scan3A_27 : i32 to index
        %get3A_29 = arith.constant 0 : index
        %get3A_30 = tpu.vector_load %arg7[%get3A, %get3A_29] {strides = array<i32>} : memref<25x128xi32, #tpu.memory_space<vmem>>, vector<16xi32>,
        %get3A_31 = arith.index_cast %scan3A_27 : i32 to index
        %get3A_32 = arith.constant 0 : index
        %get3A_33 = tpu.vector_load %arg6[%get3A_31, %get3A_32] {strides = array<i32>} : memref<25x128xi32, #tpu.memory_space<vmem>>, vector<16xi32>,
        %ge3A = vector.broadcast %mul3A_2 : i32 to vector<16xi32>
        %ge3A_34 = arith.cmpi sge, %get3A_30, %ge3A : vector<16xi32>
        %lt3A = vector.broadcast %add3A_4 : i32 to vector<16xi32>
        %lt3A_35 = arith.cmpi slt, %get3A_30, %lt3A : vector<16xi32>
        %and3A = arith.andi %ge3A_34, %lt3A_35 : vector<16xi1>
        %swap3A = arith.index_cast %scan3A_28 : i32 to index
        %swap3A_36 = tpu.vector_load %arg8[%swap3A] masked %and3A {strides = array<i32>} : memref<12288xi32, #tpu.memory_space<vmem>>, vector<16xi32>, vector<16xi1>
        tpu.vector_store %arg8[%swap3A], %get3A_33 masked %and3A {strides = array<i32>} : memref<12288xi32, #tpu.memory_space<vmem>>, vector<16xi32>, vector<16xi1>
        %sub3A = vector.broadcast %mul3A_6 : i32 to vector<16xi32>
        %sub3A_37 = arith.subi %get3A_30, %sub3A : vector<16xi32>
        %swap3A_38 = arith.index_cast %scan3A_28 : i32 to index
        %swap3A_39 = tpu.vector_load %arg9[%swap3A_38] masked %and3A {strides = array<i32>} : memref<12288xi32, #tpu.memory_space<vmem>>, vector<16xi32>, vector<16xi1>
        tpu.vector_store %arg9[%swap3A_38], %sub3A_37 masked %and3A {strides = array<i32>} : memref<12288xi32, #tpu.memory_space<vmem>>, vector<16xi32>, vector<16xi1>
        %all_reduce_population_count3A = tpu.all_reduce %and3A {dim = 0 : i64, kind = #tpu.reduction_kind<sum>} : vector<16xi1> -> vector<16xi32>
        %reduce_max3A = arith.constant true
        %reduce_max3A_40 = vector.broadcast %reduce_max3A : i1 to vector<16xi1>
        %reduce_max3A_41 = arith.constant -2147483648 : i32
        %reduce_max3A_42 = vector.broadcast %reduce_max3A_41 : i32 to vector<16xi32>
        %reduce_max3A_43 = arith.xori %all_reduce_population_count3A, %reduce_max3A_42 : vector<16xi32>
        %reduce_max3A_44 = tpu.scan <max>, %reduce_max3A_43 masked %reduce_max3A_40 : vector<16xi32>, vector<16xi1> -> vector<16xi32>
        %reduce_max3A_45 = arith.xori %reduce_max3A_44, %reduce_max3A_42 : vector<16xi32>
        %reduce_max3A_46 = vector.extract %reduce_max3A_45[15] : i32 from vector<16xi32>
        %add3A_47 = arith.addi %scan3A_28, %reduce_max3A_46 : i32
        %get3A_48 = arith.index_cast %scan3A_27 : i32 to index
        %get3A_49 = arith.constant 16 : index
        %get3A_50 = tpu.vector_load %arg7[%get3A_48, %get3A_49] {strides = array<i32>} : memref<25x128xi32, #tpu.memory_space<vmem>>, vector<16xi32>,
        %get3A_51 = arith.index_cast %scan3A_27 : i32 to index
        %get3A_52 = arith.constant 16 : index
        %get3A_53 = tpu.vector_load %arg6[%get3A_51, %get3A_52] {strides = array<i32>} : memref<25x128xi32, #tpu.memory_space<vmem>>, vector<16xi32>,
        %ge3A_54 = vector.broadcast %mul3A_2 : i32 to vector<16xi32>
        %ge3A_55 = arith.cmpi sge, %get3A_50, %ge3A_54 : vector<16xi32>
        %lt3A_56 = vector.broadcast %add3A_4 : i32 to vector<16xi32>
        %lt3A_57 = arith.cmpi slt, %get3A_50, %lt3A_56 : vector<16xi32>
        %and3A_58 = arith.andi %ge3A_55, %lt3A_57 : vector<16xi1>
        %swap3A_59 = arith.index_cast %add3A_47 : i32 to index
        %swap3A_60 = tpu.vector_load %arg8[%swap3A_59] masked %and3A_58 {strides = array<i32>} : memref<12288xi32, #tpu.memory_space<vmem>>, vector<16xi32>, vector<16xi1>
        tpu.vector_store %arg8[%swap3A_59], %get3A_53 masked %and3A_58 {strides = array<i32>} : memref<12288xi32, #tpu.memory_space<vmem>>, vector<16xi32>, vector<16xi1>
        %sub3A_61 = vector.broadcast %mul3A_6 : i32 to vector<16xi32>
        %sub3A_62 = arith.subi %get3A_50, %sub3A_61 : vector<16xi32>
        %swap3A_63 = arith.index_cast %add3A_47 : i32 to index
        %swap3A_64 = tpu.vector_load %arg9[%swap3A_63] masked %and3A_58 {strides = array<i32>} : memref<12288xi32, #tpu.memory_space<vmem>>, vector<16xi32>, vector<16xi1>
        tpu.vector_store %arg9[%swap3A_63], %sub3A_62 masked %and3A_58 {strides = array<i32>} : memref<12288xi32, #tpu.memory_space<vmem>>, vector<16xi32>, vector<16xi1>
        %all_reduce_population_count3A_65 = tpu.all_reduce %and3A_58 {dim = 0 : i64, kind = #tpu.reduction_kind<sum>} : vector<16xi1> -> vector<16xi32>
        %reduce_max3A_66 = arith.constant true
        %reduce_max3A_67 = vector.broadcast %reduce_max3A_66 : i1 to vector<16xi1>
        %reduce_max3A_68 = arith.constant -2147483648 : i32
        %reduce_max3A_69 = vector.broadcast %reduce_max3A_68 : i32 to vector<16xi32>
        %reduce_max3A_70 = arith.xori %all_reduce_population_count3A_65, %reduce_max3A_69 : vector<16xi32>
        %reduce_max3A_71 = tpu.scan <max>, %reduce_max3A_70 masked %reduce_max3A_67 : vector<16xi32>, vector<16xi1> -> vector<16xi32>
        %reduce_max3A_72 = arith.xori %reduce_max3A_71, %reduce_max3A_69 : vector<16xi32>
        %reduce_max3A_73 = vector.extract %reduce_max3A_72[15] : i32 from vector<16xi32>
        %add3A_74 = arith.addi %add3A_47, %reduce_max3A_73 : i32
        %get3A_75 = arith.index_cast %scan3A_27 : i32 to index
        %get3A_76 = arith.constant 32 : index
        %get3A_77 = tpu.vector_load %arg7[%get3A_75, %get3A_76] {strides = array<i32>} : memref<25x128xi32, #tpu.memory_space<vmem>>, vector<16xi32>,
        %get3A_78 = arith.index_cast %scan3A_27 : i32 to index
        %get3A_79 = arith.constant 32 : index
        %get3A_80 = tpu.vector_load %arg6[%get3A_78, %get3A_79] {strides = array<i32>} : memref<25x128xi32, #tpu.memory_space<vmem>>, vector<16xi32>,
        %ge3A_81 = vector.broadcast %mul3A_2 : i32 to vector<16xi32>
        %ge3A_82 = arith.cmpi sge, %get3A_77, %ge3A_81 : vector<16xi32>
        %lt3A_83 = vector.broadcast %add3A_4 : i32 to vector<16xi32>
        %lt3A_84 = arith.cmpi slt, %get3A_77, %lt3A_83 : vector<16xi32>
        %and3A_85 = arith.andi %ge3A_82, %lt3A_84 : vector<16xi1>
        %swap3A_86 = arith.index_cast %add3A_74 : i32 to index
        %swap3A_87 = tpu.vector_load %arg8[%swap3A_86] masked %and3A_85 {strides = array<i32>} : memref<12288xi32, #tpu.memory_space<vmem>>, vector<16xi32>, vector<16xi1>
        tpu.vector_store %arg8[%swap3A_86], %get3A_80 masked %and3A_85 {strides = array<i32>} : memref<12288xi32, #tpu.memory_space<vmem>>, vector<16xi32>, vector<16xi1>
        %sub3A_88 = vector.broadcast %mul3A_6 : i32 to vector<16xi32>
        %sub3A_89 = arith.subi %get3A_77, %sub3A_88 : vector<16xi32>
        %swap3A_90 = arith.index_cast %add3A_74 : i32 to index
        %swap3A_91 = tpu.vector_load %arg9[%swap3A_90] masked %and3A_85 {strides = array<i32>} : memref<12288xi32, #tpu.memory_space<vmem>>, vector<16xi32>, vector<16xi1>
        tpu.vector_store %arg9[%swap3A_90], %sub3A_89 masked %and3A_85 {strides = array<i32>} : memref<12288xi32, #tpu.memory_space<vmem>>, vector<16xi32>, vector<16xi1>
        %all_reduce_population_count3A_92 = tpu.all_reduce %and3A_85 {dim = 0 : i64, kind = #tpu.reduction_kind<sum>} : vector<16xi1> -> vector<16xi32>
        %reduce_max3A_93 = arith.constant true
        %reduce_max3A_94 = vector.broadcast %reduce_max3A_93 : i1 to vector<16xi1>
        %reduce_max3A_95 = arith.constant -2147483648 : i32
        %reduce_max3A_96 = vector.broadcast %reduce_max3A_95 : i32 to vector<16xi32>
        %reduce_max3A_97 = arith.xori %all_reduce_population_count3A_92, %reduce_max3A_96 : vector<16xi32>
        %reduce_max3A_98 = tpu.scan <max>, %reduce_max3A_97 masked %reduce_max3A_94 : vector<16xi32>, vector<16xi1> -> vector<16xi32>
        %reduce_max3A_99 = arith.xori %reduce_max3A_98, %reduce_max3A_96 : vector<16xi32>
        %reduce_max3A_100 = vector.extract %reduce_max3A_99[15] : i32 from vector<16xi32>
        %add3A_101 = arith.addi %add3A_74, %reduce_max3A_100 : i32
        %get3A_102 = arith.index_cast %scan3A_27 : i32 to index
        %get3A_103 = arith.constant 48 : index
        %get3A_104 = tpu.vector_load %arg7[%get3A_102, %get3A_103] {strides = array<i32>} : memref<25x128xi32, #tpu.memory_space<vmem>>, vector<16xi32>,
        %get3A_105 = arith.index_cast %scan3A_27 : i32 to index
        %get3A_106 = arith.constant 48 : index
        %get3A_107 = tpu.vector_load %arg6[%get3A_105, %get3A_106] {strides = array<i32>} : memref<25x128xi32, #tpu.memory_space<vmem>>, vector<16xi32>,
        %ge3A_108 = vector.broadcast %mul3A_2 : i32 to vector<16xi32>
        %ge3A_109 = arith.cmpi sge, %get3A_104, %ge3A_108 : vector<16xi32>
        %lt3A_110 = vector.broadcast %add3A_4 : i32 to vector<16xi32>
        %lt3A_111 = arith.cmpi slt, %get3A_104, %lt3A_110 : vector<16xi32>
        %and3A_112 = arith.andi %ge3A_109, %lt3A_111 : vector<16xi1>
        %swap3A_113 = arith.index_cast %add3A_101 : i32 to index
        %swap3A_114 = tpu.vector_load %arg8[%swap3A_113] masked %and3A_112 {strides = array<i32>} : memref<12288xi32, #tpu.memory_space<vmem>>, vector<16xi32>, vector<16xi1>
        tpu.vector_store %arg8[%swap3A_113], %get3A_107 masked %and3A_112 {strides = array<i32>} : memref<12288xi32, #tpu.memory_space<vmem>>, vector<16xi32>, vector<16xi1>
        %sub3A_115 = vector.broadcast %mul3A_6 : i32 to vector<16xi32>
        %sub3A_116 = arith.subi %get3A_104, %sub3A_115 : vector<16xi32>
        %swap3A_117 = arith.index_cast %add3A_101 : i32 to index
        %swap3A_118 = tpu.vector_load %arg9[%swap3A_117] masked %and3A_112 {strides = array<i32>} : memref<12288xi32, #tpu.memory_space<vmem>>, vector<16xi32>, vector<16xi1>
        tpu.vector_store %arg9[%swap3A_117], %sub3A_116 masked %and3A_112 {strides = array<i32>} : memref<12288xi32, #tpu.memory_space<vmem>>, vector<16xi32>, vector<16xi1>
        %all_reduce_population_count3A_119 = tpu.all_reduce %and3A_112 {dim = 0 : i64, kind = #tpu.reduction_kind<sum>} : vector<16xi1> -> vector<16xi32>
        %reduce_max3A_120 = arith.constant true
        %reduce_max3A_121 = vector.broadcast %reduce_max3A_120 : i1 to vector<16xi1>
        %reduce_max3A_122 = arith.constant -2147483648 : i32
        %reduce_max3A_123 = vector.broadcast %reduce_max3A_122 : i32 to vector<16xi32>
        %reduce_max3A_124 = arith.xori %all_reduce_population_count3A_119, %reduce_max3A_123 : vector<16xi32>
        %reduce_max3A_125 = tpu.scan <max>, %reduce_max3A_124 masked %reduce_max3A_121 : vector<16xi32>, vector<16xi1> -> vector<16xi32>
        %reduce_max3A_126 = arith.xori %reduce_max3A_125, %reduce_max3A_123 : vector<16xi32>
        %reduce_max3A_127 = vector.extract %reduce_max3A_126[15] : i32 from vector<16xi32>
        %add3A_128 = arith.addi %add3A_101, %reduce_max3A_127 : i32
        %get3A_129 = arith.index_cast %scan3A_27 : i32 to index
        %get3A_130 = arith.constant 64 : index
        %get3A_131 = tpu.vector_load %arg7[%get3A_129, %get3A_130] {strides = array<i32>} : memref<25x128xi32, #tpu.memory_space<vmem>>, vector<16xi32>,
        %get3A_132 = arith.index_cast %scan3A_27 : i32 to index
        %get3A_133 = arith.constant 64 : index
        %get3A_134 = tpu.vector_load %arg6[%get3A_132, %get3A_133] {strides = array<i32>} : memref<25x128xi32, #tpu.memory_space<vmem>>, vector<16xi32>,
        %ge3A_135 = vector.broadcast %mul3A_2 : i32 to vector<16xi32>
        %ge3A_136 = arith.cmpi sge, %get3A_131, %ge3A_135 : vector<16xi32>
        %lt3A_137 = vector.broadcast %add3A_4 : i32 to vector<16xi32>
        %lt3A_138 = arith.cmpi slt, %get3A_131, %lt3A_137 : vector<16xi32>
        %and3A_139 = arith.andi %ge3A_136, %lt3A_138 : vector<16xi1>
        %swap3A_140 = arith.index_cast %add3A_128 : i32 to index
        %swap3A_141 = tpu.vector_load %arg8[%swap3A_140] masked %and3A_139 {strides = array<i32>} : memref<12288xi32, #tpu.memory_space<vmem>>, vector<16xi32>, vector<16xi1>
        tpu.vector_store %arg8[%swap3A_140], %get3A_134 masked %and3A_139 {strides = array<i32>} : memref<12288xi32, #tpu.memory_space<vmem>>, vector<16xi32>, vector<16xi1>
        %sub3A_142 = vector.broadcast %mul3A_6 : i32 to vector<16xi32>
        %sub3A_143 = arith.subi %get3A_131, %sub3A_142 : vector<16xi32>
        %swap3A_144 = arith.index_cast %add3A_128 : i32 to index
        %swap3A_145 = tpu.vector_load %arg9[%swap3A_144] masked %and3A_139 {strides = array<i32>} : memref<12288xi32, #tpu.memory_space<vmem>>, vector<16xi32>, vector<16xi1>
        tpu.vector_store %arg9[%swap3A_144], %sub3A_143 masked %and3A_139 {strides = array<i32>} : memref<12288xi32, #tpu.memory_space<vmem>>, vector<16xi32>, vector<16xi1>
        %all_reduce_population_count3A_146 = tpu.all_reduce %and3A_139 {dim = 0 : i64, kind = #tpu.reduction_kind<sum>} : vector<16xi1> -> vector<16xi32>
        %reduce_max3A_147 = arith.constant true
        %reduce_max3A_148 = vector.broadcast %reduce_max3A_147 : i1 to vector<16xi1>
        %reduce_max3A_149 = arith.constant -2147483648 : i32
        %reduce_max3A_150 = vector.broadcast %reduce_max3A_149 : i32 to vector<16xi32>
        %reduce_max3A_151 = arith.xori %all_reduce_population_count3A_146, %reduce_max3A_150 : vector<16xi32>
        %reduce_max3A_152 = tpu.scan <max>, %reduce_max3A_151 masked %reduce_max3A_148 : vector<16xi32>, vector<16xi1> -> vector<16xi32>
        %reduce_max3A_153 = arith.xori %reduce_max3A_152, %reduce_max3A_150 : vector<16xi32>
        %reduce_max3A_154 = vector.extract %reduce_max3A_153[15] : i32 from vector<16xi32>
        %add3A_155 = arith.addi %add3A_128, %reduce_max3A_154 : i32
        %get3A_156 = arith.index_cast %scan3A_27 : i32 to index
        %get3A_157 = arith.constant 80 : index
        %get3A_158 = tpu.vector_load %arg7[%get3A_156, %get3A_157] {strides = array<i32>} : memref<25x128xi32, #tpu.memory_space<vmem>>, vector<16xi32>,
        %get3A_159 = arith.index_cast %scan3A_27 : i32 to index
        %get3A_160 = arith.constant 80 : index
        %get3A_161 = tpu.vector_load %arg6[%get3A_159, %get3A_160] {strides = array<i32>} : memref<25x128xi32, #tpu.memory_space<vmem>>, vector<16xi32>,
        %ge3A_162 = vector.broadcast %mul3A_2 : i32 to vector<16xi32>
        %ge3A_163 = arith.cmpi sge, %get3A_158, %ge3A_162 : vector<16xi32>
        %lt3A_164 = vector.broadcast %add3A_4 : i32 to vector<16xi32>
        %lt3A_165 = arith.cmpi slt, %get3A_158, %lt3A_164 : vector<16xi32>
        %and3A_166 = arith.andi %ge3A_163, %lt3A_165 : vector<16xi1>
        %swap3A_167 = arith.index_cast %add3A_155 : i32 to index
        %swap3A_168 = tpu.vector_load %arg8[%swap3A_167] masked %and3A_166 {strides = array<i32>} : memref<12288xi32, #tpu.memory_space<vmem>>, vector<16xi32>, vector<16xi1>
        tpu.vector_store %arg8[%swap3A_167], %get3A_161 masked %and3A_166 {strides = array<i32>} : memref<12288xi32, #tpu.memory_space<vmem>>, vector<16xi32>, vector<16xi1>
        %sub3A_169 = vector.broadcast %mul3A_6 : i32 to vector<16xi32>
        %sub3A_170 = arith.subi %get3A_158, %sub3A_169 : vector<16xi32>
        %swap3A_171 = arith.index_cast %add3A_155 : i32 to index
        %swap3A_172 = tpu.vector_load %arg9[%swap3A_171] masked %and3A_166 {strides = array<i32>} : memref<12288xi32, #tpu.memory_space<vmem>>, vector<16xi32>, vector<16xi1>
        tpu.vector_store %arg9[%swap3A_171], %sub3A_170 masked %and3A_166 {strides = array<i32>} : memref<12288xi32, #tpu.memory_space<vmem>>, vector<16xi32>, vector<16xi1>
        %all_reduce_population_count3A_173 = tpu.all_reduce %and3A_166 {dim = 0 : i64, kind = #tpu.reduction_kind<sum>} : vector<16xi1> -> vector<16xi32>
        %reduce_max3A_174 = arith.constant true
        %reduce_max3A_175 = vector.broadcast %reduce_max3A_174 : i1 to vector<16xi1>
        %reduce_max3A_176 = arith.constant -2147483648 : i32
        %reduce_max3A_177 = vector.broadcast %reduce_max3A_176 : i32 to vector<16xi32>
        %reduce_max3A_178 = arith.xori %all_reduce_population_count3A_173, %reduce_max3A_177 : vector<16xi32>
        %reduce_max3A_179 = tpu.scan <max>, %reduce_max3A_178 masked %reduce_max3A_175 : vector<16xi32>, vector<16xi1> -> vector<16xi32>
        %reduce_max3A_180 = arith.xori %reduce_max3A_179, %reduce_max3A_177 : vector<16xi32>
        %reduce_max3A_181 = vector.extract %reduce_max3A_180[15] : i32 from vector<16xi32>
        %add3A_182 = arith.addi %add3A_155, %reduce_max3A_181 : i32
        %get3A_183 = arith.index_cast %scan3A_27 : i32 to index
        %get3A_184 = arith.constant 96 : index
        %get3A_185 = tpu.vector_load %arg7[%get3A_183, %get3A_184] {strides = array<i32>} : memref<25x128xi32, #tpu.memory_space<vmem>>, vector<16xi32>,
        %get3A_186 = arith.index_cast %scan3A_27 : i32 to index
        %get3A_187 = arith.constant 96 : index
        %get3A_188 = tpu.vector_load %arg6[%get3A_186, %get3A_187] {strides = array<i32>} : memref<25x128xi32, #tpu.memory_space<vmem>>, vector<16xi32>,
        %ge3A_189 = vector.broadcast %mul3A_2 : i32 to vector<16xi32>
        %ge3A_190 = arith.cmpi sge, %get3A_185, %ge3A_189 : vector<16xi32>
        %lt3A_191 = vector.broadcast %add3A_4 : i32 to vector<16xi32>
        %lt3A_192 = arith.cmpi slt, %get3A_185, %lt3A_191 : vector<16xi32>
        %and3A_193 = arith.andi %ge3A_190, %lt3A_192 : vector<16xi1>
        %swap3A_194 = arith.index_cast %add3A_182 : i32 to index
        %swap3A_195 = tpu.vector_load %arg8[%swap3A_194] masked %and3A_193 {strides = array<i32>} : memref<12288xi32, #tpu.memory_space<vmem>>, vector<16xi32>, vector<16xi1>
        tpu.vector_store %arg8[%swap3A_194], %get3A_188 masked %and3A_193 {strides = array<i32>} : memref<12288xi32, #tpu.memory_space<vmem>>, vector<16xi32>, vector<16xi1>
        %sub3A_196 = vector.broadcast %mul3A_6 : i32 to vector<16xi32>
        %sub3A_197 = arith.subi %get3A_185, %sub3A_196 : vector<16xi32>
        %swap3A_198 = arith.index_cast %add3A_182 : i32 to index
        %swap3A_199 = tpu.vector_load %arg9[%swap3A_198] masked %and3A_193 {strides = array<i32>} : memref<12288xi32, #tpu.memory_space<vmem>>, vector<16xi32>, vector<16xi1>
        tpu.vector_store %arg9[%swap3A_198], %sub3A_197 masked %and3A_193 {strides = array<i32>} : memref<12288xi32, #tpu.memory_space<vmem>>, vector<16xi32>, vector<16xi1>
        %all_reduce_population_count3A_200 = tpu.all_reduce %and3A_193 {dim = 0 : i64, kind = #tpu.reduction_kind<sum>} : vector<16xi1> -> vector<16xi32>
        %reduce_max3A_201 = arith.constant true
        %reduce_max3A_202 = vector.broadcast %reduce_max3A_201 : i1 to vector<16xi1>
        %reduce_max3A_203 = arith.constant -2147483648 : i32
        %reduce_max3A_204 = vector.broadcast %reduce_max3A_203 : i32 to vector<16xi32>
        %reduce_max3A_205 = arith.xori %all_reduce_population_count3A_200, %reduce_max3A_204 : vector<16xi32>
        %reduce_max3A_206 = tpu.scan <max>, %reduce_max3A_205 masked %reduce_max3A_202 : vector<16xi32>, vector<16xi1> -> vector<16xi32>
        %reduce_max3A_207 = arith.xori %reduce_max3A_206, %reduce_max3A_204 : vector<16xi32>
        %reduce_max3A_208 = vector.extract %reduce_max3A_207[15] : i32 from vector<16xi32>
        %add3A_209 = arith.addi %add3A_182, %reduce_max3A_208 : i32
        %get3A_210 = arith.index_cast %scan3A_27 : i32 to index
        %get3A_211 = arith.constant 112 : index
        %get3A_212 = tpu.vector_load %arg7[%get3A_210, %get3A_211] {strides = array<i32>} : memref<25x128xi32, #tpu.memory_space<vmem>>, vector<16xi32>,
        %get3A_213 = arith.index_cast %scan3A_27 : i32 to index
        %get3A_214 = arith.constant 112 : index
        %get3A_215 = tpu.vector_load %arg6[%get3A_213, %get3A_214] {strides = array<i32>} : memref<25x128xi32, #tpu.memory_space<vmem>>, vector<16xi32>,
        %ge3A_216 = vector.broadcast %mul3A_2 : i32 to vector<16xi32>
        %ge3A_217 = arith.cmpi sge, %get3A_212, %ge3A_216 : vector<16xi32>
        %lt3A_218 = vector.broadcast %add3A_4 : i32 to vector<16xi32>
        %lt3A_219 = arith.cmpi slt, %get3A_212, %lt3A_218 : vector<16xi32>
        %and3A_220 = arith.andi %ge3A_217, %lt3A_219 : vector<16xi1>
        %swap3A_221 = arith.index_cast %add3A_209 : i32 to index
        %swap3A_222 = tpu.vector_load %arg8[%swap3A_221] masked %and3A_220 {strides = array<i32>} : memref<12288xi32, #tpu.memory_space<vmem>>, vector<16xi32>, vector<16xi1>
        tpu.vector_store %arg8[%swap3A_221], %get3A_215 masked %and3A_220 {strides = array<i32>} : memref<12288xi32, #tpu.memory_space<vmem>>, vector<16xi32>, vector<16xi1>
        %sub3A_223 = vector.broadcast %mul3A_6 : i32 to vector<16xi32>
        %sub3A_224 = arith.subi %get3A_212, %sub3A_223 : vector<16xi32>
        %swap3A_225 = arith.index_cast %add3A_209 : i32 to index
        %swap3A_226 = tpu.vector_load %arg9[%swap3A_225] masked %and3A_220 {strides = array<i32>} : memref<12288xi32, #tpu.memory_space<vmem>>, vector<16xi32>, vector<16xi1>
        tpu.vector_store %arg9[%swap3A_225], %sub3A_224 masked %and3A_220 {strides = array<i32>} : memref<12288xi32, #tpu.memory_space<vmem>>, vector<16xi32>, vector<16xi1>
        %all_reduce_population_count3A_227 = tpu.all_reduce %and3A_220 {dim = 0 : i64, kind = #tpu.reduction_kind<sum>} : vector<16xi1> -> vector<16xi32>
        %reduce_max3A_228 = arith.constant true
        %reduce_max3A_229 = vector.broadcast %reduce_max3A_228 : i1 to vector<16xi1>
        %reduce_max3A_230 = arith.constant -2147483648 : i32
        %reduce_max3A_231 = vector.broadcast %reduce_max3A_230 : i32 to vector<16xi32>
        %reduce_max3A_232 = arith.xori %all_reduce_population_count3A_227, %reduce_max3A_231 : vector<16xi32>
        %reduce_max3A_233 = tpu.scan <max>, %reduce_max3A_232 masked %reduce_max3A_229 : vector<16xi32>, vector<16xi1> -> vector<16xi32>
        %reduce_max3A_234 = arith.xori %reduce_max3A_233, %reduce_max3A_231 : vector<16xi32>
        %reduce_max3A_235 = vector.extract %reduce_max3A_234[15] : i32 from vector<16xi32>
        %add3A_236 = arith.addi %add3A_209, %reduce_max3A_235 : i32
        scf.yield %add3A_236 : i32
      }
      %scan3A_26 = arith.constant 25 : i32
      scf.yield %scan3A_25 : i32
    }
    %scan3A_18 = arith.constant 100 : i32
    "tpu.region"() ({
      %run_scoped3A = tpu.sem_alloc : memref<!tpu.dma_semaphore, #tpu.memory_space<semaphore_mem>>
      %dma_start3A = arith.constant 0 : i32
      %dma_start3A_19 = tpu.memref_slice %arg4[%add3A, %dma_start3A] : memref<32x12288xi32, #tpu.memory_space<hbm>> -> memref<1x12288xi32, #tpu.memory_space<hbm>>
      %dma_start3A_20 = tpu.memref_squeeze %dma_start3A_19 : memref<1x12288xi32, #tpu.memory_space<hbm>> -> memref<12288xi32, #tpu.memory_space<hbm>>
      %dma_start3A_21 = arith.constant 0 : i32
      %dma_start3A_22 = tpu.memref_slice %arg4[%add3A, %dma_start3A_21] : memref<32x12288xi32, #tpu.memory_space<hbm>> -> memref<1x12288xi32, #tpu.memory_space<hbm>>
      %dma_start3A_23 = tpu.memref_squeeze %dma_start3A_22 : memref<1x12288xi32, #tpu.memory_space<hbm>> -> memref<12288xi32, #tpu.memory_space<hbm>>
      tpu.enqueue_dma source(%arg8 : memref<12288xi32, #tpu.memory_space<vmem>>) target(%dma_start3A_23 : memref<12288xi32, #tpu.memory_space<hbm>>) target_semaphore(%run_scoped3A : memref<!tpu.dma_semaphore, #tpu.memory_space<semaphore_mem>>)
      %dma_wait3A = arith.constant 0 : i32
      %dma_wait3A_24 = tpu.memref_slice %arg4[%add3A, %dma_wait3A] : memref<32x12288xi32, #tpu.memory_space<hbm>> -> memref<1x12288xi32, #tpu.memory_space<hbm>>
      %dma_wait3A_25 = tpu.memref_squeeze %dma_wait3A_24 : memref<1x12288xi32, #tpu.memory_space<hbm>> -> memref<12288xi32, #tpu.memory_space<hbm>>
      %dma_wait3A_26 = arith.constant 0 : i32
      %dma_wait3A_27 = tpu.memref_slice %arg4[%add3A, %dma_wait3A_26] : memref<32x12288xi32, #tpu.memory_space<hbm>> -> memref<1x12288xi32, #tpu.memory_space<hbm>>
      %dma_wait3A_28 = tpu.memref_squeeze %dma_wait3A_27 : memref<1x12288xi32, #tpu.memory_space<hbm>> -> memref<12288xi32, #tpu.memory_space<hbm>>
      tpu.wait_dma2 semaphore(%run_scoped3A : memref<!tpu.dma_semaphore, #tpu.memory_space<semaphore_mem>>) src(%arg8 : memref<12288xi32, #tpu.memory_space<vmem>>) dst(%dma_wait3A_28 : memref<12288xi32, #tpu.memory_space<hbm>>)
      tpu.yield
    }) : () -> ()
    "tpu.region"() ({
      %run_scoped3A = tpu.sem_alloc : memref<!tpu.dma_semaphore, #tpu.memory_space<semaphore_mem>>
      %dma_start3A = arith.constant 0 : i32
      %dma_start3A_19 = tpu.memref_slice %arg5[%add3A, %dma_start3A] : memref<32x12288xi32, #tpu.memory_space<hbm>> -> memref<1x12288xi32, #tpu.memory_space<hbm>>
      %dma_start3A_20 = tpu.memref_squeeze %dma_start3A_19 : memref<1x12288xi32, #tpu.memory_space<hbm>> -> memref<12288xi32, #tpu.memory_space<hbm>>
      %dma_start3A_21 = arith.constant 0 : i32
      %dma_start3A_22 = tpu.memref_slice %arg5[%add3A, %dma_start3A_21] : memref<32x12288xi32, #tpu.memory_space<hbm>> -> memref<1x12288xi32, #tpu.memory_space<hbm>>
      %dma_start3A_23 = tpu.memref_squeeze %dma_start3A_22 : memref<1x12288xi32, #tpu.memory_space<hbm>> -> memref<12288xi32, #tpu.memory_space<hbm>>
      tpu.enqueue_dma source(%arg9 : memref<12288xi32, #tpu.memory_space<vmem>>) target(%dma_start3A_23 : memref<12288xi32, #tpu.memory_space<hbm>>) target_semaphore(%run_scoped3A : memref<!tpu.dma_semaphore, #tpu.memory_space<semaphore_mem>>)
      %dma_wait3A = arith.constant 0 : i32
      %dma_wait3A_24 = tpu.memref_slice %arg5[%add3A, %dma_wait3A] : memref<32x12288xi32, #tpu.memory_space<hbm>> -> memref<1x12288xi32, #tpu.memory_space<hbm>>
      %dma_wait3A_25 = tpu.memref_squeeze %dma_wait3A_24 : memref<1x12288xi32, #tpu.memory_space<hbm>> -> memref<12288xi32, #tpu.memory_space<hbm>>
      %dma_wait3A_26 = arith.constant 0 : i32
      %dma_wait3A_27 = tpu.memref_slice %arg5[%add3A, %dma_wait3A_26] : memref<32x12288xi32, #tpu.memory_space<hbm>> -> memref<1x12288xi32, #tpu.memory_space<hbm>>
      %dma_wait3A_28 = tpu.memref_squeeze %dma_wait3A_27 : memref<1x12288xi32, #tpu.memory_space<hbm>> -> memref<12288xi32, #tpu.memory_space<hbm>>
      tpu.wait_dma2 semaphore(%run_scoped3A : memref<!tpu.dma_semaphore, #tpu.memory_space<semaphore_mem>>) src(%arg9 : memref<12288xi32, #tpu.memory_space<vmem>>) dst(%dma_wait3A_28 : memref<12288xi32, #tpu.memory_space<hbm>>)
      tpu.yield
    }) : () -> ()
    return
  }
}

#map = affine_map<(d0, d1) -> (0, 0, 0, 0)>
#map1 = affine_map<(d0, d1) -> (0, 0, 0)>
module attributes {stable_mosaic.version = 14 : i64} {
  func.func @_sc_degrees(%arg0: i32, %arg1: i32, %arg2: memref<2x16x79x128xi32, #tpu.memory_space<hbm>>, %arg3: memref<2x16x79x128xi32, #tpu.memory_space<hbm>>, %arg4: memref<2x2x10240xf32, #tpu.memory_space<hbm>>, %arg5: memref<79x128xi32, #tpu.memory_space<vmem>>, %arg6: memref<79x128xi32, #tpu.memory_space<vmem>>, %arg7: memref<10240xf32, #tpu.memory_space<vmem>>, %arg8: memref<10240xf32, #tpu.memory_space<vmem>>, %arg9: memref<16x640xf32, #tpu.memory_space<vmem>>, %arg10: memref<640xf32, #tpu.memory_space<vmem>>, %arg11: memref<2x16x10240xf32, #tpu.memory_space<vmem_shared>>) attributes {dimension_semantics = [#tpu.dimension_semantics<core_parallel>, #tpu.dimension_semantics<subcore_parallel>], iteration_bounds = array<i64: 2, 16>, scalar_prefetch = 0 : i64, scratch_operands = 7 : i64, tpu.core_type = #tpu.core_type<sc_vector_subcore>, window_params = [{transform_indices = #map}, {transform_indices = #map}, {transform_indices = #map1}]} {
    %mul3A = arith.constant 640 : i32
    %mul3A_0 = arith.muli %arg1, %mul3A : i32
    %broadcast_in_dim3A = arith.constant 0.000000e+00 : f32
    %broadcast_in_dim3A_1 = vector.broadcast %broadcast_in_dim3A : f32 to vector<16xf32>
    %scan3A = arith.constant 0 : i32
    %scan3A_2 = arith.constant 0 : i32
    %scan3A_3 = arith.constant 640 : i32
    %scan3A_4 = arith.addi %scan3A_2, %scan3A_3 : i32
    %scan3A_5 = arith.constant 1 : i32
    scf.for %scan3A_30 = %scan3A_2 to %scan3A_4 step %scan3A_5  : i32 {
      %mul3A_31 = arith.constant 16 : i32
      %mul3A_32 = arith.muli %scan3A_30, %mul3A_31 : i32
      %swap3A = arith.index_cast %mul3A_32 : i32 to index
      %swap3A_33 = tpu.vector_load %arg7[%swap3A] {strides = array<i32>} : memref<10240xf32, #tpu.memory_space<vmem>>, vector<16xf32>,
      tpu.vector_store %arg7[%swap3A], %broadcast_in_dim3A_1 {strides = array<i32>} : memref<10240xf32, #tpu.memory_space<vmem>>, vector<16xf32>,
      %mul3A_34 = arith.constant 16 : i32
      %mul3A_35 = arith.muli %scan3A_30, %mul3A_34 : i32
      %swap3A_36 = arith.index_cast %mul3A_35 : i32 to index
      %swap3A_37 = tpu.vector_load %arg8[%swap3A_36] {strides = array<i32>} : memref<10240xf32, #tpu.memory_space<vmem>>, vector<16xf32>,
      tpu.vector_store %arg8[%swap3A_36], %broadcast_in_dim3A_1 {strides = array<i32>} : memref<10240xf32, #tpu.memory_space<vmem>>, vector<16xf32>,
    }
    %scan3A_6 = arith.constant 640 : i32
    "tpu.region"() ({
      %run_scoped3A_30 = tpu.sem_alloc : memref<!tpu.dma_semaphore, #tpu.memory_space<semaphore_mem>>
      %dma_start3A = arith.constant 0 : i32
      %dma_start3A_31 = arith.constant 0 : i32
      %dma_start3A_32 = tpu.memref_slice %arg2[%arg0, %arg1, %dma_start3A, %dma_start3A_31] : memref<2x16x79x128xi32, #tpu.memory_space<hbm>> -> memref<1x1x79x128xi32, #tpu.memory_space<hbm>>
      %dma_start3A_33 = tpu.memref_squeeze %dma_start3A_32 : memref<1x1x79x128xi32, #tpu.memory_space<hbm>> -> memref<79x128xi32, #tpu.memory_space<hbm>>
      %dma_start3A_34 = arith.constant 0 : i32
      %dma_start3A_35 = arith.constant 0 : i32
      %dma_start3A_36 = tpu.memref_slice %arg2[%arg0, %arg1, %dma_start3A_34, %dma_start3A_35] : memref<2x16x79x128xi32, #tpu.memory_space<hbm>> -> memref<1x1x79x128xi32, #tpu.memory_space<hbm>>
      %dma_start3A_37 = tpu.memref_squeeze %dma_start3A_36 : memref<1x1x79x128xi32, #tpu.memory_space<hbm>> -> memref<79x128xi32, #tpu.memory_space<hbm>>
      tpu.enqueue_dma source(%dma_start3A_37 : memref<79x128xi32, #tpu.memory_space<hbm>>) target(%arg5 : memref<79x128xi32, #tpu.memory_space<vmem>>) target_semaphore(%run_scoped3A_30 : memref<!tpu.dma_semaphore, #tpu.memory_space<semaphore_mem>>)
      %dma_wait3A = arith.constant 0 : i32
      %dma_wait3A_38 = arith.constant 0 : i32
      %dma_wait3A_39 = tpu.memref_slice %arg2[%arg0, %arg1, %dma_wait3A, %dma_wait3A_38] : memref<2x16x79x128xi32, #tpu.memory_space<hbm>> -> memref<1x1x79x128xi32, #tpu.memory_space<hbm>>
      %dma_wait3A_40 = tpu.memref_squeeze %dma_wait3A_39 : memref<1x1x79x128xi32, #tpu.memory_space<hbm>> -> memref<79x128xi32, #tpu.memory_space<hbm>>
      %dma_wait3A_41 = arith.constant 0 : i32
      %dma_wait3A_42 = arith.constant 0 : i32
      %dma_wait3A_43 = tpu.memref_slice %arg2[%arg0, %arg1, %dma_wait3A_41, %dma_wait3A_42] : memref<2x16x79x128xi32, #tpu.memory_space<hbm>> -> memref<1x1x79x128xi32, #tpu.memory_space<hbm>>
      %dma_wait3A_44 = tpu.memref_squeeze %dma_wait3A_43 : memref<1x1x79x128xi32, #tpu.memory_space<hbm>> -> memref<79x128xi32, #tpu.memory_space<hbm>>
      tpu.wait_dma2 semaphore(%run_scoped3A_30 : memref<!tpu.dma_semaphore, #tpu.memory_space<semaphore_mem>>) src(%dma_wait3A_44 : memref<79x128xi32, #tpu.memory_space<hbm>>) dst(%arg5 : memref<79x128xi32, #tpu.memory_space<vmem>>)
      tpu.yield
    }) : () -> ()
    "tpu.region"() ({
      %run_scoped3A_30 = tpu.sem_alloc : memref<!tpu.dma_semaphore, #tpu.memory_space<semaphore_mem>>
      %dma_start3A = arith.constant 0 : i32
      %dma_start3A_31 = arith.constant 0 : i32
      %dma_start3A_32 = tpu.memref_slice %arg3[%arg0, %arg1, %dma_start3A, %dma_start3A_31] : memref<2x16x79x128xi32, #tpu.memory_space<hbm>> -> memref<1x1x79x128xi32, #tpu.memory_space<hbm>>
      %dma_start3A_33 = tpu.memref_squeeze %dma_start3A_32 : memref<1x1x79x128xi32, #tpu.memory_space<hbm>> -> memref<79x128xi32, #tpu.memory_space<hbm>>
      %dma_start3A_34 = arith.constant 0 : i32
      %dma_start3A_35 = arith.constant 0 : i32
      %dma_start3A_36 = tpu.memref_slice %arg3[%arg0, %arg1, %dma_start3A_34, %dma_start3A_35] : memref<2x16x79x128xi32, #tpu.memory_space<hbm>> -> memref<1x1x79x128xi32, #tpu.memory_space<hbm>>
      %dma_start3A_37 = tpu.memref_squeeze %dma_start3A_36 : memref<1x1x79x128xi32, #tpu.memory_space<hbm>> -> memref<79x128xi32, #tpu.memory_space<hbm>>
      tpu.enqueue_dma source(%dma_start3A_37 : memref<79x128xi32, #tpu.memory_space<hbm>>) target(%arg6 : memref<79x128xi32, #tpu.memory_space<vmem>>) target_semaphore(%run_scoped3A_30 : memref<!tpu.dma_semaphore, #tpu.memory_space<semaphore_mem>>)
      %dma_wait3A = arith.constant 0 : i32
      %dma_wait3A_38 = arith.constant 0 : i32
      %dma_wait3A_39 = tpu.memref_slice %arg3[%arg0, %arg1, %dma_wait3A, %dma_wait3A_38] : memref<2x16x79x128xi32, #tpu.memory_space<hbm>> -> memref<1x1x79x128xi32, #tpu.memory_space<hbm>>
      %dma_wait3A_40 = tpu.memref_squeeze %dma_wait3A_39 : memref<1x1x79x128xi32, #tpu.memory_space<hbm>> -> memref<79x128xi32, #tpu.memory_space<hbm>>
      %dma_wait3A_41 = arith.constant 0 : i32
      %dma_wait3A_42 = arith.constant 0 : i32
      %dma_wait3A_43 = tpu.memref_slice %arg3[%arg0, %arg1, %dma_wait3A_41, %dma_wait3A_42] : memref<2x16x79x128xi32, #tpu.memory_space<hbm>> -> memref<1x1x79x128xi32, #tpu.memory_space<hbm>>
      %dma_wait3A_44 = tpu.memref_squeeze %dma_wait3A_43 : memref<1x1x79x128xi32, #tpu.memory_space<hbm>> -> memref<79x128xi32, #tpu.memory_space<hbm>>
      tpu.wait_dma2 semaphore(%run_scoped3A_30 : memref<!tpu.dma_semaphore, #tpu.memory_space<semaphore_mem>>) src(%dma_wait3A_44 : memref<79x128xi32, #tpu.memory_space<hbm>>) dst(%arg6 : memref<79x128xi32, #tpu.memory_space<vmem>>)
      tpu.yield
    }) : () -> ()
    %scan3A_7 = arith.constant 0 : i32
    %scan3A_8 = arith.constant 0 : i32
    %scan3A_9 = arith.constant 79 : i32
    %scan3A_10 = arith.addi %scan3A_8, %scan3A_9 : i32
    %scan3A_11 = arith.constant 1 : i32
    scf.for %scan3A_30 = %scan3A_8 to %scan3A_10 step %scan3A_11  : i32 {
      %get3A = arith.index_cast %scan3A_30 : i32 to index
      %get3A_31 = arith.constant 0 : index
      %get3A_32 = tpu.vector_load %arg5[%get3A, %get3A_31] {strides = array<i32>} : memref<79x128xi32, #tpu.memory_space<vmem>>, vector<16xi32>,
      %broadcast_in_dim3A_33 = arith.constant true
      %broadcast_in_dim3A_34 = vector.broadcast %broadcast_in_dim3A_33 : i1 to vector<16xi1>
      %unique3A, %unique3A_35 = tpu.scan_count mask(%broadcast_in_dim3A_34 : vector<16xi1>) value(%get3A_32 : vector<16xi32>) : vector<16xi1>, vector<16xi32>
      %convert_element_type3A = arith.sitofp %unique3A_35 : vector<16xi32> to vector<16xf32>
      tpu.vector_store_idx %arg7[%get3A_32], %convert_element_type3A masked %unique3A {add = true} : memref<10240xf32, #tpu.memory_space<vmem>>[vector<16xi32>], vector<16xf32>, vector<16xi1>
      %get3A_36 = arith.index_cast %scan3A_30 : i32 to index
      %get3A_37 = arith.constant 0 : index
      %get3A_38 = tpu.vector_load %arg6[%get3A_36, %get3A_37] {strides = array<i32>} : memref<79x128xi32, #tpu.memory_space<vmem>>, vector<16xi32>,
      %broadcast_in_dim3A_39 = arith.constant true
      %broadcast_in_dim3A_40 = vector.broadcast %broadcast_in_dim3A_39 : i1 to vector<16xi1>
      %unique3A_41, %unique3A_42 = tpu.scan_count mask(%broadcast_in_dim3A_40 : vector<16xi1>) value(%get3A_38 : vector<16xi32>) : vector<16xi1>, vector<16xi32>
      %convert_element_type3A_43 = arith.sitofp %unique3A_42 : vector<16xi32> to vector<16xf32>
      tpu.vector_store_idx %arg8[%get3A_38], %convert_element_type3A_43 masked %unique3A_41 {add = true} : memref<10240xf32, #tpu.memory_space<vmem>>[vector<16xi32>], vector<16xf32>, vector<16xi1>
      %get3A_44 = arith.index_cast %scan3A_30 : i32 to index
      %get3A_45 = arith.constant 16 : index
      %get3A_46 = tpu.vector_load %arg5[%get3A_44, %get3A_45] {strides = array<i32>} : memref<79x128xi32, #tpu.memory_space<vmem>>, vector<16xi32>,
      %broadcast_in_dim3A_47 = arith.constant true
      %broadcast_in_dim3A_48 = vector.broadcast %broadcast_in_dim3A_47 : i1 to vector<16xi1>
      %unique3A_49, %unique3A_50 = tpu.scan_count mask(%broadcast_in_dim3A_48 : vector<16xi1>) value(%get3A_46 : vector<16xi32>) : vector<16xi1>, vector<16xi32>
      %convert_element_type3A_51 = arith.sitofp %unique3A_50 : vector<16xi32> to vector<16xf32>
      tpu.vector_store_idx %arg7[%get3A_46], %convert_element_type3A_51 masked %unique3A_49 {add = true} : memref<10240xf32, #tpu.memory_space<vmem>>[vector<16xi32>], vector<16xf32>, vector<16xi1>
      %get3A_52 = arith.index_cast %scan3A_30 : i32 to index
      %get3A_53 = arith.constant 16 : index
      %get3A_54 = tpu.vector_load %arg6[%get3A_52, %get3A_53] {strides = array<i32>} : memref<79x128xi32, #tpu.memory_space<vmem>>, vector<16xi32>,
      %broadcast_in_dim3A_55 = arith.constant true
      %broadcast_in_dim3A_56 = vector.broadcast %broadcast_in_dim3A_55 : i1 to vector<16xi1>
      %unique3A_57, %unique3A_58 = tpu.scan_count mask(%broadcast_in_dim3A_56 : vector<16xi1>) value(%get3A_54 : vector<16xi32>) : vector<16xi1>, vector<16xi32>
      %convert_element_type3A_59 = arith.sitofp %unique3A_58 : vector<16xi32> to vector<16xf32>
      tpu.vector_store_idx %arg8[%get3A_54], %convert_element_type3A_59 masked %unique3A_57 {add = true} : memref<10240xf32, #tpu.memory_space<vmem>>[vector<16xi32>], vector<16xf32>, vector<16xi1>
      %get3A_60 = arith.index_cast %scan3A_30 : i32 to index
      %get3A_61 = arith.constant 32 : index
      %get3A_62 = tpu.vector_load %arg5[%get3A_60, %get3A_61] {strides = array<i32>} : memref<79x128xi32, #tpu.memory_space<vmem>>, vector<16xi32>,
      %broadcast_in_dim3A_63 = arith.constant true
      %broadcast_in_dim3A_64 = vector.broadcast %broadcast_in_dim3A_63 : i1 to vector<16xi1>
      %unique3A_65, %unique3A_66 = tpu.scan_count mask(%broadcast_in_dim3A_64 : vector<16xi1>) value(%get3A_62 : vector<16xi32>) : vector<16xi1>, vector<16xi32>
      %convert_element_type3A_67 = arith.sitofp %unique3A_66 : vector<16xi32> to vector<16xf32>
      tpu.vector_store_idx %arg7[%get3A_62], %convert_element_type3A_67 masked %unique3A_65 {add = true} : memref<10240xf32, #tpu.memory_space<vmem>>[vector<16xi32>], vector<16xf32>, vector<16xi1>
      %get3A_68 = arith.index_cast %scan3A_30 : i32 to index
      %get3A_69 = arith.constant 32 : index
      %get3A_70 = tpu.vector_load %arg6[%get3A_68, %get3A_69] {strides = array<i32>} : memref<79x128xi32, #tpu.memory_space<vmem>>, vector<16xi32>,
      %broadcast_in_dim3A_71 = arith.constant true
      %broadcast_in_dim3A_72 = vector.broadcast %broadcast_in_dim3A_71 : i1 to vector<16xi1>
      %unique3A_73, %unique3A_74 = tpu.scan_count mask(%broadcast_in_dim3A_72 : vector<16xi1>) value(%get3A_70 : vector<16xi32>) : vector<16xi1>, vector<16xi32>
      %convert_element_type3A_75 = arith.sitofp %unique3A_74 : vector<16xi32> to vector<16xf32>
      tpu.vector_store_idx %arg8[%get3A_70], %convert_element_type3A_75 masked %unique3A_73 {add = true} : memref<10240xf32, #tpu.memory_space<vmem>>[vector<16xi32>], vector<16xf32>, vector<16xi1>
      %get3A_76 = arith.index_cast %scan3A_30 : i32 to index
      %get3A_77 = arith.constant 48 : index
      %get3A_78 = tpu.vector_load %arg5[%get3A_76, %get3A_77] {strides = array<i32>} : memref<79x128xi32, #tpu.memory_space<vmem>>, vector<16xi32>,
      %broadcast_in_dim3A_79 = arith.constant true
      %broadcast_in_dim3A_80 = vector.broadcast %broadcast_in_dim3A_79 : i1 to vector<16xi1>
      %unique3A_81, %unique3A_82 = tpu.scan_count mask(%broadcast_in_dim3A_80 : vector<16xi1>) value(%get3A_78 : vector<16xi32>) : vector<16xi1>, vector<16xi32>
      %convert_element_type3A_83 = arith.sitofp %unique3A_82 : vector<16xi32> to vector<16xf32>
      tpu.vector_store_idx %arg7[%get3A_78], %convert_element_type3A_83 masked %unique3A_81 {add = true} : memref<10240xf32, #tpu.memory_space<vmem>>[vector<16xi32>], vector<16xf32>, vector<16xi1>
      %get3A_84 = arith.index_cast %scan3A_30 : i32 to index
      %get3A_85 = arith.constant 48 : index
      %get3A_86 = tpu.vector_load %arg6[%get3A_84, %get3A_85] {strides = array<i32>} : memref<79x128xi32, #tpu.memory_space<vmem>>, vector<16xi32>,
      %broadcast_in_dim3A_87 = arith.constant true
      %broadcast_in_dim3A_88 = vector.broadcast %broadcast_in_dim3A_87 : i1 to vector<16xi1>
      %unique3A_89, %unique3A_90 = tpu.scan_count mask(%broadcast_in_dim3A_88 : vector<16xi1>) value(%get3A_86 : vector<16xi32>) : vector<16xi1>, vector<16xi32>
      %convert_element_type3A_91 = arith.sitofp %unique3A_90 : vector<16xi32> to vector<16xf32>
      tpu.vector_store_idx %arg8[%get3A_86], %convert_element_type3A_91 masked %unique3A_89 {add = true} : memref<10240xf32, #tpu.memory_space<vmem>>[vector<16xi32>], vector<16xf32>, vector<16xi1>
      %get3A_92 = arith.index_cast %scan3A_30 : i32 to index
      %get3A_93 = arith.constant 64 : index
      %get3A_94 = tpu.vector_load %arg5[%get3A_92, %get3A_93] {strides = array<i32>} : memref<79x128xi32, #tpu.memory_space<vmem>>, vector<16xi32>,
      %broadcast_in_dim3A_95 = arith.constant true
      %broadcast_in_dim3A_96 = vector.broadcast %broadcast_in_dim3A_95 : i1 to vector<16xi1>
      %unique3A_97, %unique3A_98 = tpu.scan_count mask(%broadcast_in_dim3A_96 : vector<16xi1>) value(%get3A_94 : vector<16xi32>) : vector<16xi1>, vector<16xi32>
      %convert_element_type3A_99 = arith.sitofp %unique3A_98 : vector<16xi32> to vector<16xf32>
      tpu.vector_store_idx %arg7[%get3A_94], %convert_element_type3A_99 masked %unique3A_97 {add = true} : memref<10240xf32, #tpu.memory_space<vmem>>[vector<16xi32>], vector<16xf32>, vector<16xi1>
      %get3A_100 = arith.index_cast %scan3A_30 : i32 to index
      %get3A_101 = arith.constant 64 : index
      %get3A_102 = tpu.vector_load %arg6[%get3A_100, %get3A_101] {strides = array<i32>} : memref<79x128xi32, #tpu.memory_space<vmem>>, vector<16xi32>,
      %broadcast_in_dim3A_103 = arith.constant true
      %broadcast_in_dim3A_104 = vector.broadcast %broadcast_in_dim3A_103 : i1 to vector<16xi1>
      %unique3A_105, %unique3A_106 = tpu.scan_count mask(%broadcast_in_dim3A_104 : vector<16xi1>) value(%get3A_102 : vector<16xi32>) : vector<16xi1>, vector<16xi32>
      %convert_element_type3A_107 = arith.sitofp %unique3A_106 : vector<16xi32> to vector<16xf32>
      tpu.vector_store_idx %arg8[%get3A_102], %convert_element_type3A_107 masked %unique3A_105 {add = true} : memref<10240xf32, #tpu.memory_space<vmem>>[vector<16xi32>], vector<16xf32>, vector<16xi1>
      %get3A_108 = arith.index_cast %scan3A_30 : i32 to index
      %get3A_109 = arith.constant 80 : index
      %get3A_110 = tpu.vector_load %arg5[%get3A_108, %get3A_109] {strides = array<i32>} : memref<79x128xi32, #tpu.memory_space<vmem>>, vector<16xi32>,
      %broadcast_in_dim3A_111 = arith.constant true
      %broadcast_in_dim3A_112 = vector.broadcast %broadcast_in_dim3A_111 : i1 to vector<16xi1>
      %unique3A_113, %unique3A_114 = tpu.scan_count mask(%broadcast_in_dim3A_112 : vector<16xi1>) value(%get3A_110 : vector<16xi32>) : vector<16xi1>, vector<16xi32>
      %convert_element_type3A_115 = arith.sitofp %unique3A_114 : vector<16xi32> to vector<16xf32>
      tpu.vector_store_idx %arg7[%get3A_110], %convert_element_type3A_115 masked %unique3A_113 {add = true} : memref<10240xf32, #tpu.memory_space<vmem>>[vector<16xi32>], vector<16xf32>, vector<16xi1>
      %get3A_116 = arith.index_cast %scan3A_30 : i32 to index
      %get3A_117 = arith.constant 80 : index
      %get3A_118 = tpu.vector_load %arg6[%get3A_116, %get3A_117] {strides = array<i32>} : memref<79x128xi32, #tpu.memory_space<vmem>>, vector<16xi32>,
      %broadcast_in_dim3A_119 = arith.constant true
      %broadcast_in_dim3A_120 = vector.broadcast %broadcast_in_dim3A_119 : i1 to vector<16xi1>
      %unique3A_121, %unique3A_122 = tpu.scan_count mask(%broadcast_in_dim3A_120 : vector<16xi1>) value(%get3A_118 : vector<16xi32>) : vector<16xi1>, vector<16xi32>
      %convert_element_type3A_123 = arith.sitofp %unique3A_122 : vector<16xi32> to vector<16xf32>
      tpu.vector_store_idx %arg8[%get3A_118], %convert_element_type3A_123 masked %unique3A_121 {add = true} : memref<10240xf32, #tpu.memory_space<vmem>>[vector<16xi32>], vector<16xf32>, vector<16xi1>
      %get3A_124 = arith.index_cast %scan3A_30 : i32 to index
      %get3A_125 = arith.constant 96 : index
      %get3A_126 = tpu.vector_load %arg5[%get3A_124, %get3A_125] {strides = array<i32>} : memref<79x128xi32, #tpu.memory_space<vmem>>, vector<16xi32>,
      %broadcast_in_dim3A_127 = arith.constant true
      %broadcast_in_dim3A_128 = vector.broadcast %broadcast_in_dim3A_127 : i1 to vector<16xi1>
      %unique3A_129, %unique3A_130 = tpu.scan_count mask(%broadcast_in_dim3A_128 : vector<16xi1>) value(%get3A_126 : vector<16xi32>) : vector<16xi1>, vector<16xi32>
      %convert_element_type3A_131 = arith.sitofp %unique3A_130 : vector<16xi32> to vector<16xf32>
      tpu.vector_store_idx %arg7[%get3A_126], %convert_element_type3A_131 masked %unique3A_129 {add = true} : memref<10240xf32, #tpu.memory_space<vmem>>[vector<16xi32>], vector<16xf32>, vector<16xi1>
      %get3A_132 = arith.index_cast %scan3A_30 : i32 to index
      %get3A_133 = arith.constant 96 : index
      %get3A_134 = tpu.vector_load %arg6[%get3A_132, %get3A_133] {strides = array<i32>} : memref<79x128xi32, #tpu.memory_space<vmem>>, vector<16xi32>,
      %broadcast_in_dim3A_135 = arith.constant true
      %broadcast_in_dim3A_136 = vector.broadcast %broadcast_in_dim3A_135 : i1 to vector<16xi1>
      %unique3A_137, %unique3A_138 = tpu.scan_count mask(%broadcast_in_dim3A_136 : vector<16xi1>) value(%get3A_134 : vector<16xi32>) : vector<16xi1>, vector<16xi32>
      %convert_element_type3A_139 = arith.sitofp %unique3A_138 : vector<16xi32> to vector<16xf32>
      tpu.vector_store_idx %arg8[%get3A_134], %convert_element_type3A_139 masked %unique3A_137 {add = true} : memref<10240xf32, #tpu.memory_space<vmem>>[vector<16xi32>], vector<16xf32>, vector<16xi1>
      %get3A_140 = arith.index_cast %scan3A_30 : i32 to index
      %get3A_141 = arith.constant 112 : index
      %get3A_142 = tpu.vector_load %arg5[%get3A_140, %get3A_141] {strides = array<i32>} : memref<79x128xi32, #tpu.memory_space<vmem>>, vector<16xi32>,
      %broadcast_in_dim3A_143 = arith.constant true
      %broadcast_in_dim3A_144 = vector.broadcast %broadcast_in_dim3A_143 : i1 to vector<16xi1>
      %unique3A_145, %unique3A_146 = tpu.scan_count mask(%broadcast_in_dim3A_144 : vector<16xi1>) value(%get3A_142 : vector<16xi32>) : vector<16xi1>, vector<16xi32>
      %convert_element_type3A_147 = arith.sitofp %unique3A_146 : vector<16xi32> to vector<16xf32>
      tpu.vector_store_idx %arg7[%get3A_142], %convert_element_type3A_147 masked %unique3A_145 {add = true} : memref<10240xf32, #tpu.memory_space<vmem>>[vector<16xi32>], vector<16xf32>, vector<16xi1>
      %get3A_148 = arith.index_cast %scan3A_30 : i32 to index
      %get3A_149 = arith.constant 112 : index
      %get3A_150 = tpu.vector_load %arg6[%get3A_148, %get3A_149] {strides = array<i32>} : memref<79x128xi32, #tpu.memory_space<vmem>>, vector<16xi32>,
      %broadcast_in_dim3A_151 = arith.constant true
      %broadcast_in_dim3A_152 = vector.broadcast %broadcast_in_dim3A_151 : i1 to vector<16xi1>
      %unique3A_153, %unique3A_154 = tpu.scan_count mask(%broadcast_in_dim3A_152 : vector<16xi1>) value(%get3A_150 : vector<16xi32>) : vector<16xi1>, vector<16xi32>
      %convert_element_type3A_155 = arith.sitofp %unique3A_154 : vector<16xi32> to vector<16xf32>
      tpu.vector_store_idx %arg8[%get3A_150], %convert_element_type3A_155 masked %unique3A_153 {add = true} : memref<10240xf32, #tpu.memory_space<vmem>>[vector<16xi32>], vector<16xf32>, vector<16xi1>
    }
    %scan3A_12 = arith.constant 79 : i32
    %run_scoped3A = arith.constant 0 : i32
    "tpu.region"() ({
      %run_scoped3A_30 = tpu.sem_alloc : memref<!tpu.dma_semaphore, #tpu.memory_space<semaphore_mem>>
      %dma_start3A = arith.constant 0 : i32
      %dma_start3A_31 = tpu.memref_slice %arg11[%run_scoped3A, %arg1, %dma_start3A] : memref<2x16x10240xf32, #tpu.memory_space<vmem_shared>> -> memref<1x1x10240xf32, #tpu.memory_space<vmem_shared>>
      %dma_start3A_32 = tpu.memref_squeeze %dma_start3A_31 : memref<1x1x10240xf32, #tpu.memory_space<vmem_shared>> -> memref<10240xf32, #tpu.memory_space<vmem_shared>>
      %dma_start3A_33 = arith.constant 0 : i32
      %dma_start3A_34 = tpu.memref_slice %arg11[%run_scoped3A, %arg1, %dma_start3A_33] : memref<2x16x10240xf32, #tpu.memory_space<vmem_shared>> -> memref<1x1x10240xf32, #tpu.memory_space<vmem_shared>>
      %dma_start3A_35 = tpu.memref_squeeze %dma_start3A_34 : memref<1x1x10240xf32, #tpu.memory_space<vmem_shared>> -> memref<10240xf32, #tpu.memory_space<vmem_shared>>
      tpu.enqueue_dma source(%arg7 : memref<10240xf32, #tpu.memory_space<vmem>>) target(%dma_start3A_35 : memref<10240xf32, #tpu.memory_space<vmem_shared>>) target_semaphore(%run_scoped3A_30 : memref<!tpu.dma_semaphore, #tpu.memory_space<semaphore_mem>>)
      %dma_wait3A = arith.constant 0 : i32
      %dma_wait3A_36 = tpu.memref_slice %arg11[%run_scoped3A, %arg1, %dma_wait3A] : memref<2x16x10240xf32, #tpu.memory_space<vmem_shared>> -> memref<1x1x10240xf32, #tpu.memory_space<vmem_shared>>
      %dma_wait3A_37 = tpu.memref_squeeze %dma_wait3A_36 : memref<1x1x10240xf32, #tpu.memory_space<vmem_shared>> -> memref<10240xf32, #tpu.memory_space<vmem_shared>>
      %dma_wait3A_38 = arith.constant 0 : i32
      %dma_wait3A_39 = tpu.memref_slice %arg11[%run_scoped3A, %arg1, %dma_wait3A_38] : memref<2x16x10240xf32, #tpu.memory_space<vmem_shared>> -> memref<1x1x10240xf32, #tpu.memory_space<vmem_shared>>
      %dma_wait3A_40 = tpu.memref_squeeze %dma_wait3A_39 : memref<1x1x10240xf32, #tpu.memory_space<vmem_shared>> -> memref<10240xf32, #tpu.memory_space<vmem_shared>>
      tpu.wait_dma2 semaphore(%run_scoped3A_30 : memref<!tpu.dma_semaphore, #tpu.memory_space<semaphore_mem>>) src(%arg7 : memref<10240xf32, #tpu.memory_space<vmem>>) dst(%dma_wait3A_40 : memref<10240xf32, #tpu.memory_space<vmem_shared>>)
      tpu.yield
    }) : () -> ()
    %run_scoped3A_13 = arith.constant 1 : i32
    "tpu.region"() ({
      %run_scoped3A_30 = tpu.sem_alloc : memref<!tpu.dma_semaphore, #tpu.memory_space<semaphore_mem>>
      %dma_start3A = arith.constant 0 : i32
      %dma_start3A_31 = tpu.memref_slice %arg11[%run_scoped3A_13, %arg1, %dma_start3A] : memref<2x16x10240xf32, #tpu.memory_space<vmem_shared>> -> memref<1x1x10240xf32, #tpu.memory_space<vmem_shared>>
      %dma_start3A_32 = tpu.memref_squeeze %dma_start3A_31 : memref<1x1x10240xf32, #tpu.memory_space<vmem_shared>> -> memref<10240xf32, #tpu.memory_space<vmem_shared>>
      %dma_start3A_33 = arith.constant 0 : i32
      %dma_start3A_34 = tpu.memref_slice %arg11[%run_scoped3A_13, %arg1, %dma_start3A_33] : memref<2x16x10240xf32, #tpu.memory_space<vmem_shared>> -> memref<1x1x10240xf32, #tpu.memory_space<vmem_shared>>
      %dma_start3A_35 = tpu.memref_squeeze %dma_start3A_34 : memref<1x1x10240xf32, #tpu.memory_space<vmem_shared>> -> memref<10240xf32, #tpu.memory_space<vmem_shared>>
      tpu.enqueue_dma source(%arg8 : memref<10240xf32, #tpu.memory_space<vmem>>) target(%dma_start3A_35 : memref<10240xf32, #tpu.memory_space<vmem_shared>>) target_semaphore(%run_scoped3A_30 : memref<!tpu.dma_semaphore, #tpu.memory_space<semaphore_mem>>)
      %dma_wait3A = arith.constant 0 : i32
      %dma_wait3A_36 = tpu.memref_slice %arg11[%run_scoped3A_13, %arg1, %dma_wait3A] : memref<2x16x10240xf32, #tpu.memory_space<vmem_shared>> -> memref<1x1x10240xf32, #tpu.memory_space<vmem_shared>>
      %dma_wait3A_37 = tpu.memref_squeeze %dma_wait3A_36 : memref<1x1x10240xf32, #tpu.memory_space<vmem_shared>> -> memref<10240xf32, #tpu.memory_space<vmem_shared>>
      %dma_wait3A_38 = arith.constant 0 : i32
      %dma_wait3A_39 = tpu.memref_slice %arg11[%run_scoped3A_13, %arg1, %dma_wait3A_38] : memref<2x16x10240xf32, #tpu.memory_space<vmem_shared>> -> memref<1x1x10240xf32, #tpu.memory_space<vmem_shared>>
      %dma_wait3A_40 = tpu.memref_squeeze %dma_wait3A_39 : memref<1x1x10240xf32, #tpu.memory_space<vmem_shared>> -> memref<10240xf32, #tpu.memory_space<vmem_shared>>
      tpu.wait_dma2 semaphore(%run_scoped3A_30 : memref<!tpu.dma_semaphore, #tpu.memory_space<semaphore_mem>>) src(%arg8 : memref<10240xf32, #tpu.memory_space<vmem>>) dst(%dma_wait3A_40 : memref<10240xf32, #tpu.memory_space<vmem_shared>>)
      tpu.yield
    }) : () -> ()
    %barrier3A = arith.constant 0 : index
    tpu.barrier barrier_id(%barrier3A)
    %run_scoped3A_14 = arith.constant 0 : i32
    "tpu.region"() ({
      %run_scoped3A_30 = tpu.sem_alloc : memref<!tpu.dma_semaphore, #tpu.memory_space<semaphore_mem>>
      %dma_start3A = arith.constant 0 : i32
      %dma_start3A_31 = tpu.memref_slice %arg11[%run_scoped3A_14, %dma_start3A, %mul3A_0] : memref<2x16x10240xf32, #tpu.memory_space<vmem_shared>> -> memref<1x16x640xf32, #tpu.memory_space<vmem_shared>>
      %dma_start3A_32 = tpu.memref_squeeze %dma_start3A_31 : memref<1x16x640xf32, #tpu.memory_space<vmem_shared>> -> memref<16x640xf32, #tpu.memory_space<vmem_shared>>
      %dma_start3A_33 = arith.constant 0 : i32
      %dma_start3A_34 = tpu.memref_slice %arg11[%run_scoped3A_14, %dma_start3A_33, %mul3A_0] : memref<2x16x10240xf32, #tpu.memory_space<vmem_shared>> -> memref<1x16x640xf32, #tpu.memory_space<vmem_shared>>
      %dma_start3A_35 = tpu.memref_squeeze %dma_start3A_34 : memref<1x16x640xf32, #tpu.memory_space<vmem_shared>> -> memref<16x640xf32, #tpu.memory_space<vmem_shared>>
      tpu.enqueue_dma source(%dma_start3A_35 : memref<16x640xf32, #tpu.memory_space<vmem_shared>>) target(%arg9 : memref<16x640xf32, #tpu.memory_space<vmem>>) target_semaphore(%run_scoped3A_30 : memref<!tpu.dma_semaphore, #tpu.memory_space<semaphore_mem>>)
      %dma_wait3A = arith.constant 0 : i32
      %dma_wait3A_36 = tpu.memref_slice %arg11[%run_scoped3A_14, %dma_wait3A, %mul3A_0] : memref<2x16x10240xf32, #tpu.memory_space<vmem_shared>> -> memref<1x16x640xf32, #tpu.memory_space<vmem_shared>>
      %dma_wait3A_37 = tpu.memref_squeeze %dma_wait3A_36 : memref<1x16x640xf32, #tpu.memory_space<vmem_shared>> -> memref<16x640xf32, #tpu.memory_space<vmem_shared>>
      %dma_wait3A_38 = arith.constant 0 : i32
      %dma_wait3A_39 = tpu.memref_slice %arg11[%run_scoped3A_14, %dma_wait3A_38, %mul3A_0] : memref<2x16x10240xf32, #tpu.memory_space<vmem_shared>> -> memref<1x16x640xf32, #tpu.memory_space<vmem_shared>>
      %dma_wait3A_40 = tpu.memref_squeeze %dma_wait3A_39 : memref<1x16x640xf32, #tpu.memory_space<vmem_shared>> -> memref<16x640xf32, #tpu.memory_space<vmem_shared>>
      tpu.wait_dma2 semaphore(%run_scoped3A_30 : memref<!tpu.dma_semaphore, #tpu.memory_space<semaphore_mem>>) src(%dma_wait3A_40 : memref<16x640xf32, #tpu.memory_space<vmem_shared>>) dst(%arg9 : memref<16x640xf32, #tpu.memory_space<vmem>>)
      tpu.yield
    }) : () -> ()
    %scan3A_15 = arith.constant 0 : i32
    %scan3A_16 = arith.constant 0 : i32
    %scan3A_17 = arith.constant 40 : i32
    %scan3A_18 = arith.addi %scan3A_16, %scan3A_17 : i32
    %scan3A_19 = arith.constant 1 : i32
    scf.for %scan3A_30 = %scan3A_16 to %scan3A_18 step %scan3A_19  : i32 {
      %mul3A_31 = arith.constant 16 : i32
      %mul3A_32 = arith.muli %scan3A_30, %mul3A_31 : i32
      %get3A = arith.constant 0 : i32
      %get3A_33 = arith.index_cast %get3A : i32 to index
      %get3A_34 = arith.index_cast %mul3A_32 : i32 to index
      %get3A_35 = tpu.vector_load %arg9[%get3A_33, %get3A_34] {strides = array<i32>} : memref<16x640xf32, #tpu.memory_space<vmem>>, vector<16xf32>,
      %mul3A_36 = arith.constant 16 : i32
      %mul3A_37 = arith.muli %scan3A_30, %mul3A_36 : i32
      %get3A_38 = arith.constant 1 : i32
      %get3A_39 = arith.index_cast %get3A_38 : i32 to index
      %get3A_40 = arith.index_cast %mul3A_37 : i32 to index
      %get3A_41 = tpu.vector_load %arg9[%get3A_39, %get3A_40] {strides = array<i32>} : memref<16x640xf32, #tpu.memory_space<vmem>>, vector<16xf32>,
      %add3A = arith.addf %get3A_35, %get3A_41 : vector<16xf32>
      %mul3A_42 = arith.constant 16 : i32
      %mul3A_43 = arith.muli %scan3A_30, %mul3A_42 : i32
      %get3A_44 = arith.constant 2 : i32
      %get3A_45 = arith.index_cast %get3A_44 : i32 to index
      %get3A_46 = arith.index_cast %mul3A_43 : i32 to index
      %get3A_47 = tpu.vector_load %arg9[%get3A_45, %get3A_46] {strides = array<i32>} : memref<16x640xf32, #tpu.memory_space<vmem>>, vector<16xf32>,
      %add3A_48 = arith.addf %add3A, %get3A_47 : vector<16xf32>
      %mul3A_49 = arith.constant 16 : i32
      %mul3A_50 = arith.muli %scan3A_30, %mul3A_49 : i32
      %get3A_51 = arith.constant 3 : i32
      %get3A_52 = arith.index_cast %get3A_51 : i32 to index
      %get3A_53 = arith.index_cast %mul3A_50 : i32 to index
      %get3A_54 = tpu.vector_load %arg9[%get3A_52, %get3A_53] {strides = array<i32>} : memref<16x640xf32, #tpu.memory_space<vmem>>, vector<16xf32>,
      %add3A_55 = arith.addf %add3A_48, %get3A_54 : vector<16xf32>
      %mul3A_56 = arith.constant 16 : i32
      %mul3A_57 = arith.muli %scan3A_30, %mul3A_56 : i32
      %get3A_58 = arith.constant 4 : i32
      %get3A_59 = arith.index_cast %get3A_58 : i32 to index
      %get3A_60 = arith.index_cast %mul3A_57 : i32 to index
      %get3A_61 = tpu.vector_load %arg9[%get3A_59, %get3A_60] {strides = array<i32>} : memref<16x640xf32, #tpu.memory_space<vmem>>, vector<16xf32>,
      %add3A_62 = arith.addf %add3A_55, %get3A_61 : vector<16xf32>
      %mul3A_63 = arith.constant 16 : i32
      %mul3A_64 = arith.muli %scan3A_30, %mul3A_63 : i32
      %get3A_65 = arith.constant 5 : i32
      %get3A_66 = arith.index_cast %get3A_65 : i32 to index
      %get3A_67 = arith.index_cast %mul3A_64 : i32 to index
      %get3A_68 = tpu.vector_load %arg9[%get3A_66, %get3A_67] {strides = array<i32>} : memref<16x640xf32, #tpu.memory_space<vmem>>, vector<16xf32>,
      %add3A_69 = arith.addf %add3A_62, %get3A_68 : vector<16xf32>
      %mul3A_70 = arith.constant 16 : i32
      %mul3A_71 = arith.muli %scan3A_30, %mul3A_70 : i32
      %get3A_72 = arith.constant 6 : i32
      %get3A_73 = arith.index_cast %get3A_72 : i32 to index
      %get3A_74 = arith.index_cast %mul3A_71 : i32 to index
      %get3A_75 = tpu.vector_load %arg9[%get3A_73, %get3A_74] {strides = array<i32>} : memref<16x640xf32, #tpu.memory_space<vmem>>, vector<16xf32>,
      %add3A_76 = arith.addf %add3A_69, %get3A_75 : vector<16xf32>
      %mul3A_77 = arith.constant 16 : i32
      %mul3A_78 = arith.muli %scan3A_30, %mul3A_77 : i32
      %get3A_79 = arith.constant 7 : i32
      %get3A_80 = arith.index_cast %get3A_79 : i32 to index
      %get3A_81 = arith.index_cast %mul3A_78 : i32 to index
      %get3A_82 = tpu.vector_load %arg9[%get3A_80, %get3A_81] {strides = array<i32>} : memref<16x640xf32, #tpu.memory_space<vmem>>, vector<16xf32>,
      %add3A_83 = arith.addf %add3A_76, %get3A_82 : vector<16xf32>
      %mul3A_84 = arith.constant 16 : i32
      %mul3A_85 = arith.muli %scan3A_30, %mul3A_84 : i32
      %get3A_86 = arith.constant 8 : i32
      %get3A_87 = arith.index_cast %get3A_86 : i32 to index
      %get3A_88 = arith.index_cast %mul3A_85 : i32 to index
      %get3A_89 = tpu.vector_load %arg9[%get3A_87, %get3A_88] {strides = array<i32>} : memref<16x640xf32, #tpu.memory_space<vmem>>, vector<16xf32>,
      %add3A_90 = arith.addf %add3A_83, %get3A_89 : vector<16xf32>
      %mul3A_91 = arith.constant 16 : i32
      %mul3A_92 = arith.muli %scan3A_30, %mul3A_91 : i32
      %get3A_93 = arith.constant 9 : i32
      %get3A_94 = arith.index_cast %get3A_93 : i32 to index
      %get3A_95 = arith.index_cast %mul3A_92 : i32 to index
      %get3A_96 = tpu.vector_load %arg9[%get3A_94, %get3A_95] {strides = array<i32>} : memref<16x640xf32, #tpu.memory_space<vmem>>, vector<16xf32>,
      %add3A_97 = arith.addf %add3A_90, %get3A_96 : vector<16xf32>
      %mul3A_98 = arith.constant 16 : i32
      %mul3A_99 = arith.muli %scan3A_30, %mul3A_98 : i32
      %get3A_100 = arith.constant 10 : i32
      %get3A_101 = arith.index_cast %get3A_100 : i32 to index
      %get3A_102 = arith.index_cast %mul3A_99 : i32 to index
      %get3A_103 = tpu.vector_load %arg9[%get3A_101, %get3A_102] {strides = array<i32>} : memref<16x640xf32, #tpu.memory_space<vmem>>, vector<16xf32>,
      %add3A_104 = arith.addf %add3A_97, %get3A_103 : vector<16xf32>
      %mul3A_105 = arith.constant 16 : i32
      %mul3A_106 = arith.muli %scan3A_30, %mul3A_105 : i32
      %get3A_107 = arith.constant 11 : i32
      %get3A_108 = arith.index_cast %get3A_107 : i32 to index
      %get3A_109 = arith.index_cast %mul3A_106 : i32 to index
      %get3A_110 = tpu.vector_load %arg9[%get3A_108, %get3A_109] {strides = array<i32>} : memref<16x640xf32, #tpu.memory_space<vmem>>, vector<16xf32>,
      %add3A_111 = arith.addf %add3A_104, %get3A_110 : vector<16xf32>
      %mul3A_112 = arith.constant 16 : i32
      %mul3A_113 = arith.muli %scan3A_30, %mul3A_112 : i32
      %get3A_114 = arith.constant 12 : i32
      %get3A_115 = arith.index_cast %get3A_114 : i32 to index
      %get3A_116 = arith.index_cast %mul3A_113 : i32 to index
      %get3A_117 = tpu.vector_load %arg9[%get3A_115, %get3A_116] {strides = array<i32>} : memref<16x640xf32, #tpu.memory_space<vmem>>, vector<16xf32>,
      %add3A_118 = arith.addf %add3A_111, %get3A_117 : vector<16xf32>
      %mul3A_119 = arith.constant 16 : i32
      %mul3A_120 = arith.muli %scan3A_30, %mul3A_119 : i32
      %get3A_121 = arith.constant 13 : i32
      %get3A_122 = arith.index_cast %get3A_121 : i32 to index
      %get3A_123 = arith.index_cast %mul3A_120 : i32 to index
      %get3A_124 = tpu.vector_load %arg9[%get3A_122, %get3A_123] {strides = array<i32>} : memref<16x640xf32, #tpu.memory_space<vmem>>, vector<16xf32>,
      %add3A_125 = arith.addf %add3A_118, %get3A_124 : vector<16xf32>
      %mul3A_126 = arith.constant 16 : i32
      %mul3A_127 = arith.muli %scan3A_30, %mul3A_126 : i32
      %get3A_128 = arith.constant 14 : i32
      %get3A_129 = arith.index_cast %get3A_128 : i32 to index
      %get3A_130 = arith.index_cast %mul3A_127 : i32 to index
      %get3A_131 = tpu.vector_load %arg9[%get3A_129, %get3A_130] {strides = array<i32>} : memref<16x640xf32, #tpu.memory_space<vmem>>, vector<16xf32>,
      %add3A_132 = arith.addf %add3A_125, %get3A_131 : vector<16xf32>
      %mul3A_133 = arith.constant 16 : i32
      %mul3A_134 = arith.muli %scan3A_30, %mul3A_133 : i32
      %get3A_135 = arith.constant 15 : i32
      %get3A_136 = arith.index_cast %get3A_135 : i32 to index
      %get3A_137 = arith.index_cast %mul3A_134 : i32 to index
      %get3A_138 = tpu.vector_load %arg9[%get3A_136, %get3A_137] {strides = array<i32>} : memref<16x640xf32, #tpu.memory_space<vmem>>, vector<16xf32>,
      %add3A_139 = arith.addf %add3A_132, %get3A_138 : vector<16xf32>
      %mul3A_140 = arith.constant 16 : i32
      %mul3A_141 = arith.muli %scan3A_30, %mul3A_140 : i32
      %swap3A = arith.index_cast %mul3A_141 : i32 to index
      %swap3A_142 = tpu.vector_load %arg10[%swap3A] {strides = array<i32>} : memref<640xf32, #tpu.memory_space<vmem>>, vector<16xf32>,
      tpu.vector_store %arg10[%swap3A], %add3A_139 {strides = array<i32>} : memref<640xf32, #tpu.memory_space<vmem>>, vector<16xf32>,
    }
    %scan3A_20 = arith.constant 40 : i32
    %run_scoped3A_21 = arith.constant 0 : i32
    "tpu.region"() ({
      %run_scoped3A_30 = tpu.sem_alloc : memref<!tpu.dma_semaphore, #tpu.memory_space<semaphore_mem>>
      %dma_start3A = tpu.memref_slice %arg4[%arg0, %run_scoped3A_21, %mul3A_0] : memref<2x2x10240xf32, #tpu.memory_space<hbm>> -> memref<1x1x640xf32, #tpu.memory_space<hbm>>
      %dma_start3A_31 = tpu.memref_squeeze %dma_start3A : memref<1x1x640xf32, #tpu.memory_space<hbm>> -> memref<640xf32, #tpu.memory_space<hbm>>
      %dma_start3A_32 = tpu.memref_slice %arg4[%arg0, %run_scoped3A_21, %mul3A_0] : memref<2x2x10240xf32, #tpu.memory_space<hbm>> -> memref<1x1x640xf32, #tpu.memory_space<hbm>>
      %dma_start3A_33 = tpu.memref_squeeze %dma_start3A_32 : memref<1x1x640xf32, #tpu.memory_space<hbm>> -> memref<640xf32, #tpu.memory_space<hbm>>
      tpu.enqueue_dma source(%arg10 : memref<640xf32, #tpu.memory_space<vmem>>) target(%dma_start3A_33 : memref<640xf32, #tpu.memory_space<hbm>>) target_semaphore(%run_scoped3A_30 : memref<!tpu.dma_semaphore, #tpu.memory_space<semaphore_mem>>)
      %dma_wait3A = tpu.memref_slice %arg4[%arg0, %run_scoped3A_21, %mul3A_0] : memref<2x2x10240xf32, #tpu.memory_space<hbm>> -> memref<1x1x640xf32, #tpu.memory_space<hbm>>
      %dma_wait3A_34 = tpu.memref_squeeze %dma_wait3A : memref<1x1x640xf32, #tpu.memory_space<hbm>> -> memref<640xf32, #tpu.memory_space<hbm>>
      %dma_wait3A_35 = tpu.memref_slice %arg4[%arg0, %run_scoped3A_21, %mul3A_0] : memref<2x2x10240xf32, #tpu.memory_space<hbm>> -> memref<1x1x640xf32, #tpu.memory_space<hbm>>
      %dma_wait3A_36 = tpu.memref_squeeze %dma_wait3A_35 : memref<1x1x640xf32, #tpu.memory_space<hbm>> -> memref<640xf32, #tpu.memory_space<hbm>>
      tpu.wait_dma2 semaphore(%run_scoped3A_30 : memref<!tpu.dma_semaphore, #tpu.memory_space<semaphore_mem>>) src(%arg10 : memref<640xf32, #tpu.memory_space<vmem>>) dst(%dma_wait3A_36 : memref<640xf32, #tpu.memory_space<hbm>>)
      tpu.yield
    }) : () -> ()
    %run_scoped3A_22 = arith.constant 1 : i32
    "tpu.region"() ({
      %run_scoped3A_30 = tpu.sem_alloc : memref<!tpu.dma_semaphore, #tpu.memory_space<semaphore_mem>>
      %dma_start3A = arith.constant 0 : i32
      %dma_start3A_31 = tpu.memref_slice %arg11[%run_scoped3A_22, %dma_start3A, %mul3A_0] : memref<2x16x10240xf32, #tpu.memory_space<vmem_shared>> -> memref<1x16x640xf32, #tpu.memory_space<vmem_shared>>
      %dma_start3A_32 = tpu.memref_squeeze %dma_start3A_31 : memref<1x16x640xf32, #tpu.memory_space<vmem_shared>> -> memref<16x640xf32, #tpu.memory_space<vmem_shared>>
      %dma_start3A_33 = arith.constant 0 : i32
      %dma_start3A_34 = tpu.memref_slice %arg11[%run_scoped3A_22, %dma_start3A_33, %mul3A_0] : memref<2x16x10240xf32, #tpu.memory_space<vmem_shared>> -> memref<1x16x640xf32, #tpu.memory_space<vmem_shared>>
      %dma_start3A_35 = tpu.memref_squeeze %dma_start3A_34 : memref<1x16x640xf32, #tpu.memory_space<vmem_shared>> -> memref<16x640xf32, #tpu.memory_space<vmem_shared>>
      tpu.enqueue_dma source(%dma_start3A_35 : memref<16x640xf32, #tpu.memory_space<vmem_shared>>) target(%arg9 : memref<16x640xf32, #tpu.memory_space<vmem>>) target_semaphore(%run_scoped3A_30 : memref<!tpu.dma_semaphore, #tpu.memory_space<semaphore_mem>>)
      %dma_wait3A = arith.constant 0 : i32
      %dma_wait3A_36 = tpu.memref_slice %arg11[%run_scoped3A_22, %dma_wait3A, %mul3A_0] : memref<2x16x10240xf32, #tpu.memory_space<vmem_shared>> -> memref<1x16x640xf32, #tpu.memory_space<vmem_shared>>
      %dma_wait3A_37 = tpu.memref_squeeze %dma_wait3A_36 : memref<1x16x640xf32, #tpu.memory_space<vmem_shared>> -> memref<16x640xf32, #tpu.memory_space<vmem_shared>>
      %dma_wait3A_38 = arith.constant 0 : i32
      %dma_wait3A_39 = tpu.memref_slice %arg11[%run_scoped3A_22, %dma_wait3A_38, %mul3A_0] : memref<2x16x10240xf32, #tpu.memory_space<vmem_shared>> -> memref<1x16x640xf32, #tpu.memory_space<vmem_shared>>
      %dma_wait3A_40 = tpu.memref_squeeze %dma_wait3A_39 : memref<1x16x640xf32, #tpu.memory_space<vmem_shared>> -> memref<16x640xf32, #tpu.memory_space<vmem_shared>>
      tpu.wait_dma2 semaphore(%run_scoped3A_30 : memref<!tpu.dma_semaphore, #tpu.memory_space<semaphore_mem>>) src(%dma_wait3A_40 : memref<16x640xf32, #tpu.memory_space<vmem_shared>>) dst(%arg9 : memref<16x640xf32, #tpu.memory_space<vmem>>)
      tpu.yield
    }) : () -> ()
    %scan3A_23 = arith.constant 0 : i32
    %scan3A_24 = arith.constant 0 : i32
    %scan3A_25 = arith.constant 40 : i32
    %scan3A_26 = arith.addi %scan3A_24, %scan3A_25 : i32
    %scan3A_27 = arith.constant 1 : i32
    scf.for %scan3A_30 = %scan3A_24 to %scan3A_26 step %scan3A_27  : i32 {
      %mul3A_31 = arith.constant 16 : i32
      %mul3A_32 = arith.muli %scan3A_30, %mul3A_31 : i32
      %get3A = arith.constant 0 : i32
      %get3A_33 = arith.index_cast %get3A : i32 to index
      %get3A_34 = arith.index_cast %mul3A_32 : i32 to index
      %get3A_35 = tpu.vector_load %arg9[%get3A_33, %get3A_34] {strides = array<i32>} : memref<16x640xf32, #tpu.memory_space<vmem>>, vector<16xf32>,
      %mul3A_36 = arith.constant 16 : i32
      %mul3A_37 = arith.muli %scan3A_30, %mul3A_36 : i32
      %get3A_38 = arith.constant 1 : i32
      %get3A_39 = arith.index_cast %get3A_38 : i32 to index
      %get3A_40 = arith.index_cast %mul3A_37 : i32 to index
      %get3A_41 = tpu.vector_load %arg9[%get3A_39, %get3A_40] {strides = array<i32>} : memref<16x640xf32, #tpu.memory_space<vmem>>, vector<16xf32>,
      %add3A = arith.addf %get3A_35, %get3A_41 : vector<16xf32>
      %mul3A_42 = arith.constant 16 : i32
      %mul3A_43 = arith.muli %scan3A_30, %mul3A_42 : i32
      %get3A_44 = arith.constant 2 : i32
      %get3A_45 = arith.index_cast %get3A_44 : i32 to index
      %get3A_46 = arith.index_cast %mul3A_43 : i32 to index
      %get3A_47 = tpu.vector_load %arg9[%get3A_45, %get3A_46] {strides = array<i32>} : memref<16x640xf32, #tpu.memory_space<vmem>>, vector<16xf32>,
      %add3A_48 = arith.addf %add3A, %get3A_47 : vector<16xf32>
      %mul3A_49 = arith.constant 16 : i32
      %mul3A_50 = arith.muli %scan3A_30, %mul3A_49 : i32
      %get3A_51 = arith.constant 3 : i32
      %get3A_52 = arith.index_cast %get3A_51 : i32 to index
      %get3A_53 = arith.index_cast %mul3A_50 : i32 to index
      %get3A_54 = tpu.vector_load %arg9[%get3A_52, %get3A_53] {strides = array<i32>} : memref<16x640xf32, #tpu.memory_space<vmem>>, vector<16xf32>,
      %add3A_55 = arith.addf %add3A_48, %get3A_54 : vector<16xf32>
      %mul3A_56 = arith.constant 16 : i32
      %mul3A_57 = arith.muli %scan3A_30, %mul3A_56 : i32
      %get3A_58 = arith.constant 4 : i32
      %get3A_59 = arith.index_cast %get3A_58 : i32 to index
      %get3A_60 = arith.index_cast %mul3A_57 : i32 to index
      %get3A_61 = tpu.vector_load %arg9[%get3A_59, %get3A_60] {strides = array<i32>} : memref<16x640xf32, #tpu.memory_space<vmem>>, vector<16xf32>,
      %add3A_62 = arith.addf %add3A_55, %get3A_61 : vector<16xf32>
      %mul3A_63 = arith.constant 16 : i32
      %mul3A_64 = arith.muli %scan3A_30, %mul3A_63 : i32
      %get3A_65 = arith.constant 5 : i32
      %get3A_66 = arith.index_cast %get3A_65 : i32 to index
      %get3A_67 = arith.index_cast %mul3A_64 : i32 to index
      %get3A_68 = tpu.vector_load %arg9[%get3A_66, %get3A_67] {strides = array<i32>} : memref<16x640xf32, #tpu.memory_space<vmem>>, vector<16xf32>,
      %add3A_69 = arith.addf %add3A_62, %get3A_68 : vector<16xf32>
      %mul3A_70 = arith.constant 16 : i32
      %mul3A_71 = arith.muli %scan3A_30, %mul3A_70 : i32
      %get3A_72 = arith.constant 6 : i32
      %get3A_73 = arith.index_cast %get3A_72 : i32 to index
      %get3A_74 = arith.index_cast %mul3A_71 : i32 to index
      %get3A_75 = tpu.vector_load %arg9[%get3A_73, %get3A_74] {strides = array<i32>} : memref<16x640xf32, #tpu.memory_space<vmem>>, vector<16xf32>,
      %add3A_76 = arith.addf %add3A_69, %get3A_75 : vector<16xf32>
      %mul3A_77 = arith.constant 16 : i32
      %mul3A_78 = arith.muli %scan3A_30, %mul3A_77 : i32
      %get3A_79 = arith.constant 7 : i32
      %get3A_80 = arith.index_cast %get3A_79 : i32 to index
      %get3A_81 = arith.index_cast %mul3A_78 : i32 to index
      %get3A_82 = tpu.vector_load %arg9[%get3A_80, %get3A_81] {strides = array<i32>} : memref<16x640xf32, #tpu.memory_space<vmem>>, vector<16xf32>,
      %add3A_83 = arith.addf %add3A_76, %get3A_82 : vector<16xf32>
      %mul3A_84 = arith.constant 16 : i32
      %mul3A_85 = arith.muli %scan3A_30, %mul3A_84 : i32
      %get3A_86 = arith.constant 8 : i32
      %get3A_87 = arith.index_cast %get3A_86 : i32 to index
      %get3A_88 = arith.index_cast %mul3A_85 : i32 to index
      %get3A_89 = tpu.vector_load %arg9[%get3A_87, %get3A_88] {strides = array<i32>} : memref<16x640xf32, #tpu.memory_space<vmem>>, vector<16xf32>,
      %add3A_90 = arith.addf %add3A_83, %get3A_89 : vector<16xf32>
      %mul3A_91 = arith.constant 16 : i32
      %mul3A_92 = arith.muli %scan3A_30, %mul3A_91 : i32
      %get3A_93 = arith.constant 9 : i32
      %get3A_94 = arith.index_cast %get3A_93 : i32 to index
      %get3A_95 = arith.index_cast %mul3A_92 : i32 to index
      %get3A_96 = tpu.vector_load %arg9[%get3A_94, %get3A_95] {strides = array<i32>} : memref<16x640xf32, #tpu.memory_space<vmem>>, vector<16xf32>,
      %add3A_97 = arith.addf %add3A_90, %get3A_96 : vector<16xf32>
      %mul3A_98 = arith.constant 16 : i32
      %mul3A_99 = arith.muli %scan3A_30, %mul3A_98 : i32
      %get3A_100 = arith.constant 10 : i32
      %get3A_101 = arith.index_cast %get3A_100 : i32 to index
      %get3A_102 = arith.index_cast %mul3A_99 : i32 to index
      %get3A_103 = tpu.vector_load %arg9[%get3A_101, %get3A_102] {strides = array<i32>} : memref<16x640xf32, #tpu.memory_space<vmem>>, vector<16xf32>,
      %add3A_104 = arith.addf %add3A_97, %get3A_103 : vector<16xf32>
      %mul3A_105 = arith.constant 16 : i32
      %mul3A_106 = arith.muli %scan3A_30, %mul3A_105 : i32
      %get3A_107 = arith.constant 11 : i32
      %get3A_108 = arith.index_cast %get3A_107 : i32 to index
      %get3A_109 = arith.index_cast %mul3A_106 : i32 to index
      %get3A_110 = tpu.vector_load %arg9[%get3A_108, %get3A_109] {strides = array<i32>} : memref<16x640xf32, #tpu.memory_space<vmem>>, vector<16xf32>,
      %add3A_111 = arith.addf %add3A_104, %get3A_110 : vector<16xf32>
      %mul3A_112 = arith.constant 16 : i32
      %mul3A_113 = arith.muli %scan3A_30, %mul3A_112 : i32
      %get3A_114 = arith.constant 12 : i32
      %get3A_115 = arith.index_cast %get3A_114 : i32 to index
      %get3A_116 = arith.index_cast %mul3A_113 : i32 to index
      %get3A_117 = tpu.vector_load %arg9[%get3A_115, %get3A_116] {strides = array<i32>} : memref<16x640xf32, #tpu.memory_space<vmem>>, vector<16xf32>,
      %add3A_118 = arith.addf %add3A_111, %get3A_117 : vector<16xf32>
      %mul3A_119 = arith.constant 16 : i32
      %mul3A_120 = arith.muli %scan3A_30, %mul3A_119 : i32
      %get3A_121 = arith.constant 13 : i32
      %get3A_122 = arith.index_cast %get3A_121 : i32 to index
      %get3A_123 = arith.index_cast %mul3A_120 : i32 to index
      %get3A_124 = tpu.vector_load %arg9[%get3A_122, %get3A_123] {strides = array<i32>} : memref<16x640xf32, #tpu.memory_space<vmem>>, vector<16xf32>,
      %add3A_125 = arith.addf %add3A_118, %get3A_124 : vector<16xf32>
      %mul3A_126 = arith.constant 16 : i32
      %mul3A_127 = arith.muli %scan3A_30, %mul3A_126 : i32
      %get3A_128 = arith.constant 14 : i32
      %get3A_129 = arith.index_cast %get3A_128 : i32 to index
      %get3A_130 = arith.index_cast %mul3A_127 : i32 to index
      %get3A_131 = tpu.vector_load %arg9[%get3A_129, %get3A_130] {strides = array<i32>} : memref<16x640xf32, #tpu.memory_space<vmem>>, vector<16xf32>,
      %add3A_132 = arith.addf %add3A_125, %get3A_131 : vector<16xf32>
      %mul3A_133 = arith.constant 16 : i32
      %mul3A_134 = arith.muli %scan3A_30, %mul3A_133 : i32
      %get3A_135 = arith.constant 15 : i32
      %get3A_136 = arith.index_cast %get3A_135 : i32 to index
      %get3A_137 = arith.index_cast %mul3A_134 : i32 to index
      %get3A_138 = tpu.vector_load %arg9[%get3A_136, %get3A_137] {strides = array<i32>} : memref<16x640xf32, #tpu.memory_space<vmem>>, vector<16xf32>,
      %add3A_139 = arith.addf %add3A_132, %get3A_138 : vector<16xf32>
      %mul3A_140 = arith.constant 16 : i32
      %mul3A_141 = arith.muli %scan3A_30, %mul3A_140 : i32
      %swap3A = arith.index_cast %mul3A_141 : i32 to index
      %swap3A_142 = tpu.vector_load %arg10[%swap3A] {strides = array<i32>} : memref<640xf32, #tpu.memory_space<vmem>>, vector<16xf32>,
      tpu.vector_store %arg10[%swap3A], %add3A_139 {strides = array<i32>} : memref<640xf32, #tpu.memory_space<vmem>>, vector<16xf32>,
    }
    %scan3A_28 = arith.constant 40 : i32
    %run_scoped3A_29 = arith.constant 1 : i32
    "tpu.region"() ({
      %run_scoped3A_30 = tpu.sem_alloc : memref<!tpu.dma_semaphore, #tpu.memory_space<semaphore_mem>>
      %dma_start3A = tpu.memref_slice %arg4[%arg0, %run_scoped3A_29, %mul3A_0] : memref<2x2x10240xf32, #tpu.memory_space<hbm>> -> memref<1x1x640xf32, #tpu.memory_space<hbm>>
      %dma_start3A_31 = tpu.memref_squeeze %dma_start3A : memref<1x1x640xf32, #tpu.memory_space<hbm>> -> memref<640xf32, #tpu.memory_space<hbm>>
      %dma_start3A_32 = tpu.memref_slice %arg4[%arg0, %run_scoped3A_29, %mul3A_0] : memref<2x2x10240xf32, #tpu.memory_space<hbm>> -> memref<1x1x640xf32, #tpu.memory_space<hbm>>
      %dma_start3A_33 = tpu.memref_squeeze %dma_start3A_32 : memref<1x1x640xf32, #tpu.memory_space<hbm>> -> memref<640xf32, #tpu.memory_space<hbm>>
      tpu.enqueue_dma source(%arg10 : memref<640xf32, #tpu.memory_space<vmem>>) target(%dma_start3A_33 : memref<640xf32, #tpu.memory_space<hbm>>) target_semaphore(%run_scoped3A_30 : memref<!tpu.dma_semaphore, #tpu.memory_space<semaphore_mem>>)
      %dma_wait3A = tpu.memref_slice %arg4[%arg0, %run_scoped3A_29, %mul3A_0] : memref<2x2x10240xf32, #tpu.memory_space<hbm>> -> memref<1x1x640xf32, #tpu.memory_space<hbm>>
      %dma_wait3A_34 = tpu.memref_squeeze %dma_wait3A : memref<1x1x640xf32, #tpu.memory_space<hbm>> -> memref<640xf32, #tpu.memory_space<hbm>>
      %dma_wait3A_35 = tpu.memref_slice %arg4[%arg0, %run_scoped3A_29, %mul3A_0] : memref<2x2x10240xf32, #tpu.memory_space<hbm>> -> memref<1x1x640xf32, #tpu.memory_space<hbm>>
      %dma_wait3A_36 = tpu.memref_squeeze %dma_wait3A_35 : memref<1x1x640xf32, #tpu.memory_space<hbm>> -> memref<640xf32, #tpu.memory_space<hbm>>
      tpu.wait_dma2 semaphore(%run_scoped3A_30 : memref<!tpu.dma_semaphore, #tpu.memory_space<semaphore_mem>>) src(%arg10 : memref<640xf32, #tpu.memory_space<vmem>>) dst(%dma_wait3A_36 : memref<640xf32, #tpu.memory_space<hbm>>)
      tpu.yield
    }) : () -> ()
    return
  }
}

#map = affine_map<(d0, d1) -> (0, 0)>
#map1 = affine_map<(d0, d1) -> (0, 0, 0)>
module attributes {stable_mosaic.version = 14 : i64} {
  func.func @_sc_agg_exact(%arg0: i32, %arg1: i32, %arg2: memref<10240x128xf32, #tpu.memory_space<hbm>>, %arg3: memref<32x96x128xi32, #tpu.memory_space<hbm>>, %arg4: memref<32x96x128xi32, #tpu.memory_space<hbm>>, %arg5: memref<10240x128xf32, #tpu.memory_space<hbm>>, %arg6: memref<96x128xi32, #tpu.memory_space<vmem>>, %arg7: memref<96x128xi32, #tpu.memory_space<vmem>>, %arg8: memref<2x128x128xf32, #tpu.memory_space<vmem>>, %arg9: memref<5120x128xf32, #tpu.memory_space<vmem_shared>>, %arg10: memref<!tpu.dma_semaphore, #tpu.memory_space<semaphore_mem>>) attributes {dimension_semantics = [#tpu.dimension_semantics<core_parallel>, #tpu.dimension_semantics<subcore_parallel>], iteration_bounds = array<i64: 2, 16>, scalar_prefetch = 0 : i64, scratch_operands = 5 : i64, tpu.core_type = #tpu.core_type<sc_vector_subcore>, window_params = [{transform_indices = #map}, {transform_indices = #map1}, {transform_indices = #map1}, {transform_indices = #map}]} {
    %mul3A = arith.constant 16 : i32
    %mul3A_0 = arith.muli %arg0, %mul3A : i32
    %add3A = arith.addi %mul3A_0, %arg1 : i32
    %mul3A_1 = arith.constant 320 : i32
    %mul3A_2 = arith.muli %arg1, %mul3A_1 : i32
    %broadcast_in_dim3A = arith.constant 0.000000e+00 : f32
    %broadcast_in_dim3A_3 = vector.broadcast %broadcast_in_dim3A : f32 to vector<16xf32>
    %scan3A = arith.constant 0 : i32
    %scan3A_4 = arith.constant 0 : i32
    %scan3A_5 = arith.constant 64 : i32
    %scan3A_6 = arith.addi %scan3A_4, %scan3A_5 : i32
    %scan3A_7 = arith.constant 1 : i32
    scf.for %scan3A_48 = %scan3A_4 to %scan3A_6 step %scan3A_7  : i32 {
      %swap3A = arith.constant 0 : i32
      %swap3A_49 = arith.index_cast %swap3A : i32 to index
      %swap3A_50 = arith.index_cast %scan3A_48 : i32 to index
      %swap3A_51 = arith.constant 0 : index
      %swap3A_52 = tpu.vector_load %arg8[%swap3A_49, %swap3A_50, %swap3A_51] {strides = array<i32>} : memref<2x128x128xf32, #tpu.memory_space<vmem>>, vector<1x1x16xf32>,
      %swap3A_53 = vector.shape_cast %swap3A_52 : vector<1x1x16xf32> to vector<16xf32>
      %swap3A_54 = vector.shape_cast %broadcast_in_dim3A_3 : vector<16xf32> to vector<1x1x16xf32>
      tpu.vector_store %arg8[%swap3A_49, %swap3A_50, %swap3A_51], %swap3A_54 {strides = array<i32>} : memref<2x128x128xf32, #tpu.memory_space<vmem>>, vector<1x1x16xf32>,
      %swap3A_55 = arith.constant 0 : i32
      %swap3A_56 = arith.index_cast %swap3A_55 : i32 to index
      %swap3A_57 = arith.index_cast %scan3A_48 : i32 to index
      %swap3A_58 = arith.constant 16 : index
      %swap3A_59 = tpu.vector_load %arg8[%swap3A_56, %swap3A_57, %swap3A_58] {strides = array<i32>} : memref<2x128x128xf32, #tpu.memory_space<vmem>>, vector<1x1x16xf32>,
      %swap3A_60 = vector.shape_cast %swap3A_59 : vector<1x1x16xf32> to vector<16xf32>
      %swap3A_61 = vector.shape_cast %broadcast_in_dim3A_3 : vector<16xf32> to vector<1x1x16xf32>
      tpu.vector_store %arg8[%swap3A_56, %swap3A_57, %swap3A_58], %swap3A_61 {strides = array<i32>} : memref<2x128x128xf32, #tpu.memory_space<vmem>>, vector<1x1x16xf32>,
      %swap3A_62 = arith.constant 0 : i32
      %swap3A_63 = arith.index_cast %swap3A_62 : i32 to index
      %swap3A_64 = arith.index_cast %scan3A_48 : i32 to index
      %swap3A_65 = arith.constant 32 : index
      %swap3A_66 = tpu.vector_load %arg8[%swap3A_63, %swap3A_64, %swap3A_65] {strides = array<i32>} : memref<2x128x128xf32, #tpu.memory_space<vmem>>, vector<1x1x16xf32>,
      %swap3A_67 = vector.shape_cast %swap3A_66 : vector<1x1x16xf32> to vector<16xf32>
      %swap3A_68 = vector.shape_cast %broadcast_in_dim3A_3 : vector<16xf32> to vector<1x1x16xf32>
      tpu.vector_store %arg8[%swap3A_63, %swap3A_64, %swap3A_65], %swap3A_68 {strides = array<i32>} : memref<2x128x128xf32, #tpu.memory_space<vmem>>, vector<1x1x16xf32>,
      %swap3A_69 = arith.constant 0 : i32
      %swap3A_70 = arith.index_cast %swap3A_69 : i32 to index
      %swap3A_71 = arith.index_cast %scan3A_48 : i32 to index
      %swap3A_72 = arith.constant 48 : index
      %swap3A_73 = tpu.vector_load %arg8[%swap3A_70, %swap3A_71, %swap3A_72] {strides = array<i32>} : memref<2x128x128xf32, #tpu.memory_space<vmem>>, vector<1x1x16xf32>,
      %swap3A_74 = vector.shape_cast %swap3A_73 : vector<1x1x16xf32> to vector<16xf32>
      %swap3A_75 = vector.shape_cast %broadcast_in_dim3A_3 : vector<16xf32> to vector<1x1x16xf32>
      tpu.vector_store %arg8[%swap3A_70, %swap3A_71, %swap3A_72], %swap3A_75 {strides = array<i32>} : memref<2x128x128xf32, #tpu.memory_space<vmem>>, vector<1x1x16xf32>,
      %swap3A_76 = arith.constant 0 : i32
      %swap3A_77 = arith.index_cast %swap3A_76 : i32 to index
      %swap3A_78 = arith.index_cast %scan3A_48 : i32 to index
      %swap3A_79 = arith.constant 64 : index
      %swap3A_80 = tpu.vector_load %arg8[%swap3A_77, %swap3A_78, %swap3A_79] {strides = array<i32>} : memref<2x128x128xf32, #tpu.memory_space<vmem>>, vector<1x1x16xf32>,
      %swap3A_81 = vector.shape_cast %swap3A_80 : vector<1x1x16xf32> to vector<16xf32>
      %swap3A_82 = vector.shape_cast %broadcast_in_dim3A_3 : vector<16xf32> to vector<1x1x16xf32>
      tpu.vector_store %arg8[%swap3A_77, %swap3A_78, %swap3A_79], %swap3A_82 {strides = array<i32>} : memref<2x128x128xf32, #tpu.memory_space<vmem>>, vector<1x1x16xf32>,
      %swap3A_83 = arith.constant 0 : i32
      %swap3A_84 = arith.index_cast %swap3A_83 : i32 to index
      %swap3A_85 = arith.index_cast %scan3A_48 : i32 to index
      %swap3A_86 = arith.constant 80 : index
      %swap3A_87 = tpu.vector_load %arg8[%swap3A_84, %swap3A_85, %swap3A_86] {strides = array<i32>} : memref<2x128x128xf32, #tpu.memory_space<vmem>>, vector<1x1x16xf32>,
      %swap3A_88 = vector.shape_cast %swap3A_87 : vector<1x1x16xf32> to vector<16xf32>
      %swap3A_89 = vector.shape_cast %broadcast_in_dim3A_3 : vector<16xf32> to vector<1x1x16xf32>
      tpu.vector_store %arg8[%swap3A_84, %swap3A_85, %swap3A_86], %swap3A_89 {strides = array<i32>} : memref<2x128x128xf32, #tpu.memory_space<vmem>>, vector<1x1x16xf32>,
      %swap3A_90 = arith.constant 0 : i32
      %swap3A_91 = arith.index_cast %swap3A_90 : i32 to index
      %swap3A_92 = arith.index_cast %scan3A_48 : i32 to index
      %swap3A_93 = arith.constant 96 : index
      %swap3A_94 = tpu.vector_load %arg8[%swap3A_91, %swap3A_92, %swap3A_93] {strides = array<i32>} : memref<2x128x128xf32, #tpu.memory_space<vmem>>, vector<1x1x16xf32>,
      %swap3A_95 = vector.shape_cast %swap3A_94 : vector<1x1x16xf32> to vector<16xf32>
      %swap3A_96 = vector.shape_cast %broadcast_in_dim3A_3 : vector<16xf32> to vector<1x1x16xf32>
      tpu.vector_store %arg8[%swap3A_91, %swap3A_92, %swap3A_93], %swap3A_96 {strides = array<i32>} : memref<2x128x128xf32, #tpu.memory_space<vmem>>, vector<1x1x16xf32>,
      %swap3A_97 = arith.constant 0 : i32
      %swap3A_98 = arith.index_cast %swap3A_97 : i32 to index
      %swap3A_99 = arith.index_cast %scan3A_48 : i32 to index
      %swap3A_100 = arith.constant 112 : index
      %swap3A_101 = tpu.vector_load %arg8[%swap3A_98, %swap3A_99, %swap3A_100] {strides = array<i32>} : memref<2x128x128xf32, #tpu.memory_space<vmem>>, vector<1x1x16xf32>,
      %swap3A_102 = vector.shape_cast %swap3A_101 : vector<1x1x16xf32> to vector<16xf32>
      %swap3A_103 = vector.shape_cast %broadcast_in_dim3A_3 : vector<16xf32> to vector<1x1x16xf32>
      tpu.vector_store %arg8[%swap3A_98, %swap3A_99, %swap3A_100], %swap3A_103 {strides = array<i32>} : memref<2x128x128xf32, #tpu.memory_space<vmem>>, vector<1x1x16xf32>,
    }
    %scan3A_8 = arith.constant 64 : i32
    %scan3A_9 = arith.constant 0 : i32
    %scan3A_10 = arith.constant 0 : i32
    %scan3A_11 = arith.constant 5 : i32
    %scan3A_12 = arith.addi %scan3A_10, %scan3A_11 : i32
    %scan3A_13 = arith.constant 1 : i32
    scf.for %scan3A_48 = %scan3A_10 to %scan3A_12 step %scan3A_13  : i32 {
      %mul3A_49 = arith.constant 64 : i32
      %mul3A_50 = arith.muli %scan3A_48, %mul3A_49 : i32
      %add3A_51 = arith.addi %mul3A_2, %mul3A_50 : i32
      %run_scoped3A_52 = arith.constant 0 : i32
      "tpu.region"() ({
        %run_scoped3A_53 = tpu.sem_alloc : memref<!tpu.dma_semaphore, #tpu.memory_space<semaphore_mem>>
        %dma_start3A_54 = arith.constant 0 : i32
        %dma_start3A_55 = arith.constant 0 : i32
        %dma_start3A_56 = tpu.memref_slice %arg8[%run_scoped3A_52, %dma_start3A_54, %dma_start3A_55] : memref<2x128x128xf32, #tpu.memory_space<vmem>> -> memref<1x64x128xf32, #tpu.memory_space<vmem>>
        %dma_start3A_57 = tpu.memref_squeeze %dma_start3A_56 : memref<1x64x128xf32, #tpu.memory_space<vmem>> -> memref<64x128xf32, #tpu.memory_space<vmem>>
        %dma_start3A_58 = arith.constant 0 : i32
        %dma_start3A_59 = tpu.memref_slice %arg9[%add3A_51, %dma_start3A_58] : memref<5120x128xf32, #tpu.memory_space<vmem_shared>> -> memref<64x128xf32, #tpu.memory_space<vmem_shared>>
        %dma_start3A_60 = arith.constant 0 : i32
        %dma_start3A_61 = tpu.memref_slice %arg9[%add3A_51, %dma_start3A_60] : memref<5120x128xf32, #tpu.memory_space<vmem_shared>> -> memref<64x128xf32, #tpu.memory_space<vmem_shared>>
        %dma_start3A_62 = arith.constant 0 : i32
        %dma_start3A_63 = arith.constant 0 : i32
        %dma_start3A_64 = tpu.memref_slice %arg8[%run_scoped3A_52, %dma_start3A_62, %dma_start3A_63] : memref<2x128x128xf32, #tpu.memory_space<vmem>> -> memref<1x64x128xf32, #tpu.memory_space<vmem>>
        %dma_start3A_65 = tpu.memref_squeeze %dma_start3A_64 : memref<1x64x128xf32, #tpu.memory_space<vmem>> -> memref<64x128xf32, #tpu.memory_space<vmem>>
        tpu.enqueue_dma source(%dma_start3A_65 : memref<64x128xf32, #tpu.memory_space<vmem>>) target(%dma_start3A_61 : memref<64x128xf32, #tpu.memory_space<vmem_shared>>) target_semaphore(%run_scoped3A_53 : memref<!tpu.dma_semaphore, #tpu.memory_space<semaphore_mem>>)
        %dma_wait3A_66 = arith.constant 0 : i32
        %dma_wait3A_67 = arith.constant 0 : i32
        %dma_wait3A_68 = tpu.memref_slice %arg8[%run_scoped3A_52, %dma_wait3A_66, %dma_wait3A_67] : memref<2x128x128xf32, #tpu.memory_space<vmem>> -> memref<1x64x128xf32, #tpu.memory_space<vmem>>
        %dma_wait3A_69 = tpu.memref_squeeze %dma_wait3A_68 : memref<1x64x128xf32, #tpu.memory_space<vmem>> -> memref<64x128xf32, #tpu.memory_space<vmem>>
        %dma_wait3A_70 = arith.constant 0 : i32
        %dma_wait3A_71 = tpu.memref_slice %arg9[%add3A_51, %dma_wait3A_70] : memref<5120x128xf32, #tpu.memory_space<vmem_shared>> -> memref<64x128xf32, #tpu.memory_space<vmem_shared>>
        %dma_wait3A_72 = arith.constant 0 : i32
        %dma_wait3A_73 = tpu.memref_slice %arg9[%add3A_51, %dma_wait3A_72] : memref<5120x128xf32, #tpu.memory_space<vmem_shared>> -> memref<64x128xf32, #tpu.memory_space<vmem_shared>>
        %dma_wait3A_74 = arith.constant 0 : i32
        %dma_wait3A_75 = arith.constant 0 : i32
        %dma_wait3A_76 = tpu.memref_slice %arg8[%run_scoped3A_52, %dma_wait3A_74, %dma_wait3A_75] : memref<2x128x128xf32, #tpu.memory_space<vmem>> -> memref<1x64x128xf32, #tpu.memory_space<vmem>>
        %dma_wait3A_77 = tpu.memref_squeeze %dma_wait3A_76 : memref<1x64x128xf32, #tpu.memory_space<vmem>> -> memref<64x128xf32, #tpu.memory_space<vmem>>
        tpu.wait_dma2 semaphore(%run_scoped3A_53 : memref<!tpu.dma_semaphore, #tpu.memory_space<semaphore_mem>>) src(%dma_wait3A_77 : memref<64x128xf32, #tpu.memory_space<vmem>>) dst(%dma_wait3A_73 : memref<64x128xf32, #tpu.memory_space<vmem_shared>>)
        tpu.yield
      }) : () -> ()
    }
    %scan3A_14 = arith.constant 5 : i32
    "tpu.region"() ({
      %run_scoped3A_48 = tpu.sem_alloc : memref<!tpu.dma_semaphore, #tpu.memory_space<semaphore_mem>>
      %dma_start3A_49 = arith.constant 0 : i32
      %dma_start3A_50 = arith.constant 0 : i32
      %dma_start3A_51 = tpu.memref_slice %arg3[%add3A, %dma_start3A_49, %dma_start3A_50] : memref<32x96x128xi32, #tpu.memory_space<hbm>> -> memref<1x96x128xi32, #tpu.memory_space<hbm>>
      %dma_start3A_52 = tpu.memref_squeeze %dma_start3A_51 : memref<1x96x128xi32, #tpu.memory_space<hbm>> -> memref<96x128xi32, #tpu.memory_space<hbm>>
      %dma_start3A_53 = arith.constant 0 : i32
      %dma_start3A_54 = arith.constant 0 : i32
      %dma_start3A_55 = tpu.memref_slice %arg3[%add3A, %dma_start3A_53, %dma_start3A_54] : memref<32x96x128xi32, #tpu.memory_space<hbm>> -> memref<1x96x128xi32, #tpu.memory_space<hbm>>
      %dma_start3A_56 = tpu.memref_squeeze %dma_start3A_55 : memref<1x96x128xi32, #tpu.memory_space<hbm>> -> memref<96x128xi32, #tpu.memory_space<hbm>>
      tpu.enqueue_dma source(%dma_start3A_56 : memref<96x128xi32, #tpu.memory_space<hbm>>) target(%arg6 : memref<96x128xi32, #tpu.memory_space<vmem>>) target_semaphore(%run_scoped3A_48 : memref<!tpu.dma_semaphore, #tpu.memory_space<semaphore_mem>>)
      %dma_wait3A_57 = arith.constant 0 : i32
      %dma_wait3A_58 = arith.constant 0 : i32
      %dma_wait3A_59 = tpu.memref_slice %arg3[%add3A, %dma_wait3A_57, %dma_wait3A_58] : memref<32x96x128xi32, #tpu.memory_space<hbm>> -> memref<1x96x128xi32, #tpu.memory_space<hbm>>
      %dma_wait3A_60 = tpu.memref_squeeze %dma_wait3A_59 : memref<1x96x128xi32, #tpu.memory_space<hbm>> -> memref<96x128xi32, #tpu.memory_space<hbm>>
      %dma_wait3A_61 = arith.constant 0 : i32
      %dma_wait3A_62 = arith.constant 0 : i32
      %dma_wait3A_63 = tpu.memref_slice %arg3[%add3A, %dma_wait3A_61, %dma_wait3A_62] : memref<32x96x128xi32, #tpu.memory_space<hbm>> -> memref<1x96x128xi32, #tpu.memory_space<hbm>>
      %dma_wait3A_64 = tpu.memref_squeeze %dma_wait3A_63 : memref<1x96x128xi32, #tpu.memory_space<hbm>> -> memref<96x128xi32, #tpu.memory_space<hbm>>
      tpu.wait_dma2 semaphore(%run_scoped3A_48 : memref<!tpu.dma_semaphore, #tpu.memory_space<semaphore_mem>>) src(%dma_wait3A_64 : memref<96x128xi32, #tpu.memory_space<hbm>>) dst(%arg6 : memref<96x128xi32, #tpu.memory_space<vmem>>)
      tpu.yield
    }) : () -> ()
    "tpu.region"() ({
      %run_scoped3A_48 = tpu.sem_alloc : memref<!tpu.dma_semaphore, #tpu.memory_space<semaphore_mem>>
      %dma_start3A_49 = arith.constant 0 : i32
      %dma_start3A_50 = arith.constant 0 : i32
      %dma_start3A_51 = tpu.memref_slice %arg4[%add3A, %dma_start3A_49, %dma_start3A_50] : memref<32x96x128xi32, #tpu.memory_space<hbm>> -> memref<1x96x128xi32, #tpu.memory_space<hbm>>
      %dma_start3A_52 = tpu.memref_squeeze %dma_start3A_51 : memref<1x96x128xi32, #tpu.memory_space<hbm>> -> memref<96x128xi32, #tpu.memory_space<hbm>>
      %dma_start3A_53 = arith.constant 0 : i32
      %dma_start3A_54 = arith.constant 0 : i32
      %dma_start3A_55 = tpu.memref_slice %arg4[%add3A, %dma_start3A_53, %dma_start3A_54] : memref<32x96x128xi32, #tpu.memory_space<hbm>> -> memref<1x96x128xi32, #tpu.memory_space<hbm>>
      %dma_start3A_56 = tpu.memref_squeeze %dma_start3A_55 : memref<1x96x128xi32, #tpu.memory_space<hbm>> -> memref<96x128xi32, #tpu.memory_space<hbm>>
      tpu.enqueue_dma source(%dma_start3A_56 : memref<96x128xi32, #tpu.memory_space<hbm>>) target(%arg7 : memref<96x128xi32, #tpu.memory_space<vmem>>) target_semaphore(%run_scoped3A_48 : memref<!tpu.dma_semaphore, #tpu.memory_space<semaphore_mem>>)
      %dma_wait3A_57 = arith.constant 0 : i32
      %dma_wait3A_58 = arith.constant 0 : i32
      %dma_wait3A_59 = tpu.memref_slice %arg4[%add3A, %dma_wait3A_57, %dma_wait3A_58] : memref<32x96x128xi32, #tpu.memory_space<hbm>> -> memref<1x96x128xi32, #tpu.memory_space<hbm>>
      %dma_wait3A_60 = tpu.memref_squeeze %dma_wait3A_59 : memref<1x96x128xi32, #tpu.memory_space<hbm>> -> memref<96x128xi32, #tpu.memory_space<hbm>>
      %dma_wait3A_61 = arith.constant 0 : i32
      %dma_wait3A_62 = arith.constant 0 : i32
      %dma_wait3A_63 = tpu.memref_slice %arg4[%add3A, %dma_wait3A_61, %dma_wait3A_62] : memref<32x96x128xi32, #tpu.memory_space<hbm>> -> memref<1x96x128xi32, #tpu.memory_space<hbm>>
      %dma_wait3A_64 = tpu.memref_squeeze %dma_wait3A_63 : memref<1x96x128xi32, #tpu.memory_space<hbm>> -> memref<96x128xi32, #tpu.memory_space<hbm>>
      tpu.wait_dma2 semaphore(%run_scoped3A_48 : memref<!tpu.dma_semaphore, #tpu.memory_space<semaphore_mem>>) src(%dma_wait3A_64 : memref<96x128xi32, #tpu.memory_space<hbm>>) dst(%arg7 : memref<96x128xi32, #tpu.memory_space<vmem>>)
      tpu.yield
    }) : () -> ()
    %barrier3A = arith.constant 0 : index
    tpu.barrier barrier_id(%barrier3A)
    %dma_start3A = arith.constant 0 : i32
    %dma_start3A_15 = arith.constant 0 : i32
    %dma_start3A_16 = arith.constant 0 : i32
    %dma_start3A_17 = arith.constant 0 : i32
    %dma_start3A_18 = tpu.memref_slice %arg8[%dma_start3A_15, %dma_start3A_16, %dma_start3A_17] : memref<2x128x128xf32, #tpu.memory_space<vmem>> -> memref<1x128x128xf32, #tpu.memory_space<vmem>>
    %dma_start3A_19 = tpu.memref_squeeze %dma_start3A_18 : memref<1x128x128xf32, #tpu.memory_space<vmem>> -> memref<128x128xf32, #tpu.memory_space<vmem>>
    %dma_start3A_20 = arith.constant 0 : i32
    %dma_start3A_21 = tpu.memref_slice %arg6[%dma_start3A, %dma_start3A_20] : memref<96x128xi32, #tpu.memory_space<vmem>> -> memref<1x128xi32, #tpu.memory_space<vmem>>
    %dma_start3A_22 = tpu.memref_squeeze %dma_start3A_21 : memref<1x128xi32, #tpu.memory_space<vmem>> -> memref<128xi32, #tpu.memory_space<vmem>>
    %dma_start3A_23 = arith.constant 0 : i32
    %dma_start3A_24 = arith.constant 0 : i32
    %dma_start3A_25 = tpu.memref_slice %arg2[%dma_start3A_23, %dma_start3A_24] : memref<10240x128xf32, #tpu.memory_space<hbm>> -> memref<10240x128xf32, #tpu.memory_space<hbm>>
    tpu.enqueue_indirect_dma source(%dma_start3A_25 : memref<10240x128xf32, #tpu.memory_space<hbm>>) target(%dma_start3A_19 : memref<128x128xf32, #tpu.memory_space<vmem>>) offsets(%dma_start3A_22 : memref<128xi32, #tpu.memory_space<vmem>>) semaphore(%arg10 : memref<!tpu.dma_semaphore, #tpu.memory_space<semaphore_mem>>)
    %dma_wait3A = arith.constant 0 : i32
    %dma_wait3A_26 = arith.constant 0 : i32
    %dma_wait3A_27 = arith.constant 0 : i32
    %dma_wait3A_28 = arith.constant 0 : i32
    %dma_wait3A_29 = tpu.memref_slice %arg8[%dma_wait3A_26, %dma_wait3A_27, %dma_wait3A_28] : memref<2x128x128xf32, #tpu.memory_space<vmem>> -> memref<1x128x128xf32, #tpu.memory_space<vmem>>
    %dma_wait3A_30 = tpu.memref_squeeze %dma_wait3A_29 : memref<1x128x128xf32, #tpu.memory_space<vmem>> -> memref<128x128xf32, #tpu.memory_space<vmem>>
    %dma_wait3A_31 = arith.constant 0 : i32
    %dma_wait3A_32 = tpu.memref_slice %arg6[%dma_wait3A, %dma_wait3A_31] : memref<96x128xi32, #tpu.memory_space<vmem>> -> memref<1x128xi32, #tpu.memory_space<vmem>>
    %dma_wait3A_33 = tpu.memref_squeeze %dma_wait3A_32 : memref<1x128xi32, #tpu.memory_space<vmem>> -> memref<128xi32, #tpu.memory_space<vmem>>
    %dma_wait3A_34 = arith.constant 0 : i32
    %dma_wait3A_35 = arith.constant 0 : i32
    %dma_wait3A_36 = tpu.memref_slice %arg2[%dma_wait3A_34, %dma_wait3A_35] : memref<10240x128xf32, #tpu.memory_space<hbm>> -> memref<10240x128xf32, #tpu.memory_space<hbm>>
    tpu.wait_indirect_dma semaphore(%arg10 : memref<!tpu.dma_semaphore, #tpu.memory_space<semaphore_mem>>) src(%dma_wait3A_36 : memref<10240x128xf32, #tpu.memory_space<hbm>>) dst(%dma_wait3A_30 : memref<128x128xf32, #tpu.memory_space<vmem>>)
    %scan3A_37 = arith.constant 0 : i32
    %scan3A_38 = arith.constant 0 : i32
    %scan3A_39 = arith.constant 95 : i32
    %scan3A_40 = arith.addi %scan3A_38, %scan3A_39 : i32
    %scan3A_41 = arith.constant 1 : i32
    scf.for %scan3A_48 = %scan3A_38 to %scan3A_40 step %scan3A_41  : i32 {
      %add3A_49 = arith.constant 1 : i32
      %add3A_50 = arith.addi %scan3A_48, %add3A_49 : i32
      %add3A_51 = arith.constant 1 : i32
      %add3A_52 = arith.addi %scan3A_48, %add3A_51 : i32
      %jit3A = arith.constant 2 : i32
      %eq3A = arith.constant 0 : i32
      %eq3A_53 = arith.cmpi eq, %jit3A, %eq3A : i32
      %jit3A_54 = arith.constant 1 : i32
      %select_n3A = arith.select %eq3A_53, %jit3A_54, %jit3A : i32
      %rem3A = arith.remsi %add3A_52, %select_n3A : i32
      %ne3A = arith.constant 0 : i32
      %ne3A_55 = arith.cmpi ne, %rem3A, %ne3A : i32
      %lt3A = arith.constant 0 : i32
      %lt3A_56 = arith.cmpi slt, %rem3A, %lt3A : i32
      %lt3A_57 = arith.constant 0 : i32
      %lt3A_58 = arith.cmpi slt, %select_n3A, %lt3A_57 : i32
      %ne3A_59 = arith.xori %lt3A_56, %lt3A_58 : i1
      %and3A = arith.andi %ne3A_59, %ne3A_55 : i1
      %add3A_60 = arith.addi %rem3A, %select_n3A : i32
      %select_n3A_61 = arith.select %and3A, %add3A_60, %rem3A : i32
      %dma_start3A_62 = arith.constant 0 : i32
      %dma_start3A_63 = arith.constant 0 : i32
      %dma_start3A_64 = tpu.memref_slice %arg8[%select_n3A_61, %dma_start3A_62, %dma_start3A_63] : memref<2x128x128xf32, #tpu.memory_space<vmem>> -> memref<1x128x128xf32, #tpu.memory_space<vmem>>
      %dma_start3A_65 = tpu.memref_squeeze %dma_start3A_64 : memref<1x128x128xf32, #tpu.memory_space<vmem>> -> memref<128x128xf32, #tpu.memory_space<vmem>>
      %dma_start3A_66 = arith.constant 0 : i32
      %dma_start3A_67 = tpu.memref_slice %arg6[%add3A_50, %dma_start3A_66] : memref<96x128xi32, #tpu.memory_space<vmem>> -> memref<1x128xi32, #tpu.memory_space<vmem>>
      %dma_start3A_68 = tpu.memref_squeeze %dma_start3A_67 : memref<1x128xi32, #tpu.memory_space<vmem>> -> memref<128xi32, #tpu.memory_space<vmem>>
      %dma_start3A_69 = arith.constant 0 : i32
      %dma_start3A_70 = arith.constant 0 : i32
      %dma_start3A_71 = tpu.memref_slice %arg2[%dma_start3A_69, %dma_start3A_70] : memref<10240x128xf32, #tpu.memory_space<hbm>> -> memref<10240x128xf32, #tpu.memory_space<hbm>>
      tpu.enqueue_indirect_dma source(%dma_start3A_71 : memref<10240x128xf32, #tpu.memory_space<hbm>>) target(%dma_start3A_65 : memref<128x128xf32, #tpu.memory_space<vmem>>) offsets(%dma_start3A_68 : memref<128xi32, #tpu.memory_space<vmem>>) semaphore(%arg10 : memref<!tpu.dma_semaphore, #tpu.memory_space<semaphore_mem>>)
      %jit3A_72 = arith.constant 2 : i32
      %eq3A_73 = arith.constant 0 : i32
      %eq3A_74 = arith.cmpi eq, %jit3A_72, %eq3A_73 : i32
      %jit3A_75 = arith.constant 1 : i32
      %select_n3A_76 = arith.select %eq3A_74, %jit3A_75, %jit3A_72 : i32
      %rem3A_77 = arith.remsi %scan3A_48, %select_n3A_76 : i32
      %ne3A_78 = arith.constant 0 : i32
      %ne3A_79 = arith.cmpi ne, %rem3A_77, %ne3A_78 : i32
      %lt3A_80 = arith.constant 0 : i32
      %lt3A_81 = arith.cmpi slt, %rem3A_77, %lt3A_80 : i32
      %lt3A_82 = arith.constant 0 : i32
      %lt3A_83 = arith.cmpi slt, %select_n3A_76, %lt3A_82 : i32
      %ne3A_84 = arith.xori %lt3A_81, %lt3A_83 : i1
      %and3A_85 = arith.andi %ne3A_84, %ne3A_79 : i1
      %add3A_86 = arith.addi %rem3A_77, %select_n3A_76 : i32
      %select_n3A_87 = arith.select %and3A_85, %add3A_86, %rem3A_77 : i32
      "tpu.region"() ({
        %run_scoped3A_98 = tpu.sem_alloc : memref<!tpu.dma_semaphore, #tpu.memory_space<semaphore_mem>>
        %dma_start3A_99 = arith.constant 0 : i32
        %dma_start3A_100 = arith.constant 0 : i32
        %dma_start3A_101 = tpu.memref_slice %arg8[%select_n3A_87, %dma_start3A_99, %dma_start3A_100] : memref<2x128x128xf32, #tpu.memory_space<vmem>> -> memref<1x128x128xf32, #tpu.memory_space<vmem>>
        %dma_start3A_102 = tpu.memref_squeeze %dma_start3A_101 : memref<1x128x128xf32, #tpu.memory_space<vmem>> -> memref<128x128xf32, #tpu.memory_space<vmem>>
        %dma_start3A_103 = arith.constant 0 : i32
        %dma_start3A_104 = tpu.memref_slice %arg7[%scan3A_48, %dma_start3A_103] : memref<96x128xi32, #tpu.memory_space<vmem>> -> memref<1x128xi32, #tpu.memory_space<vmem>>
        %dma_start3A_105 = tpu.memref_squeeze %dma_start3A_104 : memref<1x128xi32, #tpu.memory_space<vmem>> -> memref<128xi32, #tpu.memory_space<vmem>>
        %dma_start3A_106 = arith.constant 0 : i32
        %dma_start3A_107 = arith.constant 0 : i32
        %dma_start3A_108 = tpu.memref_slice %arg9[%dma_start3A_106, %dma_start3A_107] : memref<5120x128xf32, #tpu.memory_space<vmem_shared>> -> memref<5120x128xf32, #tpu.memory_space<vmem_shared>>
        tpu.enqueue_indirect_dma source(%dma_start3A_102 : memref<128x128xf32, #tpu.memory_space<vmem>>) target(%dma_start3A_108 : memref<5120x128xf32, #tpu.memory_space<vmem_shared>>) offsets(%dma_start3A_105 : memref<128xi32, #tpu.memory_space<vmem>>) semaphore(%run_scoped3A_98 : memref<!tpu.dma_semaphore, #tpu.memory_space<semaphore_mem>>) {add = true}
        %dma_wait3A_109 = arith.constant 0 : i32
        %dma_wait3A_110 = arith.constant 0 : i32
        %dma_wait3A_111 = tpu.memref_slice %arg8[%select_n3A_87, %dma_wait3A_109, %dma_wait3A_110] : memref<2x128x128xf32, #tpu.memory_space<vmem>> -> memref<1x128x128xf32, #tpu.memory_space<vmem>>
        %dma_wait3A_112 = tpu.memref_squeeze %dma_wait3A_111 : memref<1x128x128xf32, #tpu.memory_space<vmem>> -> memref<128x128xf32, #tpu.memory_space<vmem>>
        %dma_wait3A_113 = arith.constant 0 : i32
        %dma_wait3A_114 = tpu.memref_slice %arg7[%scan3A_48, %dma_wait3A_113] : memref<96x128xi32, #tpu.memory_space<vmem>> -> memref<1x128xi32, #tpu.memory_space<vmem>>
        %dma_wait3A_115 = tpu.memref_squeeze %dma_wait3A_114 : memref<1x128xi32, #tpu.memory_space<vmem>> -> memref<128xi32, #tpu.memory_space<vmem>>
        %dma_wait3A_116 = arith.constant 0 : i32
        %dma_wait3A_117 = arith.constant 0 : i32
        %dma_wait3A_118 = tpu.memref_slice %arg9[%dma_wait3A_116, %dma_wait3A_117] : memref<5120x128xf32, #tpu.memory_space<vmem_shared>> -> memref<5120x128xf32, #tpu.memory_space<vmem_shared>>
        tpu.wait_indirect_dma semaphore(%run_scoped3A_98 : memref<!tpu.dma_semaphore, #tpu.memory_space<semaphore_mem>>) src(%dma_wait3A_112 : memref<128x128xf32, #tpu.memory_space<vmem>>) dst(%dma_wait3A_118 : memref<5120x128xf32, #tpu.memory_space<vmem_shared>>)
        tpu.yield
      }) : () -> ()
      %dma_wait3A_88 = arith.constant 0 : i32
      %dma_wait3A_89 = arith.constant 0 : i32
      %dma_wait3A_90 = tpu.memref_slice %arg8[%select_n3A_61, %dma_wait3A_88, %dma_wait3A_89] : memref<2x128x128xf32, #tpu.memory_space<vmem>> -> memref<1x128x128xf32, #tpu.memory_space<vmem>>
      %dma_wait3A_91 = tpu.memref_squeeze %dma_wait3A_90 : memref<1x128x128xf32, #tpu.memory_space<vmem>> -> memref<128x128xf32, #tpu.memory_space<vmem>>
      %dma_wait3A_92 = arith.constant 0 : i32
      %dma_wait3A_93 = tpu.memref_slice %arg6[%add3A_50, %dma_wait3A_92] : memref<96x128xi32, #tpu.memory_space<vmem>> -> memref<1x128xi32, #tpu.memory_space<vmem>>
      %dma_wait3A_94 = tpu.memref_squeeze %dma_wait3A_93 : memref<1x128xi32, #tpu.memory_space<vmem>> -> memref<128xi32, #tpu.memory_space<vmem>>
      %dma_wait3A_95 = arith.constant 0 : i32
      %dma_wait3A_96 = arith.constant 0 : i32
      %dma_wait3A_97 = tpu.memref_slice %arg2[%dma_wait3A_95, %dma_wait3A_96] : memref<10240x128xf32, #tpu.memory_space<hbm>> -> memref<10240x128xf32, #tpu.memory_space<hbm>>
      tpu.wait_indirect_dma semaphore(%arg10 : memref<!tpu.dma_semaphore, #tpu.memory_space<semaphore_mem>>) src(%dma_wait3A_97 : memref<10240x128xf32, #tpu.memory_space<hbm>>) dst(%dma_wait3A_91 : memref<128x128xf32, #tpu.memory_space<vmem>>)
    }
    %scan3A_42 = arith.constant 95 : i32
    %run_scoped3A = arith.constant 1 : i32
    %run_scoped3A_43 = arith.constant 95 : i32
    "tpu.region"() ({
      %run_scoped3A_48 = tpu.sem_alloc : memref<!tpu.dma_semaphore, #tpu.memory_space<semaphore_mem>>
      %dma_start3A_49 = arith.constant 0 : i32
      %dma_start3A_50 = arith.constant 0 : i32
      %dma_start3A_51 = tpu.memref_slice %arg8[%run_scoped3A, %dma_start3A_49, %dma_start3A_50] : memref<2x128x128xf32, #tpu.memory_space<vmem>> -> memref<1x128x128xf32, #tpu.memory_space<vmem>>
      %dma_start3A_52 = tpu.memref_squeeze %dma_start3A_51 : memref<1x128x128xf32, #tpu.memory_space<vmem>> -> memref<128x128xf32, #tpu.memory_space<vmem>>
      %dma_start3A_53 = arith.constant 0 : i32
      %dma_start3A_54 = tpu.memref_slice %arg7[%run_scoped3A_43, %dma_start3A_53] : memref<96x128xi32, #tpu.memory_space<vmem>> -> memref<1x128xi32, #tpu.memory_space<vmem>>
      %dma_start3A_55 = tpu.memref_squeeze %dma_start3A_54 : memref<1x128xi32, #tpu.memory_space<vmem>> -> memref<128xi32, #tpu.memory_space<vmem>>
      %dma_start3A_56 = arith.constant 0 : i32
      %dma_start3A_57 = arith.constant 0 : i32
      %dma_start3A_58 = tpu.memref_slice %arg9[%dma_start3A_56, %dma_start3A_57] : memref<5120x128xf32, #tpu.memory_space<vmem_shared>> -> memref<5120x128xf32, #tpu.memory_space<vmem_shared>>
      tpu.enqueue_indirect_dma source(%dma_start3A_52 : memref<128x128xf32, #tpu.memory_space<vmem>>) target(%dma_start3A_58 : memref<5120x128xf32, #tpu.memory_space<vmem_shared>>) offsets(%dma_start3A_55 : memref<128xi32, #tpu.memory_space<vmem>>) semaphore(%run_scoped3A_48 : memref<!tpu.dma_semaphore, #tpu.memory_space<semaphore_mem>>) {add = true}
      %dma_wait3A_59 = arith.constant 0 : i32
      %dma_wait3A_60 = arith.constant 0 : i32
      %dma_wait3A_61 = tpu.memref_slice %arg8[%run_scoped3A, %dma_wait3A_59, %dma_wait3A_60] : memref<2x128x128xf32, #tpu.memory_space<vmem>> -> memref<1x128x128xf32, #tpu.memory_space<vmem>>
      %dma_wait3A_62 = tpu.memref_squeeze %dma_wait3A_61 : memref<1x128x128xf32, #tpu.memory_space<vmem>> -> memref<128x128xf32, #tpu.memory_space<vmem>>
      %dma_wait3A_63 = arith.constant 0 : i32
      %dma_wait3A_64 = tpu.memref_slice %arg7[%run_scoped3A_43, %dma_wait3A_63] : memref<96x128xi32, #tpu.memory_space<vmem>> -> memref<1x128xi32, #tpu.memory_space<vmem>>
      %dma_wait3A_65 = tpu.memref_squeeze %dma_wait3A_64 : memref<1x128xi32, #tpu.memory_space<vmem>> -> memref<128xi32, #tpu.memory_space<vmem>>
      %dma_wait3A_66 = arith.constant 0 : i32
      %dma_wait3A_67 = arith.constant 0 : i32
      %dma_wait3A_68 = tpu.memref_slice %arg9[%dma_wait3A_66, %dma_wait3A_67] : memref<5120x128xf32, #tpu.memory_space<vmem_shared>> -> memref<5120x128xf32, #tpu.memory_space<vmem_shared>>
      tpu.wait_indirect_dma semaphore(%run_scoped3A_48 : memref<!tpu.dma_semaphore, #tpu.memory_space<semaphore_mem>>) src(%dma_wait3A_62 : memref<128x128xf32, #tpu.memory_space<vmem>>) dst(%dma_wait3A_68 : memref<5120x128xf32, #tpu.memory_space<vmem_shared>>)
      tpu.yield
    }) : () -> ()
    %barrier3A_44 = arith.constant 0 : index
    tpu.barrier barrier_id(%barrier3A_44)
    %mul3A_45 = arith.constant 5120 : i32
    %mul3A_46 = arith.muli %arg0, %mul3A_45 : i32
    %add3A_47 = arith.addi %mul3A_46, %mul3A_2 : i32
    "tpu.region"() ({
      %run_scoped3A_48 = tpu.sem_alloc : memref<!tpu.dma_semaphore, #tpu.memory_space<semaphore_mem>>
      %dma_start3A_49 = arith.constant 0 : i32
      %dma_start3A_50 = tpu.memref_slice %arg5[%add3A_47, %dma_start3A_49] : memref<10240x128xf32, #tpu.memory_space<hbm>> -> memref<320x128xf32, #tpu.memory_space<hbm>>
      %dma_start3A_51 = arith.constant 0 : i32
      %dma_start3A_52 = tpu.memref_slice %arg9[%mul3A_2, %dma_start3A_51] : memref<5120x128xf32, #tpu.memory_space<vmem_shared>> -> memref<320x128xf32, #tpu.memory_space<vmem_shared>>
      tpu.enqueue_dma source(%dma_start3A_52 : memref<320x128xf32, #tpu.memory_space<vmem_shared>>) target(%dma_start3A_50 : memref<320x128xf32, #tpu.memory_space<hbm>>) target_semaphore(%run_scoped3A_48 : memref<!tpu.dma_semaphore, #tpu.memory_space<semaphore_mem>>)
      %dma_wait3A_53 = arith.constant 0 : i32
      %dma_wait3A_54 = tpu.memref_slice %arg5[%add3A_47, %dma_wait3A_53] : memref<10240x128xf32, #tpu.memory_space<hbm>> -> memref<320x128xf32, #tpu.memory_space<hbm>>
      %dma_wait3A_55 = arith.constant 0 : i32
      %dma_wait3A_56 = tpu.memref_slice %arg9[%mul3A_2, %dma_wait3A_55] : memref<5120x128xf32, #tpu.memory_space<vmem_shared>> -> memref<320x128xf32, #tpu.memory_space<vmem_shared>>
      tpu.wait_dma2 semaphore(%run_scoped3A_48 : memref<!tpu.dma_semaphore, #tpu.memory_space<semaphore_mem>>) src(%dma_wait3A_56 : memref<320x128xf32, #tpu.memory_space<vmem_shared>>) dst(%dma_wait3A_54 : memref<320x128xf32, #tpu.memory_space<hbm>>)
      tpu.yield
    }) : () -> ()
    return
  }
}

#map = affine_map<(d0, d1) -> (0, 0)>
#map1 = affine_map<(d0, d1) -> (0, 0, 0, 0)>
#map2 = affine_map<(d0, d1) -> (0, 0, 0)>
module attributes {stable_mosaic.version = 14 : i64} {
  func.func @_sc_permute(%arg0: i32, %arg1: i32, %arg2: memref<10240x128xf32, #tpu.memory_space<hbm>>, %arg3: memref<2x16x3x128xi32, #tpu.memory_space<hbm>>, %arg4: memref<2x10240x128xf32, #tpu.memory_space<hbm>>, %arg5: memref<3x128xi32, #tpu.memory_space<vmem>>, %arg6: memref<128x128xf32, #tpu.memory_space<vmem>>, %arg7: memref<10240x128xf32, #tpu.memory_space<vmem_shared>>) attributes {dimension_semantics = [#tpu.dimension_semantics<core_parallel>, #tpu.dimension_semantics<subcore_parallel>], iteration_bounds = array<i64: 2, 16>, scalar_prefetch = 0 : i64, scratch_operands = 3 : i64, tpu.core_type = #tpu.core_type<sc_vector_subcore>, window_params = [{transform_indices = #map}, {transform_indices = #map1}, {transform_indices = #map2}]} {
    %mul3A = arith.constant 640 : i32
    %mul3A_0 = arith.muli %arg1, %mul3A : i32
    %mul3A_1 = arith.constant 16 : i32
    %mul3A_2 = arith.muli %arg0, %mul3A_1 : i32
    %add3A = arith.addi %mul3A_2, %arg1 : i32
    %mul3A_3 = arith.constant 320 : i32
    %mul3A_4 = arith.muli %add3A, %mul3A_3 : i32
    %broadcast_in_dim3A = arith.constant 0.000000e+00 : f32
    %broadcast_in_dim3A_5 = vector.broadcast %broadcast_in_dim3A : f32 to vector<16xf32>
    %scan3A = arith.constant 0 : i32
    %scan3A_6 = arith.constant 0 : i32
    %scan3A_7 = arith.constant 128 : i32
    %scan3A_8 = arith.addi %scan3A_6, %scan3A_7 : i32
    %scan3A_9 = arith.constant 1 : i32
    scf.for %scan3A_26 = %scan3A_6 to %scan3A_8 step %scan3A_9  : i32 {
      %swap3A = arith.index_cast %scan3A_26 : i32 to index
      %swap3A_27 = arith.constant 0 : index
      %swap3A_28 = tpu.vector_load %arg6[%swap3A, %swap3A_27] {strides = array<i32>} : memref<128x128xf32, #tpu.memory_space<vmem>>, vector<1x16xf32>,
      %swap3A_29 = vector.shape_cast %swap3A_28 : vector<1x16xf32> to vector<16xf32>
      %swap3A_30 = vector.shape_cast %broadcast_in_dim3A_5 : vector<16xf32> to vector<1x16xf32>
      tpu.vector_store %arg6[%swap3A, %swap3A_27], %swap3A_30 {strides = array<i32>} : memref<128x128xf32, #tpu.memory_space<vmem>>, vector<1x16xf32>,
      %swap3A_31 = arith.index_cast %scan3A_26 : i32 to index
      %swap3A_32 = arith.constant 16 : index
      %swap3A_33 = tpu.vector_load %arg6[%swap3A_31, %swap3A_32] {strides = array<i32>} : memref<128x128xf32, #tpu.memory_space<vmem>>, vector<1x16xf32>,
      %swap3A_34 = vector.shape_cast %swap3A_33 : vector<1x16xf32> to vector<16xf32>
      %swap3A_35 = vector.shape_cast %broadcast_in_dim3A_5 : vector<16xf32> to vector<1x16xf32>
      tpu.vector_store %arg6[%swap3A_31, %swap3A_32], %swap3A_35 {strides = array<i32>} : memref<128x128xf32, #tpu.memory_space<vmem>>, vector<1x16xf32>,
      %swap3A_36 = arith.index_cast %scan3A_26 : i32 to index
      %swap3A_37 = arith.constant 32 : index
      %swap3A_38 = tpu.vector_load %arg6[%swap3A_36, %swap3A_37] {strides = array<i32>} : memref<128x128xf32, #tpu.memory_space<vmem>>, vector<1x16xf32>,
      %swap3A_39 = vector.shape_cast %swap3A_38 : vector<1x16xf32> to vector<16xf32>
      %swap3A_40 = vector.shape_cast %broadcast_in_dim3A_5 : vector<16xf32> to vector<1x16xf32>
      tpu.vector_store %arg6[%swap3A_36, %swap3A_37], %swap3A_40 {strides = array<i32>} : memref<128x128xf32, #tpu.memory_space<vmem>>, vector<1x16xf32>,
      %swap3A_41 = arith.index_cast %scan3A_26 : i32 to index
      %swap3A_42 = arith.constant 48 : index
      %swap3A_43 = tpu.vector_load %arg6[%swap3A_41, %swap3A_42] {strides = array<i32>} : memref<128x128xf32, #tpu.memory_space<vmem>>, vector<1x16xf32>,
      %swap3A_44 = vector.shape_cast %swap3A_43 : vector<1x16xf32> to vector<16xf32>
      %swap3A_45 = vector.shape_cast %broadcast_in_dim3A_5 : vector<16xf32> to vector<1x16xf32>
      tpu.vector_store %arg6[%swap3A_41, %swap3A_42], %swap3A_45 {strides = array<i32>} : memref<128x128xf32, #tpu.memory_space<vmem>>, vector<1x16xf32>,
      %swap3A_46 = arith.index_cast %scan3A_26 : i32 to index
      %swap3A_47 = arith.constant 64 : index
      %swap3A_48 = tpu.vector_load %arg6[%swap3A_46, %swap3A_47] {strides = array<i32>} : memref<128x128xf32, #tpu.memory_space<vmem>>, vector<1x16xf32>,
      %swap3A_49 = vector.shape_cast %swap3A_48 : vector<1x16xf32> to vector<16xf32>
      %swap3A_50 = vector.shape_cast %broadcast_in_dim3A_5 : vector<16xf32> to vector<1x16xf32>
      tpu.vector_store %arg6[%swap3A_46, %swap3A_47], %swap3A_50 {strides = array<i32>} : memref<128x128xf32, #tpu.memory_space<vmem>>, vector<1x16xf32>,
      %swap3A_51 = arith.index_cast %scan3A_26 : i32 to index
      %swap3A_52 = arith.constant 80 : index
      %swap3A_53 = tpu.vector_load %arg6[%swap3A_51, %swap3A_52] {strides = array<i32>} : memref<128x128xf32, #tpu.memory_space<vmem>>, vector<1x16xf32>,
      %swap3A_54 = vector.shape_cast %swap3A_53 : vector<1x16xf32> to vector<16xf32>
      %swap3A_55 = vector.shape_cast %broadcast_in_dim3A_5 : vector<16xf32> to vector<1x16xf32>
      tpu.vector_store %arg6[%swap3A_51, %swap3A_52], %swap3A_55 {strides = array<i32>} : memref<128x128xf32, #tpu.memory_space<vmem>>, vector<1x16xf32>,
      %swap3A_56 = arith.index_cast %scan3A_26 : i32 to index
      %swap3A_57 = arith.constant 96 : index
      %swap3A_58 = tpu.vector_load %arg6[%swap3A_56, %swap3A_57] {strides = array<i32>} : memref<128x128xf32, #tpu.memory_space<vmem>>, vector<1x16xf32>,
      %swap3A_59 = vector.shape_cast %swap3A_58 : vector<1x16xf32> to vector<16xf32>
      %swap3A_60 = vector.shape_cast %broadcast_in_dim3A_5 : vector<16xf32> to vector<1x16xf32>
      tpu.vector_store %arg6[%swap3A_56, %swap3A_57], %swap3A_60 {strides = array<i32>} : memref<128x128xf32, #tpu.memory_space<vmem>>, vector<1x16xf32>,
      %swap3A_61 = arith.index_cast %scan3A_26 : i32 to index
      %swap3A_62 = arith.constant 112 : index
      %swap3A_63 = tpu.vector_load %arg6[%swap3A_61, %swap3A_62] {strides = array<i32>} : memref<128x128xf32, #tpu.memory_space<vmem>>, vector<1x16xf32>,
      %swap3A_64 = vector.shape_cast %swap3A_63 : vector<1x16xf32> to vector<16xf32>
      %swap3A_65 = vector.shape_cast %broadcast_in_dim3A_5 : vector<16xf32> to vector<1x16xf32>
      tpu.vector_store %arg6[%swap3A_61, %swap3A_62], %swap3A_65 {strides = array<i32>} : memref<128x128xf32, #tpu.memory_space<vmem>>, vector<1x16xf32>,
    }
    %scan3A_10 = arith.constant 128 : i32
    %scan3A_11 = arith.constant 0 : i32
    %scan3A_12 = arith.constant 0 : i32
    %scan3A_13 = arith.constant 5 : i32
    %scan3A_14 = arith.addi %scan3A_12, %scan3A_13 : i32
    %scan3A_15 = arith.constant 1 : i32
    scf.for %scan3A_26 = %scan3A_12 to %scan3A_14 step %scan3A_15  : i32 {
      %mul3A_27 = arith.constant 128 : i32
      %mul3A_28 = arith.muli %scan3A_26, %mul3A_27 : i32
      %add3A_29 = arith.addi %mul3A_0, %mul3A_28 : i32
      "tpu.region"() ({
        %run_scoped3A_30 = tpu.sem_alloc : memref<!tpu.dma_semaphore, #tpu.memory_space<semaphore_mem>>
        %dma_start3A = arith.constant 0 : i32
        %dma_start3A_31 = tpu.memref_slice %arg7[%add3A_29, %dma_start3A] : memref<10240x128xf32, #tpu.memory_space<vmem_shared>> -> memref<128x128xf32, #tpu.memory_space<vmem_shared>>
        %dma_start3A_32 = arith.constant 0 : i32
        %dma_start3A_33 = tpu.memref_slice %arg7[%add3A_29, %dma_start3A_32] : memref<10240x128xf32, #tpu.memory_space<vmem_shared>> -> memref<128x128xf32, #tpu.memory_space<vmem_shared>>
        tpu.enqueue_dma source(%arg6 : memref<128x128xf32, #tpu.memory_space<vmem>>) target(%dma_start3A_33 : memref<128x128xf32, #tpu.memory_space<vmem_shared>>) target_semaphore(%run_scoped3A_30 : memref<!tpu.dma_semaphore, #tpu.memory_space<semaphore_mem>>)
        %dma_wait3A = arith.constant 0 : i32
        %dma_wait3A_34 = tpu.memref_slice %arg7[%add3A_29, %dma_wait3A] : memref<10240x128xf32, #tpu.memory_space<vmem_shared>> -> memref<128x128xf32, #tpu.memory_space<vmem_shared>>
        %dma_wait3A_35 = arith.constant 0 : i32
        %dma_wait3A_36 = tpu.memref_slice %arg7[%add3A_29, %dma_wait3A_35] : memref<10240x128xf32, #tpu.memory_space<vmem_shared>> -> memref<128x128xf32, #tpu.memory_space<vmem_shared>>
        tpu.wait_dma2 semaphore(%run_scoped3A_30 : memref<!tpu.dma_semaphore, #tpu.memory_space<semaphore_mem>>) src(%arg6 : memref<128x128xf32, #tpu.memory_space<vmem>>) dst(%dma_wait3A_36 : memref<128x128xf32, #tpu.memory_space<vmem_shared>>)
        tpu.yield
      }) : () -> ()
    }
    %scan3A_16 = arith.constant 5 : i32
    "tpu.region"() ({
      %run_scoped3A_26 = tpu.sem_alloc : memref<!tpu.dma_semaphore, #tpu.memory_space<semaphore_mem>>
      %dma_start3A = arith.constant 0 : i32
      %dma_start3A_27 = arith.constant 0 : i32
      %dma_start3A_28 = tpu.memref_slice %arg3[%arg0, %arg1, %dma_start3A, %dma_start3A_27] : memref<2x16x3x128xi32, #tpu.memory_space<hbm>> -> memref<1x1x3x128xi32, #tpu.memory_space<hbm>>
      %dma_start3A_29 = tpu.memref_squeeze %dma_start3A_28 : memref<1x1x3x128xi32, #tpu.memory_space<hbm>> -> memref<3x128xi32, #tpu.memory_space<hbm>>
      %dma_start3A_30 = arith.constant 0 : i32
      %dma_start3A_31 = arith.constant 0 : i32
      %dma_start3A_32 = tpu.memref_slice %arg3[%arg0, %arg1, %dma_start3A_30, %dma_start3A_31] : memref<2x16x3x128xi32, #tpu.memory_space<hbm>> -> memref<1x1x3x128xi32, #tpu.memory_space<hbm>>
      %dma_start3A_33 = tpu.memref_squeeze %dma_start3A_32 : memref<1x1x3x128xi32, #tpu.memory_space<hbm>> -> memref<3x128xi32, #tpu.memory_space<hbm>>
      tpu.enqueue_dma source(%dma_start3A_33 : memref<3x128xi32, #tpu.memory_space<hbm>>) target(%arg5 : memref<3x128xi32, #tpu.memory_space<vmem>>) target_semaphore(%run_scoped3A_26 : memref<!tpu.dma_semaphore, #tpu.memory_space<semaphore_mem>>)
      %dma_wait3A = arith.constant 0 : i32
      %dma_wait3A_34 = arith.constant 0 : i32
      %dma_wait3A_35 = tpu.memref_slice %arg3[%arg0, %arg1, %dma_wait3A, %dma_wait3A_34] : memref<2x16x3x128xi32, #tpu.memory_space<hbm>> -> memref<1x1x3x128xi32, #tpu.memory_space<hbm>>
      %dma_wait3A_36 = tpu.memref_squeeze %dma_wait3A_35 : memref<1x1x3x128xi32, #tpu.memory_space<hbm>> -> memref<3x128xi32, #tpu.memory_space<hbm>>
      %dma_wait3A_37 = arith.constant 0 : i32
      %dma_wait3A_38 = arith.constant 0 : i32
      %dma_wait3A_39 = tpu.memref_slice %arg3[%arg0, %arg1, %dma_wait3A_37, %dma_wait3A_38] : memref<2x16x3x128xi32, #tpu.memory_space<hbm>> -> memref<1x1x3x128xi32, #tpu.memory_space<hbm>>
      %dma_wait3A_40 = tpu.memref_squeeze %dma_wait3A_39 : memref<1x1x3x128xi32, #tpu.memory_space<hbm>> -> memref<3x128xi32, #tpu.memory_space<hbm>>
      tpu.wait_dma2 semaphore(%run_scoped3A_26 : memref<!tpu.dma_semaphore, #tpu.memory_space<semaphore_mem>>) src(%dma_wait3A_40 : memref<3x128xi32, #tpu.memory_space<hbm>>) dst(%arg5 : memref<3x128xi32, #tpu.memory_space<vmem>>)
      tpu.yield
    }) : () -> ()
    %barrier3A = arith.constant 0 : index
    tpu.barrier barrier_id(%barrier3A)
    %add3A_17 = arith.constant 0 : i32
    %add3A_18 = arith.addi %mul3A_4, %add3A_17 : i32
    "tpu.region"() ({
      %run_scoped3A_26 = tpu.sem_alloc : memref<!tpu.dma_semaphore, #tpu.memory_space<semaphore_mem>>
      %dma_start3A = arith.constant 0 : i32
      %dma_start3A_27 = tpu.memref_slice %arg2[%add3A_18, %dma_start3A] : memref<10240x128xf32, #tpu.memory_space<hbm>> -> memref<128x128xf32, #tpu.memory_space<hbm>>
      %dma_start3A_28 = arith.constant 0 : i32
      %dma_start3A_29 = tpu.memref_slice %arg2[%add3A_18, %dma_start3A_28] : memref<10240x128xf32, #tpu.memory_space<hbm>> -> memref<128x128xf32, #tpu.memory_space<hbm>>
      tpu.enqueue_dma source(%dma_start3A_29 : memref<128x128xf32, #tpu.memory_space<hbm>>) target(%arg6 : memref<128x128xf32, #tpu.memory_space<vmem>>) target_semaphore(%run_scoped3A_26 : memref<!tpu.dma_semaphore, #tpu.memory_space<semaphore_mem>>)
      %dma_wait3A = arith.constant 0 : i32
      %dma_wait3A_30 = tpu.memref_slice %arg2[%add3A_18, %dma_wait3A] : memref<10240x128xf32, #tpu.memory_space<hbm>> -> memref<128x128xf32, #tpu.memory_space<hbm>>
      %dma_wait3A_31 = arith.constant 0 : i32
      %dma_wait3A_32 = tpu.memref_slice %arg2[%add3A_18, %dma_wait3A_31] : memref<10240x128xf32, #tpu.memory_space<hbm>> -> memref<128x128xf32, #tpu.memory_space<hbm>>
      tpu.wait_dma2 semaphore(%run_scoped3A_26 : memref<!tpu.dma_semaphore, #tpu.memory_space<semaphore_mem>>) src(%dma_wait3A_32 : memref<128x128xf32, #tpu.memory_space<hbm>>) dst(%arg6 : memref<128x128xf32, #tpu.memory_space<vmem>>)
      tpu.yield
    }) : () -> ()
    %run_scoped3A = arith.constant 0 : i32
    "tpu.region"() ({
      %run_scoped3A_26 = tpu.sem_alloc : memref<!tpu.dma_semaphore, #tpu.memory_space<semaphore_mem>>
      %dma_start3A = arith.constant 0 : i32
      %dma_start3A_27 = tpu.memref_slice %arg5[%run_scoped3A, %dma_start3A] : memref<3x128xi32, #tpu.memory_space<vmem>> -> memref<1x128xi32, #tpu.memory_space<vmem>>
      %dma_start3A_28 = tpu.memref_squeeze %dma_start3A_27 : memref<1x128xi32, #tpu.memory_space<vmem>> -> memref<128xi32, #tpu.memory_space<vmem>>
      %dma_start3A_29 = arith.constant 0 : i32
      %dma_start3A_30 = arith.constant 0 : i32
      %dma_start3A_31 = tpu.memref_slice %arg7[%dma_start3A_29, %dma_start3A_30] : memref<10240x128xf32, #tpu.memory_space<vmem_shared>> -> memref<10240x128xf32, #tpu.memory_space<vmem_shared>>
      tpu.enqueue_indirect_dma source(%arg6 : memref<128x128xf32, #tpu.memory_space<vmem>>) target(%dma_start3A_31 : memref<10240x128xf32, #tpu.memory_space<vmem_shared>>) offsets(%dma_start3A_28 : memref<128xi32, #tpu.memory_space<vmem>>) semaphore(%run_scoped3A_26 : memref<!tpu.dma_semaphore, #tpu.memory_space<semaphore_mem>>)
      %dma_wait3A = arith.constant 0 : i32
      %dma_wait3A_32 = tpu.memref_slice %arg5[%run_scoped3A, %dma_wait3A] : memref<3x128xi32, #tpu.memory_space<vmem>> -> memref<1x128xi32, #tpu.memory_space<vmem>>
      %dma_wait3A_33 = tpu.memref_squeeze %dma_wait3A_32 : memref<1x128xi32, #tpu.memory_space<vmem>> -> memref<128xi32, #tpu.memory_space<vmem>>
      %dma_wait3A_34 = arith.constant 0 : i32
      %dma_wait3A_35 = arith.constant 0 : i32
      %dma_wait3A_36 = tpu.memref_slice %arg7[%dma_wait3A_34, %dma_wait3A_35] : memref<10240x128xf32, #tpu.memory_space<vmem_shared>> -> memref<10240x128xf32, #tpu.memory_space<vmem_shared>>
      tpu.wait_indirect_dma semaphore(%run_scoped3A_26 : memref<!tpu.dma_semaphore, #tpu.memory_space<semaphore_mem>>) src(%arg6 : memref<128x128xf32, #tpu.memory_space<vmem>>) dst(%dma_wait3A_36 : memref<10240x128xf32, #tpu.memory_space<vmem_shared>>)
      tpu.yield
    }) : () -> ()
    %add3A_19 = arith.constant 128 : i32
    %add3A_20 = arith.addi %mul3A_4, %add3A_19 : i32
    "tpu.region"() ({
      %run_scoped3A_26 = tpu.sem_alloc : memref<!tpu.dma_semaphore, #tpu.memory_space<semaphore_mem>>
      %dma_start3A = arith.constant 0 : i32
      %dma_start3A_27 = tpu.memref_slice %arg2[%add3A_20, %dma_start3A] : memref<10240x128xf32, #tpu.memory_space<hbm>> -> memref<128x128xf32, #tpu.memory_space<hbm>>
      %dma_start3A_28 = arith.constant 0 : i32
      %dma_start3A_29 = tpu.memref_slice %arg2[%add3A_20, %dma_start3A_28] : memref<10240x128xf32, #tpu.memory_space<hbm>> -> memref<128x128xf32, #tpu.memory_space<hbm>>
      tpu.enqueue_dma source(%dma_start3A_29 : memref<128x128xf32, #tpu.memory_space<hbm>>) target(%arg6 : memref<128x128xf32, #tpu.memory_space<vmem>>) target_semaphore(%run_scoped3A_26 : memref<!tpu.dma_semaphore, #tpu.memory_space<semaphore_mem>>)
      %dma_wait3A = arith.constant 0 : i32
      %dma_wait3A_30 = tpu.memref_slice %arg2[%add3A_20, %dma_wait3A] : memref<10240x128xf32, #tpu.memory_space<hbm>> -> memref<128x128xf32, #tpu.memory_space<hbm>>
      %dma_wait3A_31 = arith.constant 0 : i32
      %dma_wait3A_32 = tpu.memref_slice %arg2[%add3A_20, %dma_wait3A_31] : memref<10240x128xf32, #tpu.memory_space<hbm>> -> memref<128x128xf32, #tpu.memory_space<hbm>>
      tpu.wait_dma2 semaphore(%run_scoped3A_26 : memref<!tpu.dma_semaphore, #tpu.memory_space<semaphore_mem>>) src(%dma_wait3A_32 : memref<128x128xf32, #tpu.memory_space<hbm>>) dst(%arg6 : memref<128x128xf32, #tpu.memory_space<vmem>>)
      tpu.yield
    }) : () -> ()
    %run_scoped3A_21 = arith.constant 1 : i32
    "tpu.region"() ({
      %run_scoped3A_26 = tpu.sem_alloc : memref<!tpu.dma_semaphore, #tpu.memory_space<semaphore_mem>>
      %dma_start3A = arith.constant 0 : i32
      %dma_start3A_27 = tpu.memref_slice %arg5[%run_scoped3A_21, %dma_start3A] : memref<3x128xi32, #tpu.memory_space<vmem>> -> memref<1x128xi32, #tpu.memory_space<vmem>>
      %dma_start3A_28 = tpu.memref_squeeze %dma_start3A_27 : memref<1x128xi32, #tpu.memory_space<vmem>> -> memref<128xi32, #tpu.memory_space<vmem>>
      %dma_start3A_29 = arith.constant 0 : i32
      %dma_start3A_30 = arith.constant 0 : i32
      %dma_start3A_31 = tpu.memref_slice %arg7[%dma_start3A_29, %dma_start3A_30] : memref<10240x128xf32, #tpu.memory_space<vmem_shared>> -> memref<10240x128xf32, #tpu.memory_space<vmem_shared>>
      tpu.enqueue_indirect_dma source(%arg6 : memref<128x128xf32, #tpu.memory_space<vmem>>) target(%dma_start3A_31 : memref<10240x128xf32, #tpu.memory_space<vmem_shared>>) offsets(%dma_start3A_28 : memref<128xi32, #tpu.memory_space<vmem>>) semaphore(%run_scoped3A_26 : memref<!tpu.dma_semaphore, #tpu.memory_space<semaphore_mem>>)
      %dma_wait3A = arith.constant 0 : i32
      %dma_wait3A_32 = tpu.memref_slice %arg5[%run_scoped3A_21, %dma_wait3A] : memref<3x128xi32, #tpu.memory_space<vmem>> -> memref<1x128xi32, #tpu.memory_space<vmem>>
      %dma_wait3A_33 = tpu.memref_squeeze %dma_wait3A_32 : memref<1x128xi32, #tpu.memory_space<vmem>> -> memref<128xi32, #tpu.memory_space<vmem>>
      %dma_wait3A_34 = arith.constant 0 : i32
      %dma_wait3A_35 = arith.constant 0 : i32
      %dma_wait3A_36 = tpu.memref_slice %arg7[%dma_wait3A_34, %dma_wait3A_35] : memref<10240x128xf32, #tpu.memory_space<vmem_shared>> -> memref<10240x128xf32, #tpu.memory_space<vmem_shared>>
      tpu.wait_indirect_dma semaphore(%run_scoped3A_26 : memref<!tpu.dma_semaphore, #tpu.memory_space<semaphore_mem>>) src(%arg6 : memref<128x128xf32, #tpu.memory_space<vmem>>) dst(%dma_wait3A_36 : memref<10240x128xf32, #tpu.memory_space<vmem_shared>>)
      tpu.yield
    }) : () -> ()
    %add3A_22 = arith.constant 256 : i32
    %add3A_23 = arith.addi %mul3A_4, %add3A_22 : i32
    "tpu.region"() ({
      %run_scoped3A_26 = tpu.sem_alloc : memref<!tpu.dma_semaphore, #tpu.memory_space<semaphore_mem>>
      %dma_start3A = arith.constant 0 : i32
      %dma_start3A_27 = arith.constant 0 : i32
      %dma_start3A_28 = tpu.memref_slice %arg6[%dma_start3A, %dma_start3A_27] : memref<128x128xf32, #tpu.memory_space<vmem>> -> memref<64x128xf32, #tpu.memory_space<vmem>>
      %dma_start3A_29 = arith.constant 0 : i32
      %dma_start3A_30 = tpu.memref_slice %arg2[%add3A_23, %dma_start3A_29] : memref<10240x128xf32, #tpu.memory_space<hbm>> -> memref<64x128xf32, #tpu.memory_space<hbm>>
      %dma_start3A_31 = arith.constant 0 : i32
      %dma_start3A_32 = arith.constant 0 : i32
      %dma_start3A_33 = tpu.memref_slice %arg6[%dma_start3A_31, %dma_start3A_32] : memref<128x128xf32, #tpu.memory_space<vmem>> -> memref<64x128xf32, #tpu.memory_space<vmem>>
      %dma_start3A_34 = arith.constant 0 : i32
      %dma_start3A_35 = tpu.memref_slice %arg2[%add3A_23, %dma_start3A_34] : memref<10240x128xf32, #tpu.memory_space<hbm>> -> memref<64x128xf32, #tpu.memory_space<hbm>>
      tpu.enqueue_dma source(%dma_start3A_35 : memref<64x128xf32, #tpu.memory_space<hbm>>) target(%dma_start3A_33 : memref<64x128xf32, #tpu.memory_space<vmem>>) target_semaphore(%run_scoped3A_26 : memref<!tpu.dma_semaphore, #tpu.memory_space<semaphore_mem>>)
      %dma_wait3A = arith.constant 0 : i32
      %dma_wait3A_36 = arith.constant 0 : i32
      %dma_wait3A_37 = tpu.memref_slice %arg6[%dma_wait3A, %dma_wait3A_36] : memref<128x128xf32, #tpu.memory_space<vmem>> -> memref<64x128xf32, #tpu.memory_space<vmem>>
      %dma_wait3A_38 = arith.constant 0 : i32
      %dma_wait3A_39 = tpu.memref_slice %arg2[%add3A_23, %dma_wait3A_38] : memref<10240x128xf32, #tpu.memory_space<hbm>> -> memref<64x128xf32, #tpu.memory_space<hbm>>
      %dma_wait3A_40 = arith.constant 0 : i32
      %dma_wait3A_41 = arith.constant 0 : i32
      %dma_wait3A_42 = tpu.memref_slice %arg6[%dma_wait3A_40, %dma_wait3A_41] : memref<128x128xf32, #tpu.memory_space<vmem>> -> memref<64x128xf32, #tpu.memory_space<vmem>>
      %dma_wait3A_43 = arith.constant 0 : i32
      %dma_wait3A_44 = tpu.memref_slice %arg2[%add3A_23, %dma_wait3A_43] : memref<10240x128xf32, #tpu.memory_space<hbm>> -> memref<64x128xf32, #tpu.memory_space<hbm>>
      tpu.wait_dma2 semaphore(%run_scoped3A_26 : memref<!tpu.dma_semaphore, #tpu.memory_space<semaphore_mem>>) src(%dma_wait3A_44 : memref<64x128xf32, #tpu.memory_space<hbm>>) dst(%dma_wait3A_42 : memref<64x128xf32, #tpu.memory_space<vmem>>)
      tpu.yield
    }) : () -> ()
    "tpu.region"() ({
      %run_scoped3A_26 = tpu.sem_alloc : memref<!tpu.dma_semaphore, #tpu.memory_space<semaphore_mem>>
      %dma_start3A = arith.constant 64 : i32
      %dma_start3A_27 = arith.constant 0 : i32
      %dma_start3A_28 = tpu.memref_slice %arg6[%dma_start3A, %dma_start3A_27] : memref<128x128xf32, #tpu.memory_space<vmem>> -> memref<64x128xf32, #tpu.memory_space<vmem>>
      %dma_start3A_29 = arith.constant 10000 : i32
      %dma_start3A_30 = arith.constant 0 : i32
      %dma_start3A_31 = tpu.memref_slice %arg2[%dma_start3A_29, %dma_start3A_30] : memref<10240x128xf32, #tpu.memory_space<hbm>> -> memref<64x128xf32, #tpu.memory_space<hbm>>
      %dma_start3A_32 = arith.constant 64 : i32
      %dma_start3A_33 = arith.constant 0 : i32
      %dma_start3A_34 = tpu.memref_slice %arg6[%dma_start3A_32, %dma_start3A_33] : memref<128x128xf32, #tpu.memory_space<vmem>> -> memref<64x128xf32, #tpu.memory_space<vmem>>
      %dma_start3A_35 = arith.constant 10000 : i32
      %dma_start3A_36 = arith.constant 0 : i32
      %dma_start3A_37 = tpu.memref_slice %arg2[%dma_start3A_35, %dma_start3A_36] : memref<10240x128xf32, #tpu.memory_space<hbm>> -> memref<64x128xf32, #tpu.memory_space<hbm>>
      tpu.enqueue_dma source(%dma_start3A_37 : memref<64x128xf32, #tpu.memory_space<hbm>>) target(%dma_start3A_34 : memref<64x128xf32, #tpu.memory_space<vmem>>) target_semaphore(%run_scoped3A_26 : memref<!tpu.dma_semaphore, #tpu.memory_space<semaphore_mem>>)
      %dma_wait3A = arith.constant 64 : i32
      %dma_wait3A_38 = arith.constant 0 : i32
      %dma_wait3A_39 = tpu.memref_slice %arg6[%dma_wait3A, %dma_wait3A_38] : memref<128x128xf32, #tpu.memory_space<vmem>> -> memref<64x128xf32, #tpu.memory_space<vmem>>
      %dma_wait3A_40 = arith.constant 10000 : i32
      %dma_wait3A_41 = arith.constant 0 : i32
      %dma_wait3A_42 = tpu.memref_slice %arg2[%dma_wait3A_40, %dma_wait3A_41] : memref<10240x128xf32, #tpu.memory_space<hbm>> -> memref<64x128xf32, #tpu.memory_space<hbm>>
      %dma_wait3A_43 = arith.constant 64 : i32
      %dma_wait3A_44 = arith.constant 0 : i32
      %dma_wait3A_45 = tpu.memref_slice %arg6[%dma_wait3A_43, %dma_wait3A_44] : memref<128x128xf32, #tpu.memory_space<vmem>> -> memref<64x128xf32, #tpu.memory_space<vmem>>
      %dma_wait3A_46 = arith.constant 10000 : i32
      %dma_wait3A_47 = arith.constant 0 : i32
      %dma_wait3A_48 = tpu.memref_slice %arg2[%dma_wait3A_46, %dma_wait3A_47] : memref<10240x128xf32, #tpu.memory_space<hbm>> -> memref<64x128xf32, #tpu.memory_space<hbm>>
      tpu.wait_dma2 semaphore(%run_scoped3A_26 : memref<!tpu.dma_semaphore, #tpu.memory_space<semaphore_mem>>) src(%dma_wait3A_48 : memref<64x128xf32, #tpu.memory_space<hbm>>) dst(%dma_wait3A_45 : memref<64x128xf32, #tpu.memory_space<vmem>>)
      tpu.yield
    }) : () -> ()
    %run_scoped3A_24 = arith.constant 2 : i32
    "tpu.region"() ({
      %run_scoped3A_26 = tpu.sem_alloc : memref<!tpu.dma_semaphore, #tpu.memory_space<semaphore_mem>>
      %dma_start3A = arith.constant 0 : i32
      %dma_start3A_27 = tpu.memref_slice %arg5[%run_scoped3A_24, %dma_start3A] : memref<3x128xi32, #tpu.memory_space<vmem>> -> memref<1x128xi32, #tpu.memory_space<vmem>>
      %dma_start3A_28 = tpu.memref_squeeze %dma_start3A_27 : memref<1x128xi32, #tpu.memory_space<vmem>> -> memref<128xi32, #tpu.memory_space<vmem>>
      %dma_start3A_29 = arith.constant 0 : i32
      %dma_start3A_30 = arith.constant 0 : i32
      %dma_start3A_31 = tpu.memref_slice %arg7[%dma_start3A_29, %dma_start3A_30] : memref<10240x128xf32, #tpu.memory_space<vmem_shared>> -> memref<10240x128xf32, #tpu.memory_space<vmem_shared>>
      tpu.enqueue_indirect_dma source(%arg6 : memref<128x128xf32, #tpu.memory_space<vmem>>) target(%dma_start3A_31 : memref<10240x128xf32, #tpu.memory_space<vmem_shared>>) offsets(%dma_start3A_28 : memref<128xi32, #tpu.memory_space<vmem>>) semaphore(%run_scoped3A_26 : memref<!tpu.dma_semaphore, #tpu.memory_space<semaphore_mem>>)
      %dma_wait3A = arith.constant 0 : i32
      %dma_wait3A_32 = tpu.memref_slice %arg5[%run_scoped3A_24, %dma_wait3A] : memref<3x128xi32, #tpu.memory_space<vmem>> -> memref<1x128xi32, #tpu.memory_space<vmem>>
      %dma_wait3A_33 = tpu.memref_squeeze %dma_wait3A_32 : memref<1x128xi32, #tpu.memory_space<vmem>> -> memref<128xi32, #tpu.memory_space<vmem>>
      %dma_wait3A_34 = arith.constant 0 : i32
      %dma_wait3A_35 = arith.constant 0 : i32
      %dma_wait3A_36 = tpu.memref_slice %arg7[%dma_wait3A_34, %dma_wait3A_35] : memref<10240x128xf32, #tpu.memory_space<vmem_shared>> -> memref<10240x128xf32, #tpu.memory_space<vmem_shared>>
      tpu.wait_indirect_dma semaphore(%run_scoped3A_26 : memref<!tpu.dma_semaphore, #tpu.memory_space<semaphore_mem>>) src(%arg6 : memref<128x128xf32, #tpu.memory_space<vmem>>) dst(%dma_wait3A_36 : memref<10240x128xf32, #tpu.memory_space<vmem_shared>>)
      tpu.yield
    }) : () -> ()
    %barrier3A_25 = arith.constant 0 : index
    tpu.barrier barrier_id(%barrier3A_25)
    "tpu.region"() ({
      %run_scoped3A_26 = tpu.sem_alloc : memref<!tpu.dma_semaphore, #tpu.memory_space<semaphore_mem>>
      %dma_start3A = arith.constant 0 : i32
      %dma_start3A_27 = tpu.memref_slice %arg4[%arg0, %mul3A_0, %dma_start3A] : memref<2x10240x128xf32, #tpu.memory_space<hbm>> -> memref<1x640x128xf32, #tpu.memory_space<hbm>>
      %dma_start3A_28 = tpu.memref_squeeze %dma_start3A_27 : memref<1x640x128xf32, #tpu.memory_space<hbm>> -> memref<640x128xf32, #tpu.memory_space<hbm>>
      %dma_start3A_29 = arith.constant 0 : i32
      %dma_start3A_30 = tpu.memref_slice %arg7[%mul3A_0, %dma_start3A_29] : memref<10240x128xf32, #tpu.memory_space<vmem_shared>> -> memref<640x128xf32, #tpu.memory_space<vmem_shared>>
      tpu.enqueue_dma source(%dma_start3A_30 : memref<640x128xf32, #tpu.memory_space<vmem_shared>>) target(%dma_start3A_28 : memref<640x128xf32, #tpu.memory_space<hbm>>) target_semaphore(%run_scoped3A_26 : memref<!tpu.dma_semaphore, #tpu.memory_space<semaphore_mem>>)
      %dma_wait3A = arith.constant 0 : i32
      %dma_wait3A_31 = tpu.memref_slice %arg4[%arg0, %mul3A_0, %dma_wait3A] : memref<2x10240x128xf32, #tpu.memory_space<hbm>> -> memref<1x640x128xf32, #tpu.memory_space<hbm>>
      %dma_wait3A_32 = tpu.memref_squeeze %dma_wait3A_31 : memref<1x640x128xf32, #tpu.memory_space<hbm>> -> memref<640x128xf32, #tpu.memory_space<hbm>>
      %dma_wait3A_33 = arith.constant 0 : i32
      %dma_wait3A_34 = tpu.memref_slice %arg7[%mul3A_0, %dma_wait3A_33] : memref<10240x128xf32, #tpu.memory_space<vmem_shared>> -> memref<640x128xf32, #tpu.memory_space<vmem_shared>>
      tpu.wait_dma2 semaphore(%run_scoped3A_26 : memref<!tpu.dma_semaphore, #tpu.memory_space<semaphore_mem>>) src(%dma_wait3A_34 : memref<640x128xf32, #tpu.memory_space<vmem_shared>>) dst(%dma_wait3A_32 : memref<640x128xf32, #tpu.memory_space<hbm>>)
      tpu.yield
    }) : () -> ()
    return
  }
}

#map = affine_map<(d0, d1) -> (0, 0)>
#map1 = affine_map<(d0, d1) -> (0, 0, 0, 0)>
#map2 = affine_map<(d0, d1) -> (0, 0, 0)>
module attributes {stable_mosaic.version = 14 : i64} {
  func.func @_sc_agg128(%arg0: i32, %arg1: i32, %arg2: memref<10240x128xf32, #tpu.memory_space<hbm>>, %arg3: memref<2x16x79x128xi32, #tpu.memory_space<hbm>>, %arg4: memref<2x16x79x128xi32, #tpu.memory_space<hbm>>, %arg5: memref<2x10240x128xf32, #tpu.memory_space<hbm>>, %arg6: memref<79x128xi32, #tpu.memory_space<vmem>>, %arg7: memref<79x128xi32, #tpu.memory_space<vmem>>, %arg8: memref<128x128xf32, #tpu.memory_space<vmem>>, %arg9: memref<10240x128xf32, #tpu.memory_space<vmem_shared>>, %arg10: memref<!tpu.dma_semaphore, #tpu.memory_space<semaphore_mem>>) attributes {dimension_semantics = [#tpu.dimension_semantics<core_parallel>, #tpu.dimension_semantics<subcore_parallel>], iteration_bounds = array<i64: 2, 16>, scalar_prefetch = 0 : i64, scratch_operands = 5 : i64, tpu.core_type = #tpu.core_type<sc_vector_subcore>, window_params = [{transform_indices = #map}, {transform_indices = #map1}, {transform_indices = #map1}, {transform_indices = #map2}]} {
    %mul3A = arith.constant 640 : i32
    %mul3A_0 = arith.muli %arg1, %mul3A : i32
    %broadcast_in_dim3A = arith.constant 0.000000e+00 : f32
    %broadcast_in_dim3A_1 = vector.broadcast %broadcast_in_dim3A : f32 to vector<16xf32>
    %scan3A = arith.constant 0 : i32
    %scan3A_2 = arith.constant 0 : i32
    %scan3A_3 = arith.constant 128 : i32
    %scan3A_4 = arith.addi %scan3A_2, %scan3A_3 : i32
    %scan3A_5 = arith.constant 1 : i32
    scf.for %scan3A_20 = %scan3A_2 to %scan3A_4 step %scan3A_5  : i32 {
      %swap3A = arith.index_cast %scan3A_20 : i32 to index
      %swap3A_21 = arith.constant 0 : index
      %swap3A_22 = tpu.vector_load %arg8[%swap3A, %swap3A_21] {strides = array<i32>} : memref<128x128xf32, #tpu.memory_space<vmem>>, vector<1x16xf32>,
      %swap3A_23 = vector.shape_cast %swap3A_22 : vector<1x16xf32> to vector<16xf32>
      %swap3A_24 = vector.shape_cast %broadcast_in_dim3A_1 : vector<16xf32> to vector<1x16xf32>
      tpu.vector_store %arg8[%swap3A, %swap3A_21], %swap3A_24 {strides = array<i32>} : memref<128x128xf32, #tpu.memory_space<vmem>>, vector<1x16xf32>,
      %swap3A_25 = arith.index_cast %scan3A_20 : i32 to index
      %swap3A_26 = arith.constant 16 : index
      %swap3A_27 = tpu.vector_load %arg8[%swap3A_25, %swap3A_26] {strides = array<i32>} : memref<128x128xf32, #tpu.memory_space<vmem>>, vector<1x16xf32>,
      %swap3A_28 = vector.shape_cast %swap3A_27 : vector<1x16xf32> to vector<16xf32>
      %swap3A_29 = vector.shape_cast %broadcast_in_dim3A_1 : vector<16xf32> to vector<1x16xf32>
      tpu.vector_store %arg8[%swap3A_25, %swap3A_26], %swap3A_29 {strides = array<i32>} : memref<128x128xf32, #tpu.memory_space<vmem>>, vector<1x16xf32>,
      %swap3A_30 = arith.index_cast %scan3A_20 : i32 to index
      %swap3A_31 = arith.constant 32 : index
      %swap3A_32 = tpu.vector_load %arg8[%swap3A_30, %swap3A_31] {strides = array<i32>} : memref<128x128xf32, #tpu.memory_space<vmem>>, vector<1x16xf32>,
      %swap3A_33 = vector.shape_cast %swap3A_32 : vector<1x16xf32> to vector<16xf32>
      %swap3A_34 = vector.shape_cast %broadcast_in_dim3A_1 : vector<16xf32> to vector<1x16xf32>
      tpu.vector_store %arg8[%swap3A_30, %swap3A_31], %swap3A_34 {strides = array<i32>} : memref<128x128xf32, #tpu.memory_space<vmem>>, vector<1x16xf32>,
      %swap3A_35 = arith.index_cast %scan3A_20 : i32 to index
      %swap3A_36 = arith.constant 48 : index
      %swap3A_37 = tpu.vector_load %arg8[%swap3A_35, %swap3A_36] {strides = array<i32>} : memref<128x128xf32, #tpu.memory_space<vmem>>, vector<1x16xf32>,
      %swap3A_38 = vector.shape_cast %swap3A_37 : vector<1x16xf32> to vector<16xf32>
      %swap3A_39 = vector.shape_cast %broadcast_in_dim3A_1 : vector<16xf32> to vector<1x16xf32>
      tpu.vector_store %arg8[%swap3A_35, %swap3A_36], %swap3A_39 {strides = array<i32>} : memref<128x128xf32, #tpu.memory_space<vmem>>, vector<1x16xf32>,
      %swap3A_40 = arith.index_cast %scan3A_20 : i32 to index
      %swap3A_41 = arith.constant 64 : index
      %swap3A_42 = tpu.vector_load %arg8[%swap3A_40, %swap3A_41] {strides = array<i32>} : memref<128x128xf32, #tpu.memory_space<vmem>>, vector<1x16xf32>,
      %swap3A_43 = vector.shape_cast %swap3A_42 : vector<1x16xf32> to vector<16xf32>
      %swap3A_44 = vector.shape_cast %broadcast_in_dim3A_1 : vector<16xf32> to vector<1x16xf32>
      tpu.vector_store %arg8[%swap3A_40, %swap3A_41], %swap3A_44 {strides = array<i32>} : memref<128x128xf32, #tpu.memory_space<vmem>>, vector<1x16xf32>,
      %swap3A_45 = arith.index_cast %scan3A_20 : i32 to index
      %swap3A_46 = arith.constant 80 : index
      %swap3A_47 = tpu.vector_load %arg8[%swap3A_45, %swap3A_46] {strides = array<i32>} : memref<128x128xf32, #tpu.memory_space<vmem>>, vector<1x16xf32>,
      %swap3A_48 = vector.shape_cast %swap3A_47 : vector<1x16xf32> to vector<16xf32>
      %swap3A_49 = vector.shape_cast %broadcast_in_dim3A_1 : vector<16xf32> to vector<1x16xf32>
      tpu.vector_store %arg8[%swap3A_45, %swap3A_46], %swap3A_49 {strides = array<i32>} : memref<128x128xf32, #tpu.memory_space<vmem>>, vector<1x16xf32>,
      %swap3A_50 = arith.index_cast %scan3A_20 : i32 to index
      %swap3A_51 = arith.constant 96 : index
      %swap3A_52 = tpu.vector_load %arg8[%swap3A_50, %swap3A_51] {strides = array<i32>} : memref<128x128xf32, #tpu.memory_space<vmem>>, vector<1x16xf32>,
      %swap3A_53 = vector.shape_cast %swap3A_52 : vector<1x16xf32> to vector<16xf32>
      %swap3A_54 = vector.shape_cast %broadcast_in_dim3A_1 : vector<16xf32> to vector<1x16xf32>
      tpu.vector_store %arg8[%swap3A_50, %swap3A_51], %swap3A_54 {strides = array<i32>} : memref<128x128xf32, #tpu.memory_space<vmem>>, vector<1x16xf32>,
      %swap3A_55 = arith.index_cast %scan3A_20 : i32 to index
      %swap3A_56 = arith.constant 112 : index
      %swap3A_57 = tpu.vector_load %arg8[%swap3A_55, %swap3A_56] {strides = array<i32>} : memref<128x128xf32, #tpu.memory_space<vmem>>, vector<1x16xf32>,
      %swap3A_58 = vector.shape_cast %swap3A_57 : vector<1x16xf32> to vector<16xf32>
      %swap3A_59 = vector.shape_cast %broadcast_in_dim3A_1 : vector<16xf32> to vector<1x16xf32>
      tpu.vector_store %arg8[%swap3A_55, %swap3A_56], %swap3A_59 {strides = array<i32>} : memref<128x128xf32, #tpu.memory_space<vmem>>, vector<1x16xf32>,
    }
    %scan3A_6 = arith.constant 128 : i32
    %scan3A_7 = arith.constant 0 : i32
    %scan3A_8 = arith.constant 0 : i32
    %scan3A_9 = arith.constant 5 : i32
    %scan3A_10 = arith.addi %scan3A_8, %scan3A_9 : i32
    %scan3A_11 = arith.constant 1 : i32
    scf.for %scan3A_20 = %scan3A_8 to %scan3A_10 step %scan3A_11  : i32 {
      %mul3A_21 = arith.constant 128 : i32
      %mul3A_22 = arith.muli %scan3A_20, %mul3A_21 : i32
      %add3A = arith.addi %mul3A_0, %mul3A_22 : i32
      "tpu.region"() ({
        %run_scoped3A = tpu.sem_alloc : memref<!tpu.dma_semaphore, #tpu.memory_space<semaphore_mem>>
        %dma_start3A = arith.constant 0 : i32
        %dma_start3A_23 = tpu.memref_slice %arg9[%add3A, %dma_start3A] : memref<10240x128xf32, #tpu.memory_space<vmem_shared>> -> memref<128x128xf32, #tpu.memory_space<vmem_shared>>
        %dma_start3A_24 = arith.constant 0 : i32
        %dma_start3A_25 = tpu.memref_slice %arg9[%add3A, %dma_start3A_24] : memref<10240x128xf32, #tpu.memory_space<vmem_shared>> -> memref<128x128xf32, #tpu.memory_space<vmem_shared>>
        tpu.enqueue_dma source(%arg8 : memref<128x128xf32, #tpu.memory_space<vmem>>) target(%dma_start3A_25 : memref<128x128xf32, #tpu.memory_space<vmem_shared>>) target_semaphore(%run_scoped3A : memref<!tpu.dma_semaphore, #tpu.memory_space<semaphore_mem>>)
        %dma_wait3A = arith.constant 0 : i32
        %dma_wait3A_26 = tpu.memref_slice %arg9[%add3A, %dma_wait3A] : memref<10240x128xf32, #tpu.memory_space<vmem_shared>> -> memref<128x128xf32, #tpu.memory_space<vmem_shared>>
        %dma_wait3A_27 = arith.constant 0 : i32
        %dma_wait3A_28 = tpu.memref_slice %arg9[%add3A, %dma_wait3A_27] : memref<10240x128xf32, #tpu.memory_space<vmem_shared>> -> memref<128x128xf32, #tpu.memory_space<vmem_shared>>
        tpu.wait_dma2 semaphore(%run_scoped3A : memref<!tpu.dma_semaphore, #tpu.memory_space<semaphore_mem>>) src(%arg8 : memref<128x128xf32, #tpu.memory_space<vmem>>) dst(%dma_wait3A_28 : memref<128x128xf32, #tpu.memory_space<vmem_shared>>)
        tpu.yield
      }) : () -> ()
    }
    %scan3A_12 = arith.constant 5 : i32
    "tpu.region"() ({
      %run_scoped3A = tpu.sem_alloc : memref<!tpu.dma_semaphore, #tpu.memory_space<semaphore_mem>>
      %dma_start3A = arith.constant 0 : i32
      %dma_start3A_20 = arith.constant 0 : i32
      %dma_start3A_21 = tpu.memref_slice %arg3[%arg0, %arg1, %dma_start3A, %dma_start3A_20] : memref<2x16x79x128xi32, #tpu.memory_space<hbm>> -> memref<1x1x79x128xi32, #tpu.memory_space<hbm>>
      %dma_start3A_22 = tpu.memref_squeeze %dma_start3A_21 : memref<1x1x79x128xi32, #tpu.memory_space<hbm>> -> memref<79x128xi32, #tpu.memory_space<hbm>>
      %dma_start3A_23 = arith.constant 0 : i32
      %dma_start3A_24 = arith.constant 0 : i32
      %dma_start3A_25 = tpu.memref_slice %arg3[%arg0, %arg1, %dma_start3A_23, %dma_start3A_24] : memref<2x16x79x128xi32, #tpu.memory_space<hbm>> -> memref<1x1x79x128xi32, #tpu.memory_space<hbm>>
      %dma_start3A_26 = tpu.memref_squeeze %dma_start3A_25 : memref<1x1x79x128xi32, #tpu.memory_space<hbm>> -> memref<79x128xi32, #tpu.memory_space<hbm>>
      tpu.enqueue_dma source(%dma_start3A_26 : memref<79x128xi32, #tpu.memory_space<hbm>>) target(%arg6 : memref<79x128xi32, #tpu.memory_space<vmem>>) target_semaphore(%run_scoped3A : memref<!tpu.dma_semaphore, #tpu.memory_space<semaphore_mem>>)
      %dma_wait3A = arith.constant 0 : i32
      %dma_wait3A_27 = arith.constant 0 : i32
      %dma_wait3A_28 = tpu.memref_slice %arg3[%arg0, %arg1, %dma_wait3A, %dma_wait3A_27] : memref<2x16x79x128xi32, #tpu.memory_space<hbm>> -> memref<1x1x79x128xi32, #tpu.memory_space<hbm>>
      %dma_wait3A_29 = tpu.memref_squeeze %dma_wait3A_28 : memref<1x1x79x128xi32, #tpu.memory_space<hbm>> -> memref<79x128xi32, #tpu.memory_space<hbm>>
      %dma_wait3A_30 = arith.constant 0 : i32
      %dma_wait3A_31 = arith.constant 0 : i32
      %dma_wait3A_32 = tpu.memref_slice %arg3[%arg0, %arg1, %dma_wait3A_30, %dma_wait3A_31] : memref<2x16x79x128xi32, #tpu.memory_space<hbm>> -> memref<1x1x79x128xi32, #tpu.memory_space<hbm>>
      %dma_wait3A_33 = tpu.memref_squeeze %dma_wait3A_32 : memref<1x1x79x128xi32, #tpu.memory_space<hbm>> -> memref<79x128xi32, #tpu.memory_space<hbm>>
      tpu.wait_dma2 semaphore(%run_scoped3A : memref<!tpu.dma_semaphore, #tpu.memory_space<semaphore_mem>>) src(%dma_wait3A_33 : memref<79x128xi32, #tpu.memory_space<hbm>>) dst(%arg6 : memref<79x128xi32, #tpu.memory_space<vmem>>)
      tpu.yield
    }) : () -> ()
    "tpu.region"() ({
      %run_scoped3A = tpu.sem_alloc : memref<!tpu.dma_semaphore, #tpu.memory_space<semaphore_mem>>
      %dma_start3A = arith.constant 0 : i32
      %dma_start3A_20 = arith.constant 0 : i32
      %dma_start3A_21 = tpu.memref_slice %arg4[%arg0, %arg1, %dma_start3A, %dma_start3A_20] : memref<2x16x79x128xi32, #tpu.memory_space<hbm>> -> memref<1x1x79x128xi32, #tpu.memory_space<hbm>>
      %dma_start3A_22 = tpu.memref_squeeze %dma_start3A_21 : memref<1x1x79x128xi32, #tpu.memory_space<hbm>> -> memref<79x128xi32, #tpu.memory_space<hbm>>
      %dma_start3A_23 = arith.constant 0 : i32
      %dma_start3A_24 = arith.constant 0 : i32
      %dma_start3A_25 = tpu.memref_slice %arg4[%arg0, %arg1, %dma_start3A_23, %dma_start3A_24] : memref<2x16x79x128xi32, #tpu.memory_space<hbm>> -> memref<1x1x79x128xi32, #tpu.memory_space<hbm>>
      %dma_start3A_26 = tpu.memref_squeeze %dma_start3A_25 : memref<1x1x79x128xi32, #tpu.memory_space<hbm>> -> memref<79x128xi32, #tpu.memory_space<hbm>>
      tpu.enqueue_dma source(%dma_start3A_26 : memref<79x128xi32, #tpu.memory_space<hbm>>) target(%arg7 : memref<79x128xi32, #tpu.memory_space<vmem>>) target_semaphore(%run_scoped3A : memref<!tpu.dma_semaphore, #tpu.memory_space<semaphore_mem>>)
      %dma_wait3A = arith.constant 0 : i32
      %dma_wait3A_27 = arith.constant 0 : i32
      %dma_wait3A_28 = tpu.memref_slice %arg4[%arg0, %arg1, %dma_wait3A, %dma_wait3A_27] : memref<2x16x79x128xi32, #tpu.memory_space<hbm>> -> memref<1x1x79x128xi32, #tpu.memory_space<hbm>>
      %dma_wait3A_29 = tpu.memref_squeeze %dma_wait3A_28 : memref<1x1x79x128xi32, #tpu.memory_space<hbm>> -> memref<79x128xi32, #tpu.memory_space<hbm>>
      %dma_wait3A_30 = arith.constant 0 : i32
      %dma_wait3A_31 = arith.constant 0 : i32
      %dma_wait3A_32 = tpu.memref_slice %arg4[%arg0, %arg1, %dma_wait3A_30, %dma_wait3A_31] : memref<2x16x79x128xi32, #tpu.memory_space<hbm>> -> memref<1x1x79x128xi32, #tpu.memory_space<hbm>>
      %dma_wait3A_33 = tpu.memref_squeeze %dma_wait3A_32 : memref<1x1x79x128xi32, #tpu.memory_space<hbm>> -> memref<79x128xi32, #tpu.memory_space<hbm>>
      tpu.wait_dma2 semaphore(%run_scoped3A : memref<!tpu.dma_semaphore, #tpu.memory_space<semaphore_mem>>) src(%dma_wait3A_33 : memref<79x128xi32, #tpu.memory_space<hbm>>) dst(%arg7 : memref<79x128xi32, #tpu.memory_space<vmem>>)
      tpu.yield
    }) : () -> ()
    %barrier3A = arith.constant 0 : index
    tpu.barrier barrier_id(%barrier3A)
    %scan3A_13 = arith.constant 0 : i32
    %scan3A_14 = arith.constant 0 : i32
    %scan3A_15 = arith.constant 79 : i32
    %scan3A_16 = arith.addi %scan3A_14, %scan3A_15 : i32
    %scan3A_17 = arith.constant 1 : i32
    scf.for %scan3A_20 = %scan3A_14 to %scan3A_16 step %scan3A_17  : i32 {
      %dma_start3A = arith.constant 0 : i32
      %dma_start3A_21 = tpu.memref_slice %arg6[%scan3A_20, %dma_start3A] : memref<79x128xi32, #tpu.memory_space<vmem>> -> memref<1x128xi32, #tpu.memory_space<vmem>>
      %dma_start3A_22 = tpu.memref_squeeze %dma_start3A_21 : memref<1x128xi32, #tpu.memory_space<vmem>> -> memref<128xi32, #tpu.memory_space<vmem>>
      %dma_start3A_23 = arith.constant 0 : i32
      %dma_start3A_24 = arith.constant 0 : i32
      %dma_start3A_25 = tpu.memref_slice %arg2[%dma_start3A_23, %dma_start3A_24] : memref<10240x128xf32, #tpu.memory_space<hbm>> -> memref<10240x128xf32, #tpu.memory_space<hbm>>
      tpu.enqueue_indirect_dma source(%dma_start3A_25 : memref<10240x128xf32, #tpu.memory_space<hbm>>) target(%arg8 : memref<128x128xf32, #tpu.memory_space<vmem>>) offsets(%dma_start3A_22 : memref<128xi32, #tpu.memory_space<vmem>>) semaphore(%arg10 : memref<!tpu.dma_semaphore, #tpu.memory_space<semaphore_mem>>)
      %dma_wait3A = arith.constant 0 : i32
      %dma_wait3A_26 = tpu.memref_slice %arg6[%scan3A_20, %dma_wait3A] : memref<79x128xi32, #tpu.memory_space<vmem>> -> memref<1x128xi32, #tpu.memory_space<vmem>>
      %dma_wait3A_27 = tpu.memref_squeeze %dma_wait3A_26 : memref<1x128xi32, #tpu.memory_space<vmem>> -> memref<128xi32, #tpu.memory_space<vmem>>
      %dma_wait3A_28 = arith.constant 0 : i32
      %dma_wait3A_29 = arith.constant 0 : i32
      %dma_wait3A_30 = tpu.memref_slice %arg2[%dma_wait3A_28, %dma_wait3A_29] : memref<10240x128xf32, #tpu.memory_space<hbm>> -> memref<10240x128xf32, #tpu.memory_space<hbm>>
      tpu.wait_indirect_dma semaphore(%arg10 : memref<!tpu.dma_semaphore, #tpu.memory_space<semaphore_mem>>) src(%dma_wait3A_30 : memref<10240x128xf32, #tpu.memory_space<hbm>>) dst(%arg8 : memref<128x128xf32, #tpu.memory_space<vmem>>)
      "tpu.region"() ({
        %run_scoped3A = tpu.sem_alloc : memref<!tpu.dma_semaphore, #tpu.memory_space<semaphore_mem>>
        %dma_start3A_31 = arith.constant 0 : i32
        %dma_start3A_32 = tpu.memref_slice %arg7[%scan3A_20, %dma_start3A_31] : memref<79x128xi32, #tpu.memory_space<vmem>> -> memref<1x128xi32, #tpu.memory_space<vmem>>
        %dma_start3A_33 = tpu.memref_squeeze %dma_start3A_32 : memref<1x128xi32, #tpu.memory_space<vmem>> -> memref<128xi32, #tpu.memory_space<vmem>>
        %dma_start3A_34 = arith.constant 0 : i32
        %dma_start3A_35 = arith.constant 0 : i32
        %dma_start3A_36 = tpu.memref_slice %arg9[%dma_start3A_34, %dma_start3A_35] : memref<10240x128xf32, #tpu.memory_space<vmem_shared>> -> memref<10240x128xf32, #tpu.memory_space<vmem_shared>>
        tpu.enqueue_indirect_dma source(%arg8 : memref<128x128xf32, #tpu.memory_space<vmem>>) target(%dma_start3A_36 : memref<10240x128xf32, #tpu.memory_space<vmem_shared>>) offsets(%dma_start3A_33 : memref<128xi32, #tpu.memory_space<vmem>>) semaphore(%run_scoped3A : memref<!tpu.dma_semaphore, #tpu.memory_space<semaphore_mem>>) {add = true}
        %dma_wait3A_37 = arith.constant 0 : i32
        %dma_wait3A_38 = tpu.memref_slice %arg7[%scan3A_20, %dma_wait3A_37] : memref<79x128xi32, #tpu.memory_space<vmem>> -> memref<1x128xi32, #tpu.memory_space<vmem>>
        %dma_wait3A_39 = tpu.memref_squeeze %dma_wait3A_38 : memref<1x128xi32, #tpu.memory_space<vmem>> -> memref<128xi32, #tpu.memory_space<vmem>>
        %dma_wait3A_40 = arith.constant 0 : i32
        %dma_wait3A_41 = arith.constant 0 : i32
        %dma_wait3A_42 = tpu.memref_slice %arg9[%dma_wait3A_40, %dma_wait3A_41] : memref<10240x128xf32, #tpu.memory_space<vmem_shared>> -> memref<10240x128xf32, #tpu.memory_space<vmem_shared>>
        tpu.wait_indirect_dma semaphore(%run_scoped3A : memref<!tpu.dma_semaphore, #tpu.memory_space<semaphore_mem>>) src(%arg8 : memref<128x128xf32, #tpu.memory_space<vmem>>) dst(%dma_wait3A_42 : memref<10240x128xf32, #tpu.memory_space<vmem_shared>>)
        tpu.yield
      }) : () -> ()
    }
    %scan3A_18 = arith.constant 79 : i32
    %barrier3A_19 = arith.constant 0 : index
    tpu.barrier barrier_id(%barrier3A_19)
    "tpu.region"() ({
      %run_scoped3A = tpu.sem_alloc : memref<!tpu.dma_semaphore, #tpu.memory_space<semaphore_mem>>
      %dma_start3A = arith.constant 0 : i32
      %dma_start3A_20 = tpu.memref_slice %arg5[%arg0, %mul3A_0, %dma_start3A] : memref<2x10240x128xf32, #tpu.memory_space<hbm>> -> memref<1x640x128xf32, #tpu.memory_space<hbm>>
      %dma_start3A_21 = tpu.memref_squeeze %dma_start3A_20 : memref<1x640x128xf32, #tpu.memory_space<hbm>> -> memref<640x128xf32, #tpu.memory_space<hbm>>
      %dma_start3A_22 = arith.constant 0 : i32
      %dma_start3A_23 = tpu.memref_slice %arg9[%mul3A_0, %dma_start3A_22] : memref<10240x128xf32, #tpu.memory_space<vmem_shared>> -> memref<640x128xf32, #tpu.memory_space<vmem_shared>>
      tpu.enqueue_dma source(%dma_start3A_23 : memref<640x128xf32, #tpu.memory_space<vmem_shared>>) target(%dma_start3A_21 : memref<640x128xf32, #tpu.memory_space<hbm>>) target_semaphore(%run_scoped3A : memref<!tpu.dma_semaphore, #tpu.memory_space<semaphore_mem>>)
      %dma_wait3A = arith.constant 0 : i32
      %dma_wait3A_24 = tpu.memref_slice %arg5[%arg0, %mul3A_0, %dma_wait3A] : memref<2x10240x128xf32, #tpu.memory_space<hbm>> -> memref<1x640x128xf32, #tpu.memory_space<hbm>>
      %dma_wait3A_25 = tpu.memref_squeeze %dma_wait3A_24 : memref<1x640x128xf32, #tpu.memory_space<hbm>> -> memref<640x128xf32, #tpu.memory_space<hbm>>
      %dma_wait3A_26 = arith.constant 0 : i32
      %dma_wait3A_27 = tpu.memref_slice %arg9[%mul3A_0, %dma_wait3A_26] : memref<10240x128xf32, #tpu.memory_space<vmem_shared>> -> memref<640x128xf32, #tpu.memory_space<vmem_shared>>
      tpu.wait_dma2 semaphore(%run_scoped3A : memref<!tpu.dma_semaphore, #tpu.memory_space<semaphore_mem>>) src(%dma_wait3A_27 : memref<640x128xf32, #tpu.memory_space<vmem_shared>>) dst(%dma_wait3A_25 : memref<640x128xf32, #tpu.memory_space<hbm>>)
      tpu.yield
    }) : () -> ()
    return
  }
}

module attributes {stable_mosaic.version = 14 : i64} {
  func.func @_tc_norms_body(%arg0: i32, %arg1: memref<4x2048x1xf32, #tpu.memory_space<vmem>>, %arg2: memref<2048x128xf32, #tpu.memory_space<vmem>>, %arg3: memref<2048x128xf32, #tpu.memory_space<vmem>>, %arg4: memref<2048x1xf32, #tpu.memory_space<vmem>>, %arg5: memref<2048x1xf32, #tpu.memory_space<vmem>>) attributes {dimension_semantics = [#tpu.dimension_semantics<arbitrary>], iteration_bounds = array<i64: 5>, scalar_prefetch = 0 : i64, scratch_operands = 0 : i64, tpu.core_type = #tpu.core_type<tc>, window_params = [{transform_indices = @transform_0, window_bounds = array<i64: 4, 2048, 1>}, {transform_indices = @transform_1, window_bounds = array<i64: 2048, 128>}, {transform_indices = @transform_2, window_bounds = array<i64: 2048, 128>}, {transform_indices = @transform_3, window_bounds = array<i64: 2048, 1>}, {transform_indices = @transform_4, window_bounds = array<i64: 2048, 1>}]} {
    %get3A = arith.constant 0 : index
    %get3A_0 = arith.constant 0 : index
    %get3A_1 = arith.constant 0 : index
    %get3A_2 = vector.load %arg1[%get3A, %get3A_0, %get3A_1] : memref<4x2048x1xf32, #tpu.memory_space<vmem>>, vector<1x2048x1xf32>
    %get3A_3 = vector.shape_cast %get3A_2 : vector<1x2048x1xf32> to vector<2048x1xf32>
    %get3A_4 = arith.constant 2 : index
    %get3A_5 = arith.constant 0 : index
    %get3A_6 = arith.constant 0 : index
    %get3A_7 = vector.load %arg1[%get3A_4, %get3A_5, %get3A_6] : memref<4x2048x1xf32, #tpu.memory_space<vmem>>, vector<1x2048x1xf32>
    %get3A_8 = vector.shape_cast %get3A_7 : vector<1x2048x1xf32> to vector<2048x1xf32>
    %add3A = arith.addf %get3A_3, %get3A_8 : vector<2048x1xf32>
    %get3A_9 = arith.constant 1 : index
    %get3A_10 = arith.constant 0 : index
    %get3A_11 = arith.constant 0 : index
    %get3A_12 = vector.load %arg1[%get3A_9, %get3A_10, %get3A_11] : memref<4x2048x1xf32, #tpu.memory_space<vmem>>, vector<1x2048x1xf32>
    %get3A_13 = vector.shape_cast %get3A_12 : vector<1x2048x1xf32> to vector<2048x1xf32>
    %get3A_14 = arith.constant 3 : index
    %get3A_15 = arith.constant 0 : index
    %get3A_16 = arith.constant 0 : index
    %get3A_17 = vector.load %arg1[%get3A_14, %get3A_15, %get3A_16] : memref<4x2048x1xf32, #tpu.memory_space<vmem>>, vector<1x2048x1xf32>
    %get3A_18 = vector.shape_cast %get3A_17 : vector<1x2048x1xf32> to vector<2048x1xf32>
    %add3A_19 = arith.addf %get3A_13, %get3A_18 : vector<2048x1xf32>
    %max3A = arith.constant 1.000000e+00 : f32
    %max3A_20 = vector.broadcast %max3A : f32 to vector<2048x1xf32>
    %max3A_21 = arith.maximumf %add3A, %max3A_20 : vector<2048x1xf32>
    %rsqrt3A = math.rsqrt %max3A_21 : vector<2048x1xf32>
    %max3A_22 = arith.constant 1.000000e+00 : f32
    %max3A_23 = vector.broadcast %max3A_22 : f32 to vector<2048x1xf32>
    %max3A_24 = arith.maximumf %add3A_19, %max3A_23 : vector<2048x1xf32>
    %rsqrt3A_25 = math.rsqrt %max3A_24 : vector<2048x1xf32>
    %swap3A = arith.constant 0 : index
    %swap3A_26 = arith.constant 0 : index
    %swap3A_27 = vector.load %arg4[%swap3A, %swap3A_26] : memref<2048x1xf32, #tpu.memory_space<vmem>>, vector<2048x1xf32>
    tpu.vector_store %arg4[%swap3A, %swap3A_26], %rsqrt3A {strides = array<i32>} : memref<2048x1xf32, #tpu.memory_space<vmem>>, vector<2048x1xf32>,
    %swap3A_28 = arith.constant 0 : index
    %swap3A_29 = arith.constant 0 : index
    %swap3A_30 = vector.load %arg5[%swap3A_28, %swap3A_29] : memref<2048x1xf32, #tpu.memory_space<vmem>>, vector<2048x1xf32>
    tpu.vector_store %arg5[%swap3A_28, %swap3A_29], %rsqrt3A_25 {strides = array<i32>} : memref<2048x1xf32, #tpu.memory_space<vmem>>, vector<2048x1xf32>,
    %get3A_31 = arith.constant 0 : index
    %get3A_32 = arith.constant 0 : index
    %get3A_33 = vector.load %arg2[%get3A_31, %get3A_32] : memref<2048x128xf32, #tpu.memory_space<vmem>>, vector<2048x128xf32>
    %mul3A = vector.broadcast %rsqrt3A : vector<2048x1xf32> to vector<2048x128xf32>
    %mul3A_34 = arith.mulf %get3A_33, %mul3A : vector<2048x128xf32>
    %swap3A_35 = arith.constant 0 : index
    %swap3A_36 = arith.constant 0 : index
    %swap3A_37 = vector.load %arg3[%swap3A_35, %swap3A_36] : memref<2048x128xf32, #tpu.memory_space<vmem>>, vector<2048x128xf32>
    tpu.vector_store %arg3[%swap3A_35, %swap3A_36], %mul3A_34 {strides = array<i32>} : memref<2048x128xf32, #tpu.memory_space<vmem>>, vector<2048x128xf32>,
    return
  }
  func.func @transform_0(%arg0: i32) -> (i32, i32, i32) {
    %c0_i32 = arith.constant 0 : i32
    %c0_i32_0 = arith.constant 0 : i32
    %c0_i32_1 = arith.constant 0 : i32
    return %c0_i32, %arg0, %c0_i32_0 : i32, i32, i32
  }
  func.func @transform_1(%arg0: i32) -> (i32, i32) {
    %c0_i32 = arith.constant 0 : i32
    %c0_i32_0 = arith.constant 0 : i32
    return %arg0, %c0_i32 : i32, i32
  }
  func.func @transform_2(%arg0: i32) -> (i32, i32) {
    %c0_i32 = arith.constant 0 : i32
    %c0_i32_0 = arith.constant 0 : i32
    return %arg0, %c0_i32 : i32, i32
  }
  func.func @transform_3(%arg0: i32) -> (i32, i32) {
    %c0_i32 = arith.constant 0 : i32
    %c0_i32_0 = arith.constant 0 : i32
    return %arg0, %c0_i32 : i32, i32
  }
  func.func @transform_4(%arg0: i32) -> (i32, i32) {
    %c0_i32 = arith.constant 0 : i32
    %c0_i32_0 = arith.constant 0 : i32
    return %arg0, %c0_i32 : i32, i32
  }
}

module attributes {stable_mosaic.version = 14 : i64} {
  func.func @_tc_layer_body(%arg0: i32, %arg1: memref<2048x128xf32, #tpu.memory_space<vmem>>, %arg2: memref<2048x1xf32, #tpu.memory_space<vmem>>, %arg3: memref<2048x1xf32, #tpu.memory_space<vmem>>, %arg4: memref<128x128xf32, #tpu.memory_space<vmem>>, %arg5: memref<1x128xf32, #tpu.memory_space<vmem>>, %arg6: memref<2048x128xf32, #tpu.memory_space<vmem>>) attributes {dimension_semantics = [#tpu.dimension_semantics<arbitrary>], iteration_bounds = array<i64: 5>, scalar_prefetch = 0 : i64, scratch_operands = 0 : i64, tpu.core_type = #tpu.core_type<tc>, window_params = [{transform_indices = @transform_0, window_bounds = array<i64: 2048, 128>}, {transform_indices = @transform_1, window_bounds = array<i64: 2048, 1>}, {transform_indices = @transform_2, window_bounds = array<i64: 2048, 1>}, {pipeline_mode = #tpu.pipeline_mode<synchronous>, transform_indices = @transform_3, window_bounds = array<i64: 128, 128>}, {pipeline_mode = #tpu.pipeline_mode<synchronous>, transform_indices = @transform_4, window_bounds = array<i64: 1, 128>}, {transform_indices = @transform_5, window_bounds = array<i64: 2048, 128>}]} {
    %get3A = arith.constant 0 : index
    %get3A_0 = arith.constant 0 : index
    %get3A_1 = vector.load %arg1[%get3A, %get3A_0] : memref<2048x128xf32, #tpu.memory_space<vmem>>, vector<2048x128xf32>
    %get3A_2 = arith.constant 0 : index
    %get3A_3 = arith.constant 0 : index
    %get3A_4 = vector.load %arg2[%get3A_2, %get3A_3] : memref<2048x1xf32, #tpu.memory_space<vmem>>, vector<2048x1xf32>
    %mul3A = vector.broadcast %get3A_4 : vector<2048x1xf32> to vector<2048x128xf32>
    %mul3A_5 = arith.mulf %get3A_1, %mul3A : vector<2048x128xf32>
    %get3A_6 = arith.constant 0 : index
    %get3A_7 = arith.constant 0 : index
    %get3A_8 = vector.load %arg4[%get3A_6, %get3A_7] : memref<128x128xf32, #tpu.memory_space<vmem>>, vector<128x128xf32>
    %dot_general3A = arith.constant dense<0.000000e+00> : vector<2048x128xf32>
    %dot_general3A_9 = tpu.matmul %mul3A_5, %get3A_8, %dot_general3A {dimension_numbers = #tpu.dot_dimension_numbers<[1], [0], [0], [1], [0, 0, 1, 1], [], []>, transpose_lhs_hint = false} : vector<2048x128xf32>, vector<128x128xf32>, vector<2048x128xf32> -> vector<2048x128xf32>
    %get3A_10 = arith.constant 0 : index
    %get3A_11 = arith.constant 0 : index
    %get3A_12 = vector.load %arg5[%get3A_10, %get3A_11] : memref<1x128xf32, #tpu.memory_space<vmem>>, vector<1x128xf32>
    %add3A = vector.broadcast %get3A_12 : vector<1x128xf32> to vector<2048x128xf32>
    %add3A_13 = arith.addf %dot_general3A_9, %add3A : vector<2048x128xf32>
    %max3A = arith.constant 0.000000e+00 : f32
    %max3A_14 = vector.broadcast %max3A : f32 to vector<2048x128xf32>
    %max3A_15 = arith.maximumf %add3A_13, %max3A_14 : vector<2048x128xf32>
    %mul3A_16 = arith.constant 2048 : i32
    %mul3A_17 = arith.muli %arg0, %mul3A_16 : i32
    %iota3A = tpu.iota {dimensions = array<i32: 0>} : vector<2048x1xi32>
    %add3A_18 = vector.broadcast %mul3A_17 : i32 to vector<2048x1xi32>
    %add3A_19 = arith.addi %add3A_18, %iota3A : vector<2048x1xi32>
    %lt3A = arith.constant 10000 : i32
    %lt3A_20 = vector.broadcast %lt3A : i32 to vector<2048x1xi32>
    %lt3A_21 = arith.cmpi slt, %add3A_19, %lt3A_20 : vector<2048x1xi32>
    %get3A_22 = arith.constant 0 : index
    %get3A_23 = arith.constant 0 : index
    %get3A_24 = vector.load %arg3[%get3A_22, %get3A_23] : memref<2048x1xf32, #tpu.memory_space<vmem>>, vector<2048x1xf32>
    %mul3A_25 = vector.broadcast %get3A_24 : vector<2048x1xf32> to vector<2048x128xf32>
    %mul3A_26 = arith.mulf %max3A_15, %mul3A_25 : vector<2048x128xf32>
    %jit3A = arith.constant 0.000000e+00 : f32
    %broadcast_in_dim3A = vector.shape_cast %lt3A_21 : vector<2048x1xi1> to vector<2048x1xi1>
    %broadcast_in_dim3A_27 = vector.broadcast %broadcast_in_dim3A : vector<2048x1xi1> to vector<2048x128xi1>
    %broadcast_in_dim3A_28 = vector.broadcast %jit3A : f32 to vector<2048x128xf32>
    %select_n3A = arith.select %broadcast_in_dim3A_27, %mul3A_26, %broadcast_in_dim3A_28 : vector<2048x128xi1>, vector<2048x128xf32>
    %swap3A = arith.constant 0 : index
    %swap3A_29 = arith.constant 0 : index
    %swap3A_30 = vector.load %arg6[%swap3A, %swap3A_29] : memref<2048x128xf32, #tpu.memory_space<vmem>>, vector<2048x128xf32>
    tpu.vector_store %arg6[%swap3A, %swap3A_29], %select_n3A {strides = array<i32>} : memref<2048x128xf32, #tpu.memory_space<vmem>>, vector<2048x128xf32>,
    return
  }
  func.func @transform_0(%arg0: i32) -> (i32, i32) {
    %c0_i32 = arith.constant 0 : i32
    %c0_i32_0 = arith.constant 0 : i32
    return %arg0, %c0_i32 : i32, i32
  }
  func.func @transform_1(%arg0: i32) -> (i32, i32) {
    %c0_i32 = arith.constant 0 : i32
    %c0_i32_0 = arith.constant 0 : i32
    return %arg0, %c0_i32 : i32, i32
  }
  func.func @transform_2(%arg0: i32) -> (i32, i32) {
    %c0_i32 = arith.constant 0 : i32
    %c0_i32_0 = arith.constant 0 : i32
    return %arg0, %c0_i32 : i32, i32
  }
  func.func @transform_3(%arg0: i32) -> (i32, i32) {
    %c0_i32 = arith.constant 0 : i32
    %c0_i32_0 = arith.constant 0 : i32
    %c0_i32_1 = arith.constant 0 : i32
    return %c0_i32, %c0_i32_0 : i32, i32
  }
  func.func @transform_4(%arg0: i32) -> (i32, i32) {
    %c0_i32 = arith.constant 0 : i32
    %c0_i32_0 = arith.constant 0 : i32
    %c0_i32_1 = arith.constant 0 : i32
    return %c0_i32, %c0_i32_0 : i32, i32
  }
  func.func @transform_5(%arg0: i32) -> (i32, i32) {
    %c0_i32 = arith.constant 0 : i32
    %c0_i32_0 = arith.constant 0 : i32
    return %arg0, %c0_i32 : i32, i32
  }
}

module attributes {stable_mosaic.version = 14 : i64} {
  func.func @_tc_head_body(%arg0: i32, %arg1: memref<2048x128xf32, #tpu.memory_space<vmem>>, %arg2: memref<2048x1xf32, #tpu.memory_space<vmem>>, %arg3: memref<128x128xf32, #tpu.memory_space<vmem>>, %arg4: memref<1x128xf32, #tpu.memory_space<vmem>>, %arg5: memref<2048x128xf32, #tpu.memory_space<vmem>>, %arg6: memref<2048x1xf32, #tpu.memory_space<vmem>>) attributes {dimension_semantics = [#tpu.dimension_semantics<arbitrary>], iteration_bounds = array<i64: 5>, scalar_prefetch = 0 : i64, scratch_operands = 0 : i64, tpu.core_type = #tpu.core_type<tc>, window_params = [{transform_indices = @transform_0, window_bounds = array<i64: 2048, 128>}, {transform_indices = @transform_1, window_bounds = array<i64: 2048, 1>}, {pipeline_mode = #tpu.pipeline_mode<synchronous>, transform_indices = @transform_2, window_bounds = array<i64: 128, 128>}, {pipeline_mode = #tpu.pipeline_mode<synchronous>, transform_indices = @transform_3, window_bounds = array<i64: 1, 128>}, {transform_indices = @transform_4, window_bounds = array<i64: 2048, 128>}, {transform_indices = @transform_5, window_bounds = array<i64: 2048, 1>}]} {
    %get3A = arith.constant 0 : index
    %get3A_0 = arith.constant 0 : index
    %get3A_1 = vector.load %arg1[%get3A, %get3A_0] : memref<2048x128xf32, #tpu.memory_space<vmem>>, vector<2048x128xf32>
    %get3A_2 = arith.constant 0 : index
    %get3A_3 = arith.constant 0 : index
    %get3A_4 = vector.load %arg2[%get3A_2, %get3A_3] : memref<2048x1xf32, #tpu.memory_space<vmem>>, vector<2048x1xf32>
    %mul3A = vector.broadcast %get3A_4 : vector<2048x1xf32> to vector<2048x128xf32>
    %mul3A_5 = arith.mulf %get3A_1, %mul3A : vector<2048x128xf32>
    %get3A_6 = arith.constant 0 : index
    %get3A_7 = arith.constant 0 : index
    %get3A_8 = vector.load %arg3[%get3A_6, %get3A_7] : memref<128x128xf32, #tpu.memory_space<vmem>>, vector<128x128xf32>
    %dot_general3A = arith.constant dense<0.000000e+00> : vector<2048x128xf32>
    %dot_general3A_9 = tpu.matmul %mul3A_5, %get3A_8, %dot_general3A {dimension_numbers = #tpu.dot_dimension_numbers<[1], [0], [0], [1], [0, 0, 1, 1], [], []>, transpose_lhs_hint = false} : vector<2048x128xf32>, vector<128x128xf32>, vector<2048x128xf32> -> vector<2048x128xf32>
    %get3A_10 = arith.constant 0 : index
    %get3A_11 = arith.constant 0 : index
    %get3A_12 = vector.load %arg4[%get3A_10, %get3A_11] : memref<1x128xf32, #tpu.memory_space<vmem>>, vector<1x128xf32>
    %add3A = vector.broadcast %get3A_12 : vector<1x128xf32> to vector<2048x128xf32>
    %add3A_13 = arith.addf %dot_general3A_9, %add3A : vector<2048x128xf32>
    %max3A = arith.constant 0.000000e+00 : f32
    %max3A_14 = vector.broadcast %max3A : f32 to vector<2048x128xf32>
    %max3A_15 = arith.maximumf %add3A_13, %max3A_14 : vector<2048x128xf32>
    %mul3A_16 = arith.constant 2048 : i32
    %mul3A_17 = arith.muli %arg0, %mul3A_16 : i32
    %iota3A = tpu.iota {dimensions = array<i32: 0>} : vector<2048x1xi32>
    %add3A_18 = vector.broadcast %mul3A_17 : i32 to vector<2048x1xi32>
    %add3A_19 = arith.addi %add3A_18, %iota3A : vector<2048x1xi32>
    %lt3A = arith.constant 10000 : i32
    %lt3A_20 = vector.broadcast %lt3A : i32 to vector<2048x1xi32>
    %lt3A_21 = arith.cmpi slt, %add3A_19, %lt3A_20 : vector<2048x1xi32>
    %jit3A = arith.constant 0.000000e+00 : f32
    %broadcast_in_dim3A = vector.shape_cast %lt3A_21 : vector<2048x1xi1> to vector<2048x1xi1>
    %broadcast_in_dim3A_22 = vector.broadcast %broadcast_in_dim3A : vector<2048x1xi1> to vector<2048x128xi1>
    %broadcast_in_dim3A_23 = vector.broadcast %jit3A : f32 to vector<2048x128xf32>
    %select_n3A = arith.select %broadcast_in_dim3A_22, %max3A_15, %broadcast_in_dim3A_23 : vector<2048x128xi1>, vector<2048x128xf32>
    %swap3A = arith.constant 0 : index
    %swap3A_24 = arith.constant 0 : index
    %swap3A_25 = vector.load %arg5[%swap3A, %swap3A_24] : memref<2048x128xf32, #tpu.memory_space<vmem>>, vector<2048x128xf32>
    tpu.vector_store %arg5[%swap3A, %swap3A_24], %select_n3A {strides = array<i32>} : memref<2048x128xf32, #tpu.memory_space<vmem>>, vector<2048x128xf32>,
    %slice3A = vector.extract_strided_slice %max3A_15 {offsets = [0, 127], sizes = [2048, 1], strides = [1, 1]} : vector<2048x128xf32> to vector<2048x1xf32>
    %jit3A_26 = arith.constant -1.000000e+00 : f32
    %broadcast_in_dim3A_27 = vector.broadcast %jit3A_26 : f32 to vector<2048x1xf32>
    %select_n3A_28 = arith.select %lt3A_21, %slice3A, %broadcast_in_dim3A_27 : vector<2048x1xi1>, vector<2048x1xf32>
    %swap3A_29 = arith.constant 0 : index
    %swap3A_30 = arith.constant 0 : index
    %swap3A_31 = vector.load %arg6[%swap3A_29, %swap3A_30] : memref<2048x1xf32, #tpu.memory_space<vmem>>, vector<2048x1xf32>
    tpu.vector_store %arg6[%swap3A_29, %swap3A_30], %select_n3A_28 {strides = array<i32>} : memref<2048x1xf32, #tpu.memory_space<vmem>>, vector<2048x1xf32>,
    return
  }
  func.func @transform_0(%arg0: i32) -> (i32, i32) {
    %c0_i32 = arith.constant 0 : i32
    %c0_i32_0 = arith.constant 0 : i32
    return %arg0, %c0_i32 : i32, i32
  }
  func.func @transform_1(%arg0: i32) -> (i32, i32) {
    %c0_i32 = arith.constant 0 : i32
    %c0_i32_0 = arith.constant 0 : i32
    return %arg0, %c0_i32 : i32, i32
  }
  func.func @transform_2(%arg0: i32) -> (i32, i32) {
    %c0_i32 = arith.constant 0 : i32
    %c0_i32_0 = arith.constant 0 : i32
    %c0_i32_1 = arith.constant 0 : i32
    return %c0_i32, %c0_i32_0 : i32, i32
  }
  func.func @transform_3(%arg0: i32) -> (i32, i32) {
    %c0_i32 = arith.constant 0 : i32
    %c0_i32_0 = arith.constant 0 : i32
    %c0_i32_1 = arith.constant 0 : i32
    return %c0_i32, %c0_i32_0 : i32, i32
  }
  func.func @transform_4(%arg0: i32) -> (i32, i32) {
    %c0_i32 = arith.constant 0 : i32
    %c0_i32_0 = arith.constant 0 : i32
    return %arg0, %c0_i32 : i32, i32
  }
  func.func @transform_5(%arg0: i32) -> (i32, i32) {
    %c0_i32 = arith.constant 0 : i32
    %c0_i32_0 = arith.constant 0 : i32
    return %arg0, %c0_i32 : i32, i32
  }
}

module attributes {stable_mosaic.version = 14 : i64} {
  func.func @_tc_rank_body(%arg0: i32, %arg1: i32, %arg2: memref<1x1000x1xf32, #tpu.memory_space<vmem>>, %arg3: memref<1x1x5120xf32, #tpu.memory_space<vmem>>, %arg4: memref<1x1000x1xi32, #tpu.memory_space<vmem>>) attributes {dimension_semantics = [#tpu.dimension_semantics<arbitrary>, #tpu.dimension_semantics<arbitrary>], iteration_bounds = array<i64: 2, 5>, scalar_prefetch = 0 : i64, scratch_operands = 0 : i64, tpu.core_type = #tpu.core_type<tc>, window_params = [{transform_indices = @transform_0, window_bounds = array<i64: 1, 1000, 1>}, {transform_indices = @transform_1, window_bounds = array<i64: 1, 1, 5120>}, {transform_indices = @transform_2, window_bounds = array<i64: 1, 1000, 1>}]} {
    %get3A = arith.constant 0 : index
    %get3A_0 = arith.constant 0 : index
    %get3A_1 = arith.constant 0 : index
    %get3A_2 = vector.load %arg2[%get3A, %get3A_0, %get3A_1] : memref<1x1000x1xf32, #tpu.memory_space<vmem>>, vector<1x1000x1xf32>
    %get3A_3 = vector.shape_cast %get3A_2 : vector<1x1000x1xf32> to vector<1000x1xf32>
    %mul3A = arith.constant 1000 : i32
    %mul3A_4 = arith.muli %arg1, %mul3A : i32
    %iota3A = tpu.iota {dimensions = array<i32: 0>} : vector<1000x1xi32>
    %add3A = vector.broadcast %mul3A_4 : i32 to vector<1000x1xi32>
    %add3A_5 = arith.addi %add3A, %iota3A : vector<1000x1xi32>
    %broadcast_in_dim3A = arith.constant 0.000000e+00 : f32
    %broadcast_in_dim3A_6 = vector.broadcast %broadcast_in_dim3A : f32 to vector<1000x1xf32>
    %scan3A = arith.constant 0 : i32
    %scan3A_7 = arith.constant 10 : i32
    %scan3A_8 = arith.addi %scan3A, %scan3A_7 : i32
    %scan3A_9 = arith.constant 1 : i32
    %scan3A_10 = scf.for %scan3A_21 = %scan3A to %scan3A_8 step %scan3A_9 iter_args(%scan3A_22 = %broadcast_in_dim3A_6) -> (vector<1000x1xf32>)  : i32 {
      %mul3A_23 = arith.constant 512 : i32
      %mul3A_24 = arith.muli %scan3A_21, %mul3A_23 : i32
      %get3A_25 = arith.constant 0 : index
      %get3A_26 = arith.constant 0 : index
      %get3A_27 = arith.index_cast %mul3A_24 : i32 to index
      %get3A_28 = vector.load %arg3[%get3A_25, %get3A_26, %get3A_27] : memref<1x1x5120xf32, #tpu.memory_space<vmem>>, vector<1x1x512xf32>
      %get3A_29 = vector.shape_cast %get3A_28 : vector<1x1x512xf32> to vector<1x512xf32>
      %mul3A_30 = arith.constant 512 : i32
      %mul3A_31 = arith.muli %scan3A_21, %mul3A_30 : i32
      %iota3A_32 = tpu.iota {dimensions = array<i32: 1>} : vector<1x512xi32>
      %add3A_33 = vector.broadcast %mul3A_31 : i32 to vector<1x512xi32>
      %add3A_34 = arith.addi %add3A_33, %iota3A_32 : vector<1x512xi32>
      %gt3A = vector.broadcast %get3A_29 : vector<1x512xf32> to vector<1000x512xf32>
      %gt3A_35 = vector.broadcast %get3A_3 : vector<1000x1xf32> to vector<1000x512xf32>
      %gt3A_36 = arith.cmpf ogt, %gt3A, %gt3A_35 : vector<1000x512xf32>
      %eq3A = vector.broadcast %get3A_29 : vector<1x512xf32> to vector<1000x512xf32>
      %eq3A_37 = vector.broadcast %get3A_3 : vector<1000x1xf32> to vector<1000x512xf32>
      %eq3A_38 = arith.cmpf oeq, %eq3A, %eq3A_37 : vector<1000x512xf32>
      %lt3A = vector.broadcast %add3A_34 : vector<1x512xi32> to vector<1000x512xi32>
      %lt3A_39 = vector.broadcast %add3A_5 : vector<1000x1xi32> to vector<1000x512xi32>
      %lt3A_40 = arith.cmpi slt, %lt3A, %lt3A_39 : vector<1000x512xi32>
      %and3A = arith.andi %eq3A_38, %lt3A_40 : vector<1000x512xi1>
      %or3A = arith.ori %gt3A_36, %and3A : vector<1000x512xi1>
      %convert_element_type3A_41 = arith.extui %or3A : vector<1000x512xi1> to vector<1000x512xi32>
      %convert_element_type3A_42 = arith.sitofp %convert_element_type3A_41 : vector<1000x512xi32> to vector<1000x512xf32>
      %reduce_sum3A = arith.constant dense<0.000000e+00> : vector<1000xf32>
      %reduce_sum3A_43 = vector.multi_reduction <add>, %convert_element_type3A_42, %reduce_sum3A [1] : vector<1000x512xf32> to vector<1000xf32>
      %broadcast_in_dim3A_44 = vector.shape_cast %reduce_sum3A_43 : vector<1000xf32> to vector<1000x1xf32>
      %add3A_45 = arith.addf %scan3A_22, %broadcast_in_dim3A_44 : vector<1000x1xf32>
      scf.yield %add3A_45 : vector<1000x1xf32>
    }
    %scan3A_11 = arith.constant 10 : i32
    %convert_element_type3A = arith.fptosi %scan3A_10 : vector<1000x1xf32> to vector<1000x1xi32>
    %mul3A_12 = arith.constant 5000 : i32
    %mul3A_13 = arith.muli %arg0, %mul3A_12 : i32
    %add3A_14 = vector.broadcast %mul3A_13 : i32 to vector<1000x1xi32>
    %add3A_15 = arith.addi %convert_element_type3A, %add3A_14 : vector<1000x1xi32>
    %swap3A = arith.constant 0 : index
    %swap3A_16 = arith.constant 0 : index
    %swap3A_17 = arith.constant 0 : index
    %swap3A_18 = vector.load %arg4[%swap3A, %swap3A_16, %swap3A_17] : memref<1x1000x1xi32, #tpu.memory_space<vmem>>, vector<1x1000x1xi32>
    %swap3A_19 = vector.shape_cast %swap3A_18 : vector<1x1000x1xi32> to vector<1000x1xi32>
    %swap3A_20 = vector.shape_cast %add3A_15 : vector<1000x1xi32> to vector<1x1000x1xi32>
    tpu.vector_store %arg4[%swap3A, %swap3A_16, %swap3A_17], %swap3A_20 {strides = array<i32>} : memref<1x1000x1xi32, #tpu.memory_space<vmem>>, vector<1x1000x1xi32>,
    return
  }
  func.func @transform_0(%arg0: i32, %arg1: i32) -> (i32, i32, i32) {
    %c0_i32 = arith.constant 0 : i32
    %c0_i32_0 = arith.constant 0 : i32
    return %arg0, %arg1, %c0_i32 : i32, i32, i32
  }
  func.func @transform_1(%arg0: i32, %arg1: i32) -> (i32, i32, i32) {
    %c0_i32 = arith.constant 0 : i32
    %c0_i32_0 = arith.constant 0 : i32
    %c0_i32_1 = arith.constant 0 : i32
    return %arg0, %c0_i32, %c0_i32_0 : i32, i32, i32
  }
  func.func @transform_2(%arg0: i32, %arg1: i32) -> (i32, i32, i32) {
    %c0_i32 = arith.constant 0 : i32
    %c0_i32_0 = arith.constant 0 : i32
    return %arg0, %arg1, %c0_i32 : i32, i32, i32
  }
}

module attributes {stable_mosaic.version = 14 : i64} {
  func.func @_tc_scale_body(%arg0: i32, %arg1: memref<2x2048x128xf32, #tpu.memory_space<vmem>>, %arg2: memref<2048x1xf32, #tpu.memory_space<vmem>>, %arg3: memref<2048x128xf32, #tpu.memory_space<vmem>>) attributes {dimension_semantics = [#tpu.dimension_semantics<arbitrary>], iteration_bounds = array<i64: 5>, scalar_prefetch = 0 : i64, scratch_operands = 0 : i64, tpu.core_type = #tpu.core_type<tc>, window_params = [{transform_indices = @transform_0, window_bounds = array<i64: 2, 2048, 128>}, {transform_indices = @transform_1, window_bounds = array<i64: 2048, 1>}, {transform_indices = @transform_2, window_bounds = array<i64: 2048, 128>}]} {
    %mul3A = arith.constant 2048 : i32
    %mul3A_0 = arith.muli %arg0, %mul3A : i32
    %iota3A = tpu.iota {dimensions = array<i32: 0>} : vector<2048x1xi32>
    %add3A = vector.broadcast %mul3A_0 : i32 to vector<2048x1xi32>
    %add3A_1 = arith.addi %add3A, %iota3A : vector<2048x1xi32>
    %get3A = arith.constant 0 : index
    %get3A_2 = arith.constant 0 : index
    %get3A_3 = arith.constant 0 : index
    %get3A_4 = vector.load %arg1[%get3A, %get3A_2, %get3A_3] : memref<2x2048x128xf32, #tpu.memory_space<vmem>>, vector<1x2048x128xf32>
    %get3A_5 = vector.shape_cast %get3A_4 : vector<1x2048x128xf32> to vector<2048x128xf32>
    %get3A_6 = arith.constant 1 : index
    %get3A_7 = arith.constant 0 : index
    %get3A_8 = arith.constant 0 : index
    %get3A_9 = vector.load %arg1[%get3A_6, %get3A_7, %get3A_8] : memref<2x2048x128xf32, #tpu.memory_space<vmem>>, vector<1x2048x128xf32>
    %get3A_10 = vector.shape_cast %get3A_9 : vector<1x2048x128xf32> to vector<2048x128xf32>
    %add3A_11 = arith.addf %get3A_5, %get3A_10 : vector<2048x128xf32>
    %lt3A = arith.constant 10000 : i32
    %lt3A_12 = vector.broadcast %lt3A : i32 to vector<2048x1xi32>
    %lt3A_13 = arith.cmpi slt, %add3A_1, %lt3A_12 : vector<2048x1xi32>
    %get3A_14 = arith.constant 0 : index
    %get3A_15 = arith.constant 0 : index
    %get3A_16 = vector.load %arg2[%get3A_14, %get3A_15] : memref<2048x1xf32, #tpu.memory_space<vmem>>, vector<2048x1xf32>
    %mul3A_17 = vector.broadcast %get3A_16 : vector<2048x1xf32> to vector<2048x128xf32>
    %mul3A_18 = arith.mulf %add3A_11, %mul3A_17 : vector<2048x128xf32>
    %jit3A = arith.constant 0.000000e+00 : f32
    %broadcast_in_dim3A = vector.shape_cast %lt3A_13 : vector<2048x1xi1> to vector<2048x1xi1>
    %broadcast_in_dim3A_19 = vector.broadcast %broadcast_in_dim3A : vector<2048x1xi1> to vector<2048x128xi1>
    %broadcast_in_dim3A_20 = vector.broadcast %jit3A : f32 to vector<2048x128xf32>
    %select_n3A = arith.select %broadcast_in_dim3A_19, %mul3A_18, %broadcast_in_dim3A_20 : vector<2048x128xi1>, vector<2048x128xf32>
    %swap3A = arith.constant 0 : index
    %swap3A_21 = arith.constant 0 : index
    %swap3A_22 = vector.load %arg3[%swap3A, %swap3A_21] : memref<2048x128xf32, #tpu.memory_space<vmem>>, vector<2048x128xf32>
    tpu.vector_store %arg3[%swap3A, %swap3A_21], %select_n3A {strides = array<i32>} : memref<2048x128xf32, #tpu.memory_space<vmem>>, vector<2048x128xf32>,
    return
  }
  func.func @transform_0(%arg0: i32) -> (i32, i32, i32) {
    %c0_i32 = arith.constant 0 : i32
    %c0_i32_0 = arith.constant 0 : i32
    %c0_i32_1 = arith.constant 0 : i32
    return %c0_i32, %arg0, %c0_i32_0 : i32, i32, i32
  }
  func.func @transform_1(%arg0: i32) -> (i32, i32) {
    %c0_i32 = arith.constant 0 : i32
    %c0_i32_0 = arith.constant 0 : i32
    return %arg0, %c0_i32 : i32, i32
  }
  func.func @transform_2(%arg0: i32) -> (i32, i32) {
    %c0_i32 = arith.constant 0 : i32
    %c0_i32_0 = arith.constant 0 : i32
    return %arg0, %c0_i32 : i32, i32
  }
}

module attributes {stable_mosaic.version = 14 : i64} {
  func.func @_tc_final_body(%arg0: i32, %arg1: memref<2x2000x128xf32, #tpu.memory_space<vmem>>, %arg2: memref<2000x1xf32, #tpu.memory_space<vmem>>, %arg3: memref<128x16xf32, #tpu.memory_space<vmem>>, %arg4: memref<1x16xf32, #tpu.memory_space<vmem>>, %arg5: memref<2000x16xf32, #tpu.memory_space<vmem>>) attributes {dimension_semantics = [#tpu.dimension_semantics<arbitrary>], iteration_bounds = array<i64: 5>, scalar_prefetch = 0 : i64, scratch_operands = 0 : i64, tpu.core_type = #tpu.core_type<tc>, window_params = [{transform_indices = @transform_0, window_bounds = array<i64: 2, 2000, 128>}, {transform_indices = @transform_1, window_bounds = array<i64: 2000, 1>}, {pipeline_mode = #tpu.pipeline_mode<synchronous>, transform_indices = @transform_2, window_bounds = array<i64: 128, 16>}, {pipeline_mode = #tpu.pipeline_mode<synchronous>, transform_indices = @transform_3, window_bounds = array<i64: 1, 16>}, {transform_indices = @transform_4, window_bounds = array<i64: 2000, 16>}]} {
    %get3A = arith.constant 0 : index
    %get3A_0 = arith.constant 0 : index
    %get3A_1 = arith.constant 0 : index
    %get3A_2 = vector.load %arg1[%get3A, %get3A_0, %get3A_1] : memref<2x2000x128xf32, #tpu.memory_space<vmem>>, vector<1x2000x128xf32>
    %get3A_3 = vector.shape_cast %get3A_2 : vector<1x2000x128xf32> to vector<2000x128xf32>
    %get3A_4 = arith.constant 1 : index
    %get3A_5 = arith.constant 0 : index
    %get3A_6 = arith.constant 0 : index
    %get3A_7 = vector.load %arg1[%get3A_4, %get3A_5, %get3A_6] : memref<2x2000x128xf32, #tpu.memory_space<vmem>>, vector<1x2000x128xf32>
    %get3A_8 = vector.shape_cast %get3A_7 : vector<1x2000x128xf32> to vector<2000x128xf32>
    %add3A = arith.addf %get3A_3, %get3A_8 : vector<2000x128xf32>
    %get3A_9 = arith.constant 0 : index
    %get3A_10 = arith.constant 0 : index
    %get3A_11 = vector.load %arg2[%get3A_9, %get3A_10] : memref<2000x1xf32, #tpu.memory_space<vmem>>, vector<2000x1xf32>
    %mul3A = vector.broadcast %get3A_11 : vector<2000x1xf32> to vector<2000x128xf32>
    %mul3A_12 = arith.mulf %add3A, %mul3A : vector<2000x128xf32>
    %get3A_13 = arith.constant 0 : index
    %get3A_14 = arith.constant 0 : index
    %get3A_15 = vector.load %arg3[%get3A_13, %get3A_14] : memref<128x16xf32, #tpu.memory_space<vmem>>, vector<128x16xf32>
    %dot_general3A = arith.constant dense<0.000000e+00> : vector<2000x16xf32>
    %dot_general3A_16 = tpu.matmul %mul3A_12, %get3A_15, %dot_general3A {dimension_numbers = #tpu.dot_dimension_numbers<[1], [0], [0], [1], [0, 0, 1, 1], [], []>, transpose_lhs_hint = false} : vector<2000x128xf32>, vector<128x16xf32>, vector<2000x16xf32> -> vector<2000x16xf32>
    %get3A_17 = arith.constant 0 : index
    %get3A_18 = arith.constant 0 : index
    %get3A_19 = vector.load %arg4[%get3A_17, %get3A_18] : memref<1x16xf32, #tpu.memory_space<vmem>>, vector<1x16xf32>
    %add3A_20 = vector.broadcast %get3A_19 : vector<1x16xf32> to vector<2000x16xf32>
    %add3A_21 = arith.addf %dot_general3A_16, %add3A_20 : vector<2000x16xf32>
    %swap3A = arith.constant 0 : index
    %swap3A_22 = arith.constant 0 : index
    %swap3A_23 = vector.load %arg5[%swap3A, %swap3A_22] : memref<2000x16xf32, #tpu.memory_space<vmem>>, vector<2000x16xf32>
    tpu.vector_store %arg5[%swap3A, %swap3A_22], %add3A_21 {strides = array<i32>} : memref<2000x16xf32, #tpu.memory_space<vmem>>, vector<2000x16xf32>,
    return
  }
  func.func @transform_0(%arg0: i32) -> (i32, i32, i32) {
    %c0_i32 = arith.constant 0 : i32
    %c0_i32_0 = arith.constant 0 : i32
    %c0_i32_1 = arith.constant 0 : i32
    return %c0_i32, %arg0, %c0_i32_0 : i32, i32, i32
  }
  func.func @transform_1(%arg0: i32) -> (i32, i32) {
    %c0_i32 = arith.constant 0 : i32
    %c0_i32_0 = arith.constant 0 : i32
    return %arg0, %c0_i32 : i32, i32
  }
  func.func @transform_2(%arg0: i32) -> (i32, i32) {
    %c0_i32 = arith.constant 0 : i32
    %c0_i32_0 = arith.constant 0 : i32
    %c0_i32_1 = arith.constant 0 : i32
    return %c0_i32, %c0_i32_0 : i32, i32
  }
  func.func @transform_3(%arg0: i32) -> (i32, i32) {
    %c0_i32 = arith.constant 0 : i32
    %c0_i32_0 = arith.constant 0 : i32
    %c0_i32_1 = arith.constant 0 : i32
    return %c0_i32, %c0_i32_0 : i32, i32
  }
  func.func @transform_4(%arg0: i32) -> (i32, i32) {
    %c0_i32 = arith.constant 0 : i32
    %c0_i32_0 = arith.constant 0 : i32
    return %arg0, %c0_i32 : i32, i32
  }
}

</mosaic_0001>

<sc_bundles>
// kernel: kernel.14.cloned.1.call-start
scs
__scs_entry_jumppad:
0x0: {  	(pc) =	sbr.rel $0x88, $3  }
0x1: {  	(tag) =	ssettag $0x0;
	lr =	simm.s32 $0x1  }
0x2: {  	[smem:$0x3F99] =	sst lr;
	_ =	strace $0xD0000000  }
0x3: {  	_ = 	snop  }
0x4: {  	_ = 	snop  }
0x5: {  	_ = 	snop  }
0x6: {  	_ = 	snop  }
0x7: {  	_ = 	snop  }
__scs_overlays_trampoline_lowered:
0x8: {  	[smem:$0x3FA8] =	sst s0  }
0x9: {  	[smem:$0x3FA9] =	sst s1  }
0xa: {  	[smem:$0x3FAA] =	sst s2  }
0xb: {  	[smem:$0x3FAB] =	sst s3  }
0xc: {  	[smem:$0x3FAC] =	sst s4  }
0xd: {  	[smem:$0x3FAD] =	sst s5  }
0xe: {  	[smem:$0x3FAE] =	sst s6  }
0xf: {  	[smem:$0x3FAF] =	sst s7  }
0x10: {  	[smem:$0x3FB0] =	sst s8  }
0x11: {  	[smem:$0x3FB1] =	sst s9;
	s0 =	simm.s32 @!p0 $0x0  }
0x12: {  	s1 =	sld [smem:$0x3F97];
	s0 =	simm.s32 @p0 $0x1  }
0x13: {  	[smem:$0x3FB2] =	sst s0;
	s0 =	simm.s32 @!p1 $0x0  }
0x14: {  	s2 =	sld [smem:$0x3F96];
	s0 =	simm.s32 @p1 $0x1  }
0x15: {  	[smem:$0x3FB3] =	sst s0;
	s0 =	simm.s32 @!p2 $0x0  }
0x16: {  	s3 =	sld [smem:$0x3FDB];
	s0 =	simm.s32 @p2 $0x1  }
0x17: {  	s4 =	simm.s32 $0x1BF5;
	[smem:$0x3FB5] =	sst s0  }
0x18: {  	s0 =	sld [smem:$0x3F98];
	_ =	swait.ge [sflag:s4], $0x0  }
0x19: {  	s7 =	sld [smem:$0x3F99]  }
0x1a: {  	s8 =	sadd.s32 $0xFFFFE003, lr  }
0x1b: {  	s9 =	sadd.s32 $0xFFFFFEF7, lr;
	s5 =	simm.s32 $0xFFFFFFFF;
	p2 =	slt.u32 s8, $0xFFFFF086  }
0x1c: {  	p1 =	slt.u32 s9, $0xF7A;
	s5 =	simm.s32 @!p2 $0x0  }
0x1d: {  	s5 =	simm.s32 @p1 $0x1;
	p0 =	seq.s32 s7, s2  }
0x1e: {  	s7 =	smul.u32 @!p0 $0xF7A, s2;
	p2 =	seq.s32 @!p0 s5, $0x0  }
0x1f: {  	s9 =	smul.u32 $0xF7A, s1;
	s8 =	simm.s32 @!p0 $0x1BF5;
	p2 =	por !p2, p0  }
0x20: {  	[sflag:s8] =	ssyncset.s32 @!p0 $0xFFFFF086;
	s6 =	sadd.s32 @!p0 s3, s7;
	s7 =	simm.s32 @!p0 $0x108  }
0x21: {  	s3 =	sadd.s32 s3, s9;
	s6 =	sadd.s32 @!p0 $0x88, s6;
	s7 =	simm.s32 @p2 $0x1082  }
0x22: {  	[simem:s7], [sflag:s8] =	dma.local @!p0 [hbm:s6], $0xF7A  }
0x23: {  	s9 =	sor.u32 $0xD0000000, s2;
	s6 =	simm.s32 $0x108;
	_ =	swait.ge @!p0 [sflag:s8], $0x0  }
0x24: {  	s3 =	sadd.s32 $0x88, s3;
	s6 =	simm.s32 @!p1 $0x1082;
	[sflag:s4] =	ssyncset.s32 $0xFFFFF086  }
0x25: {  	[simem:s6], [sflag:s4] =	dma.local [hbm:s3], $0xF7A  }
0x26: {  	[smem:$0x3F99] =	sst s1;
	(tag) =	ssettag s2;
	_ =	strace s9  }
0x27: {  	s1 =	sld [smem:$0x3FA9]  }
0x28: {  	s2 =	sld [smem:$0x3FAA]  }
0x29: {  	s4 =	sld [smem:$0x3FAC]  }
0x2a: {  	p0 =	seq.s32 s5, $0x0;
	s5 =	sld [smem:$0x3FAD]  }
0x2b: {  	s6 =	sld [smem:$0x3FAE]  }
0x2c: {  	s7 =	sld [smem:$0x3FAF]  }
0x2d: {  	s3 =	simm.s32 $0x108;
	s8 =	sld [smem:$0x3FB0]  }
0x2e: {  	s3 =	simm.s32 @!p0 $0x1082;
	s9 =	sld [smem:$0x3FB1]  }
0x2f: {  	lr =	sadd.s32 s0, s3;
	s0 =	sld [smem:$0x3FA8]  }
0x30: {  	s3 =	sld [smem:$0x3FAB]  }
0x31: {  	[smem:$0x3FB4] =	sst s10  }
0x32: {  	s10 =	sld [smem:$0x3FB2];
	_ =	sdelay $0x3  }
0x33: {  	p0 =	seq.s32 s10, $0x1;
	s10 =	sld [smem:$0x3FB4];
	_ =	sdelay $0x3  }
0x34: {  	[smem:$0x3FB4] =	sst s10  }
0x35: {  	s10 =	sld [smem:$0x3FB3];
	_ =	sdelay $0x3  }
0x36: {  	p1 =	seq.s32 s10, $0x1;
	s10 =	sld [smem:$0x3FB4];
	_ =	sdelay $0x3  }
0x37: {  	[smem:$0x3FB4] =	sst s10  }
0x38: {  	s10 =	sld [smem:$0x3FB5]  }
0x39: {  	_ = 	snop;
	(pc) =	sbr.ind lr, $3  }
0x3a: {  	_ = 	snop  }
0x3b: {  	_ = 	snop  }
0x3c: {  	p2 =	seq.s32 s10, $0x1;
	s10 =	sld [smem:$0x3FB4]  }
0x3d: {  	_ =	shalt  }
0x3e: {  	_ =	shalt  }
0x3f: {  	_ =	shalt  }
0x40: {  	_ =	shalt  }
0x41: {  	_ =	shalt  }
0x42: {  	_ =	shalt  }
0x43: {  	_ =	shalt  }
0x44: {  	_ =	shalt  }
0x45: {  	_ =	shalt  }
0x46: {  	_ =	shalt  }
0x47: {  	_ =	shalt  }
0x48: {  	_ =	shalt  }
0x49: {  	_ =	shalt  }
0x4a: {  	_ =	shalt  }
0x4b: {  	_ =	shalt  }
0x4c: {  	_ =	shalt  }
0x4d: {  	_ =	shalt  }
0x4e: {  	_ =	shalt  }
0x4f: {  	_ =	shalt  }
0x50: {  	_ =	shalt  }
0x51: {  	_ =	shalt  }
0x52: {  	_ =	shalt  }
0x53: {  	_ =	shalt  }
0x54: {  	_ =	shalt  }
0x55: {  	_ =	shalt  }
0x56: {  	_ =	shalt  }
0x57: {  	_ =	shalt  }
0x58: {  	_ =	shalt  }
0x59: {  	_ =	shalt  }
0x5a: {  	_ =	shalt  }
0x5b: {  	_ =	shalt  }
0x5c: {  	_ =	shalt  }
0x5d: {  	_ =	shalt  }
0x5e: {  	_ =	shalt  }
0x5f: {  	_ =	shalt  }
0x60: {  	_ =	shalt  }
0x61: {  	_ =	shalt  }
0x62: {  	_ =	shalt  }
0x63: {  	_ =	shalt  }
0x64: {  	_ =	shalt  }
0x65: {  	_ =	shalt  }
0x66: {  	_ =	shalt  }
0x67: {  	_ =	shalt  }
0x68: {  	_ =	shalt  }
0x69: {  	_ =	shalt  }
0x6a: {  	_ =	shalt  }
0x6b: {  	_ =	shalt  }
0x6c: {  	_ =	shalt  }
0x6d: {  	_ =	shalt  }
0x6e: {  	_ =	shalt  }
0x6f: {  	_ =	shalt  }
0x70: {  	_ =	shalt  }
0x71: {  	_ =	shalt  }
0x72: {  	_ =	shalt  }
0x73: {  	_ =	shalt  }
0x74: {  	_ =	shalt  }
0x75: {  	_ =	shalt  }
0x76: {  	_ =	shalt  }
0x77: {  	_ =	shalt  }
0x78: {  	_ =	shalt  }
0x79: {  	_ =	shalt  }
0x7a: {  	_ =	shalt  }
0x7b: {  	_ =	shalt  }
0x7c: {  	_ =	shalt  }
0x7d: {  	_ =	shalt  }
0x7e: {  	_ =	shalt  }
0x7f: {  	_ =	shalt  }
0x80: {  	_ =	shalt  }
0x81: {  	_ =	shalt  }
0x82: {  	_ =	shalt  }
0x83: {  	_ =	shalt  }
0x84: {  	_ =	shalt  }
0x85: {  	_ =	shalt  }
0x86: {  	_ =	shalt  }
0x87: {  	_ =	shalt  }
.Lfunc_end0:
.L_simem_size_0:
called_computation_lowered:
.L_overlay_start_0:
0x88: {  	s2 =	sld [smem:$0x3FD9]  }
0x89: {  	s3 =	sld [smem:$0x3FFE];
	_ =	sdelay $0x1  }
0x8a: {  	s1 =	srdreg.scid  }
0x8b: {  	s0 =	sand.u32 $0x1, s1  }
0x8c: {  	s16 =	sshll.u32 s0, $0xA;
	s2 =	sadd.s32 s3, s2  }
0x8d: {  	s2 =	sadd.s32 s2, s16  }
0x8e: {  	[smem:$0x3FC0] =	sst s2  }
0x8f: {  	_ = 	snop  }
0x90: {  	(tm) =	ssettm $0x1  }
0x91: {  	s17 =	sld [smem:$0x3FFB];
	_ =	sdelay $0x3  }
0x92: {  	_ =	strace s17  }
0x93: {  	s2 =	sld [smem:$0x3FFC];
	_ =	sdelay $0x3  }
0x94: {  	_ =	strace s2  }
0x95: {  	s2 =	sld [smem:$0x3FFD];
	_ =	sdelay $0x3  }
0x96: {  	_ =	strace s2  }
0x97: {  	_ =	strace $0x8FFFFFFF  }
0x98: {  	s18 =	sld [smem:$0x3FDB];
	_ =	sdelay $0x1  }
0x99: {  	s19 =	simm.s32 $_scs_section_size  }
0x9a: {  	s4 =	simm.s32 $_size__tile_overlayer_lowered;
	s5 =	simm.s32 $_tile_overlayer_lowered  }
0x9b: {  	s22 =	simm.s32 $0x1BFF;
	s21 =	sshll.u32 s5, $0x1;
	s2 =	sadd.s32 s19, s18  }
0x9c: {  	s6 =	simm.s32 $0x0;
	s20 =	sshll.u32 s4, $0x1;
	s4 =	sadd.s32 s21, s2  }
0x9d: {  	[timem:s6], [sflag:s22] =	dma.local [hbm:s4], s20  }
0x9e: {  	_ =	swait.ge [sflag:s22], s20  }
0x9f: {  	s3 =	ssub.s32 $0x0, s20;
	[sflag:s22] =	ssyncset.done $0x0  }
0xa0: {  	[sflag:s22] =	ssyncadd.s32 s3;
	_ =	sdelay $0x1  }
0xa1: {  	s23 =	simm.s32 $0x1B8B  }
0xa2: {  	_ =	swait.ge [sflag:s23], $0x1  }
0xa3: {  	[sflag:s23] =	ssyncset.done $0x0  }
0xa4: {  	s25 =	simm.s32 $0x1B8E;
	s24 =	sld [smem:$0x3FFE];
	[sflag:s23] =	ssyncadd.s32 $0xFFFFFFFF  }
0xa5: {  	s26 =	simm.s32 $execute0_lowered;
	[smem:$0x3FD2] =	sst s25  }
0xa6: {  	s4 =	sshll.u32 s26, $0x1;
	_ =	strace $0x80000046;
	[dreg:$0x1] =	wrdreg $0xFFFFFFFF  }
0xa7: {  	s28 =	simm.s32 $_size_execute0_lowered;
	s2 =	sadd.s32 s2, s4;
	[dreg:$0x0] =	wrdreg $0x0  }
0xa8: {  	s4 =	sshll.u32 s28, $0x1;
	[dreg:$0x2] =	wrdreg s2  }
0xa9: {  	[dreg:$0x3] =	wrdreg s4  }
0xaa: {  	[dreg:$0x4] =	wrdreg $0xC0  }
0xab: {  	_ =	task [dreg:s6], $0x5FFFF  }
0xac: {  	[dreg:$0x1] =	wrdreg $0xFFFFFFFF  }
0xad: {  	[dreg:$0x0] =	wrdreg $0x60  }
0xae: {  	[dreg:$0x2] =	wrdreg s24  }
0xaf: {  	[dreg:$0x3] =	wrdreg $0x9  }
0xb0: {  	_ =	task.clear_ibuf [dreg:s6], $0x4FFFF;
	_ =	strace $0x90000046  }
0xb1: {  	s29 =	simm.s32 $0x9;
	_ =	strace $0x80000048  }
0xb2: {  	_ =	swait.ge [sflag:s29], $0x1  }
0xb3: {  	[sflag:s29] =	ssyncadd.s32 $0xFFFFFFFF  }
0xb4: {  	_ =	strace $0x90000048  }
0xb5: {  	_ =	sfence  }
0xb6: {  	s30 =	sld [smem:$0x0];
	_ =	sdelay $0x2  }
0xb7: {  	s31 =	sshll.u32 s1, $0xD;
	s1 =	sshrl.u32 s1, $0x2  }
0xb8: {  	s3 =	sand.u32 $0x4000, s31;
	s1 =	sadd.s32 s1, s30  }
0xb9: {  	s0 =	sor.u32 s3, s0;
	s1 =	sshll.u32 s1, $0x11  }
0xba: {  	s0 =	sor.u32 s1, s0  }
0xbb: {  	s0 =	sadd.s32 $0x8F2B, s0  }
0xbc: {  	[sflag:s0] =	ssyncadd.remote.s32 $0x1  }
0xbd: {  	_ =	sfence.sel $0xFFFF  }
0xbe: {  	[dreg:$0x0] =	wrdreg $0xFFFFFFFF;
	(pc) =	sbr.abs _section_cstart, $3  }
0xbf: {  	[dreg:$0x1] =	wrdreg $0xFFFFFFFF  }
0xc0: {  	_ =	task.clear_ibuf [dreg:s6], $0x2FFFF;
	_ =	strace $0x9FFFFFFF  }
0xc1: {  	(tm) =	ssettm $0x7FFFFFFF  }
tec
execute0_lowered:
.L_overlay_start_1:
0x0: {  	(tag) =	ssettag $0x1  }
0x1: {  	s0 =	srdreg.scid  }
0x2: {  	s6 =	rddreg [dreg:$0x0];
	s2 =	simm.s32 $0x0;
	s10 =	simm.s32 $0x80  }
0x3: {  	s13 =	simm.s32 $0x5000;
	s5 =	sand.u32 $0x1, s0;
	s0 =	stileid.u32  }
0x4: {  	[smem:$0x7FF] =	sst s2;
	s1 =	sshll.u32 s5, $0x4;
	s29 =	sshll.u32 s0, $0x7  }
0x5: {  	s30 =	ssub.s32 $0x2, s5;
	s12 =	smul.u32 $0x1400, s5;
	s4 =	sor.u32 s0, s1  }
0x6: {  	s1 =	rddreg [dreg:$0x1];
	s3 =	sshrl.u32 s4, $0x3;
	s9 =	smul.u32 $0x140, s4  }
0x7: {  	s8 =	sand.u32 $0x380, s29;
	_ =	strace $0x80000047;
	s7 =	smul.u32 $0x18000, s3  }
0x8: {  	s31 =	sshrl.u32 s30, $0x1;
	s4 =	sadd.s32 $0xFE00, s6;
	v2 =	vmov s12;
	s12 =	simm.s32 $0x2000  }
0x9: {  	s3 =	sadd.s32 $0x3600, s6;
	s11 =	sadd.s32 $0x140, s9;
	s7 =	sor.u32 s8, s7  }
0xa: {  	v0 =	vmov s9;
	s9 =	simm.s32 $0x1000;
	s8 =	simm.s32 $0x1;
	s7 =	sshrl.u32 s7, $0x3  }
0xb: {  	v1 =	vmov s11;
	s11 =	simm.s32 $0x400;
	s6 =	sadd.s32 s7, s6;
	s7 =	ssub.s32 s30, s31  }
0xc: {  	v3 =	vlaneseq.u32;
	s5 =	sadd.s32 $0x1C600, s6;
	s6 =	sadd.s32 $0x28600, s6;
	s7 =	smax.u32 s7, $0x1  }
.LBB2_1:
0xd: {  	s14 =	simm.s32 $0x50  }
0xe: {  	s15 =	simm.s32 $0x40;
	v4 =	vor.u32 s14, v3  }
0xf: {  	s25 =	simm.s32 $0x10;
	v10 =	vor.u32 s15, v3;
	v7 =	vmulhi.u32 $0x88888889, v4  }
0x10: {  	v8 =	vor.u32 s25, v3;
	v11 =	vmulhi.u32 $0xCCCCCCCD, v10  }
0x11: {  	s26 =	simm.s32 $0x20;
	v5 =	vmulhi.u32 $0xCCCCCCCD, v8  }
0x12: {  	s28 =	simm.s32 $0x0;
	v12 =	vor.u32 s26, v3;
	v6 =	vmulhi.u32 $0x88888889, v8  }
0x13: {  	v9 =	vor.u32 s28, v3;
	v13 =	vmulhi.u32 $0x88888889, v12  }
0x14: {  	s29 =	simm.s32 $0x30;
	v15 =	vmulhi.u32 $0xCCCCCCCD, v9  }
0x15: {  	v14 =	vor.u32 s29, v3;
	v17 =	vmulhi.u32 $0x88888889, v9  }
0x16: {  	v20 =	vmulhi.u32 $0xCCCCCCCD, v14  }
0x17: {  	v21 =	vmulhi.u32 $0x88888889, v10;
	v5 =	vshrl.u32 v5, $0xC;
	v6 =	vshrl.u32 v6, $0x7  }
0x18: {  	v13 =	vshrl.u32 v13, $0x7;
	v19 =	vshrl.u32 v7, $0x7;
	v7 =	vshrl.u32 v15, $0xC  }
0x19: {  	s30 =	simm.s32 $0x60;
	v15 =	vmulhi.u32 $0x88888889, v14;
	v20 =	vshrl.u32 v20, $0xC;
	v11 =	vshrl.u32 v11, $0xC  }
0x1a: {  	v16 =	vmul.u32 $0x1400, v5;
	v5 =	vor.u32 s30, v3;
	v18 =	vmul.u32 $0xF0, v6  }
0x1b: {  	v13 =	vmul.u32 $0xF0, v13;
	v7 =	vmul.u32 $0x1400, v7;
	v11 =	vmul.u32 $0x1400, v11  }
0x1c: {  	v19 =	vmul.u32 $0xF0, v19;
	v15 =	vshrl.u32 v15, $0x7;
	v6 =	vsub.s32 v8, v16  }
0x1d: {  	v16 =	vshrl.u32 v17, $0x7;
	v17 =	vmulhi.u32 $0xCCCCCCCD, v12;
	v13 =	vsub.s32 v12, v13  }
0x1e: {  	v15 =	vmul.u32 $0xF0, v15;
	v18 =	vsub.s32 v8, v18;
	v8 =	vmul.u32 $0x1400, v20  }
0x1f: {  	v20 =	vshrl.u32 v21, $0x7;
	v63 =	vsub.s32 v9, v7;
	v16 =	vmul.u32 $0xF0, v16  }
0x20: {  	v20 =	vmul.u32 $0xF0, v20;
	v13 =	vadd.s32 $0x2710, v13;
	v17 =	vshrl.u32 v17, $0xC  }
0x21: {  	v15 =	vsub.s32 v14, v15;
	v7 =	vsub.s32 v14, v8;
	v16 =	vsub.s32 v9, v16  }
0x22: {  	v9 =	vadd.s32 $0x2710, v15;
	v14 =	vmul.u32 $0x1400, v17;
	v17 =	vmulhi.u32 $0x88888889, v5  }
0x23: {  	v8 =	vsub.s32 v10, v20;
	v10 =	vsub.s32 v10, v11;
	v11 =	vmulhi.u32 $0xCCCCCCCD, v4  }
0x24: {  	v15 =	vadd.s32 $0x2710, v18;
	v20 =	vmulhi.u32 $0xCCCCCCCD, v5;
	v16 =	vadd.s32 $0x2710, v16  }
0x25: {  	s15 =	simm.s32 $0x2040;
	v8 =	vadd.s32 $0x2710, v8;
	v14 =	vsub.s32 v12, v14;
	v17 =	vshrl.u32 v17, $0x7  }
0x26: {  	s31 =	simm.s32 $0x70;
	s16 =	simm.s32 $0x5040;
	[tilespmem:s15+$0xFFFFFFC0] =	vst v16;
	v12 =	vsub.s32 v4, v19;
	v11 =	vshrl.u32 v11, $0xC;
	v16 =	vshrl.u32 v20, $0xC  }
0x27: {  	s20 =	simm.s32 $0xF0;
	s17 =	simm.s32 $0x50C0;
	s18 =	simm.s32 $0x20C0;
	v18 =	vmul.u32 $0xF0, v17;
	[tilespmem:s16+$0xFFFFFFC0] =	vst v63;
	v17 =	vmul.u32 $0x1400, v11;
	v11 =	vor.u32 s31, v3  }
.LBB2_2:
0x28: {  	s19 =	sadd.s32 $0xFFFFFF90, s20  }
0x29: {  	s21 =	sadd.s32 $0xFFFFFFA0, s20;
	s22 =	sadd.s32 $0xFFFFFFB0, s20;
	v18 =	vsub.s32 v5, v18;
	v19 =	vmulhi.u32 $0xCCCCCCCD, v11;
	s14 =	smov.u32 s20  }
0x2a: {  	v22 =	vmulhi.u32 $0x88888889, v11;
	v20 =	vor.u32 s19, v3;
	v21 =	vor.u32 s21, v3;
	s21 =	sadd.s32 $0xFFFFFFC0, s14;
	s23 =	sadd.s32 $0xFFFFFFD0, s14;
	s19 =	sadd.s32 $0x80, s20  }
0x2b: {  	p0 =	sne.s32 s20, $0x2FF0;
	v23 =	vor.u32 s22, v3;
	s22 =	sadd.s32 $0xFFFFFFF0, s14;
	v24 =	vor.u32 s21, v3;
	s21 =	sadd.s32 $0xFFFFFFE0, s14;
	[tilespmem:s15+$0xFFFFFFD0] =	vst v15;
	v15 =	vshrl.u32 v19, $0xC  }
0x2c: {  	v17 =	vsub.s32 v4, v17;
	v19 =	vor.u32 s22, v3;
	[tilespmem:s16+$0xFFFFFFD0] =	vst v6;
	v4 =	vor.u32 s21, v3  }
0x2d: {  	v25 =	vor.u32 s23, v3;
	v6 =	vshrl.u32 v22, $0x7;
	v26 =	vmulhi.u32 $0x88888889, v4;
	[tilespmem:s15+$0xFFFFFFE0] =	vst v13  }
0x2e: {  	v13 =	vmulhi.u32 $0xCCCCCCCD, v25;
	v6 =	vmul.u32 $0xF0, v6;
	[tilespmem:s16+$0xFFFFFFE0] =	vst v14;
	v14 =	vadd.s32 $0x2710, v18  }
0x2f: {  	v15 =	vmul.u32 $0x1400, v15;
	v18 =	vmulhi.u32 $0xCCCCCCCD, v21;
	[tilespmem:s15+$0xFFFFFFF0] =	vst v9;
	v9 =	vmul.u32 $0x1400, v16  }
0x30: {  	v16 =	vmulhi.u32 $0x88888889, v21;
	[tilespmem:s16+$0xFFFFFFF0] =	vst v7;
	v7 =	vadd.s32 $0x2710, v12;
	v12 =	vsub.s32 v11, v6  }
0x31: {  	v6 =	vshrl.u32 v18, $0xC;
	v18 =	vmulhi.u32 $0x88888889, v23;
	[tilespmem:s15+$0x0] =	vst v8;
	v8 =	vsub.s32 v5, v9;
	v5 =	vmovc v19  }
0x32: {  	v9 =	vmulhi.u32 $0xCCCCCCCD, v20;
	v6 =	vmul.u32 $0x1400, v6;
	[tilespmem:s16+$0x0] =	vst v10;
	v10 =	vsub.s32 v11, v15  }
0x33: {  	v11 =	vmulhi.u32 $0x88888889, v20;
	v15 =	vshrl.u32 v16, $0x7;
	v16 =	vshrl.u32 v18, $0x7;
	[tilespmem:s15+$0x10] =	vst v7  }
0x34: {  	v7 =	vmul.u32 $0xF0, v15;
	v6 =	vsub.s32 v21, v6;
	v15 =	vmul.u32 $0xF0, v16;
	[tilespmem:s16+$0x10] =	vst v17  }
0x35: {  	v16 =	vmulhi.u32 $0xCCCCCCCD, v23;
	v11 =	vshrl.u32 v11, $0x7;
	v17 =	vshrl.u32 v26, $0x7;
	[tilespmem:s15+$0x20] =	vst v14  }
0x36: {  	v9 =	vshrl.u32 v9, $0xC;
	v14 =	vmulhi.u32 $0x88888889, v24;
	[tilespmem:s16+$0x20] =	vst v8;
	v8 =	vadd.s32 $0x2710, v12  }
0x37: {  	v9 =	vmul.u32 $0x1400, v9;
	v11 =	vmul.u32 $0xF0, v11;
	v12 =	vmulhi.u32 $0xCCCCCCCD, v24;
	[tilespmem:s15+$0x30] =	vst v8;
	s15 =	smov.u32 s18  }
0x38: {  	v18 =	vsub.s32 v23, v15;
	v8 =	vshrl.u32 v14, $0x7;
	v14 =	vmulhi.u32 $0x88888889, v25;
	[tilespmem:s16+$0x30] =	vst v10;
	s16 =	smov.u32 s17  }
0x39: {  	v10 =	vshrl.u32 v16, $0xC;
	v8 =	vmul.u32 $0xF0, v8;
	v12 =	vshrl.u32 v12, $0xC  }
0x3a: {  	v15 =	vsub.s32 v21, v7;
	v7 =	vmul.u32 $0x1400, v12;
	v12 =	vshrl.u32 v14, $0x7  }
0x3b: {  	v11 =	vsub.s32 v20, v11;
	v8 =	vsub.s32 v24, v8;
	v12 =	vmul.u32 $0xF0, v12  }
0x3c: {  	v14 =	vsub.s32 v20, v9;
	v9 =	vadd.s32 $0x2710, v8;
	v7 =	vsub.s32 v24, v7  }
0x3d: {  	v8 =	vadd.s32 $0x2710, v11;
	v11 =	vsub.s32 v25, v12;
	v12 =	vshrl.u32 v13, $0xC  }
0x3e: {  	[tilespmem:s18+$0xFFFFFFC0] =	vst v8;
	v8 =	vadd.s32 $0x2710, v11;
	v11 =	vmul.u32 $0x1400, v12;
	v12 =	vmul.u32 $0xF0, v17  }
.Ltmp0:
0x3f: {  	v15 =	vadd.s32 $0x2710, v15;
	v16 =	vmulhi.u32 $0x88888889, v5;
	[tilespmem:s17+$0xFFFFFFC0] =	vst v14;
	v14 =	vmul.u32 $0x1400, v10;
	(pc) =	sbr.rel @p0 .LBB2_2-.Ltmp0, $4  }
0x40: {  	v13 =	vadd.s32 $0x2710, v18;
	v10 =	vsub.s32 v25, v11;
	v11 =	vmulhi.u32 $0xCCCCCCCD, v4  }
0x41: {  	v19 =	vmulhi.u32 $0xCCCCCCCD, v5;
	v16 =	vshrl.u32 v16, $0x7;
	v14 =	vsub.s32 v23, v14  }
0x42: {  	s20 =	smov.u32 s19;
	v18 =	vmul.u32 $0xF0, v16;
	v12 =	vsub.s32 v4, v12;
	v11 =	vshrl.u32 v11, $0xC  }
0x43: {  	v16 =	vshrl.u32 v19, $0xC;
	s18 =	sadd.s32 $0x80, s18;
	s17 =	sadd.s32 $0x80, s17;
	v17 =	vmul.u32 $0x1400, v11;
	v11 =	vor.u32 s14, v3;
	s14 =	simm.s32 $0x0  }
0x44: {  	[tilespmem:s15+$0xFFFFFFD0] =	vst v15  }
0x45: {  	[tilespmem:s16+$0xFFFFFFD0] =	vst v6  }
0x46: {  	[tilespmem:s15+$0xFFFFFFE0] =	vst v13  }
0x47: {  	[tilespmem:s16+$0xFFFFFFE0] =	vst v14  }
0x48: {  	[tilespmem:s15+$0xFFFFFFF0] =	vst v9  }
0x49: {  	v59 =	vmulhi.u32 $0x88888889, v11;
	[tilespmem:s16+$0xFFFFFFF0] =	vst v7  }
0x4a: {  	v60 =	vsub.s32 v5, v18;
	[tilespmem:s15+$0x0] =	vst v8  }
0x4b: {  	v61 =	vmulhi.u32 $0xCCCCCCCD, v11;
	v62 =	vadd.s32 $0x2710, v12;
	v6 =	vshrl.u32 v59, $0x7;
	[tilespmem:s16+$0x0] =	vst v10  }
0x4c: {  	v63 =	vmul.u32 $0x1400, v16;
	v4 =	vsub.s32 v4, v17;
	v6 =	vmul.u32 $0xF0, v6;
	[tilespmem:s15+$0x10] =	vst v62  }
0x4d: {  	v7 =	vadd.s32 $0x2710, v60;
	v8 =	vshrl.u32 v61, $0xC;
	[tilespmem:s16+$0x10] =	vst v4  }
0x4e: {  	v5 =	vsub.s32 v5, v63;
	v6 =	vsub.s32 v11, v6;
	v4 =	vmul.u32 $0x1400, v8;
	[tilespmem:s15+$0x20] =	vst v7  }
0x4f: {  	[tilespmem:s16+$0x20] =	vst v5;
	v5 =	vadd.s32 $0x2710, v6  }
0x50: {  	v4 =	vsub.s32 v11, v4;
	[tilespmem:s15+$0x30] =	vst v5  }
0x51: {  	s17 =	simm.s32 $0x0;
	s15 =	simm.s32 $0x0;
	[tilespmem:s16+$0x30] =	vst v4  }
.LBB2_4:
0x52: {  	s16 =	sshll.u32 s15, $0x9  }
0x53: {  	s18 =	sadd.s32 s3, s16  }
0x54: {  	[tilespmem:s14], [sflag:$0x1] =	stream.linear.gather [hbm4b:s18+s14], $0xC80, $0x38;
	[tilespmem:$0x8000] =	vst v63  }
0x55: {  	_ =	swait.ge [sflag:s8], $0xC80  }
0x56: {  	[sflag:s8] =	ssyncset.done $0x0  }
0x57: {  	s16 =	sadd.s32 s4, s16;
	[sflag:s8] =	ssyncadd.s32 $0xFFFFF380  }
0x58: {  	[tilespmem:s9], [sflag:$0x1] =	stream.linear.gather [hbm4b:s16+s14], $0xC80, $0x38;
	[tilespmem:$0x8000] =	vst v63  }
0x59: {  	_ =	swait.ge [sflag:s8], $0xC80  }
0x5a: {  	[sflag:s8] =	ssyncset.done $0x0  }
0x5b: {  	s21 =	simm.s32 $0x0;
	[sflag:s8] =	ssyncadd.s32 $0xFFFFF380  }
0x5c: {  	v4 =	vld [tilespmem:s21+$0x1000];
	_ =	sdelay $0x1  }
0x5d: {  	v5 =	vld [tilespmem:s21+$0x0];
	_ =	sdelay $0x2  }
0x5e: {  	vm0 =	vge.s32 v4, v0;
	vm1 =	vlt.s32 v4, v1  }
0x5f: {  	vm0 =	vmand vm0, vm1  }
0x60: {  	v4 =	vsub.s32 v4, v2;
	[tilespmem:s17+$0x2000] =	vst.msk vm0, v5;
	v5 =	vmpcnt.ones.xlane vm0  }
0x61: {  	[tilespmem:s17+$0x5000] =	vst.msk vm0, v4  }
0x62: {  	v4 =	vxor.u32 $0x80000000, v5;
	v5 =	vld [tilespmem:s21+$0x1010]  }
0x63: {  	(xrf0) =	vmax.scan.msk.u32 $0xffff, v4;
	_ =	sdelay $0x3  }
0x64: {  	vm0 =	vge.s32 v5, v0;
	vm1 =	vlt.s32 v5, v1  }
0x65: {  	vm0 =	vmand vm0, vm1  }
0x66: {  	v4 =	vmpcnt.ones.xlane vm0;
	v6, _, _ =	vpop (xrf0)  }
0x67: {  	(v2sf) =	vpush v6, $0xF  }
0x68: {  	v4 =	vxor.u32 $0x80000000, v4  }
0x69: {  	(xrf0) =	vmax.scan.msk.u32 $0xffff, v4;
	_ =	sdelay $0x5  }
0x6a: {  	v4, _, _ =	vpop (xrf0)  }
0x6b: {  	(v2sf) =	vpush v4, $0xF;
	_ =	sdelay $0x3  }
0x6c: {  	v4 =	vld [tilespmem:s21+$0x10];
	_ =	sdelay $0x1  }
0x6d: {  	s22 =	spop (v2sf)  }
0x6e: {  	s23 =	sadd.s32 s22, s17  }
0x6f: {  	s17 =	sadd.s32 $0x80000000, s23  }
0x70: {  	[tilespmem:s17+$0x2000] =	vst.msk vm0, v4;
	v4 =	vsub.s32 v5, v2  }
0x71: {  	[tilespmem:s17+$0x5000] =	vst.msk vm0, v4  }
0x72: {  	v4 =	vld [tilespmem:s21+$0x1020];
	_ =	sdelay $0x1  }
0x73: {  	v5 =	vld [tilespmem:s21+$0x20];
	_ =	sdelay $0x1  }
0x74: {  	s24 =	spop (v2sf)  }
0x75: {  	s17 =	sadd.s32 s24, s17;
	vm0 =	vge.s32 v4, v0;
	vm1 =	vlt.s32 v4, v1  }
0x76: {  	s17 =	sadd.s32 $0x80000000, s17;
	vm0 =	vmand vm0, vm1  }
0x77: {  	v4 =	vsub.s32 v4, v2;
	[tilespmem:s17+$0x2000] =	vst.msk vm0, v5;
	v5 =	vmpcnt.ones.xlane vm0  }
0x78: {  	[tilespmem:s17+$0x5000] =	vst.msk vm0, v4  }
0x79: {  	v4 =	vxor.u32 $0x80000000, v5;
	v5 =	vld [tilespmem:s21+$0x1030]  }
0x7a: {  	(xrf0) =	vmax.scan.msk.u32 $0xffff, v4;
	_ =	sdelay $0x3  }
0x7b: {  	vm0 =	vge.s32 v5, v0;
	vm1 =	vlt.s32 v5, v1  }
0x7c: {  	vm0 =	vmand vm0, vm1  }
0x7d: {  	v4 =	vmpcnt.ones.xlane vm0;
	v6, _, _ =	vpop (xrf0)  }
0x7e: {  	(v2sf) =	vpush v6, $0xF  }
0x7f: {  	v4 =	vxor.u32 $0x80000000, v4  }
0x80: {  	(xrf0) =	vmax.scan.msk.u32 $0xffff, v4;
	_ =	sdelay $0x5  }
0x81: {  	v4, _, _ =	vpop (xrf0)  }
0x82: {  	(v2sf) =	vpush v4, $0xF;
	_ =	sdelay $0x3  }
0x83: {  	v4 =	vld [tilespmem:s21+$0x30];
	_ =	sdelay $0x1  }
0x84: {  	s25 =	spop (v2sf)  }
0x85: {  	s17 =	sadd.s32 s25, s17  }
0x86: {  	s17 =	sadd.s32 $0x80000000, s17  }
0x87: {  	[tilespmem:s17+$0x2000] =	vst.msk vm0, v4;
	v4 =	vsub.s32 v5, v2  }
0x88: {  	[tilespmem:s17+$0x5000] =	vst.msk vm0, v4  }
0x89: {  	v4 =	vld [tilespmem:s21+$0x1040];
	_ =	sdelay $0x1  }
0x8a: {  	v5 =	vld [tilespmem:s21+$0x40];
	_ =	sdelay $0x1  }
0x8b: {  	s26 =	spop (v2sf)  }
0x8c: {  	s17 =	sadd.s32 s26, s17;
	vm0 =	vge.s32 v4, v0;
	vm1 =	vlt.s32 v4, v1  }
0x8d: {  	s17 =	sadd.s32 $0x80000000, s17;
	vm0 =	vmand vm0, vm1  }
0x8e: {  	v4 =	vsub.s32 v4, v2;
	[tilespmem:s17+$0x2000] =	vst.msk vm0, v5;
	v5 =	vmpcnt.ones.xlane vm0  }
0x8f: {  	[tilespmem:s17+$0x5000] =	vst.msk vm0, v4  }
0x90: {  	v4 =	vxor.u32 $0x80000000, v5;
	v5 =	vld [tilespmem:s21+$0x1050]  }
0x91: {  	(xrf0) =	vmax.scan.msk.u32 $0xffff, v4;
	_ =	sdelay $0x3  }
0x92: {  	vm0 =	vge.s32 v5, v0;
	vm1 =	vlt.s32 v5, v1  }
0x93: {  	vm0 =	vmand vm0, vm1  }
0x94: {  	v4 =	vmpcnt.ones.xlane vm0;
	v6, _, _ =	vpop (xrf0)  }
0x95: {  	(v2sf) =	vpush v6, $0xF  }
0x96: {  	v4 =	vxor.u32 $0x80000000, v4  }
0x97: {  	(xrf0) =	vmax.scan.msk.u32 $0xffff, v4;
	_ =	sdelay $0x5  }
0x98: {  	v4, _, _ =	vpop (xrf0)  }
0x99: {  	(v2sf) =	vpush v4, $0xF;
	_ =	sdelay $0x3  }
0x9a: {  	v4 =	vld [tilespmem:s21+$0x50];
	_ =	sdelay $0x1  }
0x9b: {  	s28 =	spop (v2sf)  }
0x9c: {  	s17 =	sadd.s32 s28, s17  }
0x9d: {  	s17 =	sadd.s32 $0x80000000, s17  }
0x9e: {  	[tilespmem:s17+$0x2000] =	vst.msk vm0, v4;
	v4 =	vsub.s32 v5, v2  }
0x9f: {  	[tilespmem:s17+$0x5000] =	vst.msk vm0, v4  }
0xa0: {  	v4 =	vld [tilespmem:s21+$0x1060];
	_ =	sdelay $0x1  }
0xa1: {  	v5 =	vld [tilespmem:s21+$0x60];
	_ =	sdelay $0x1  }
0xa2: {  	s29 =	spop (v2sf)  }
0xa3: {  	s17 =	sadd.s32 s29, s17;
	vm0 =	vge.s32 v4, v0;
	vm1 =	vlt.s32 v4, v1  }
0xa4: {  	s17 =	sadd.s32 $0x80000000, s17;
	vm0 =	vmand vm0, vm1  }
0xa5: {  	v4 =	vsub.s32 v4, v2;
	[tilespmem:s17+$0x2000] =	vst.msk vm0, v5;
	v5 =	vmpcnt.ones.xlane vm0  }
0xa6: {  	[tilespmem:s17+$0x5000] =	vst.msk vm0, v4  }
0xa7: {  	v4 =	vxor.u32 $0x80000000, v5;
	v5 =	vld [tilespmem:s21+$0x1070]  }
0xa8: {  	(xrf0) =	vmax.scan.msk.u32 $0xffff, v4;
	_ =	sdelay $0x3  }
0xa9: {  	vm0 =	vge.s32 v5, v0;
	vm1 =	vlt.s32 v5, v1  }
0xaa: {  	vm0 =	vmand vm0, vm1  }
0xab: {  	v4 =	vmpcnt.ones.xlane vm0;
	v6, _, _ =	vpop (xrf0)  }
0xac: {  	(v2sf) =	vpush v6, $0xF  }
0xad: {  	v4 =	vxor.u32 $0x80000000, v4  }
0xae: {  	(xrf0) =	vmax.scan.msk.u32 $0xffff, v4;
	_ =	sdelay $0x5  }
0xaf: {  	v4, _, _ =	vpop (xrf0)  }
0xb0: {  	(v2sf) =	vpush v4, $0xF;
	_ =	sdelay $0x3  }
0xb1: {  	v4 =	vld [tilespmem:s21+$0x70];
	_ =	sdelay $0x1  }
0xb2: {  	s30 =	spop (v2sf)  }
0xb3: {  	s16 =	sadd.s32 s30, s17  }
0xb4: {  	s31 =	sadd.s32 $0x80000000, s16  }
0xb5: {  	[tilespmem:s31+$0x2000] =	vst.msk vm0, v4;
	v4 =	vsub.s32 v5, v2  }
0xb6: {  	s16 =	simm.s32 $0x80;
	[tilespmem:s31+$0x5000] =	vst.msk vm0, v4  }
0xb7: {  	v4 =	vld [tilespmem:s16+$0x1000];
	_ =	sdelay $0x2  }
0xb8: {  	v5 =	vld [tilespmem:s16+$0x0]  }
0xb9: {  	s19 =	spop (v2sf)  }
0xba: {  	s17 =	simm.s32 $0x400;
	vm0 =	vge.s32 v4, v0;
	vm1 =	vlt.s32 v4, v1;
	s18 =	sadd.s32 s19, s31  }
.LBB2_5:
0xbb: {  	p0 =	sne.s32 s17, $0x3000  }
0xbc: {  	vm0 =	vmand vm0, vm1;
	s19 =	sadd.s32 $0x80000000, s18;
	s18 =	smov.u32 s17;
	s17 =	sadd.s32 $0x200, s17  }
0xbd: {  	v4 =	vsub.s32 v4, v2;
	[tilespmem:s19+$0x2000] =	vst.msk vm0, v5;
	v5 =	vmpcnt.ones.xlane vm0  }
0xbe: {  	[tilespmem:s19+$0x5000] =	vst.msk vm0, v4  }
0xbf: {  	v4 =	vxor.u32 $0x80000000, v5;
	v5 =	vld [tilespmem:s16+$0x1010]  }
0xc0: {  	(xrf0) =	vmax.scan.msk.u32 $0xffff, v4;
	_ =	sdelay $0x3  }
0xc1: {  	vm0 =	vge.s32 v5, v0;
	vm1 =	vlt.s32 v5, v1  }
0xc2: {  	vm0 =	vmand vm0, vm1  }
0xc3: {  	v4 =	vmpcnt.ones.xlane vm0;
	v6, _, _ =	vpop (xrf0)  }
0xc4: {  	(v2sf) =	vpush v6, $0xF  }
0xc5: {  	v4 =	vxor.u32 $0x80000000, v4  }
0xc6: {  	(xrf0) =	vmax.scan.msk.u32 $0xffff, v4;
	_ =	sdelay $0x5  }
0xc7: {  	v4, _, _ =	vpop (xrf0)  }
0xc8: {  	(v2sf) =	vpush v4, $0xF;
	_ =	sdelay $0x3  }
0xc9: {  	v4 =	vld [tilespmem:s16+$0x10];
	_ =	sdelay $0x1  }
0xca: {  	s20 =	spop (v2sf)  }
0xcb: {  	s19 =	sadd.s32 s20, s19  }
0xcc: {  	s19 =	sadd.s32 $0x80000000, s19  }
0xcd: {  	[tilespmem:s19+$0x2000] =	vst.msk vm0, v4;
	v4 =	vsub.s32 v5, v2  }
0xce: {  	[tilespmem:s19+$0x5000] =	vst.msk vm0, v4  }
0xcf: {  	v4 =	vld [tilespmem:s16+$0x1020];
	_ =	sdelay $0x1  }
0xd0: {  	v5 =	vld [tilespmem:s16+$0x20];
	_ =	sdelay $0x1  }
0xd1: {  	s20 =	spop (v2sf)  }
0xd2: {  	s19 =	sadd.s32 s20, s19;
	vm0 =	vge.s32 v4, v0;
	vm1 =	vlt.s32 v4, v1  }
0xd3: {  	s19 =	sadd.s32 $0x80000000, s19;
	vm0 =	vmand vm0, vm1  }
0xd4: {  	v4 =	vsub.s32 v4, v2;
	[tilespmem:s19+$0x2000] =	vst.msk vm0, v5;
	v5 =	vmpcnt.ones.xlane vm0  }
0xd5: {  	[tilespmem:s19+$0x5000] =	vst.msk vm0, v4  }
0xd6: {  	v4 =	vxor.u32 $0x80000000, v5;
	v5 =	vld [tilespmem:s16+$0x1030]  }
0xd7: {  	(xrf0) =	vmax.scan.msk.u32 $0xffff, v4;
	_ =	sdelay $0x3  }
0xd8: {  	vm0 =	vge.s32 v5, v0;
	vm1 =	vlt.s32 v5, v1  }
0xd9: {  	vm0 =	vmand vm0, vm1  }
0xda: {  	v4 =	vmpcnt.ones.xlane vm0;
	v6, _, _ =	vpop (xrf0)  }
0xdb: {  	(v2sf) =	vpush v6, $0xF  }
0xdc: {  	v4 =	vxor.u32 $0x80000000, v4  }
0xdd: {  	(xrf0) =	vmax.scan.msk.u32 $0xffff, v4;
	_ =	sdelay $0x5  }
0xde: {  	v4, _, _ =	vpop (xrf0)  }
0xdf: {  	(v2sf) =	vpush v4, $0xF;
	_ =	sdelay $0x3  }
0xe0: {  	v4 =	vld [tilespmem:s16+$0x30];
	_ =	sdelay $0x1  }
0xe1: {  	s20 =	spop (v2sf)  }
0xe2: {  	s19 =	sadd.s32 s20, s19  }
0xe3: {  	s19 =	sadd.s32 $0x80000000, s19  }
0xe4: {  	[tilespmem:s19+$0x2000] =	vst.msk vm0, v4;
	v4 =	vsub.s32 v5, v2  }
0xe5: {  	[tilespmem:s19+$0x5000] =	vst.msk vm0, v4  }
0xe6: {  	v4 =	vld [tilespmem:s16+$0x1040];
	_ =	sdelay $0x1  }
0xe7: {  	v5 =	vld [tilespmem:s16+$0x40];
	_ =	sdelay $0x1  }
0xe8: {  	s20 =	spop (v2sf)  }
0xe9: {  	s19 =	sadd.s32 s20, s19;
	vm0 =	vge.s32 v4, v0;
	vm1 =	vlt.s32 v4, v1  }
0xea: {  	s19 =	sadd.s32 $0x80000000, s19;
	vm0 =	vmand vm0, vm1  }
0xeb: {  	v4 =	vsub.s32 v4, v2;
	[tilespmem:s19+$0x2000] =	vst.msk vm0, v5;
	v5 =	vmpcnt.ones.xlane vm0  }
0xec: {  	[tilespmem:s19+$0x5000] =	vst.msk vm0, v4  }
0xed: {  	v4 =	vxor.u32 $0x80000000, v5;
	v5 =	vld [tilespmem:s16+$0x1050]  }
0xee: {  	v6 =	vld [tilespmem:s16+$0x50];
	(xrf0) =	vmax.scan.msk.u32 $0xffff, v4;
	_ =	sdelay $0x3  }
0xef: {  	vm0 =	vge.s32 v5, v0;
	vm1 =	vlt.s32 v5, v1  }
0xf0: {  	vm0 =	vmand vm0, vm1  }
0xf1: {  	v4 =	vmpcnt.ones.xlane vm0;
	v7, _, _ =	vpop (xrf0)  }
0xf2: {  	(v2sf) =	vpush v7, $0xF  }
0xf3: {  	v4 =	vxor.u32 $0x80000000, v4  }
0xf4: {  	(xrf0) =	vmax.scan.msk.u32 $0xffff, v4;
	_ =	sdelay $0x5  }
0xf5: {  	v4, _, _ =	vpop (xrf0)  }
0xf6: {  	(v2sf) =	vpush v4, $0xF;
	_ =	sdelay $0x5  }
0xf7: {  	s20 =	spop (v2sf)  }
0xf8: {  	s19 =	sadd.s32 s20, s19  }
0xf9: {  	s19 =	sadd.s32 $0x80000000, s19  }
0xfa: {  	v4 =	vsub.s32 v5, v2;
	[tilespmem:s19+$0x2000] =	vst.msk vm0, v6  }
0xfb: {  	[tilespmem:s19+$0x5000] =	vst.msk vm0, v4  }
0xfc: {  	v4 =	vld [tilespmem:s16+$0x1060]  }
0xfd: {  	v5 =	vld [tilespmem:s16+$0x60];
	_ =	sdelay $0x2  }
0xfe: {  	s20 =	spop (v2sf)  }
0xff: {  	s19 =	sadd.s32 s20, s19;
	vm0 =	vge.s32 v4, v0;
	vm1 =	vlt.s32 v4, v1  }
0x100: {  	s19 =	sadd.s32 $0x80000000, s19;
	vm0 =	vmand vm0, vm1  }
0x101: {  	v4 =	vsub.s32 v4, v2;
	[tilespmem:s19+$0x2000] =	vst.msk vm0, v5;
	v5 =	vmpcnt.ones.xlane vm0  }
0x102: {  	[tilespmem:s19+$0x5000] =	vst.msk vm0, v4  }
0x103: {  	v4 =	vxor.u32 $0x80000000, v5;
	v5 =	vld [tilespmem:s16+$0x1070]  }
0x104: {  	v6 =	vld [tilespmem:s16+$0x70];
	(xrf0) =	vmax.scan.msk.u32 $0xffff, v4;
	_ =	sdelay $0x3  }
0x105: {  	vm0 =	vge.s32 v5, v0;
	vm1 =	vlt.s32 v5, v1  }
0x106: {  	vm0 =	vmand vm0, vm1  }
0x107: {  	v4 =	vmpcnt.ones.xlane vm0;
	v7, _, _ =	vpop (xrf0)  }
0x108: {  	(v2sf) =	vpush v7, $0xF  }
0x109: {  	v4 =	vxor.u32 $0x80000000, v4  }
0x10a: {  	(xrf0) =	vmax.scan.msk.u32 $0xffff, v4;
	_ =	sdelay $0x5  }
0x10b: {  	v4, _, _ =	vpop (xrf0)  }
0x10c: {  	(v2sf) =	vpush v4, $0xF;
	_ =	sdelay $0x5  }
0x10d: {  	s16 =	spop (v2sf)  }
0x10e: {  	s16 =	sadd.s32 s16, s19  }
0x10f: {  	s19 =	sadd.s32 $0x80000000, s16  }
0x110: {  	v4 =	vsub.s32 v5, v2;
	[tilespmem:s19+$0x2000] =	vst.msk vm0, v6  }
0x111: {  	s16 =	sshra.s32 s18, $0x2;
	[tilespmem:s19+$0x5000] =	vst.msk vm0, v4  }
0x112: {  	v4 =	vld [tilespmem:s16+$0x1000]  }
.Ltmp1:
0x113: {  	(pc) =	sbr.rel @p0 .LBB2_5-.Ltmp1, $3  }
0x114: {  	v5 =	vld [tilespmem:s16+$0x0];
	_ =	sdelay $0x1  }
0x115: {  	s18 =	spop (v2sf)  }
0x116: {  	vm0 =	vge.s32 v4, v0;
	vm1 =	vlt.s32 v4, v1;
	s18 =	sadd.s32 s18, s19  }
0x117: {  	vm0 =	vmand vm0, vm1;
	s17 =	sadd.s32 $0x80000000, s18  }
0x118: {  	v4 =	vsub.s32 v4, v2;
	[tilespmem:s17+$0x2000] =	vst.msk vm0, v5;
	v5 =	vmpcnt.ones.xlane vm0  }
0x119: {  	[tilespmem:s17+$0x5000] =	vst.msk vm0, v4  }
0x11a: {  	v4 =	vxor.u32 $0x80000000, v5;
	v5 =	vld [tilespmem:s16+$0x1010]  }
0x11b: {  	(xrf0) =	vmax.scan.msk.u32 $0xffff, v4;
	_ =	sdelay $0x3  }
0x11c: {  	vm14 =	vge.s32 v5, v0;
	vm15 =	vlt.s32 v5, v1  }
0x11d: {  	vm0 =	vmand vm14, vm15  }
0x11e: {  	v4 =	vmpcnt.ones.xlane vm0;
	v6, _, _ =	vpop (xrf0)  }
0x11f: {  	(v2sf) =	vpush v6, $0xF  }
0x120: {  	v4 =	vxor.u32 $0x80000000, v4  }
0x121: {  	(xrf0) =	vmax.scan.msk.u32 $0xffff, v4;
	_ =	sdelay $0x5  }
0x122: {  	v4, _, _ =	vpop (xrf0)  }
0x123: {  	(v2sf) =	vpush v4, $0xF;
	_ =	sdelay $0x3  }
0x124: {  	v4 =	vld [tilespmem:s16+$0x10];
	_ =	sdelay $0x1  }
0x125: {  	s23 =	spop (v2sf)  }
0x126: {  	s17 =	sadd.s32 s23, s17  }
0x127: {  	s17 =	sadd.s32 $0x80000000, s17  }
0x128: {  	[tilespmem:s17+$0x2000] =	vst.msk vm0, v4;
	v4 =	vsub.s32 v5, v2  }
0x129: {  	[tilespmem:s17+$0x5000] =	vst.msk vm0, v4  }
0x12a: {  	v4 =	vld [tilespmem:s16+$0x1020];
	_ =	sdelay $0x1  }
0x12b: {  	v5 =	vld [tilespmem:s16+$0x20];
	_ =	sdelay $0x1  }
0x12c: {  	s24 =	spop (v2sf)  }
0x12d: {  	s17 =	sadd.s32 s24, s17;
	vm4 =	vge.s32 v4, v0;
	vm5 =	vlt.s32 v4, v1  }
0x12e: {  	s17 =	sadd.s32 $0x80000000, s17;
	vm0 =	vmand vm4, vm5  }
0x12f: {  	v4 =	vsub.s32 v4, v2;
	[tilespmem:s17+$0x2000] =	vst.msk vm0, v5;
	v5 =	vmpcnt.ones.xlane vm0  }
0x130: {  	[tilespmem:s17+$0x5000] =	vst.msk vm0, v4  }
0x131: {  	v4 =	vxor.u32 $0x80000000, v5;
	v5 =	vld [tilespmem:s16+$0x1030]  }
0x132: {  	(xrf0) =	vmax.scan.msk.u32 $0xffff, v4;
	_ =	sdelay $0x3  }
0x133: {  	vm6 =	vge.s32 v5, v0;
	vm7 =	vlt.s32 v5, v1  }
0x134: {  	vm0 =	vmand vm6, vm7  }
0x135: {  	v4 =	vmpcnt.ones.xlane vm0;
	v61, _, _ =	vpop (xrf0)  }
0x136: {  	(v2sf) =	vpush v61, $0xF  }
0x137: {  	v4 =	vxor.u32 $0x80000000, v4  }
0x138: {  	(xrf0) =	vmax.scan.msk.u32 $0xffff, v4;
	_ =	sdelay $0x5  }
0x139: {  	v4, _, _ =	vpop (xrf0)  }
0x13a: {  	(v2sf) =	vpush v4, $0xF;
	_ =	sdelay $0x3  }
0x13b: {  	v4 =	vld [tilespmem:s16+$0x30];
	_ =	sdelay $0x1  }
0x13c: {  	s25 =	spop (v2sf)  }
0x13d: {  	s17 =	sadd.s32 s25, s17  }
0x13e: {  	s17 =	sadd.s32 $0x80000000, s17  }
0x13f: {  	[tilespmem:s17+$0x2000] =	vst.msk vm0, v4;
	v4 =	vsub.s32 v5, v2  }
0x140: {  	[tilespmem:s17+$0x5000] =	vst.msk vm0, v4  }
0x141: {  	v4 =	vld [tilespmem:s16+$0x1040];
	_ =	sdelay $0x1  }
0x142: {  	v5 =	vld [tilespmem:s16+$0x40];
	_ =	sdelay $0x1  }
0x143: {  	s26 =	spop (v2sf)  }
0x144: {  	s17 =	sadd.s32 s26, s17;
	vm8 =	vge.s32 v4, v0;
	vm9 =	vlt.s32 v4, v1  }
0x145: {  	s17 =	sadd.s32 $0x80000000, s17;
	vm0 =	vmand vm8, vm9  }
0x146: {  	v4 =	vsub.s32 v4, v2;
	[tilespmem:s17+$0x2000] =	vst.msk vm0, v5;
	v5 =	vmpcnt.ones.xlane vm0  }
0x147: {  	[tilespmem:s17+$0x5000] =	vst.msk vm0, v4  }
0x148: {  	v4 =	vxor.u32 $0x80000000, v5;
	v5 =	vld [tilespmem:s16+$0x1050]  }
0x149: {  	(xrf0) =	vmax.scan.msk.u32 $0xffff, v4;
	_ =	sdelay $0x3  }
0x14a: {  	vm10 =	vge.s32 v5, v0;
	vm11 =	vlt.s32 v5, v1  }
0x14b: {  	vm0 =	vmand vm10, vm11  }
0x14c: {  	v4 =	vmpcnt.ones.xlane vm0;
	v62, _, _ =	vpop (xrf0)  }
0x14d: {  	(v2sf) =	vpush v62, $0xF  }
0x14e: {  	v4 =	vxor.u32 $0x80000000, v4  }
0x14f: {  	(xrf0) =	vmax.scan.msk.u32 $0xffff, v4;
	_ =	sdelay $0x5  }
0x150: {  	v4, _, _ =	vpop (xrf0)  }
0x151: {  	(v2sf) =	vpush v4, $0xF;
	_ =	sdelay $0x3  }
0x152: {  	v4 =	vld [tilespmem:s16+$0x50];
	_ =	sdelay $0x1  }
0x153: {  	s28 =	spop (v2sf)  }
0x154: {  	s17 =	sadd.s32 s28, s17  }
0x155: {  	s17 =	sadd.s32 $0x80000000, s17  }
0x156: {  	[tilespmem:s17+$0x2000] =	vst.msk vm0, v4;
	v4 =	vsub.s32 v5, v2  }
0x157: {  	[tilespmem:s17+$0x5000] =	vst.msk vm0, v4  }
0x158: {  	v4 =	vld [tilespmem:s16+$0x1060];
	_ =	sdelay $0x1  }
0x159: {  	v5 =	vld [tilespmem:s16+$0x60];
	_ =	sdelay $0x1  }
0x15a: {  	s29 =	spop (v2sf)  }
0x15b: {  	s17 =	sadd.s32 s29, s17;
	vm12 =	vge.s32 v4, v0;
	vm13 =	vlt.s32 v4, v1  }
0x15c: {  	s17 =	sadd.s32 $0x80000000, s17;
	vm0 =	vmand vm12, vm13  }
0x15d: {  	v4 =	vsub.s32 v4, v2;
	[tilespmem:s17+$0x2000] =	vst.msk vm0, v5  }
0x15e: {  	[tilespmem:s17+$0x5000] =	vst.msk vm0, v4  }
0x15f: {  	v4 =	vld [tilespmem:s16+$0x1070];
	_ =	sdelay $0x4  }
0x160: {  	v5 =	vmpcnt.ones.xlane vm0;
	vm14 =	vge.s32 v4, v0;
	vm15 =	vlt.s32 v4, v1  }
0x161: {  	vm0 =	vmand vm14, vm15  }
0x162: {  	v5 =	vxor.u32 $0x80000000, v5;
	v63 =	vmpcnt.ones.xlane vm0  }
0x163: {  	(xrf0) =	vmax.scan.msk.u32 $0xffff, v5  }
0x164: {  	v5 =	vxor.u32 $0x80000000, v63  }
0x165: {  	(xrf0) =	vmax.scan.msk.u32 $0xffff, v5;
	_ =	sdelay $0x3  }
0x166: {  	v5, _, _ =	vpop (xrf0)  }
0x167: {  	(v2sf) =	vpush v5, $0xF  }
0x168: {  	v5, _, _ =	vpop (xrf0)  }
0x169: {  	(v2sf) =	vpush v5, $0xF;
	_ =	sdelay $0xa  }
0x16a: {  	s15 =	sadd.s32 $0x1, s15;
	v5 =	vld [tilespmem:s16+$0x70]  }
0x16b: {  	p0 =	sne.s32 s15, $0x64  }
.Ltmp2:
0x16c: {  	s30 =	spop (v2sf);
	(pc) =	sbr.rel @p0 .LBB2_4-.Ltmp2, $4  }
0x16d: {  	s16 =	sadd.s32 s30, s17  }
0x16e: {  	s16 =	sadd.s32 $0x80000000, s16;
	s31 =	spop (v2sf)  }
0x16f: {  	v4 =	vsub.s32 v4, v2;
	[tilespmem:s16+$0x2000] =	vst.msk vm0, v5;
	s17 =	sadd.s32 s31, s16  }
0x170: {  	[tilespmem:s16+$0x5000] =	vst.msk vm0, v4;
	s17 =	sadd.s32 $0x80000000, s17  }
0x171: {  	[hbm4b:s5+s10] =	stream.strided.scatter [tilespmem:s12], [sflag:$0x1], $0x3000, s11, s10, $0x38;
	[tilespmem:$0x8000] =	vst v63  }
0x172: {  	s2 =	sadd.s32 $0x1, s2;
	_ =	swait.ge [sflag:s8], $0x3000  }
0x173: {  	p0 =	sne.s32 s2, s7;
	[sflag:s8] =	ssyncset.done $0x0  }
.Ltmp3:
0x174: {  	[sflag:s8] =	ssyncadd.s32 $0xFFFFD000;
	(pc) =	sbr.rel @p0 .LBB2_1-.Ltmp3, $4  }
0x175: {  	[hbm4b:s6+s10] =	stream.strided.scatter [tilespmem:s13], [sflag:$0x1], $0x3000, s11, s10, $0x38;
	[tilespmem:$0x8000] =	vst v63  }
0x176: {  	_ =	swait.ge [sflag:s8], $0x3000  }
0x177: {  	[sflag:s8] =	ssyncset.done $0x0  }
0x178: {  	[sflag:s8] =	ssyncadd.s32 $0xFFFFD000  }
0x179: {  	_ =	sfence.sel $0x180000  }
0x17a: {  	[bflag:$0x0] =	sbarrier.arrive $0xFFFF  }
0x17b: {  	p0 =	sne.s32 s0, $0x0;
	_ =	strace $0x90000047  }
0x17c: {  	s0 =	sadd.s32 @!p0 $0x100000, s1;
	[bflag:$0x2] =	sbarrier.arrive $0xFFFF  }
0x17d: {  	[sflag:s0] =	ssyncadd.tile.s32 @!p0 $0x1;
	_ =	shalt  }
.Lfunc_end2:
_tile_overlayer_lowered:
.L_overlay_start_2:
0x17e: {  	(tag) =	ssettag $0x2  }
0x17f: {  	s0 =	rddreg [dreg:$0x0];
	s2 =	stileid.u32  }
0x180: {  	s1 =	rddreg [dreg:$0x1];
	p0 =	sne.s32 s2, $0x0  }
0x181: {  	s3 =	rddreg [dreg:$0x2];
	[bflag:$0x3] =	sbarrier.arrive $0xFFFF;
	s2 =	simm.s32 @!p0 $0x1C01  }
0x182: {  	[timem:s3], [sflag:s2] =	dma.local @!p0 [hbm:s0], s1  }
0x183: {  	s0 =	simm.s32 @!p0 $0x1  }
0x184: {  	_ =	swait.ge @!p0 [sflag:s0], s1  }
0x185: {  	s1 =	ssub.s32 @!p0 $0x0, s1;
	[sflag:s0] =	ssyncset.done @!p0 $0x0  }
0x186: {  	[sflag:s0] =	ssyncadd.s32 @!p0 s1  }
0x187: {  	[bflag:$0x3] =	sbarrier.arrive $0xFFFF  }
0x188: {  	_ =	shalt  }

// kernel: kernel.17.cloned.1.call-start
scs
__scs_entry_jumppad:
0x0: {  	(pc) =	sbr.rel $0x88, $3  }
0x1: {  	(tag) =	ssettag $0x0;
	lr =	simm.s32 $0x1  }
0x2: {  	[smem:$0x3F99] =	sst lr;
	_ =	strace $0xD0000000  }
0x3: {  	_ = 	snop  }
0x4: {  	_ = 	snop  }
0x5: {  	_ = 	snop  }
0x6: {  	_ = 	snop  }
0x7: {  	_ = 	snop  }
__scs_overlays_trampoline_lowered:
0x8: {  	[smem:$0x3FA8] =	sst s0  }
0x9: {  	[smem:$0x3FA9] =	sst s1  }
0xa: {  	[smem:$0x3FAA] =	sst s2  }
0xb: {  	[smem:$0x3FAB] =	sst s3  }
0xc: {  	[smem:$0x3FAC] =	sst s4  }
0xd: {  	[smem:$0x3FAD] =	sst s5  }
0xe: {  	[smem:$0x3FAE] =	sst s6  }
0xf: {  	[smem:$0x3FAF] =	sst s7  }
0x10: {  	[smem:$0x3FB0] =	sst s8  }
0x11: {  	[smem:$0x3FB1] =	sst s9;
	s0 =	simm.s32 @!p0 $0x0  }
0x12: {  	s1 =	sld [smem:$0x3F97];
	s0 =	simm.s32 @p0 $0x1  }
0x13: {  	[smem:$0x3FB2] =	sst s0;
	s0 =	simm.s32 @!p1 $0x0  }
0x14: {  	s2 =	sld [smem:$0x3F96];
	s0 =	simm.s32 @p1 $0x1  }
0x15: {  	[smem:$0x3FB3] =	sst s0;
	s0 =	simm.s32 @!p2 $0x0  }
0x16: {  	s3 =	sld [smem:$0x3FDB];
	s0 =	simm.s32 @p2 $0x1  }
0x17: {  	s4 =	simm.s32 $0x1BF5;
	[smem:$0x3FB5] =	sst s0  }
0x18: {  	s0 =	sld [smem:$0x3F98];
	_ =	swait.ge [sflag:s4], $0x0  }
0x19: {  	s7 =	sld [smem:$0x3F99]  }
0x1a: {  	s8 =	sadd.s32 $0xFFFFE003, lr  }
0x1b: {  	s9 =	sadd.s32 $0xFFFFFEF7, lr;
	s5 =	simm.s32 $0xFFFFFFFF;
	p2 =	slt.u32 s8, $0xFFFFF086  }
0x1c: {  	p1 =	slt.u32 s9, $0xF7A;
	s5 =	simm.s32 @!p2 $0x0  }
0x1d: {  	s5 =	simm.s32 @p1 $0x1;
	p0 =	seq.s32 s7, s2  }
0x1e: {  	s7 =	smul.u32 @!p0 $0xF7A, s2;
	p2 =	seq.s32 @!p0 s5, $0x0  }
0x1f: {  	s9 =	smul.u32 $0xF7A, s1;
	s8 =	simm.s32 @!p0 $0x1BF5;
	p2 =	por !p2, p0  }
0x20: {  	[sflag:s8] =	ssyncset.s32 @!p0 $0xFFFFF086;
	s6 =	sadd.s32 @!p0 s3, s7;
	s7 =	simm.s32 @!p0 $0x108  }
0x21: {  	s3 =	sadd.s32 s3, s9;
	s6 =	sadd.s32 @!p0 $0x88, s6;
	s7 =	simm.s32 @p2 $0x1082  }
0x22: {  	[simem:s7], [sflag:s8] =	dma.local @!p0 [hbm:s6], $0xF7A  }
0x23: {  	s9 =	sor.u32 $0xD0000000, s2;
	s6 =	simm.s32 $0x108;
	_ =	swait.ge @!p0 [sflag:s8], $0x0  }
0x24: {  	s3 =	sadd.s32 $0x88, s3;
	s6 =	simm.s32 @!p1 $0x1082;
	[sflag:s4] =	ssyncset.s32 $0xFFFFF086  }
0x25: {  	[simem:s6], [sflag:s4] =	dma.local [hbm:s3], $0xF7A  }
0x26: {  	[smem:$0x3F99] =	sst s1;
	(tag) =	ssettag s2;
	_ =	strace s9  }
0x27: {  	s1 =	sld [smem:$0x3FA9]  }
0x28: {  	s2 =	sld [smem:$0x3FAA]  }
0x29: {  	s4 =	sld [smem:$0x3FAC]  }
0x2a: {  	p0 =	seq.s32 s5, $0x0;
	s5 =	sld [smem:$0x3FAD]  }
0x2b: {  	s6 =	sld [smem:$0x3FAE]  }
0x2c: {  	s7 =	sld [smem:$0x3FAF]  }
0x2d: {  	s3 =	simm.s32 $0x108;
	s8 =	sld [smem:$0x3FB0]  }
0x2e: {  	s3 =	simm.s32 @!p0 $0x1082;
	s9 =	sld [smem:$0x3FB1]  }
0x2f: {  	lr =	sadd.s32 s0, s3;
	s0 =	sld [smem:$0x3FA8]  }
0x30: {  	s3 =	sld [smem:$0x3FAB]  }
0x31: {  	[smem:$0x3FB4] =	sst s10  }
0x32: {  	s10 =	sld [smem:$0x3FB2];
	_ =	sdelay $0x3  }
0x33: {  	p0 =	seq.s32 s10, $0x1;
	s10 =	sld [smem:$0x3FB4];
	_ =	sdelay $0x3  }
0x34: {  	[smem:$0x3FB4] =	sst s10  }
0x35: {  	s10 =	sld [smem:$0x3FB3];
	_ =	sdelay $0x3  }
0x36: {  	p1 =	seq.s32 s10, $0x1;
	s10 =	sld [smem:$0x3FB4];
	_ =	sdelay $0x3  }
0x37: {  	[smem:$0x3FB4] =	sst s10  }
0x38: {  	s10 =	sld [smem:$0x3FB5]  }
0x39: {  	_ = 	snop;
	(pc) =	sbr.ind lr, $3  }
0x3a: {  	_ = 	snop  }
0x3b: {  	_ = 	snop  }
0x3c: {  	p2 =	seq.s32 s10, $0x1;
	s10 =	sld [smem:$0x3FB4]  }
0x3d: {  	_ =	shalt  }
0x3e: {  	_ =	shalt  }
0x3f: {  	_ =	shalt  }
0x40: {  	_ =	shalt  }
0x41: {  	_ =	shalt  }
0x42: {  	_ =	shalt  }
0x43: {  	_ =	shalt  }
0x44: {  	_ =	shalt  }
0x45: {  	_ =	shalt  }
0x46: {  	_ =	shalt  }
0x47: {  	_ =	shalt  }
0x48: {  	_ =	shalt  }
0x49: {  	_ =	shalt  }
0x4a: {  	_ =	shalt  }
0x4b: {  	_ =	shalt  }
0x4c: {  	_ =	shalt  }
0x4d: {  	_ =	shalt  }
0x4e: {  	_ =	shalt  }
0x4f: {  	_ =	shalt  }
0x50: {  	_ =	shalt  }
0x51: {  	_ =	shalt  }
0x52: {  	_ =	shalt  }
0x53: {  	_ =	shalt  }
0x54: {  	_ =	shalt  }
0x55: {  	_ =	shalt  }
0x56: {  	_ =	shalt  }
0x57: {  	_ =	shalt  }
0x58: {  	_ =	shalt  }
0x59: {  	_ =	shalt  }
0x5a: {  	_ =	shalt  }
0x5b: {  	_ =	shalt  }
0x5c: {  	_ =	shalt  }
0x5d: {  	_ =	shalt  }
0x5e: {  	_ =	shalt  }
0x5f: {  	_ =	shalt  }
0x60: {  	_ =	shalt  }
0x61: {  	_ =	shalt  }
0x62: {  	_ =	shalt  }
0x63: {  	_ =	shalt  }
0x64: {  	_ =	shalt  }
0x65: {  	_ =	shalt  }
0x66: {  	_ =	shalt  }
0x67: {  	_ =	shalt  }
0x68: {  	_ =	shalt  }
0x69: {  	_ =	shalt  }
0x6a: {  	_ =	shalt  }
0x6b: {  	_ =	shalt  }
0x6c: {  	_ =	shalt  }
0x6d: {  	_ =	shalt  }
0x6e: {  	_ =	shalt  }
0x6f: {  	_ =	shalt  }
0x70: {  	_ =	shalt  }
0x71: {  	_ =	shalt  }
0x72: {  	_ =	shalt  }
0x73: {  	_ =	shalt  }
0x74: {  	_ =	shalt  }
0x75: {  	_ =	shalt  }
0x76: {  	_ =	shalt  }
0x77: {  	_ =	shalt  }
0x78: {  	_ =	shalt  }
0x79: {  	_ =	shalt  }
0x7a: {  	_ =	shalt  }
0x7b: {  	_ =	shalt  }
0x7c: {  	_ =	shalt  }
0x7d: {  	_ =	shalt  }
0x7e: {  	_ =	shalt  }
0x7f: {  	_ =	shalt  }
0x80: {  	_ =	shalt  }
0x81: {  	_ =	shalt  }
0x82: {  	_ =	shalt  }
0x83: {  	_ =	shalt  }
0x84: {  	_ =	shalt  }
0x85: {  	_ =	shalt  }
0x86: {  	_ =	shalt  }
0x87: {  	_ =	shalt  }
.Lfunc_end0:
.L_simem_size_0:
called_computation.1_lowered:
.L_overlay_start_0:
0x88: {  	s2 =	sld [smem:$0x3FD9]  }
0x89: {  	s3 =	sld [smem:$0x3FFE];
	_ =	sdelay $0x1  }
0x8a: {  	s1 =	srdreg.scid  }
0x8b: {  	s0 =	sand.u32 $0x1, s1  }
0x8c: {  	s17 =	sshll.u32 s0, $0xA;
	s2 =	sadd.s32 s3, s2  }
0x8d: {  	s2 =	sadd.s32 s2, s17  }
0x8e: {  	[smem:$0x3FC0] =	sst s2  }
0x8f: {  	_ = 	snop  }
0x90: {  	s18 =	sld [smem:$0x3FD0];
	(tm) =	ssettm $0x1  }
0x91: {  	s19 =	sld [smem:$0x3FFB];
	_ =	sdelay $0x3  }
0x92: {  	_ =	strace s19  }
0x93: {  	s2 =	sld [smem:$0x3FFC];
	_ =	sdelay $0x3  }
0x94: {  	_ =	strace s2  }
0x95: {  	s2 =	sld [smem:$0x3FFD];
	_ =	sdelay $0x3  }
0x96: {  	_ =	strace s2  }
0x97: {  	_ =	strace $0x8FFFFFFF  }
0x98: {  	s20 =	sld [smem:$0x3FDB];
	_ =	sdelay $0x1  }
0x99: {  	s4 =	simm.s32 $_scs_section_size  }
0x9a: {  	s5 =	simm.s32 $_size__tile_overlayer_lowered;
	s6 =	simm.s32 $_tile_overlayer_lowered  }
0x9b: {  	s7 =	simm.s32 $0x1BFF;
	s21 =	sshll.u32 s6, $0x1;
	s4 =	sadd.s32 s4, s20  }
0x9c: {  	s22 =	simm.s32 $0x0;
	s5 =	sshll.u32 s5, $0x1;
	s6 =	sadd.s32 s21, s4  }
0x9d: {  	[timem:s22], [sflag:s7] =	dma.local [hbm:s6], s5  }
0x9e: {  	_ =	swait.ge [sflag:s7], s5  }
0x9f: {  	s5 =	ssub.s32 $0x0, s5;
	[sflag:s7] =	ssyncset.done $0x0  }
0xa0: {  	[sflag:s7] =	ssyncadd.s32 s5;
	_ =	sdelay $0x1  }
0xa1: {  	s23 =	simm.s32 $0x1B8B  }
0xa2: {  	_ =	swait.ge [sflag:s23], $0x1  }
0xa3: {  	[sflag:s23] =	ssyncset.done $0x0  }
0xa4: {  	[sflag:s23] =	ssyncadd.s32 $0xFFFFFFFF  }
0xa5: {  	s5 =	sld [smem:$0x0]  }
0xa6: {  	s6 =	sand.u32 $0xFFFFFFFE, s1  }
0xa7: {  	p0 =	sne.s32 s1, s6  }
0xa8: {  	s6 =	sshll.u32 @p0 s6, $0xE  }
0xa9: {  	s6 =	sadd.s32 @p0 $0x11B8D, s6;
	s7 =	sshll.u32 @p0 s5, $0x11  }
0xaa: {  	s6 =	sor.u32 @p0 s7, s6  }
0xab: {  	[sflag:s6] =	ssyncadd.remote.s32 @p0 $0x1;
	_ =	sdelay $0x1  }
0xac: {  	s6 =	simm.s32 @p0 $0x1B8D  }
0xad: {  	_ =	swait.eq @p0 [sflag:s6], $0x1  }
0xae: {  	[sflag:s6] =	ssyncadd.s32 @p0 $0xFFFFFFFF  }
0xaf: {  	s7 =	sshll.u32 @!p0 s1, $0xE  }
0xb0: {  	s7 =	sor.u32 @!p0 $0x4000, s7;
	s6 =	simm.s32 @!p0 $0x1B8D  }
0xb1: {  	s5 =	sshll.u32 @!p0 s5, $0x11;
	s7 =	sadd.s32 @!p0 $0x11B8D, s7;
	_ =	swait.eq @!p0 [sflag:s6], $0x1  }
0xb2: {  	s5 =	sor.u32 @!p0 s5, s7;
	[sflag:s6] =	ssyncadd.s32 @!p0 $0xFFFFFFFF  }
0xb3: {  	s25 =	simm.s32 $0x1B8E;
	s24 =	sld [smem:$0x3FFE];
	[sflag:s5] =	ssyncadd.remote.s32 @!p0 $0x1  }
0xb4: {  	s26 =	simm.s32 $execute0_lowered;
	[smem:$0x3FD2] =	sst s25  }
0xb5: {  	s6 =	sshll.u32 s26, $0x1;
	_ =	strace $0x80000049;
	[dreg:$0x1] =	wrdreg $0xFFFFFFFF  }
0xb6: {  	s28 =	simm.s32 $_size_execute0_lowered;
	s4 =	sadd.s32 s4, s6;
	[dreg:$0x0] =	wrdreg $0x0  }
0xb7: {  	s6 =	sshll.u32 s28, $0x1;
	[dreg:$0x2] =	wrdreg s4  }
0xb8: {  	[dreg:$0x3] =	wrdreg s6  }
0xb9: {  	[dreg:$0x4] =	wrdreg $0xC0  }
0xba: {  	_ =	task [dreg:s22], $0x5FFFF  }
0xbb: {  	[dreg:$0x1] =	wrdreg $0xFFFFFFFF  }
0xbc: {  	[dreg:$0x0] =	wrdreg $0x60  }
0xbd: {  	[dreg:$0x2] =	wrdreg s24  }
0xbe: {  	[dreg:$0x3] =	wrdreg s18  }
0xbf: {  	[dreg:$0x4] =	wrdreg $0xCA800  }
0xc0: {  	[dreg:$0x5] =	wrdreg $0xA  }
0xc1: {  	_ =	task.clear_ibuf [dreg:s22], $0x6FFFF;
	_ =	strace $0x90000049  }
0xc2: {  	s29 =	simm.s32 $0xA;
	_ =	strace $0x8000004B  }
0xc3: {  	_ =	swait.ge [sflag:s29], $0x1  }
0xc4: {  	[sflag:s29] =	ssyncadd.s32 $0xFFFFFFFF  }
0xc5: {  	_ =	strace $0x9000004B  }
0xc6: {  	_ =	sfence  }
0xc7: {  	s30 =	sld [smem:$0x0];
	_ =	sdelay $0x2  }
0xc8: {  	s31 =	sshll.u32 s1, $0xD;
	s1 =	sshrl.u32 s1, $0x2  }
0xc9: {  	s4 =	sand.u32 $0x4000, s31;
	s1 =	sadd.s32 s1, s30  }
0xca: {  	s0 =	sor.u32 s4, s0;
	s1 =	sshll.u32 s1, $0x11  }
0xcb: {  	s0 =	sor.u32 s1, s0  }
0xcc: {  	s0 =	sadd.s32 $0x8F2B, s0  }
0xcd: {  	[sflag:s0] =	ssyncadd.remote.s32 $0x1  }
0xce: {  	_ =	sfence.sel $0xFFFF  }
0xcf: {  	[dreg:$0x0] =	wrdreg $0xFFFFFFFF;
	(pc) =	sbr.abs _section_cstart, $3  }
0xd0: {  	[dreg:$0x1] =	wrdreg $0xFFFFFFFF  }
0xd1: {  	_ =	task.clear_ibuf [dreg:s22], $0x2FFFF;
	_ =	strace $0x9FFFFFFF  }
0xd2: {  	(tm) =	ssettm $0x7FFFFFFF  }
0xd3: {  	_ =	shalt  }
tec
execute0_lowered:
.L_overlay_start_1:
0x0: {  	(tag) =	ssettag $0x1  }
0x1: {  	s3 =	rddreg [dreg:$0x0]  }
0x2: {  	s7 =	rddreg [dreg:$0x1];
	s0 =	srdreg.scid  }
0x3: {  	s6 =	rddreg [dreg:$0x2];
	s1 =	stileid.u32  }
0x4: {  	s2 =	simm.s32 $0x0;
	s13 =	simm.s32 $0x2800;
	s14 =	simm.s32 $0x5000  }
0x5: {  	s15 =	simm.s32 $0x7800;
	s16 =	simm.s32 $0x80;
	s17 =	simm.s32 $0x400  }
0x6: {  	s18 =	simm.s32 $0x1400;
	s19 =	simm.s32 $0x14000;
	s20 =	simm.s32 $0xA000  }
0x7: {  	s21 =	simm.s32 $0x100;
	s22 =	simm.s32 $0xC800;
	s8 =	smul.u32 $0x2800, s1  }
0x8: {  	s4 =	sand.u32 $0x1, s0;
	s0 =	rddreg [dreg:$0x3];
	s29 =	smul.u32 $0x500, s1  }
0x9: {  	[smem:$0x7FF] =	sst s2;
	s26 =	sshrl.u32 s1, $0x3;
	s12 =	smul.u32 $0x5000, s1  }
0xa: {  	s30 =	sshll.u32 s1, $0x7;
	s5 =	smul.u32 $0x28000, s4;
	s9 =	ssub.s32 $0x2, s4  }
0xb: {  	_ =	strace $0x8000004A;
	s10 =	smul.u32 $0x5000, s4;
	s28 =	sshrl.u32 s9, $0x1  }
0xc: {  	s31 =	sshrl.u32 s12, $0x2;
	s5 =	sadd.s32 s8, s5;
	s8 =	smul.u32 $0x50000, s26  }
0xd: {  	s11 =	ssub.s32 s9, s28;
	s9 =	sadd.s32 s29, s10;
	s5 =	sshrl.u32 s5, $0x3  }
0xe: {  	s12 =	simm.s32 $0x1;
	s9 =	sshrl.u32 s9, $0x3;
	s5 =	sadd.s32 s5, s3  }
0xf: {  	s11 =	smax.u32 s11, $0x1;
	s8 =	sshrl.u32 s8, $0x2;
	s3 =	sadd.s32 $0x34600, s5  }
0x10: {  	s4 =	sadd.s32 $0x3E600, s5;
	s5 =	sand.u32 $0x380, s30;
	s8 =	sadd.s32 s8, s6  }
0x11: {  	s7 =	sadd.s32 s7, s9;
	s6 =	sadd.s32 s31, s6;
	s5 =	sadd.s32 s5, s8  }
0x12: {  	v0 =	vimm.f32 $0.0e+00;
	s10 =	sadd.s32 $0x10, s7;
	s9 =	sadd.s32 $0x28000, s6;
	s8 =	sadd.s32 $0x28000, s5  }
.LBB2_1:
0x13: {  	s23 =	simm.s32 $0x40;
	s24 =	simm.s32 $0x0  }
.LBB2_2:
0x14: {  	p0 =	sne.s32 s23, $0x9FC0;
	[tilespmem:s24+$0x5000] =	vst v0;
	s25 =	smov.u32 s23;
	s23 =	sadd.s32 $0x40, s23  }
.Ltmp0:
0x15: {  	[tilespmem:s24+$0x7800] =	vst v0;
	(pc) =	sbr.rel @p0 .LBB2_2-.Ltmp0, $2  }
0x16: {  	_ =	sdelay $0x2  }
0x17: {  	s24 =	sshra.s32 s25, $0x2  }
0x18: {  	[tilespmem:s24+$0x5000] =	vst v0  }
0x19: {  	[tilespmem:s24+$0x7800] =	vst v0;
	s23 =	simm.s32 $0x0  }
0x1a: {  	[tilespmem:s23], [sflag:$0x1] =	stream.linear.gather [hbm4b:s3+s23], $0x2780, $0x38;
	[tilespmem:$0x11A80] =	vst v63  }
0x1b: {  	_ =	swait.ge [sflag:s12], $0x2780  }
0x1c: {  	[sflag:s12] =	ssyncset.done $0x0  }
0x1d: {  	[sflag:s12] =	ssyncadd.s32 $0xFFFFD880  }
0x1e: {  	[tilespmem:s13], [sflag:$0x1] =	stream.linear.gather [hbm4b:s4+s23], $0x2780, $0x38;
	[tilespmem:$0x11A80] =	vst v63  }
0x1f: {  	_ =	swait.ge [sflag:s12], $0x2780  }
0x20: {  	[sflag:s12] =	ssyncset.done $0x0  }
0x21: {  	[sflag:s12] =	ssyncadd.s32 $0xFFFFD880  }
.LBB2_4:
0x22: {  	s24 =	sshra.s32 s23, $0x2  }
0x23: {  	v1 =	vld [tilespmem:s24+$0x0];
	_ =	sdelay $0x4  }
0x24: {  	(xrf1) =	vunique.msk.u32 $0xffff, v1;
	_ =	sdelay $0xd  }
0x25: {  	_, v2, vm0 =	vpop (xrf1);
	_ =	sdelay $0x3  }
0x26: {  	v2 =	vcvt.s32.f32 v2;
	_ =	sdelay $0x1  }
0x27: {  	[tilespmem:v1+s14+$0x0] =	vst.idx.add.f32.msk vm0, v2  }
0x28: {  	v1 =	vld [tilespmem:s24+$0x2800];
	_ =	sdelay $0x4  }
0x29: {  	(xrf1) =	vunique.msk.u32 $0xffff, v1;
	_ =	sdelay $0xd  }
0x2a: {  	_, v2, vm0 =	vpop (xrf1);
	_ =	sdelay $0x3  }
0x2b: {  	v2 =	vcvt.s32.f32 v2;
	_ =	sdelay $0x1  }
0x2c: {  	[tilespmem:v1+s15+$0x0] =	vst.idx.add.f32.msk vm0, v2  }
0x2d: {  	v1 =	vld [tilespmem:s24+$0x10];
	_ =	sdelay $0x4  }
0x2e: {  	(xrf1) =	vunique.msk.u32 $0xffff, v1;
	_ =	sdelay $0xd  }
0x2f: {  	_, v2, vm0 =	vpop (xrf1);
	_ =	sdelay $0x3  }
0x30: {  	v2 =	vcvt.s32.f32 v2;
	_ =	sdelay $0x1  }
0x31: {  	[tilespmem:v1+s14+$0x0] =	vst.idx.add.f32.msk vm0, v2  }
0x32: {  	v1 =	vld [tilespmem:s24+$0x2810];
	_ =	sdelay $0x4  }
0x33: {  	(xrf1) =	vunique.msk.u32 $0xffff, v1;
	_ =	sdelay $0xd  }
0x34: {  	_, v2, vm0 =	vpop (xrf1);
	_ =	sdelay $0x3  }
0x35: {  	v2 =	vcvt.s32.f32 v2;
	_ =	sdelay $0x1  }
0x36: {  	[tilespmem:v1+s15+$0x0] =	vst.idx.add.f32.msk vm0, v2  }
0x37: {  	v1 =	vld [tilespmem:s24+$0x20];
	_ =	sdelay $0x4  }
0x38: {  	(xrf1) =	vunique.msk.u32 $0xffff, v1;
	_ =	sdelay $0xd  }
0x39: {  	_, v2, vm0 =	vpop (xrf1);
	_ =	sdelay $0x3  }
0x3a: {  	v2 =	vcvt.s32.f32 v2;
	_ =	sdelay $0x1  }
0x3b: {  	[tilespmem:v1+s14+$0x0] =	vst.idx.add.f32.msk vm0, v2  }
0x3c: {  	v1 =	vld [tilespmem:s24+$0x2820];
	_ =	sdelay $0x4  }
0x3d: {  	(xrf1) =	vunique.msk.u32 $0xffff, v1;
	_ =	sdelay $0xd  }
0x3e: {  	_, v2, vm0 =	vpop (xrf1);
	_ =	sdelay $0x3  }
0x3f: {  	v2 =	vcvt.s32.f32 v2;
	_ =	sdelay $0x1  }
0x40: {  	[tilespmem:v1+s15+$0x0] =	vst.idx.add.f32.msk vm0, v2  }
0x41: {  	v1 =	vld [tilespmem:s24+$0x30];
	_ =	sdelay $0x4  }
0x42: {  	(xrf1) =	vunique.msk.u32 $0xffff, v1;
	_ =	sdelay $0xd  }
0x43: {  	_, v2, vm0 =	vpop (xrf1);
	_ =	sdelay $0x3  }
0x44: {  	v2 =	vcvt.s32.f32 v2;
	_ =	sdelay $0x1  }
0x45: {  	[tilespmem:v1+s14+$0x0] =	vst.idx.add.f32.msk vm0, v2  }
0x46: {  	v1 =	vld [tilespmem:s24+$0x2830];
	_ =	sdelay $0x4  }
0x47: {  	(xrf1) =	vunique.msk.u32 $0xffff, v1;
	_ =	sdelay $0xd  }
0x48: {  	_, v2, vm0 =	vpop (xrf1);
	_ =	sdelay $0x3  }
0x49: {  	v2 =	vcvt.s32.f32 v2;
	_ =	sdelay $0x1  }
0x4a: {  	[tilespmem:v1+s15+$0x0] =	vst.idx.add.f32.msk vm0, v2  }
0x4b: {  	v1 =	vld [tilespmem:s24+$0x40];
	_ =	sdelay $0x4  }
0x4c: {  	(xrf1) =	vunique.msk.u32 $0xffff, v1;
	_ =	sdelay $0xd  }
0x4d: {  	_, v2, vm0 =	vpop (xrf1);
	_ =	sdelay $0x3  }
0x4e: {  	v2 =	vcvt.s32.f32 v2;
	_ =	sdelay $0x1  }
0x4f: {  	[tilespmem:v1+s14+$0x0] =	vst.idx.add.f32.msk vm0, v2  }
0x50: {  	v1 =	vld [tilespmem:s24+$0x2840];
	_ =	sdelay $0x4  }
0x51: {  	(xrf1) =	vunique.msk.u32 $0xffff, v1;
	_ =	sdelay $0xd  }
0x52: {  	_, v2, vm0 =	vpop (xrf1);
	_ =	sdelay $0x3  }
0x53: {  	v2 =	vcvt.s32.f32 v2;
	_ =	sdelay $0x1  }
0x54: {  	[tilespmem:v1+s15+$0x0] =	vst.idx.add.f32.msk vm0, v2  }
0x55: {  	v1 =	vld [tilespmem:s24+$0x50];
	_ =	sdelay $0x4  }
0x56: {  	(xrf1) =	vunique.msk.u32 $0xffff, v1;
	_ =	sdelay $0xd  }
0x57: {  	_, v2, vm0 =	vpop (xrf1);
	_ =	sdelay $0x3  }
0x58: {  	v2 =	vcvt.s32.f32 v2;
	_ =	sdelay $0x1  }
0x59: {  	[tilespmem:v1+s14+$0x0] =	vst.idx.add.f32.msk vm0, v2  }
0x5a: {  	v1 =	vld [tilespmem:s24+$0x2850];
	_ =	sdelay $0x4  }
0x5b: {  	(xrf1) =	vunique.msk.u32 $0xffff, v1;
	_ =	sdelay $0xd  }
0x5c: {  	_, v2, vm0 =	vpop (xrf1);
	_ =	sdelay $0x3  }
0x5d: {  	v2 =	vcvt.s32.f32 v2;
	_ =	sdelay $0x1  }
0x5e: {  	[tilespmem:v1+s15+$0x0] =	vst.idx.add.f32.msk vm0, v2  }
0x5f: {  	v1 =	vld [tilespmem:s24+$0x60];
	_ =	sdelay $0x4  }
0x60: {  	(xrf1) =	vunique.msk.u32 $0xffff, v1;
	_ =	sdelay $0xd  }
0x61: {  	_, v2, vm0 =	vpop (xrf1);
	_ =	sdelay $0x3  }
0x62: {  	v2 =	vcvt.s32.f32 v2;
	_ =	sdelay $0x1  }
0x63: {  	[tilespmem:v1+s14+$0x0] =	vst.idx.add.f32.msk vm0, v2  }
0x64: {  	v1 =	vld [tilespmem:s24+$0x2860];
	_ =	sdelay $0x4  }
0x65: {  	(xrf1) =	vunique.msk.u32 $0xffff, v1;
	_ =	sdelay $0xd  }
0x66: {  	_, v2, vm0 =	vpop (xrf1);
	_ =	sdelay $0x3  }
0x67: {  	v2 =	vcvt.s32.f32 v2;
	_ =	sdelay $0x1  }
0x68: {  	[tilespmem:v1+s15+$0x0] =	vst.idx.add.f32.msk vm0, v2  }
0x69: {  	v1 =	vld [tilespmem:s24+$0x70];
	_ =	sdelay $0x4  }
0x6a: {  	(xrf1) =	vunique.msk.u32 $0xffff, v1;
	_ =	sdelay $0xd  }
0x6b: {  	_, v2, vm0 =	vpop (xrf1);
	_ =	sdelay $0x3  }
0x6c: {  	v2 =	vcvt.s32.f32 v2;
	_ =	sdelay $0x1  }
0x6d: {  	[tilespmem:v1+s14+$0x0] =	vst.idx.add.f32.msk vm0, v2  }
0x6e: {  	v1 =	vld [tilespmem:s24+$0x2870];
	_ =	sdelay $0x4  }
0x6f: {  	(xrf1) =	vunique.msk.u32 $0xffff, v1;
	_ =	sdelay $0xd  }
0x70: {  	_, v2, vm0 =	vpop (xrf1)  }
0x71: {  	p0 =	sne.s32 s23, $0x9C00  }
.Ltmp1:
0x72: {  	_ = 	snop;
	(pc) =	sbr.rel @p0 .LBB2_4-.Ltmp1, $3  }
0x73: {  	_ = 	snop  }
0x74: {  	v2 =	vcvt.s32.f32 v2;
	_ =	sdelay $0x1  }
0x75: {  	s23 =	sadd.s32 $0x200, s23;
	[tilespmem:v1+s15+$0x0] =	vst.idx.add.f32.msk vm0, v2  }
0x76: {  	[spmem:s5] =	stream.strided.scatter [tilespmem:s14], [sflag:$0x1], $0x2800, s17, s16, $0x38;
	[tilespmem:$0x11A80] =	vst v63  }
0x77: {  	_ =	swait.ge [sflag:s12], $0x2800  }
0x78: {  	[sflag:s12] =	ssyncset.done $0x0  }
0x79: {  	[sflag:s12] =	ssyncadd.s32 $0xFFFFD800  }
0x7a: {  	[spmem:s8] =	stream.strided.scatter [tilespmem:s15], [sflag:$0x1], $0x2800, s17, s16, $0x38;
	[tilespmem:$0x11A80] =	vst v63  }
0x7b: {  	_ =	swait.ge [sflag:s12], $0x2800  }
0x7c: {  	[sflag:s12] =	ssyncset.done $0x0  }
0x7d: {  	[sflag:s12] =	ssyncadd.s32 $0xFFFFD800  }
0x7e: {  	[bflag:$0x0] =	sbarrier.arrive $0xFFFF  }
0x7f: {  	[tilespmem:s20], [sflag:$0x1] =	stream.strided.gather [spmem:s6], $0x2800, s19, s18, $0x38;
	[tilespmem:$0x11A80] =	vst v63  }
0x80: {  	s23 =	simm.s32 $0x0;
	_ =	swait.ge [sflag:s12], $0x2800  }
0x81: {  	s24 =	sand.u32 $0x70, s23;
	s23 =	sand.u32 $0x1C00, s23;
	[sflag:s12] =	ssyncset.done $0x0  }
0x82: {  	s23 =	sor.u32 s24, s23;
	[sflag:s12] =	ssyncadd.s32 $0xFFFFD800  }
0x83: {  	v1 =	vld [tilespmem:s23+$0xA080]  }
0x84: {  	v2 =	vld [tilespmem:s23+$0xA000];
	_ =	sdelay $0x1  }
0x85: {  	v3 =	vld [tilespmem:s23+$0xA100];
	_ =	sdelay $0x1  }
0x86: {  	v4 =	vld [tilespmem:s23+$0xA180]  }
0x87: {  	v1 =	vadd.f32 v1, v2  }
0x88: {  	v2 =	vld [tilespmem:s23+$0xA200]  }
0x89: {  	v1 =	vadd.f32 v3, v1  }
0x8a: {  	v3 =	vld [tilespmem:s23+$0xA280]  }
0x8b: {  	v1 =	vadd.f32 v4, v1  }
0x8c: {  	v60 =	vld [tilespmem:s23+$0xA300]  }
0x8d: {  	v1 =	vadd.f32 v2, v1  }
0x8e: {  	v2 =	vld [tilespmem:s23+$0xA380]  }
0x8f: {  	v1 =	vadd.f32 v3, v1  }
0x90: {  	v3 =	vld [tilespmem:s23+$0xB400]  }
0x91: {  	v1 =	vadd.f32 v60, v1  }
0x92: {  	v61 =	vld [tilespmem:s23+$0xB480]  }
0x93: {  	v1 =	vadd.f32 v2, v1  }
0x94: {  	v2 =	vld [tilespmem:s23+$0xB500]  }
0x95: {  	v1 =	vadd.f32 v3, v1  }
0x96: {  	v3 =	vld [tilespmem:s23+$0xB580]  }
0x97: {  	v1 =	vadd.f32 v61, v1  }
0x98: {  	v62 =	vld [tilespmem:s23+$0xB600]  }
0x99: {  	v1 =	vadd.f32 v2, v1  }
0x9a: {  	v2 =	vld [tilespmem:s23+$0xB680]  }
0x9b: {  	v1 =	vadd.f32 v3, v1  }
0x9c: {  	v3 =	vld [tilespmem:s23+$0xB700]  }
0x9d: {  	v1 =	vadd.f32 v62, v1  }
0x9e: {  	v63 =	vld [tilespmem:s23+$0xB780]  }
0x9f: {  	v1 =	vadd.f32 v2, v1;
	_ =	sdelay $0x1  }
0xa0: {  	v1 =	vadd.f32 v3, v1;
	_ =	sdelay $0x1  }
0xa1: {  	s31 =	simm.s32 $0x10;
	s25 =	simm.s32 $0x80;
	v1 =	vadd.f32 v63, v1  }
0xa2: {  	s26 =	sand.u32 $0x1C00, s25;
	s24 =	sand.u32 $0x70, s31;
	s23 =	simm.s32 $0xC800  }
0xa3: {  	s24 =	sor.u32 s24, s26;
	s26 =	simm.s32 $0x20;
	[tilespmem:s23+$0x0] =	vst v1  }
.LBB2_6:
0xa4: {  	p0 =	sne.s32 s26, $0x270;
	v1 =	vld [tilespmem:s24+$0xA080]  }
0xa5: {  	v2 =	vld [tilespmem:s24+$0xA000];
	_ =	sdelay $0x1  }
0xa6: {  	v3 =	vld [tilespmem:s24+$0xA100];
	_ =	sdelay $0x1  }
0xa7: {  	v4 =	vld [tilespmem:s24+$0xA180]  }
0xa8: {  	v1 =	vadd.f32 v1, v2  }
0xa9: {  	v2 =	vld [tilespmem:s24+$0xA200]  }
0xaa: {  	v1 =	vadd.f32 v3, v1  }
0xab: {  	v3 =	vld [tilespmem:s24+$0xA280]  }
0xac: {  	v1 =	vadd.f32 v4, v1  }
0xad: {  	v4 =	vld [tilespmem:s24+$0xA300]  }
0xae: {  	v1 =	vadd.f32 v2, v1  }
0xaf: {  	v2 =	vld [tilespmem:s24+$0xA380]  }
0xb0: {  	v1 =	vadd.f32 v3, v1  }
0xb1: {  	v3 =	vld [tilespmem:s24+$0xB400]  }
0xb2: {  	v1 =	vadd.f32 v4, v1  }
0xb3: {  	v4 =	vld [tilespmem:s24+$0xB480]  }
0xb4: {  	v1 =	vadd.f32 v2, v1  }
0xb5: {  	v2 =	vld [tilespmem:s24+$0xB500]  }
0xb6: {  	v1 =	vadd.f32 v3, v1  }
0xb7: {  	v3 =	vld [tilespmem:s24+$0xB580]  }
0xb8: {  	v1 =	vadd.f32 v4, v1  }
0xb9: {  	v4 =	vld [tilespmem:s24+$0xB600]  }
0xba: {  	v1 =	vadd.f32 v2, v1  }
0xbb: {  	v2 =	vld [tilespmem:s24+$0xB680]  }
0xbc: {  	v1 =	vadd.f32 v3, v1  }
0xbd: {  	v3 =	vld [tilespmem:s24+$0xB700]  }
0xbe: {  	v1 =	vadd.f32 v4, v1  }
0xbf: {  	v4 =	vld [tilespmem:s24+$0xB780]  }
0xc0: {  	v1 =	vadd.f32 v2, v1;
	_ =	sdelay $0x1  }
.Ltmp2:
0xc1: {  	v1 =	vadd.f32 v3, v1;
	(pc) =	sbr.rel @p0 .LBB2_6-.Ltmp2, $4  }
0xc2: {  	_ = 	snop  }
0xc3: {  	s25 =	sadd.s32 $0x80, s25;
	v1 =	vadd.f32 v4, v1  }
0xc4: {  	s23 =	sadd.s32 $0x10, s23;
	s28 =	sand.u32 $0x1C00, s25;
	s24 =	sand.u32 $0x70, s26  }
0xc5: {  	s26 =	sadd.s32 $0x10, s26;
	s24 =	sor.u32 s24, s28;
	[tilespmem:s23+$0x0] =	vst v1  }
0xc6: {  	v1 =	vld [tilespmem:s24+$0xA080]  }
0xc7: {  	v2 =	vld [tilespmem:s24+$0xA000];
	_ =	sdelay $0x1  }
0xc8: {  	v3 =	vld [tilespmem:s24+$0xA100];
	_ =	sdelay $0x1  }
0xc9: {  	v4 =	vld [tilespmem:s24+$0xA180]  }
0xca: {  	v1 =	vadd.f32 v1, v2  }
0xcb: {  	v2 =	vld [tilespmem:s24+$0xA200]  }
0xcc: {  	v1 =	vadd.f32 v3, v1  }
0xcd: {  	v3 =	vld [tilespmem:s24+$0xA280]  }
0xce: {  	v1 =	vadd.f32 v4, v1  }
0xcf: {  	v55 =	vld [tilespmem:s24+$0xA300]  }
0xd0: {  	v1 =	vadd.f32 v2, v1  }
0xd1: {  	v2 =	vld [tilespmem:s24+$0xA380]  }
0xd2: {  	v1 =	vadd.f32 v3, v1  }
0xd3: {  	v3 =	vld [tilespmem:s24+$0xB400]  }
0xd4: {  	v1 =	vadd.f32 v55, v1  }
0xd5: {  	v56 =	vld [tilespmem:s24+$0xB480]  }
0xd6: {  	v1 =	vadd.f32 v2, v1  }
0xd7: {  	v2 =	vld [tilespmem:s24+$0xB500]  }
0xd8: {  	v1 =	vadd.f32 v3, v1  }
0xd9: {  	v3 =	vld [tilespmem:s24+$0xB580]  }
0xda: {  	v1 =	vadd.f32 v56, v1  }
0xdb: {  	v57 =	vld [tilespmem:s24+$0xB600]  }
0xdc: {  	v1 =	vadd.f32 v2, v1  }
0xdd: {  	v2 =	vld [tilespmem:s24+$0xB680]  }
0xde: {  	v1 =	vadd.f32 v3, v1  }
0xdf: {  	v3 =	vld [tilespmem:s24+$0xB700]  }
0xe0: {  	v1 =	vadd.f32 v57, v1  }
0xe1: {  	v58 =	vld [tilespmem:s24+$0xB780]  }
0xe2: {  	v1 =	vadd.f32 v2, v1;
	_ =	sdelay $0x1  }
0xe3: {  	v1 =	vadd.f32 v3, v1;
	_ =	sdelay $0x1  }
0xe4: {  	v1 =	vadd.f32 v58, v1  }
0xe5: {  	s23 =	sadd.s32 $0x10, s23  }
0xe6: {  	[tilespmem:s23+$0x0] =	vst v1;
	s23 =	simm.s32 $0xC800  }
0xe7: {  	[hbm4b:s7+s16] =	stream.strided.scatter [tilespmem:s23], [sflag:$0x1], $0x280, s21, s16, $0x38;
	[tilespmem:$0x11A80] =	vst v63  }
0xe8: {  	_ =	swait.ge [sflag:s12], $0x280  }
0xe9: {  	[sflag:s12] =	ssyncset.done $0x0  }
0xea: {  	[sflag:s12] =	ssyncadd.s32 $0xFFFFFD80  }
0xeb: {  	[tilespmem:s20], [sflag:$0x1] =	stream.strided.gather [spmem:s9], $0x2800, s19, s18, $0x38;
	[tilespmem:$0x11A80] =	vst v63  }
0xec: {  	s30 =	simm.s32 $0x0;
	_ =	swait.ge [sflag:s12], $0x2800  }
0xed: {  	s25 =	sand.u32 $0x70, s30;
	s24 =	sand.u32 $0x1C00, s30;
	[sflag:s12] =	ssyncset.done $0x0  }
0xee: {  	s24 =	sor.u32 s25, s24;
	[sflag:s12] =	ssyncadd.s32 $0xFFFFD800  }
0xef: {  	v1 =	vld [tilespmem:s24+$0xA080]  }
0xf0: {  	v2 =	vld [tilespmem:s24+$0xA000];
	_ =	sdelay $0x1  }
0xf1: {  	v3 =	vld [tilespmem:s24+$0xA100];
	_ =	sdelay $0x1  }
0xf2: {  	v59 =	vld [tilespmem:s24+$0xA180]  }
0xf3: {  	v1 =	vadd.f32 v1, v2  }
0xf4: {  	v2 =	vld [tilespmem:s24+$0xA200]  }
0xf5: {  	v1 =	vadd.f32 v3, v1  }
0xf6: {  	v3 =	vld [tilespmem:s24+$0xA280]  }
0xf7: {  	v1 =	vadd.f32 v59, v1  }
0xf8: {  	v60 =	vld [tilespmem:s24+$0xA300]  }
0xf9: {  	v1 =	vadd.f32 v2, v1  }
0xfa: {  	v2 =	vld [tilespmem:s24+$0xA380]  }
0xfb: {  	v1 =	vadd.f32 v3, v1  }
0xfc: {  	v3 =	vld [tilespmem:s24+$0xB400]  }
0xfd: {  	v1 =	vadd.f32 v60, v1  }
0xfe: {  	v61 =	vld [tilespmem:s24+$0xB480]  }
0xff: {  	v1 =	vadd.f32 v2, v1  }
0x100: {  	v2 =	vld [tilespmem:s24+$0xB500]  }
0x101: {  	v1 =	vadd.f32 v3, v1  }
0x102: {  	v3 =	vld [tilespmem:s24+$0xB580]  }
0x103: {  	v1 =	vadd.f32 v61, v1  }
0x104: {  	v62 =	vld [tilespmem:s24+$0xB600]  }
0x105: {  	v1 =	vadd.f32 v2, v1  }
0x106: {  	v2 =	vld [tilespmem:s24+$0xB680]  }
0x107: {  	v1 =	vadd.f32 v3, v1  }
0x108: {  	v3 =	vld [tilespmem:s24+$0xB700]  }
0x109: {  	v1 =	vadd.f32 v62, v1  }
0x10a: {  	v63 =	vld [tilespmem:s24+$0xB780]  }
0x10b: {  	v1 =	vadd.f32 v2, v1;
	_ =	sdelay $0x1  }
0x10c: {  	v1 =	vadd.f32 v3, v1;
	_ =	sdelay $0x1  }
0x10d: {  	s31 =	simm.s32 $0x10;
	s25 =	simm.s32 $0x80;
	v1 =	vadd.f32 v63, v1  }
0x10e: {  	s26 =	sand.u32 $0x1C00, s25;
	s24 =	sand.u32 $0x70, s31  }
0x10f: {  	s24 =	sor.u32 s24, s26;
	s26 =	simm.s32 $0x20;
	[tilespmem:s23+$0x0] =	vst v1  }
.LBB2_8:
0x110: {  	p0 =	sne.s32 s26, $0x270;
	v1 =	vld [tilespmem:s24+$0xA080]  }
0x111: {  	v2 =	vld [tilespmem:s24+$0xA000];
	_ =	sdelay $0x1  }
0x112: {  	v3 =	vld [tilespmem:s24+$0xA100];
	_ =	sdelay $0x1  }
0x113: {  	v4 =	vld [tilespmem:s24+$0xA180]  }
0x114: {  	v1 =	vadd.f32 v1, v2  }
0x115: {  	v2 =	vld [tilespmem:s24+$0xA200]  }
0x116: {  	v1 =	vadd.f32 v3, v1  }
0x117: {  	v3 =	vld [tilespmem:s24+$0xA280]  }
0x118: {  	v1 =	vadd.f32 v4, v1  }
0x119: {  	v4 =	vld [tilespmem:s24+$0xA300]  }
0x11a: {  	v1 =	vadd.f32 v2, v1  }
0x11b: {  	v2 =	vld [tilespmem:s24+$0xA380]  }
0x11c: {  	v1 =	vadd.f32 v3, v1  }
0x11d: {  	v3 =	vld [tilespmem:s24+$0xB400]  }
0x11e: {  	v1 =	vadd.f32 v4, v1  }
0x11f: {  	v4 =	vld [tilespmem:s24+$0xB480]  }
0x120: {  	v1 =	vadd.f32 v2, v1  }
0x121: {  	v2 =	vld [tilespmem:s24+$0xB500]  }
0x122: {  	v1 =	vadd.f32 v3, v1  }
0x123: {  	v3 =	vld [tilespmem:s24+$0xB580]  }
0x124: {  	v1 =	vadd.f32 v4, v1  }
0x125: {  	v4 =	vld [tilespmem:s24+$0xB600]  }
0x126: {  	v1 =	vadd.f32 v2, v1  }
0x127: {  	v2 =	vld [tilespmem:s24+$0xB680]  }
0x128: {  	v1 =	vadd.f32 v3, v1  }
0x129: {  	v3 =	vld [tilespmem:s24+$0xB700]  }
0x12a: {  	v1 =	vadd.f32 v4, v1  }
0x12b: {  	v4 =	vld [tilespmem:s24+$0xB780]  }
0x12c: {  	v1 =	vadd.f32 v2, v1;
	_ =	sdelay $0x1  }
.Ltmp3:
0x12d: {  	v1 =	vadd.f32 v3, v1;
	(pc) =	sbr.rel @p0 .LBB2_8-.Ltmp3, $4  }
0x12e: {  	_ = 	snop  }
0x12f: {  	s25 =	sadd.s32 $0x80, s25;
	v1 =	vadd.f32 v4, v1  }
0x130: {  	s23 =	sadd.s32 $0x10, s23;
	s28 =	sand.u32 $0x1C00, s25;
	s24 =	sand.u32 $0x70, s26  }
0x131: {  	s26 =	sadd.s32 $0x10, s26;
	s24 =	sor.u32 s24, s28;
	[tilespmem:s23+$0x0] =	vst v1  }
0x132: {  	v1 =	vld [tilespmem:s24+$0xA080]  }
0x133: {  	v2 =	vld [tilespmem:s24+$0xA000];
	_ =	sdelay $0x1  }
0x134: {  	v3 =	vld [tilespmem:s24+$0xA100];
	_ =	sdelay $0x1  }
0x135: {  	v4 =	vld [tilespmem:s24+$0xA180]  }
0x136: {  	v1 =	vadd.f32 v1, v2  }
0x137: {  	v2 =	vld [tilespmem:s24+$0xA200]  }
0x138: {  	v1 =	vadd.f32 v3, v1  }
0x139: {  	v3 =	vld [tilespmem:s24+$0xA280]  }
0x13a: {  	v1 =	vadd.f32 v4, v1  }
0x13b: {  	v60 =	vld [tilespmem:s24+$0xA300]  }
0x13c: {  	v1 =	vadd.f32 v2, v1  }
0x13d: {  	v2 =	vld [tilespmem:s24+$0xA380]  }
0x13e: {  	v1 =	vadd.f32 v3, v1  }
0x13f: {  	v3 =	vld [tilespmem:s24+$0xB400]  }
0x140: {  	v1 =	vadd.f32 v60, v1  }
0x141: {  	v61 =	vld [tilespmem:s24+$0xB480]  }
0x142: {  	v1 =	vadd.f32 v2, v1  }
0x143: {  	v2 =	vld [tilespmem:s24+$0xB500]  }
0x144: {  	v1 =	vadd.f32 v3, v1  }
0x145: {  	v3 =	vld [tilespmem:s24+$0xB580]  }
0x146: {  	v1 =	vadd.f32 v61, v1  }
0x147: {  	v62 =	vld [tilespmem:s24+$0xB600]  }
0x148: {  	v1 =	vadd.f32 v2, v1  }
0x149: {  	v2 =	vld [tilespmem:s24+$0xB680]  }
0x14a: {  	v1 =	vadd.f32 v3, v1  }
0x14b: {  	v3 =	vld [tilespmem:s24+$0xB700]  }
0x14c: {  	v1 =	vadd.f32 v62, v1  }
0x14d: {  	v63 =	vld [tilespmem:s24+$0xB780]  }
0x14e: {  	v1 =	vadd.f32 v2, v1;
	_ =	sdelay $0x1  }
0x14f: {  	v1 =	vadd.f32 v3, v1;
	_ =	sdelay $0x1  }
0x150: {  	s2 =	sadd.s32 $0x1, s2;
	v1 =	vadd.f32 v63, v1  }
0x151: {  	s23 =	sadd.s32 $0x10, s23;
	p0 =	sne.s32 s2, s11  }
.Ltmp4:
0x152: {  	[tilespmem:s23+$0x0] =	vst v1;
	(pc) =	sbr.rel @p0 .LBB2_1-.Ltmp4, $4  }
0x153: {  	[hbm4b:s10+s16] =	stream.strided.scatter [tilespmem:s22], [sflag:$0x1], $0x280, s21, s16, $0x38;
	[tilespmem:$0x11A80] =	vst v63  }
0x154: {  	_ =	swait.ge [sflag:s12], $0x280  }
0x155: {  	[sflag:s12] =	ssyncset.done $0x0  }
0x156: {  	[sflag:s12] =	ssyncadd.s32 $0xFFFFFD80  }
0x157: {  	_ =	sfence.sel $0x180000  }
0x158: {  	[bflag:$0x0] =	sbarrier.arrive $0xFFFF  }
0x159: {  	p0 =	sne.s32 s1, $0x0;
	_ =	strace $0x9000004A  }
0x15a: {  	s0 =	sadd.s32 @!p0 $0x100000, s0;
	[bflag:$0x2] =	sbarrier.arrive $0xFFFF  }
0x15b: {  	[sflag:s0] =	ssyncadd.tile.s32 @!p0 $0x1;
	_ =	shalt  }
.Lfunc_end2:
_tile_overlayer_lowered:
.L_overlay_start_2:
0x15c: {  	(tag) =	ssettag $0x2  }
0x15d: {  	s0 =	rddreg [dreg:$0x0];
	s2 =	stileid.u32  }
0x15e: {  	s1 =	rddreg [dreg:$0x1];
	p0 =	sne.s32 s2, $0x0  }
0x15f: {  	s3 =	rddreg [dreg:$0x2];
	[bflag:$0x3] =	sbarrier.arrive $0xFFFF;
	s2 =	simm.s32 @!p0 $0x1C01  }
0x160: {  	[timem:s3], [sflag:s2] =	dma.local @!p0 [hbm:s0], s1  }
0x161: {  	s0 =	simm.s32 @!p0 $0x1  }
0x162: {  	_ =	swait.ge @!p0 [sflag:s0], s1  }
0x163: {  	s1 =	ssub.s32 @!p0 $0x0, s1;
	[sflag:s0] =	ssyncset.done @!p0 $0x0  }
0x164: {  	[sflag:s0] =	ssyncadd.s32 @!p0 s1  }
0x165: {  	[bflag:$0x3] =	sbarrier.arrive $0xFFFF  }
0x166: {  	_ =	shalt  }

// kernel: kernel.20.cloned.1.call-start
scs
__scs_entry_jumppad:
0x0: {  	(pc) =	sbr.rel $0x88, $3  }
0x1: {  	(tag) =	ssettag $0x0;
	lr =	simm.s32 $0x1  }
0x2: {  	[smem:$0x3F99] =	sst lr;
	_ =	strace $0xD0000000  }
0x3: {  	_ = 	snop  }
0x4: {  	_ = 	snop  }
0x5: {  	_ = 	snop  }
0x6: {  	_ = 	snop  }
0x7: {  	_ = 	snop  }
__scs_overlays_trampoline_lowered:
0x8: {  	[smem:$0x3FA8] =	sst s0  }
0x9: {  	[smem:$0x3FA9] =	sst s1  }
0xa: {  	[smem:$0x3FAA] =	sst s2  }
0xb: {  	[smem:$0x3FAB] =	sst s3  }
0xc: {  	[smem:$0x3FAC] =	sst s4  }
0xd: {  	[smem:$0x3FAD] =	sst s5  }
0xe: {  	[smem:$0x3FAE] =	sst s6  }
0xf: {  	[smem:$0x3FAF] =	sst s7  }
0x10: {  	[smem:$0x3FB0] =	sst s8  }
0x11: {  	[smem:$0x3FB1] =	sst s9;
	s0 =	simm.s32 @!p0 $0x0  }
0x12: {  	s1 =	sld [smem:$0x3F97];
	s0 =	simm.s32 @p0 $0x1  }
0x13: {  	[smem:$0x3FB2] =	sst s0;
	s0 =	simm.s32 @!p1 $0x0  }
0x14: {  	s2 =	sld [smem:$0x3F96];
	s0 =	simm.s32 @p1 $0x1  }
0x15: {  	[smem:$0x3FB3] =	sst s0;
	s0 =	simm.s32 @!p2 $0x0  }
0x16: {  	s3 =	sld [smem:$0x3FDB];
	s0 =	simm.s32 @p2 $0x1  }
0x17: {  	s4 =	simm.s32 $0x1BF5;
	[smem:$0x3FB5] =	sst s0  }
0x18: {  	s0 =	sld [smem:$0x3F98];
	_ =	swait.ge [sflag:s4], $0x0  }
0x19: {  	s7 =	sld [smem:$0x3F99]  }
0x1a: {  	s8 =	sadd.s32 $0xFFFFE003, lr  }
0x1b: {  	s9 =	sadd.s32 $0xFFFFFEF7, lr;
	s5 =	simm.s32 $0xFFFFFFFF;
	p2 =	slt.u32 s8, $0xFFFFF086  }
0x1c: {  	p1 =	slt.u32 s9, $0xF7A;
	s5 =	simm.s32 @!p2 $0x0  }
0x1d: {  	s5 =	simm.s32 @p1 $0x1;
	p0 =	seq.s32 s7, s2  }
0x1e: {  	s7 =	smul.u32 @!p0 $0xF7A, s2;
	p2 =	seq.s32 @!p0 s5, $0x0  }
0x1f: {  	s9 =	smul.u32 $0xF7A, s1;
	s8 =	simm.s32 @!p0 $0x1BF5;
	p2 =	por !p2, p0  }
0x20: {  	[sflag:s8] =	ssyncset.s32 @!p0 $0xFFFFF086;
	s6 =	sadd.s32 @!p0 s3, s7;
	s7 =	simm.s32 @!p0 $0x108  }
0x21: {  	s3 =	sadd.s32 s3, s9;
	s6 =	sadd.s32 @!p0 $0x88, s6;
	s7 =	simm.s32 @p2 $0x1082  }
0x22: {  	[simem:s7], [sflag:s8] =	dma.local @!p0 [hbm:s6], $0xF7A  }
0x23: {  	s9 =	sor.u32 $0xD0000000, s2;
	s6 =	simm.s32 $0x108;
	_ =	swait.ge @!p0 [sflag:s8], $0x0  }
0x24: {  	s3 =	sadd.s32 $0x88, s3;
	s6 =	simm.s32 @!p1 $0x1082;
	[sflag:s4] =	ssyncset.s32 $0xFFFFF086  }
0x25: {  	[simem:s6], [sflag:s4] =	dma.local [hbm:s3], $0xF7A  }
0x26: {  	[smem:$0x3F99] =	sst s1;
	(tag) =	ssettag s2;
	_ =	strace s9  }
0x27: {  	s1 =	sld [smem:$0x3FA9]  }
0x28: {  	s2 =	sld [smem:$0x3FAA]  }
0x29: {  	s4 =	sld [smem:$0x3FAC]  }
0x2a: {  	p0 =	seq.s32 s5, $0x0;
	s5 =	sld [smem:$0x3FAD]  }
0x2b: {  	s6 =	sld [smem:$0x3FAE]  }
0x2c: {  	s7 =	sld [smem:$0x3FAF]  }
0x2d: {  	s3 =	simm.s32 $0x108;
	s8 =	sld [smem:$0x3FB0]  }
0x2e: {  	s3 =	simm.s32 @!p0 $0x1082;
	s9 =	sld [smem:$0x3FB1]  }
0x2f: {  	lr =	sadd.s32 s0, s3;
	s0 =	sld [smem:$0x3FA8]  }
0x30: {  	s3 =	sld [smem:$0x3FAB]  }
0x31: {  	[smem:$0x3FB4] =	sst s10  }
0x32: {  	s10 =	sld [smem:$0x3FB2];
	_ =	sdelay $0x3  }
0x33: {  	p0 =	seq.s32 s10, $0x1;
	s10 =	sld [smem:$0x3FB4];
	_ =	sdelay $0x3  }
0x34: {  	[smem:$0x3FB4] =	sst s10  }
0x35: {  	s10 =	sld [smem:$0x3FB3];
	_ =	sdelay $0x3  }
0x36: {  	p1 =	seq.s32 s10, $0x1;
	s10 =	sld [smem:$0x3FB4];
	_ =	sdelay $0x3  }
0x37: {  	[smem:$0x3FB4] =	sst s10  }
0x38: {  	s10 =	sld [smem:$0x3FB5]  }
0x39: {  	_ = 	snop;
	(pc) =	sbr.ind lr, $3  }
0x3a: {  	_ = 	snop  }
0x3b: {  	_ = 	snop  }
0x3c: {  	p2 =	seq.s32 s10, $0x1;
	s10 =	sld [smem:$0x3FB4]  }
0x3d: {  	_ =	shalt  }
0x3e: {  	_ =	shalt  }
0x3f: {  	_ =	shalt  }
0x40: {  	_ =	shalt  }
0x41: {  	_ =	shalt  }
0x42: {  	_ =	shalt  }
0x43: {  	_ =	shalt  }
0x44: {  	_ =	shalt  }
0x45: {  	_ =	shalt  }
0x46: {  	_ =	shalt  }
0x47: {  	_ =	shalt  }
0x48: {  	_ =	shalt  }
0x49: {  	_ =	shalt  }
0x4a: {  	_ =	shalt  }
0x4b: {  	_ =	shalt  }
0x4c: {  	_ =	shalt  }
0x4d: {  	_ =	shalt  }
0x4e: {  	_ =	shalt  }
0x4f: {  	_ =	shalt  }
0x50: {  	_ =	shalt  }
0x51: {  	_ =	shalt  }
0x52: {  	_ =	shalt  }
0x53: {  	_ =	shalt  }
0x54: {  	_ =	shalt  }
0x55: {  	_ =	shalt  }
0x56: {  	_ =	shalt  }
0x57: {  	_ =	shalt  }
0x58: {  	_ =	shalt  }
0x59: {  	_ =	shalt  }
0x5a: {  	_ =	shalt  }
0x5b: {  	_ =	shalt  }
0x5c: {  	_ =	shalt  }
0x5d: {  	_ =	shalt  }
0x5e: {  	_ =	shalt  }
0x5f: {  	_ =	shalt  }
0x60: {  	_ =	shalt  }
0x61: {  	_ =	shalt  }
0x62: {  	_ =	shalt  }
0x63: {  	_ =	shalt  }
0x64: {  	_ =	shalt  }
0x65: {  	_ =	shalt  }
0x66: {  	_ =	shalt  }
0x67: {  	_ =	shalt  }
0x68: {  	_ =	shalt  }
0x69: {  	_ =	shalt  }
0x6a: {  	_ =	shalt  }
0x6b: {  	_ =	shalt  }
0x6c: {  	_ =	shalt  }
0x6d: {  	_ =	shalt  }
0x6e: {  	_ =	shalt  }
0x6f: {  	_ =	shalt  }
0x70: {  	_ =	shalt  }
0x71: {  	_ =	shalt  }
0x72: {  	_ =	shalt  }
0x73: {  	_ =	shalt  }
0x74: {  	_ =	shalt  }
0x75: {  	_ =	shalt  }
0x76: {  	_ =	shalt  }
0x77: {  	_ =	shalt  }
0x78: {  	_ =	shalt  }
0x79: {  	_ =	shalt  }
0x7a: {  	_ =	shalt  }
0x7b: {  	_ =	shalt  }
0x7c: {  	_ =	shalt  }
0x7d: {  	_ =	shalt  }
0x7e: {  	_ =	shalt  }
0x7f: {  	_ =	shalt  }
0x80: {  	_ =	shalt  }
0x81: {  	_ =	shalt  }
0x82: {  	_ =	shalt  }
0x83: {  	_ =	shalt  }
0x84: {  	_ =	shalt  }
0x85: {  	_ =	shalt  }
0x86: {  	_ =	shalt  }
0x87: {  	_ =	shalt  }
.Lfunc_end0:
.L_simem_size_0:
called_computation.2_lowered:
.L_overlay_start_0:
0x88: {  	s2 =	sld [smem:$0x3FD9]  }
0x89: {  	s3 =	sld [smem:$0x3FFE];
	_ =	sdelay $0x1  }
0x8a: {  	s1 =	srdreg.scid  }
0x8b: {  	s0 =	sand.u32 $0x1, s1  }
0x8c: {  	s16 =	sshll.u32 s0, $0xA;
	s2 =	sadd.s32 s3, s2  }
0x8d: {  	s2 =	sadd.s32 s2, s16  }
0x8e: {  	[smem:$0x3FC0] =	sst s2  }
0x8f: {  	_ = 	snop  }
0x90: {  	(tm) =	ssettm $0x1  }
0x91: {  	s17 =	sld [smem:$0x3FFB];
	_ =	sdelay $0x3  }
0x92: {  	_ =	strace s17  }
0x93: {  	s2 =	sld [smem:$0x3FFC];
	_ =	sdelay $0x3  }
0x94: {  	_ =	strace s2  }
0x95: {  	s2 =	sld [smem:$0x3FFD];
	_ =	sdelay $0x3  }
0x96: {  	_ =	strace s2  }
0x97: {  	_ =	strace $0x8FFFFFFF  }
0x98: {  	s18 =	sld [smem:$0x3FDB];
	_ =	sdelay $0x1  }
0x99: {  	s19 =	simm.s32 $_scs_section_size  }
0x9a: {  	s4 =	simm.s32 $_size__tile_overlayer_lowered;
	s5 =	simm.s32 $_tile_overlayer_lowered  }
0x9b: {  	s22 =	simm.s32 $0x1BFF;
	s21 =	sshll.u32 s5, $0x1;
	s2 =	sadd.s32 s19, s18  }
0x9c: {  	s6 =	simm.s32 $0x0;
	s20 =	sshll.u32 s4, $0x1;
	s4 =	sadd.s32 s21, s2  }
0x9d: {  	[timem:s6], [sflag:s22] =	dma.local [hbm:s4], s20  }
0x9e: {  	_ =	swait.ge [sflag:s22], s20  }
0x9f: {  	s3 =	ssub.s32 $0x0, s20;
	[sflag:s22] =	ssyncset.done $0x0  }
0xa0: {  	[sflag:s22] =	ssyncadd.s32 s3;
	_ =	sdelay $0x1  }
0xa1: {  	s23 =	simm.s32 $0x1B8B  }
0xa2: {  	_ =	swait.ge [sflag:s23], $0x1  }
0xa3: {  	[sflag:s23] =	ssyncset.done $0x0  }
0xa4: {  	s25 =	simm.s32 $0x1B8E;
	s24 =	sld [smem:$0x3FFE];
	[sflag:s23] =	ssyncadd.s32 $0xFFFFFFFF  }
0xa5: {  	s26 =	simm.s32 $execute0_lowered;
	[smem:$0x3FD2] =	sst s25  }
0xa6: {  	s4 =	sshll.u32 s26, $0x1;
	_ =	strace $0x8000004C;
	[dreg:$0x1] =	wrdreg $0xFFFFFFFF  }
0xa7: {  	s28 =	simm.s32 $_size_execute0_lowered;
	s2 =	sadd.s32 s2, s4;
	[dreg:$0x0] =	wrdreg $0x0  }
0xa8: {  	s4 =	sshll.u32 s28, $0x1;
	[dreg:$0x2] =	wrdreg s2  }
0xa9: {  	[dreg:$0x3] =	wrdreg s4  }
0xaa: {  	[dreg:$0x4] =	wrdreg $0xC0  }
0xab: {  	_ =	task [dreg:s6], $0x5FFFF  }
0xac: {  	[dreg:$0x1] =	wrdreg $0xFFFFFFFF  }
0xad: {  	[dreg:$0x0] =	wrdreg $0x60  }
0xae: {  	[dreg:$0x2] =	wrdreg s24  }
0xaf: {  	[dreg:$0x3] =	wrdreg $0xE0000  }
0xb0: {  	[dreg:$0x4] =	wrdreg $0x9  }
0xb1: {  	_ =	task.clear_ibuf [dreg:s6], $0x5FFFF;
	_ =	strace $0x9000004C  }
0xb2: {  	s29 =	simm.s32 $0x9;
	_ =	strace $0x8000004E  }
0xb3: {  	_ =	swait.ge [sflag:s29], $0x1  }
0xb4: {  	[sflag:s29] =	ssyncadd.s32 $0xFFFFFFFF  }
0xb5: {  	_ =	strace $0x9000004E  }
0xb6: {  	_ =	sfence  }
0xb7: {  	s30 =	sld [smem:$0x0];
	_ =	sdelay $0x2  }
0xb8: {  	s31 =	sshll.u32 s1, $0xD;
	s1 =	sshrl.u32 s1, $0x2  }
0xb9: {  	s3 =	sand.u32 $0x4000, s31;
	s1 =	sadd.s32 s1, s30  }
0xba: {  	s0 =	sor.u32 s3, s0;
	s1 =	sshll.u32 s1, $0x11  }
0xbb: {  	s0 =	sor.u32 s1, s0  }
0xbc: {  	s0 =	sadd.s32 $0x8F2B, s0  }
0xbd: {  	[sflag:s0] =	ssyncadd.remote.s32 $0x1  }
0xbe: {  	_ =	sfence.sel $0xFFFF  }
0xbf: {  	[dreg:$0x0] =	wrdreg $0xFFFFFFFF;
	(pc) =	sbr.abs _section_cstart, $3  }
0xc0: {  	[dreg:$0x1] =	wrdreg $0xFFFFFFFF  }
0xc1: {  	_ =	task.clear_ibuf [dreg:s6], $0x2FFFF;
	_ =	strace $0x9FFFFFFF  }
0xc2: {  	(tm) =	ssettm $0x7FFFFFFF  }
0xc3: {  	_ =	shalt  }
tec
execute0_lowered:
.L_overlay_start_1:
0x0: {  	(tag) =	ssettag $0x1  }
0x1: {  	s0 =	srdreg.scid;
	s6 =	rddreg [dreg:$0x0]  }
0x2: {  	s2 =	rddreg [dreg:$0x1];
	s3 =	simm.s32 $0x0;
	s14 =	simm.s32 $0x6000  }
0x3: {  	s15 =	simm.s32 $0x2;
	s16 =	simm.s32 $0x1;
	s17 =	simm.s32 $0x80  }
0x4: {  	s18 =	simm.s32 $0x5F80;
	s5 =	sand.u32 $0x1, s0;
	s0 =	stileid.u32  }
0x5: {  	s19 =	simm.s32 $0xA000;
	[smem:$0x7FF] =	sst s3;
	s8 =	smul.u32 $0x1400, s0  }
0x6: {  	s1 =	sshll.u32 s5, $0x4;
	s9 =	smul.u32 $0x14000, s5;
	s5 =	ssub.s32 $0x2, s5  }
0x7: {  	s10 =	smul.u32 $0x28000, s0;
	s4 =	sor.u32 s0, s1;
	s1 =	rddreg [dreg:$0x2]  }
0x8: {  	_ =	strace $0x8000004D;
	s30 =	sshrl.u32 s5, $0x1;
	s7 =	smul.u32 $0x600, s4  }
0x9: {  	s4 =	sadd.s32 $0x48600, s6;
	s8 =	sadd.s32 s8, s9;
	s31 =	sshrl.u32 s10, $0x2  }
0xa: {  	s9 =	ssub.s32 s5, s30;
	s8 =	sadd.s32 s8, s6;
	s5 =	sadd.s32 s31, s2  }
0xb: {  	s9 =	smax.u32 s9, $0x1;
	s7 =	sadd.s32 s7, s6;
	s8 =	sadd.s32 $0x70600, s8  }
0xc: {  	s10 =	sadd.s32 $0x2000, s5;
	s11 =	sadd.s32 $0x4000, s5;
	s12 =	sadd.s32 $0x6000, s5  }
0xd: {  	v0 =	vimm.f32 $0.0e+00;
	s13 =	sadd.s32 $0x8000, s5;
	s6 =	sadd.s32 $0x3600, s7;
	s7 =	sadd.s32 $0xF600, s7  }
.LBB2_1:
0xe: {  	s20 =	simm.s32 $0x0;
	s21 =	simm.s32 $0x200  }
.LBB2_2:
0xf: {  	p0 =	sne.s32 s21, $0x7E00;
	[tilespmem:s20+$0x6070] =	vst v0  }
0x10: {  	[tilespmem:s20+$0x6000] =	vst v0  }
0x11: {  	[tilespmem:s20+$0x6010] =	vst v0  }
.Ltmp0:
0x12: {  	[tilespmem:s20+$0x6020] =	vst v0;
	(pc) =	sbr.rel @p0 .LBB2_2-.Ltmp0, $4  }
0x13: {  	[tilespmem:s20+$0x6030] =	vst v0  }
0x14: {  	[tilespmem:s20+$0x6040] =	vst v0  }
0x15: {  	[tilespmem:s20+$0x6050] =	vst v0  }
0x16: {  	[tilespmem:s20+$0x6060] =	vst v0;
	s20 =	sshra.s32 s21, $0x2;
	s21 =	sadd.s32 $0x200, s21  }
0x17: {  	[tilespmem:s20+$0x6070] =	vst v0  }
0x18: {  	[tilespmem:s20+$0x6000] =	vst v0  }
0x19: {  	[tilespmem:s20+$0x6010] =	vst v0  }
0x1a: {  	[tilespmem:s20+$0x6020] =	vst v0  }
0x1b: {  	[tilespmem:s20+$0x6030] =	vst v0  }
0x1c: {  	[tilespmem:s20+$0x6040] =	vst v0  }
0x1d: {  	[tilespmem:s20+$0x6050] =	vst v0  }
0x1e: {  	[tilespmem:s20+$0x6060] =	vst v0  }
0x1f: {  	[spmem:s5] =	stream.linear.scatter [tilespmem:s14], [sflag:$0x2], $0x2000, $0x38;
	[tilespmem:$0x18000] =	vst v63  }
0x20: {  	_ =	swait.ge [sflag:s15], $0x2000  }
0x21: {  	[sflag:s15] =	ssyncset.done $0x0  }
0x22: {  	[sflag:s15] =	ssyncadd.s32 $0xFFFFE000  }
0x23: {  	[spmem:s10] =	stream.linear.scatter [tilespmem:s14], [sflag:$0x2], $0x2000, $0x38;
	[tilespmem:$0x18000] =	vst v63  }
0x24: {  	_ =	swait.ge [sflag:s15], $0x2000  }
0x25: {  	[sflag:s15] =	ssyncset.done $0x0  }
0x26: {  	[sflag:s15] =	ssyncadd.s32 $0xFFFFE000  }
0x27: {  	[spmem:s11] =	stream.linear.scatter [tilespmem:s14], [sflag:$0x2], $0x2000, $0x38;
	[tilespmem:$0x18000] =	vst v63  }
0x28: {  	_ =	swait.ge [sflag:s15], $0x2000  }
0x29: {  	[sflag:s15] =	ssyncset.done $0x0  }
0x2a: {  	[sflag:s15] =	ssyncadd.s32 $0xFFFFE000  }
0x2b: {  	[spmem:s12] =	stream.linear.scatter [tilespmem:s14], [sflag:$0x2], $0x2000, $0x38;
	[tilespmem:$0x18000] =	vst v63  }
0x2c: {  	_ =	swait.ge [sflag:s15], $0x2000  }
0x2d: {  	[sflag:s15] =	ssyncset.done $0x0  }
0x2e: {  	[sflag:s15] =	ssyncadd.s32 $0xFFFFE000  }
0x2f: {  	[spmem:s13] =	stream.linear.scatter [tilespmem:s14], [sflag:$0x2], $0x2000, $0x38;
	[tilespmem:$0x18000] =	vst v63  }
0x30: {  	_ =	swait.ge [sflag:s15], $0x2000  }
0x31: {  	[sflag:s15] =	ssyncset.done $0x0  }
0x32: {  	s23 =	simm.s32 $0x0;
	[sflag:s15] =	ssyncadd.s32 $0xFFFFE000  }
0x33: {  	[tilespmem:s23], [sflag:$0x2] =	stream.linear.gather [hbm4b:s6+s23], $0x3000, $0x38;
	[tilespmem:$0x18000] =	vst v63  }
0x34: {  	_ =	swait.ge [sflag:s15], $0x3000  }
0x35: {  	[sflag:s15] =	ssyncset.done $0x0  }
0x36: {  	s20 =	simm.s32 $0x3000;
	[sflag:s15] =	ssyncadd.s32 $0xFFFFD000  }
0x37: {  	[tilespmem:s20], [sflag:$0x2] =	stream.linear.gather [hbm4b:s7+s23], $0x3000, $0x38;
	[tilespmem:$0x18000] =	vst v63  }
0x38: {  	_ =	swait.ge [sflag:s15], $0x3000  }
0x39: {  	[sflag:s15] =	ssyncset.done $0x0  }
0x3a: {  	[sflag:s15] =	ssyncadd.s32 $0xFFFFD000  }
0x3b: {  	s21 =	simm.s32 $0x80;
	[bflag:$0x0] =	sbarrier.arrive $0xFFFF  }
0x3c: {  	[tilespmem:s14], [sflag:$0x1] =	stream.indirect.gather [hbm4b:s4+s21], $0x80, s23, s21, $0xb8;
	[tilespmem:$0x18000] =	vst v63  }
0x3d: {  	s22 =	simm.s32 $0x4000;
	_ =	swait.ge [sflag:s16], $0x4000  }
0x3e: {  	s24 =	sand.u32 $0x4000, s22;
	[sflag:s16] =	ssyncset.done $0x0  }
0x3f: {  	s24 =	sadd.s32 $0x6000, s24;
	s23 =	sand.u32 $0x4000, s23;
	[sflag:s16] =	ssyncadd.s32 $0xFFFFC000  }
0x40: {  	[tilespmem:s24], [sflag:$0x1] =	stream.indirect.gather [hbm4b:s4+s17], $0x80, s21, s17, $0xb8;
	[tilespmem:$0x18000] =	vst v63  }
0x41: {  	s23 =	sadd.s32 $0x6000, s23  }
0x42: {  	[spmem:s2] =	stream.indirect.scatter.add.f32 [tilespmem:s23], [sflag:$0x2], $0x80, s20, s17, $0xb8;
	[tilespmem:$0x18000] =	vst v63  }
0x43: {  	_ =	swait.ge [sflag:s15], $0x4000  }
0x44: {  	[sflag:s15] =	ssyncset.done $0x0  }
0x45: {  	[sflag:s15] =	ssyncadd.s32 $0xFFFFC000  }
.LBB2_4:
0x46: {  	p0 =	sne.s32 s22, $0x178000  }
0x47: {  	_ =	swait.ge [sflag:s16], $0x4000;
	s23 =	smov.u32 s22;
	s22 =	sadd.s32 $0x4000, s22  }
0x48: {  	s21 =	sadd.s32 $0x80, s21;
	s24 =	sand.u32 $0x4000, s22;
	[sflag:s16] =	ssyncset.done $0x0  }
0x49: {  	s23 =	sand.u32 $0x4000, s23;
	s24 =	sadd.s32 $0x6000, s24;
	[sflag:s16] =	ssyncadd.s32 $0xFFFFC000  }
0x4a: {  	[tilespmem:s24], [sflag:$0x1] =	stream.indirect.gather [hbm4b:s4+s17], $0x80, s21, s17, $0xb8;
	[tilespmem:$0x18000] =	vst v63  }
.Ltmp1:
0x4b: {  	s20 =	sadd.s32 $0x80, s20;
	s23 =	sadd.s32 $0x6000, s23;
	(pc) =	sbr.rel @p0 .LBB2_4-.Ltmp1, $4  }
0x4c: {  	[spmem:s2] =	stream.indirect.scatter.add.f32 [tilespmem:s23], [sflag:$0x2], $0x80, s20, s17, $0xb8;
	[tilespmem:$0x18000] =	vst v63  }
0x4d: {  	_ =	swait.ge [sflag:s15], $0x4000  }
0x4e: {  	[sflag:s15] =	ssyncset.done $0x0  }
0x4f: {  	[sflag:s15] =	ssyncadd.s32 $0xFFFFC000  }
0x50: {  	_ =	swait.ge [sflag:s16], $0x4000  }
0x51: {  	[sflag:s16] =	ssyncset.done $0x0  }
0x52: {  	[sflag:s16] =	ssyncadd.s32 $0xFFFFC000  }
0x53: {  	[spmem:s2] =	stream.indirect.scatter.add.f32 [tilespmem:s19], [sflag:$0x2], $0x80, s18, s17, $0xb8;
	[tilespmem:$0x18000] =	vst v63  }
0x54: {  	_ =	swait.ge [sflag:s15], $0x4000  }
0x55: {  	s20 =	sshll.u32 s0, $0x6;
	s3 =	sadd.s32 $0x1, s3;
	[sflag:s15] =	ssyncset.done $0x0  }
0x56: {  	s21 =	sshrl.u32 s5, $0x3;
	p0 =	sne.s32 s3, s9;
	[sflag:s15] =	ssyncadd.s32 $0xFFFFC000  }
.Ltmp2:
0x57: {  	s20 =	sor.u32 $0x1C02, s20;
	[bflag:$0x0] =	sbarrier.arrive $0xFFFF;
	(pc) =	sbr.rel @p0 .LBB2_1-.Ltmp2, $4  }
0x58: {  	[hbm:s8], [sflag:s20] =	dma.local [spmem:s21], $0x1400  }
0x59: {  	_ =	swait.ge [sflag:s15], $0x1400  }
0x5a: {  	[sflag:s15] =	ssyncset.done $0x0  }
0x5b: {  	[sflag:s15] =	ssyncadd.s32 $0xFFFFEC00  }
0x5c: {  	_ =	sfence.sel $0x180000  }
0x5d: {  	[bflag:$0x0] =	sbarrier.arrive $0xFFFF  }
0x5e: {  	p0 =	sne.s32 s0, $0x0;
	_ =	strace $0x9000004D  }
0x5f: {  	s0 =	sadd.s32 @!p0 $0x100000, s1;
	[bflag:$0x2] =	sbarrier.arrive $0xFFFF  }
0x60: {  	[sflag:s0] =	ssyncadd.tile.s32 @!p0 $0x1;
	_ =	shalt  }
.Lfunc_end2:
_tile_overlayer_lowered:
.L_overlay_start_2:
0x61: {  	(tag) =	ssettag $0x2  }
0x62: {  	s0 =	rddreg [dreg:$0x0];
	s2 =	stileid.u32  }
0x63: {  	s1 =	rddreg [dreg:$0x1];
	p0 =	sne.s32 s2, $0x0  }
0x64: {  	s3 =	rddreg [dreg:$0x2];
	[bflag:$0x3] =	sbarrier.arrive $0xFFFF;
	s2 =	simm.s32 @!p0 $0x1C02  }
0x65: {  	[timem:s3], [sflag:s2] =	dma.local @!p0 [hbm:s0], s1  }
0x66: {  	s0 =	simm.s32 @!p0 $0x2  }
0x67: {  	_ =	swait.ge @!p0 [sflag:s0], s1  }
0x68: {  	s1 =	ssub.s32 @!p0 $0x0, s1;
	[sflag:s0] =	ssyncset.done @!p0 $0x0  }
0x69: {  	[sflag:s0] =	ssyncadd.s32 @!p0 s1  }
0x6a: {  	[bflag:$0x3] =	sbarrier.arrive $0xFFFF  }
0x6b: {  	_ =	shalt  }

// kernel: kernel.23.cloned.1.call-start
scs
__scs_entry_jumppad:
0x0: {  	(pc) =	sbr.rel $0x88, $3  }
0x1: {  	(tag) =	ssettag $0x0;
	lr =	simm.s32 $0x1  }
0x2: {  	[smem:$0x3F99] =	sst lr;
	_ =	strace $0xD0000000  }
0x3: {  	_ = 	snop  }
0x4: {  	_ = 	snop  }
0x5: {  	_ = 	snop  }
0x6: {  	_ = 	snop  }
0x7: {  	_ = 	snop  }
__scs_overlays_trampoline_lowered:
0x8: {  	[smem:$0x3FA8] =	sst s0  }
0x9: {  	[smem:$0x3FA9] =	sst s1  }
0xa: {  	[smem:$0x3FAA] =	sst s2  }
0xb: {  	[smem:$0x3FAB] =	sst s3  }
0xc: {  	[smem:$0x3FAC] =	sst s4  }
0xd: {  	[smem:$0x3FAD] =	sst s5  }
0xe: {  	[smem:$0x3FAE] =	sst s6  }
0xf: {  	[smem:$0x3FAF] =	sst s7  }
0x10: {  	[smem:$0x3FB0] =	sst s8  }
0x11: {  	[smem:$0x3FB1] =	sst s9;
	s0 =	simm.s32 @!p0 $0x0  }
0x12: {  	s1 =	sld [smem:$0x3F97];
	s0 =	simm.s32 @p0 $0x1  }
0x13: {  	[smem:$0x3FB2] =	sst s0;
	s0 =	simm.s32 @!p1 $0x0  }
0x14: {  	s2 =	sld [smem:$0x3F96];
	s0 =	simm.s32 @p1 $0x1  }
0x15: {  	[smem:$0x3FB3] =	sst s0;
	s0 =	simm.s32 @!p2 $0x0  }
0x16: {  	s3 =	sld [smem:$0x3FDB];
	s0 =	simm.s32 @p2 $0x1  }
0x17: {  	s4 =	simm.s32 $0x1BF5;
	[smem:$0x3FB5] =	sst s0  }
0x18: {  	s0 =	sld [smem:$0x3F98];
	_ =	swait.ge [sflag:s4], $0x0  }
0x19: {  	s7 =	sld [smem:$0x3F99]  }
0x1a: {  	s8 =	sadd.s32 $0xFFFFE003, lr  }
0x1b: {  	s9 =	sadd.s32 $0xFFFFFEF7, lr;
	s5 =	simm.s32 $0xFFFFFFFF;
	p2 =	slt.u32 s8, $0xFFFFF086  }
0x1c: {  	p1 =	slt.u32 s9, $0xF7A;
	s5 =	simm.s32 @!p2 $0x0  }
0x1d: {  	s5 =	simm.s32 @p1 $0x1;
	p0 =	seq.s32 s7, s2  }
0x1e: {  	s7 =	smul.u32 @!p0 $0xF7A, s2;
	p2 =	seq.s32 @!p0 s5, $0x0  }
0x1f: {  	s9 =	smul.u32 $0xF7A, s1;
	s8 =	simm.s32 @!p0 $0x1BF5;
	p2 =	por !p2, p0  }
0x20: {  	[sflag:s8] =	ssyncset.s32 @!p0 $0xFFFFF086;
	s6 =	sadd.s32 @!p0 s3, s7;
	s7 =	simm.s32 @!p0 $0x108  }
0x21: {  	s3 =	sadd.s32 s3, s9;
	s6 =	sadd.s32 @!p0 $0x88, s6;
	s7 =	simm.s32 @p2 $0x1082  }
0x22: {  	[simem:s7], [sflag:s8] =	dma.local @!p0 [hbm:s6], $0xF7A  }
0x23: {  	s9 =	sor.u32 $0xD0000000, s2;
	s6 =	simm.s32 $0x108;
	_ =	swait.ge @!p0 [sflag:s8], $0x0  }
0x24: {  	s3 =	sadd.s32 $0x88, s3;
	s6 =	simm.s32 @!p1 $0x1082;
	[sflag:s4] =	ssyncset.s32 $0xFFFFF086  }
0x25: {  	[simem:s6], [sflag:s4] =	dma.local [hbm:s3], $0xF7A  }
0x26: {  	[smem:$0x3F99] =	sst s1;
	(tag) =	ssettag s2;
	_ =	strace s9  }
0x27: {  	s1 =	sld [smem:$0x3FA9]  }
0x28: {  	s2 =	sld [smem:$0x3FAA]  }
0x29: {  	s4 =	sld [smem:$0x3FAC]  }
0x2a: {  	p0 =	seq.s32 s5, $0x0;
	s5 =	sld [smem:$0x3FAD]  }
0x2b: {  	s6 =	sld [smem:$0x3FAE]  }
0x2c: {  	s7 =	sld [smem:$0x3FAF]  }
0x2d: {  	s3 =	simm.s32 $0x108;
	s8 =	sld [smem:$0x3FB0]  }
0x2e: {  	s3 =	simm.s32 @!p0 $0x1082;
	s9 =	sld [smem:$0x3FB1]  }
0x2f: {  	lr =	sadd.s32 s0, s3;
	s0 =	sld [smem:$0x3FA8]  }
0x30: {  	s3 =	sld [smem:$0x3FAB]  }
0x31: {  	[smem:$0x3FB4] =	sst s10  }
0x32: {  	s10 =	sld [smem:$0x3FB2];
	_ =	sdelay $0x3  }
0x33: {  	p0 =	seq.s32 s10, $0x1;
	s10 =	sld [smem:$0x3FB4];
	_ =	sdelay $0x3  }
0x34: {  	[smem:$0x3FB4] =	sst s10  }
0x35: {  	s10 =	sld [smem:$0x3FB3];
	_ =	sdelay $0x3  }
0x36: {  	p1 =	seq.s32 s10, $0x1;
	s10 =	sld [smem:$0x3FB4];
	_ =	sdelay $0x3  }
0x37: {  	[smem:$0x3FB4] =	sst s10  }
0x38: {  	s10 =	sld [smem:$0x3FB5]  }
0x39: {  	_ = 	snop;
	(pc) =	sbr.ind lr, $3  }
0x3a: {  	_ = 	snop  }
0x3b: {  	_ = 	snop  }
0x3c: {  	p2 =	seq.s32 s10, $0x1;
	s10 =	sld [smem:$0x3FB4]  }
0x3d: {  	_ =	shalt  }
0x3e: {  	_ =	shalt  }
0x3f: {  	_ =	shalt  }
0x40: {  	_ =	shalt  }
0x41: {  	_ =	shalt  }
0x42: {  	_ =	shalt  }
0x43: {  	_ =	shalt  }
0x44: {  	_ =	shalt  }
0x45: {  	_ =	shalt  }
0x46: {  	_ =	shalt  }
0x47: {  	_ =	shalt  }
0x48: {  	_ =	shalt  }
0x49: {  	_ =	shalt  }
0x4a: {  	_ =	shalt  }
0x4b: {  	_ =	shalt  }
0x4c: {  	_ =	shalt  }
0x4d: {  	_ =	shalt  }
0x4e: {  	_ =	shalt  }
0x4f: {  	_ =	shalt  }
0x50: {  	_ =	shalt  }
0x51: {  	_ =	shalt  }
0x52: {  	_ =	shalt  }
0x53: {  	_ =	shalt  }
0x54: {  	_ =	shalt  }
0x55: {  	_ =	shalt  }
0x56: {  	_ =	shalt  }
0x57: {  	_ =	shalt  }
0x58: {  	_ =	shalt  }
0x59: {  	_ =	shalt  }
0x5a: {  	_ =	shalt  }
0x5b: {  	_ =	shalt  }
0x5c: {  	_ =	shalt  }
0x5d: {  	_ =	shalt  }
0x5e: {  	_ =	shalt  }
0x5f: {  	_ =	shalt  }
0x60: {  	_ =	shalt  }
0x61: {  	_ =	shalt  }
0x62: {  	_ =	shalt  }
0x63: {  	_ =	shalt  }
0x64: {  	_ =	shalt  }
0x65: {  	_ =	shalt  }
0x66: {  	_ =	shalt  }
0x67: {  	_ =	shalt  }
0x68: {  	_ =	shalt  }
0x69: {  	_ =	shalt  }
0x6a: {  	_ =	shalt  }
0x6b: {  	_ =	shalt  }
0x6c: {  	_ =	shalt  }
0x6d: {  	_ =	shalt  }
0x6e: {  	_ =	shalt  }
0x6f: {  	_ =	shalt  }
0x70: {  	_ =	shalt  }
0x71: {  	_ =	shalt  }
0x72: {  	_ =	shalt  }
0x73: {  	_ =	shalt  }
0x74: {  	_ =	shalt  }
0x75: {  	_ =	shalt  }
0x76: {  	_ =	shalt  }
0x77: {  	_ =	shalt  }
0x78: {  	_ =	shalt  }
0x79: {  	_ =	shalt  }
0x7a: {  	_ =	shalt  }
0x7b: {  	_ =	shalt  }
0x7c: {  	_ =	shalt  }
0x7d: {  	_ =	shalt  }
0x7e: {  	_ =	shalt  }
0x7f: {  	_ =	shalt  }
0x80: {  	_ =	shalt  }
0x81: {  	_ =	shalt  }
0x82: {  	_ =	shalt  }
0x83: {  	_ =	shalt  }
0x84: {  	_ =	shalt  }
0x85: {  	_ =	shalt  }
0x86: {  	_ =	shalt  }
0x87: {  	_ =	shalt  }
.Lfunc_end0:
.L_simem_size_0:
called_computation.3_lowered:
.L_overlay_start_0:
0x88: {  	s2 =	sld [smem:$0x3FD9]  }
0x89: {  	s3 =	sld [smem:$0x3FFE];
	_ =	sdelay $0x1  }
0x8a: {  	s1 =	srdreg.scid  }
0x8b: {  	s0 =	sand.u32 $0x1, s1  }
0x8c: {  	s16 =	sshll.u32 s0, $0xA;
	s2 =	sadd.s32 s3, s2  }
0x8d: {  	s2 =	sadd.s32 s2, s16  }
0x8e: {  	[smem:$0x3FC0] =	sst s2  }
0x8f: {  	_ = 	snop  }
0x90: {  	(tm) =	ssettm $0x1  }
0x91: {  	s17 =	sld [smem:$0x3FFB];
	_ =	sdelay $0x3  }
0x92: {  	_ =	strace s17  }
0x93: {  	s2 =	sld [smem:$0x3FFC];
	_ =	sdelay $0x3  }
0x94: {  	_ =	strace s2  }
0x95: {  	s2 =	sld [smem:$0x3FFD];
	_ =	sdelay $0x3  }
0x96: {  	_ =	strace s2  }
0x97: {  	_ =	strace $0x8FFFFFFF  }
0x98: {  	s18 =	sld [smem:$0x3FDB];
	_ =	sdelay $0x1  }
0x99: {  	s19 =	simm.s32 $_scs_section_size  }
0x9a: {  	s4 =	simm.s32 $_size__tile_overlayer_lowered;
	s5 =	simm.s32 $_tile_overlayer_lowered  }
0x9b: {  	s22 =	simm.s32 $0x1BFF;
	s21 =	sshll.u32 s5, $0x1;
	s2 =	sadd.s32 s19, s18  }
0x9c: {  	s6 =	simm.s32 $0x0;
	s20 =	sshll.u32 s4, $0x1;
	s4 =	sadd.s32 s21, s2  }
0x9d: {  	[timem:s6], [sflag:s22] =	dma.local [hbm:s4], s20  }
0x9e: {  	_ =	swait.ge [sflag:s22], s20  }
0x9f: {  	s3 =	ssub.s32 $0x0, s20;
	[sflag:s22] =	ssyncset.done $0x0  }
0xa0: {  	[sflag:s22] =	ssyncadd.s32 s3;
	_ =	sdelay $0x1  }
0xa1: {  	s23 =	simm.s32 $0x1B8B  }
0xa2: {  	_ =	swait.ge [sflag:s23], $0x1  }
0xa3: {  	[sflag:s23] =	ssyncset.done $0x0  }
0xa4: {  	s25 =	simm.s32 $0x1B8E;
	s24 =	sld [smem:$0x3FFE];
	[sflag:s23] =	ssyncadd.s32 $0xFFFFFFFF  }
0xa5: {  	s26 =	simm.s32 $execute0_lowered;
	[smem:$0x3FD2] =	sst s25  }
0xa6: {  	s4 =	sshll.u32 s26, $0x1;
	_ =	strace $0x8000004F;
	[dreg:$0x1] =	wrdreg $0xFFFFFFFF  }
0xa7: {  	s28 =	simm.s32 $_size_execute0_lowered;
	s2 =	sadd.s32 s2, s4;
	[dreg:$0x0] =	wrdreg $0x0  }
0xa8: {  	s4 =	sshll.u32 s28, $0x1;
	[dreg:$0x2] =	wrdreg s2  }
0xa9: {  	[dreg:$0x3] =	wrdreg s4  }
0xaa: {  	[dreg:$0x4] =	wrdreg $0xC0  }
0xab: {  	_ =	task [dreg:s6], $0x5FFFF  }
0xac: {  	[dreg:$0x1] =	wrdreg $0xFFFFFFFF  }
0xad: {  	[dreg:$0x0] =	wrdreg $0x60  }
0xae: {  	[dreg:$0x2] =	wrdreg s24  }
0xaf: {  	[dreg:$0x3] =	wrdreg $0xE0000  }
0xb0: {  	[dreg:$0x4] =	wrdreg $0x9  }
0xb1: {  	_ =	task.clear_ibuf [dreg:s6], $0x5FFFF;
	_ =	strace $0x9000004F  }
0xb2: {  	s29 =	simm.s32 $0x9;
	_ =	strace $0x80000051  }
0xb3: {  	_ =	swait.ge [sflag:s29], $0x1  }
0xb4: {  	[sflag:s29] =	ssyncadd.s32 $0xFFFFFFFF  }
0xb5: {  	_ =	strace $0x90000051  }
0xb6: {  	_ =	sfence  }
0xb7: {  	s30 =	sld [smem:$0x0];
	_ =	sdelay $0x2  }
0xb8: {  	s31 =	sshll.u32 s1, $0xD;
	s1 =	sshrl.u32 s1, $0x2  }
0xb9: {  	s3 =	sand.u32 $0x4000, s31;
	s1 =	sadd.s32 s1, s30  }
0xba: {  	s0 =	sor.u32 s3, s0;
	s1 =	sshll.u32 s1, $0x11  }
0xbb: {  	s0 =	sor.u32 s1, s0  }
0xbc: {  	s0 =	sadd.s32 $0x8F2B, s0  }
0xbd: {  	[sflag:s0] =	ssyncadd.remote.s32 $0x1  }
0xbe: {  	_ =	sfence.sel $0xFFFF  }
0xbf: {  	[dreg:$0x0] =	wrdreg $0xFFFFFFFF;
	(pc) =	sbr.abs _section_cstart, $3  }
0xc0: {  	[dreg:$0x1] =	wrdreg $0xFFFFFFFF  }
0xc1: {  	_ =	task.clear_ibuf [dreg:s6], $0x2FFFF;
	_ =	strace $0x9FFFFFFF  }
0xc2: {  	(tm) =	ssettm $0x7FFFFFFF  }
0xc3: {  	_ =	shalt  }
tec
execute0_lowered:
.L_overlay_start_1:
0x0: {  	(tag) =	ssettag $0x1  }
0x1: {  	s0 =	srdreg.scid;
	s6 =	rddreg [dreg:$0x0]  }
0x2: {  	s2 =	rddreg [dreg:$0x1];
	s3 =	simm.s32 $0x0;
	s14 =	simm.s32 $0x6000  }
0x3: {  	s15 =	simm.s32 $0x2;
	s16 =	simm.s32 $0x1;
	s17 =	simm.s32 $0x80  }
0x4: {  	s18 =	simm.s32 $0x5F80;
	s5 =	sand.u32 $0x1, s0;
	s0 =	stileid.u32  }
0x5: {  	s19 =	simm.s32 $0xA000;
	[smem:$0x7FF] =	sst s3;
	s8 =	smul.u32 $0x1400, s0  }
0x6: {  	s1 =	sshll.u32 s5, $0x4;
	s9 =	smul.u32 $0x14000, s5;
	s5 =	ssub.s32 $0x2, s5  }
0x7: {  	s10 =	smul.u32 $0x28000, s0;
	s4 =	sor.u32 s0, s1;
	s1 =	rddreg [dreg:$0x2]  }
0x8: {  	_ =	strace $0x80000050;
	s30 =	sshrl.u32 s5, $0x1;
	s7 =	smul.u32 $0x600, s4  }
0x9: {  	s4 =	sadd.s32 $0x48600, s6;
	s8 =	sadd.s32 s8, s9;
	s31 =	sshrl.u32 s10, $0x2  }
0xa: {  	s9 =	ssub.s32 s5, s30;
	s8 =	sadd.s32 s8, s6;
	s5 =	sadd.s32 s31, s2  }
0xb: {  	s9 =	smax.u32 s9, $0x1;
	s7 =	sadd.s32 s7, s6;
	s8 =	sadd.s32 $0x70600, s8  }
0xc: {  	s10 =	sadd.s32 $0x2000, s5;
	s11 =	sadd.s32 $0x4000, s5;
	s12 =	sadd.s32 $0x6000, s5  }
0xd: {  	v0 =	vimm.f32 $0.0e+00;
	s13 =	sadd.s32 $0x8000, s5;
	s6 =	sadd.s32 $0x3600, s7;
	s7 =	sadd.s32 $0xF600, s7  }
.LBB2_1:
0xe: {  	s20 =	simm.s32 $0x0;
	s21 =	simm.s32 $0x200  }
.LBB2_2:
0xf: {  	p0 =	sne.s32 s21, $0x7E00;
	[tilespmem:s20+$0x6070] =	vst v0  }
0x10: {  	[tilespmem:s20+$0x6000] =	vst v0  }
0x11: {  	[tilespmem:s20+$0x6010] =	vst v0  }
.Ltmp0:
0x12: {  	[tilespmem:s20+$0x6020] =	vst v0;
	(pc) =	sbr.rel @p0 .LBB2_2-.Ltmp0, $4  }
0x13: {  	[tilespmem:s20+$0x6030] =	vst v0  }
0x14: {  	[tilespmem:s20+$0x6040] =	vst v0  }
0x15: {  	[tilespmem:s20+$0x6050] =	vst v0  }
0x16: {  	[tilespmem:s20+$0x6060] =	vst v0;
	s20 =	sshra.s32 s21, $0x2;
	s21 =	sadd.s32 $0x200, s21  }
0x17: {  	[tilespmem:s20+$0x6070] =	vst v0  }
0x18: {  	[tilespmem:s20+$0x6000] =	vst v0  }
0x19: {  	[tilespmem:s20+$0x6010] =	vst v0  }
0x1a: {  	[tilespmem:s20+$0x6020] =	vst v0  }
0x1b: {  	[tilespmem:s20+$0x6030] =	vst v0  }
0x1c: {  	[tilespmem:s20+$0x6040] =	vst v0  }
0x1d: {  	[tilespmem:s20+$0x6050] =	vst v0  }
0x1e: {  	[tilespmem:s20+$0x6060] =	vst v0  }
0x1f: {  	[spmem:s5] =	stream.linear.scatter [tilespmem:s14], [sflag:$0x2], $0x2000, $0x38;
	[tilespmem:$0x18000] =	vst v63  }
0x20: {  	_ =	swait.ge [sflag:s15], $0x2000  }
0x21: {  	[sflag:s15] =	ssyncset.done $0x0  }
0x22: {  	[sflag:s15] =	ssyncadd.s32 $0xFFFFE000  }
0x23: {  	[spmem:s10] =	stream.linear.scatter [tilespmem:s14], [sflag:$0x2], $0x2000, $0x38;
	[tilespmem:$0x18000] =	vst v63  }
0x24: {  	_ =	swait.ge [sflag:s15], $0x2000  }
0x25: {  	[sflag:s15] =	ssyncset.done $0x0  }
0x26: {  	[sflag:s15] =	ssyncadd.s32 $0xFFFFE000  }
0x27: {  	[spmem:s11] =	stream.linear.scatter [tilespmem:s14], [sflag:$0x2], $0x2000, $0x38;
	[tilespmem:$0x18000] =	vst v63  }
0x28: {  	_ =	swait.ge [sflag:s15], $0x2000  }
0x29: {  	[sflag:s15] =	ssyncset.done $0x0  }
0x2a: {  	[sflag:s15] =	ssyncadd.s32 $0xFFFFE000  }
0x2b: {  	[spmem:s12] =	stream.linear.scatter [tilespmem:s14], [sflag:$0x2], $0x2000, $0x38;
	[tilespmem:$0x18000] =	vst v63  }
0x2c: {  	_ =	swait.ge [sflag:s15], $0x2000  }
0x2d: {  	[sflag:s15] =	ssyncset.done $0x0  }
0x2e: {  	[sflag:s15] =	ssyncadd.s32 $0xFFFFE000  }
0x2f: {  	[spmem:s13] =	stream.linear.scatter [tilespmem:s14], [sflag:$0x2], $0x2000, $0x38;
	[tilespmem:$0x18000] =	vst v63  }
0x30: {  	_ =	swait.ge [sflag:s15], $0x2000  }
0x31: {  	[sflag:s15] =	ssyncset.done $0x0  }
0x32: {  	s23 =	simm.s32 $0x0;
	[sflag:s15] =	ssyncadd.s32 $0xFFFFE000  }
0x33: {  	[tilespmem:s23], [sflag:$0x2] =	stream.linear.gather [hbm4b:s6+s23], $0x3000, $0x38;
	[tilespmem:$0x18000] =	vst v63  }
0x34: {  	_ =	swait.ge [sflag:s15], $0x3000  }
0x35: {  	[sflag:s15] =	ssyncset.done $0x0  }
0x36: {  	s20 =	simm.s32 $0x3000;
	[sflag:s15] =	ssyncadd.s32 $0xFFFFD000  }
0x37: {  	[tilespmem:s20], [sflag:$0x2] =	stream.linear.gather [hbm4b:s7+s23], $0x3000, $0x38;
	[tilespmem:$0x18000] =	vst v63  }
0x38: {  	_ =	swait.ge [sflag:s15], $0x3000  }
0x39: {  	[sflag:s15] =	ssyncset.done $0x0  }
0x3a: {  	[sflag:s15] =	ssyncadd.s32 $0xFFFFD000  }
0x3b: {  	s21 =	simm.s32 $0x80;
	[bflag:$0x0] =	sbarrier.arrive $0xFFFF  }
0x3c: {  	[tilespmem:s14], [sflag:$0x1] =	stream.indirect.gather [hbm4b:s4+s21], $0x80, s23, s21, $0xb8;
	[tilespmem:$0x18000] =	vst v63  }
0x3d: {  	s22 =	simm.s32 $0x4000;
	_ =	swait.ge [sflag:s16], $0x4000  }
0x3e: {  	s24 =	sand.u32 $0x4000, s22;
	[sflag:s16] =	ssyncset.done $0x0  }
0x3f: {  	s24 =	sadd.s32 $0x6000, s24;
	s23 =	sand.u32 $0x4000, s23;
	[sflag:s16] =	ssyncadd.s32 $0xFFFFC000  }
0x40: {  	[tilespmem:s24], [sflag:$0x1] =	stream.indirect.gather [hbm4b:s4+s17], $0x80, s21, s17, $0xb8;
	[tilespmem:$0x18000] =	vst v63  }
0x41: {  	s23 =	sadd.s32 $0x6000, s23  }
0x42: {  	[spmem:s2] =	stream.indirect.scatter.add.f32 [tilespmem:s23], [sflag:$0x2], $0x80, s20, s17, $0xb8;
	[tilespmem:$0x18000] =	vst v63  }
0x43: {  	_ =	swait.ge [sflag:s15], $0x4000  }
0x44: {  	[sflag:s15] =	ssyncset.done $0x0  }
0x45: {  	[sflag:s15] =	ssyncadd.s32 $0xFFFFC000  }
.LBB2_4:
0x46: {  	p0 =	sne.s32 s22, $0x178000  }
0x47: {  	_ =	swait.ge [sflag:s16], $0x4000;
	s23 =	smov.u32 s22;
	s22 =	sadd.s32 $0x4000, s22  }
0x48: {  	s21 =	sadd.s32 $0x80, s21;
	s24 =	sand.u32 $0x4000, s22;
	[sflag:s16] =	ssyncset.done $0x0  }
0x49: {  	s23 =	sand.u32 $0x4000, s23;
	s24 =	sadd.s32 $0x6000, s24;
	[sflag:s16] =	ssyncadd.s32 $0xFFFFC000  }
0x4a: {  	[tilespmem:s24], [sflag:$0x1] =	stream.indirect.gather [hbm4b:s4+s17], $0x80, s21, s17, $0xb8;
	[tilespmem:$0x18000] =	vst v63  }
.Ltmp1:
0x4b: {  	s20 =	sadd.s32 $0x80, s20;
	s23 =	sadd.s32 $0x6000, s23;
	(pc) =	sbr.rel @p0 .LBB2_4-.Ltmp1, $4  }
0x4c: {  	[spmem:s2] =	stream.indirect.scatter.add.f32 [tilespmem:s23], [sflag:$0x2], $0x80, s20, s17, $0xb8;
	[tilespmem:$0x18000] =	vst v63  }
0x4d: {  	_ =	swait.ge [sflag:s15], $0x4000  }
0x4e: {  	[sflag:s15] =	ssyncset.done $0x0  }
0x4f: {  	[sflag:s15] =	ssyncadd.s32 $0xFFFFC000  }
0x50: {  	_ =	swait.ge [sflag:s16], $0x4000  }
0x51: {  	[sflag:s16] =	ssyncset.done $0x0  }
0x52: {  	[sflag:s16] =	ssyncadd.s32 $0xFFFFC000  }
0x53: {  	[spmem:s2] =	stream.indirect.scatter.add.f32 [tilespmem:s19], [sflag:$0x2], $0x80, s18, s17, $0xb8;
	[tilespmem:$0x18000] =	vst v63  }
0x54: {  	_ =	swait.ge [sflag:s15], $0x4000  }
0x55: {  	s20 =	sshll.u32 s0, $0x6;
	s3 =	sadd.s32 $0x1, s3;
	[sflag:s15] =	ssyncset.done $0x0  }
0x56: {  	s21 =	sshrl.u32 s5, $0x3;
	p0 =	sne.s32 s3, s9;
	[sflag:s15] =	ssyncadd.s32 $0xFFFFC000  }
.Ltmp2:
0x57: {  	s20 =	sor.u32 $0x1C02, s20;
	[bflag:$0x0] =	sbarrier.arrive $0xFFFF;
	(pc) =	sbr.rel @p0 .LBB2_1-.Ltmp2, $4  }
0x58: {  	[hbm:s8], [sflag:s20] =	dma.local [spmem:s21], $0x1400  }
0x59: {  	_ =	swait.ge [sflag:s15], $0x1400  }
0x5a: {  	[sflag:s15] =	ssyncset.done $0x0  }
0x5b: {  	[sflag:s15] =	ssyncadd.s32 $0xFFFFEC00  }
0x5c: {  	_ =	sfence.sel $0x180000  }
0x5d: {  	[bflag:$0x0] =	sbarrier.arrive $0xFFFF  }
0x5e: {  	p0 =	sne.s32 s0, $0x0;
	_ =	strace $0x90000050  }
0x5f: {  	s0 =	sadd.s32 @!p0 $0x100000, s1;
	[bflag:$0x2] =	sbarrier.arrive $0xFFFF  }
0x60: {  	[sflag:s0] =	ssyncadd.tile.s32 @!p0 $0x1;
	_ =	shalt  }
.Lfunc_end2:
_tile_overlayer_lowered:
.L_overlay_start_2:
0x61: {  	(tag) =	ssettag $0x2  }
0x62: {  	s0 =	rddreg [dreg:$0x0];
	s2 =	stileid.u32  }
0x63: {  	s1 =	rddreg [dreg:$0x1];
	p0 =	sne.s32 s2, $0x0  }
0x64: {  	s3 =	rddreg [dreg:$0x2];
	[bflag:$0x3] =	sbarrier.arrive $0xFFFF;
	s2 =	simm.s32 @!p0 $0x1C02  }
0x65: {  	[timem:s3], [sflag:s2] =	dma.local @!p0 [hbm:s0], s1  }
0x66: {  	s0 =	simm.s32 @!p0 $0x2  }
0x67: {  	_ =	swait.ge @!p0 [sflag:s0], s1  }
0x68: {  	s1 =	ssub.s32 @!p0 $0x0, s1;
	[sflag:s0] =	ssyncset.done @!p0 $0x0  }
0x69: {  	[sflag:s0] =	ssyncadd.s32 @!p0 s1  }
0x6a: {  	[bflag:$0x3] =	sbarrier.arrive $0xFFFF  }
0x6b: {  	_ =	shalt  }

// kernel: kernel.26.cloned.1.call-start
scs
__scs_entry_jumppad:
0x0: {  	(pc) =	sbr.rel $0x88, $3  }
0x1: {  	(tag) =	ssettag $0x0;
	lr =	simm.s32 $0x1  }
0x2: {  	[smem:$0x3F99] =	sst lr;
	_ =	strace $0xD0000000  }
0x3: {  	_ = 	snop  }
0x4: {  	_ = 	snop  }
0x5: {  	_ = 	snop  }
0x6: {  	_ = 	snop  }
0x7: {  	_ = 	snop  }
__scs_overlays_trampoline_lowered:
0x8: {  	[smem:$0x3FA8] =	sst s0  }
0x9: {  	[smem:$0x3FA9] =	sst s1  }
0xa: {  	[smem:$0x3FAA] =	sst s2  }
0xb: {  	[smem:$0x3FAB] =	sst s3  }
0xc: {  	[smem:$0x3FAC] =	sst s4  }
0xd: {  	[smem:$0x3FAD] =	sst s5  }
0xe: {  	[smem:$0x3FAE] =	sst s6  }
0xf: {  	[smem:$0x3FAF] =	sst s7  }
0x10: {  	[smem:$0x3FB0] =	sst s8  }
0x11: {  	[smem:$0x3FB1] =	sst s9;
	s0 =	simm.s32 @!p0 $0x0  }
0x12: {  	s1 =	sld [smem:$0x3F97];
	s0 =	simm.s32 @p0 $0x1  }
0x13: {  	[smem:$0x3FB2] =	sst s0;
	s0 =	simm.s32 @!p1 $0x0  }
0x14: {  	s2 =	sld [smem:$0x3F96];
	s0 =	simm.s32 @p1 $0x1  }
0x15: {  	[smem:$0x3FB3] =	sst s0;
	s0 =	simm.s32 @!p2 $0x0  }
0x16: {  	s3 =	sld [smem:$0x3FDB];
	s0 =	simm.s32 @p2 $0x1  }
0x17: {  	s4 =	simm.s32 $0x1BF5;
	[smem:$0x3FB5] =	sst s0  }
0x18: {  	s0 =	sld [smem:$0x3F98];
	_ =	swait.ge [sflag:s4], $0x0  }
0x19: {  	s7 =	sld [smem:$0x3F99]  }
0x1a: {  	s8 =	sadd.s32 $0xFFFFE003, lr  }
0x1b: {  	s9 =	sadd.s32 $0xFFFFFEF7, lr;
	s5 =	simm.s32 $0xFFFFFFFF;
	p2 =	slt.u32 s8, $0xFFFFF086  }
0x1c: {  	p1 =	slt.u32 s9, $0xF7A;
	s5 =	simm.s32 @!p2 $0x0  }
0x1d: {  	s5 =	simm.s32 @p1 $0x1;
	p0 =	seq.s32 s7, s2  }
0x1e: {  	s7 =	smul.u32 @!p0 $0xF7A, s2;
	p2 =	seq.s32 @!p0 s5, $0x0  }
0x1f: {  	s9 =	smul.u32 $0xF7A, s1;
	s8 =	simm.s32 @!p0 $0x1BF5;
	p2 =	por !p2, p0  }
0x20: {  	[sflag:s8] =	ssyncset.s32 @!p0 $0xFFFFF086;
	s6 =	sadd.s32 @!p0 s3, s7;
	s7 =	simm.s32 @!p0 $0x108  }
0x21: {  	s3 =	sadd.s32 s3, s9;
	s6 =	sadd.s32 @!p0 $0x88, s6;
	s7 =	simm.s32 @p2 $0x1082  }
0x22: {  	[simem:s7], [sflag:s8] =	dma.local @!p0 [hbm:s6], $0xF7A  }
0x23: {  	s9 =	sor.u32 $0xD0000000, s2;
	s6 =	simm.s32 $0x108;
	_ =	swait.ge @!p0 [sflag:s8], $0x0  }
0x24: {  	s3 =	sadd.s32 $0x88, s3;
	s6 =	simm.s32 @!p1 $0x1082;
	[sflag:s4] =	ssyncset.s32 $0xFFFFF086  }
0x25: {  	[simem:s6], [sflag:s4] =	dma.local [hbm:s3], $0xF7A  }
0x26: {  	[smem:$0x3F99] =	sst s1;
	(tag) =	ssettag s2;
	_ =	strace s9  }
0x27: {  	s1 =	sld [smem:$0x3FA9]  }
0x28: {  	s2 =	sld [smem:$0x3FAA]  }
0x29: {  	s4 =	sld [smem:$0x3FAC]  }
0x2a: {  	p0 =	seq.s32 s5, $0x0;
	s5 =	sld [smem:$0x3FAD]  }
0x2b: {  	s6 =	sld [smem:$0x3FAE]  }
0x2c: {  	s7 =	sld [smem:$0x3FAF]  }
0x2d: {  	s3 =	simm.s32 $0x108;
	s8 =	sld [smem:$0x3FB0]  }
0x2e: {  	s3 =	simm.s32 @!p0 $0x1082;
	s9 =	sld [smem:$0x3FB1]  }
0x2f: {  	lr =	sadd.s32 s0, s3;
	s0 =	sld [smem:$0x3FA8]  }
0x30: {  	s3 =	sld [smem:$0x3FAB]  }
0x31: {  	[smem:$0x3FB4] =	sst s10  }
0x32: {  	s10 =	sld [smem:$0x3FB2];
	_ =	sdelay $0x3  }
0x33: {  	p0 =	seq.s32 s10, $0x1;
	s10 =	sld [smem:$0x3FB4];
	_ =	sdelay $0x3  }
0x34: {  	[smem:$0x3FB4] =	sst s10  }
0x35: {  	s10 =	sld [smem:$0x3FB3];
	_ =	sdelay $0x3  }
0x36: {  	p1 =	seq.s32 s10, $0x1;
	s10 =	sld [smem:$0x3FB4];
	_ =	sdelay $0x3  }
0x37: {  	[smem:$0x3FB4] =	sst s10  }
0x38: {  	s10 =	sld [smem:$0x3FB5]  }
0x39: {  	_ = 	snop;
	(pc) =	sbr.ind lr, $3  }
0x3a: {  	_ = 	snop  }
0x3b: {  	_ = 	snop  }
0x3c: {  	p2 =	seq.s32 s10, $0x1;
	s10 =	sld [smem:$0x3FB4]  }
0x3d: {  	_ =	shalt  }
0x3e: {  	_ =	shalt  }
0x3f: {  	_ =	shalt  }
0x40: {  	_ =	shalt  }
0x41: {  	_ =	shalt  }
0x42: {  	_ =	shalt  }
0x43: {  	_ =	shalt  }
0x44: {  	_ =	shalt  }
0x45: {  	_ =	shalt  }
0x46: {  	_ =	shalt  }
0x47: {  	_ =	shalt  }
0x48: {  	_ =	shalt  }
0x49: {  	_ =	shalt  }
0x4a: {  	_ =	shalt  }
0x4b: {  	_ =	shalt  }
0x4c: {  	_ =	shalt  }
0x4d: {  	_ =	shalt  }
0x4e: {  	_ =	shalt  }
0x4f: {  	_ =	shalt  }
0x50: {  	_ =	shalt  }
0x51: {  	_ =	shalt  }
0x52: {  	_ =	shalt  }
0x53: {  	_ =	shalt  }
0x54: {  	_ =	shalt  }
0x55: {  	_ =	shalt  }
0x56: {  	_ =	shalt  }
0x57: {  	_ =	shalt  }
0x58: {  	_ =	shalt  }
0x59: {  	_ =	shalt  }
0x5a: {  	_ =	shalt  }
0x5b: {  	_ =	shalt  }
0x5c: {  	_ =	shalt  }
0x5d: {  	_ =	shalt  }
0x5e: {  	_ =	shalt  }
0x5f: {  	_ =	shalt  }
0x60: {  	_ =	shalt  }
0x61: {  	_ =	shalt  }
0x62: {  	_ =	shalt  }
0x63: {  	_ =	shalt  }
0x64: {  	_ =	shalt  }
0x65: {  	_ =	shalt  }
0x66: {  	_ =	shalt  }
0x67: {  	_ =	shalt  }
0x68: {  	_ =	shalt  }
0x69: {  	_ =	shalt  }
0x6a: {  	_ =	shalt  }
0x6b: {  	_ =	shalt  }
0x6c: {  	_ =	shalt  }
0x6d: {  	_ =	shalt  }
0x6e: {  	_ =	shalt  }
0x6f: {  	_ =	shalt  }
0x70: {  	_ =	shalt  }
0x71: {  	_ =	shalt  }
0x72: {  	_ =	shalt  }
0x73: {  	_ =	shalt  }
0x74: {  	_ =	shalt  }
0x75: {  	_ =	shalt  }
0x76: {  	_ =	shalt  }
0x77: {  	_ =	shalt  }
0x78: {  	_ =	shalt  }
0x79: {  	_ =	shalt  }
0x7a: {  	_ =	shalt  }
0x7b: {  	_ =	shalt  }
0x7c: {  	_ =	shalt  }
0x7d: {  	_ =	shalt  }
0x7e: {  	_ =	shalt  }
0x7f: {  	_ =	shalt  }
0x80: {  	_ =	shalt  }
0x81: {  	_ =	shalt  }
0x82: {  	_ =	shalt  }
0x83: {  	_ =	shalt  }
0x84: {  	_ =	shalt  }
0x85: {  	_ =	shalt  }
0x86: {  	_ =	shalt  }
0x87: {  	_ =	shalt  }
.Lfunc_end0:
.L_simem_size_0:
called_computation.4_lowered:
.L_overlay_start_0:
0x88: {  	s2 =	sld [smem:$0x3FD9]  }
0x89: {  	s3 =	sld [smem:$0x3FFE];
	_ =	sdelay $0x1  }
0x8a: {  	s1 =	srdreg.scid  }
0x8b: {  	s0 =	sand.u32 $0x1, s1  }
0x8c: {  	s17 =	sshll.u32 s0, $0xA;
	s2 =	sadd.s32 s3, s2  }
0x8d: {  	s2 =	sadd.s32 s2, s17  }
0x8e: {  	[smem:$0x3FC0] =	sst s2  }
0x8f: {  	_ = 	snop  }
0x90: {  	s2 =	sld [smem:$0x3FD0];
	(tm) =	ssettm $0x1  }
0x91: {  	s18 =	sld [smem:$0x3FFB];
	_ =	sdelay $0x3  }
0x92: {  	_ =	strace s18  }
0x93: {  	s3 =	sld [smem:$0x3FFC];
	_ =	sdelay $0x3  }
0x94: {  	_ =	strace s3  }
0x95: {  	s3 =	sld [smem:$0x3FFD];
	_ =	sdelay $0x3  }
0x96: {  	_ =	strace s3  }
0x97: {  	_ =	strace $0x8FFFFFFF  }
0x98: {  	s19 =	sld [smem:$0x3FDB];
	_ =	sdelay $0x1  }
0x99: {  	s4 =	simm.s32 $_scs_section_size  }
0x9a: {  	s5 =	simm.s32 $_size__tile_overlayer_lowered;
	s6 =	simm.s32 $_tile_overlayer_lowered  }
0x9b: {  	s22 =	simm.s32 $0x1BFF;
	s21 =	sshll.u32 s6, $0x1;
	s3 =	sadd.s32 s4, s19  }
0x9c: {  	s7 =	simm.s32 $0x0;
	s20 =	sshll.u32 s5, $0x1;
	s5 =	sadd.s32 s21, s3  }
0x9d: {  	[timem:s7], [sflag:s22] =	dma.local [hbm:s5], s20  }
0x9e: {  	_ =	swait.ge [sflag:s22], s20  }
0x9f: {  	s4 =	ssub.s32 $0x0, s20;
	[sflag:s22] =	ssyncset.done $0x0  }
0xa0: {  	[sflag:s22] =	ssyncadd.s32 s4;
	_ =	sdelay $0x1  }
0xa1: {  	s23 =	simm.s32 $0x1B8B  }
0xa2: {  	_ =	swait.ge [sflag:s23], $0x1  }
0xa3: {  	[sflag:s23] =	ssyncset.done $0x0  }
0xa4: {  	s25 =	simm.s32 $0x1B8E;
	s24 =	sld [smem:$0x3FFE];
	[sflag:s23] =	ssyncadd.s32 $0xFFFFFFFF  }
0xa5: {  	s26 =	simm.s32 $execute0_lowered;
	[smem:$0x3FD2] =	sst s25  }
0xa6: {  	s5 =	sshll.u32 s26, $0x1;
	_ =	strace $0x80000052;
	[dreg:$0x1] =	wrdreg $0xFFFFFFFF  }
0xa7: {  	s28 =	simm.s32 $_size_execute0_lowered;
	s3 =	sadd.s32 s3, s5;
	[dreg:$0x0] =	wrdreg $0x0  }
0xa8: {  	s5 =	sshll.u32 s28, $0x1;
	[dreg:$0x2] =	wrdreg s3  }
0xa9: {  	[dreg:$0x3] =	wrdreg s5  }
0xaa: {  	[dreg:$0x4] =	wrdreg $0xC0  }
0xab: {  	_ =	task [dreg:s7], $0x5FFFF  }
0xac: {  	[dreg:$0x1] =	wrdreg $0xFFFFFFFF  }
0xad: {  	[dreg:$0x0] =	wrdreg $0x60  }
0xae: {  	[dreg:$0x2] =	wrdreg s24  }
0xaf: {  	[dreg:$0x3] =	wrdreg s2  }
0xb0: {  	[dreg:$0x4] =	wrdreg $0x42000  }
0xb1: {  	[dreg:$0x5] =	wrdreg $0x9  }
0xb2: {  	_ =	task.clear_ibuf [dreg:s7], $0x6FFFF;
	_ =	strace $0x90000052  }
0xb3: {  	s29 =	simm.s32 $0x9;
	_ =	strace $0x80000054  }
0xb4: {  	_ =	swait.ge [sflag:s29], $0x1  }
0xb5: {  	[sflag:s29] =	ssyncadd.s32 $0xFFFFFFFF  }
0xb6: {  	_ =	strace $0x90000054  }
0xb7: {  	_ =	sfence  }
0xb8: {  	s30 =	sld [smem:$0x0];
	_ =	sdelay $0x2  }
0xb9: {  	s31 =	sshll.u32 s1, $0xD;
	s1 =	sshrl.u32 s1, $0x2  }
0xba: {  	s3 =	sand.u32 $0x4000, s31;
	s1 =	sadd.s32 s1, s30  }
0xbb: {  	s0 =	sor.u32 s3, s0;
	s1 =	sshll.u32 s1, $0x11  }
0xbc: {  	s0 =	sor.u32 s1, s0  }
0xbd: {  	s0 =	sadd.s32 $0x8F2B, s0  }
0xbe: {  	[sflag:s0] =	ssyncadd.remote.s32 $0x1  }
0xbf: {  	_ =	sfence.sel $0xFFFF  }
0xc0: {  	[dreg:$0x0] =	wrdreg $0xFFFFFFFF;
	(pc) =	sbr.abs _section_cstart, $3  }
0xc1: {  	[dreg:$0x1] =	wrdreg $0xFFFFFFFF  }
0xc2: {  	_ =	task.clear_ibuf [dreg:s7], $0x2FFFF;
	_ =	strace $0x9FFFFFFF  }
0xc3: {  	(tm) =	ssettm $0x7FFFFFFF  }
tec
execute0_lowered:
.L_overlay_start_1:
0x0: {  	(tag) =	ssettag $0x1  }
0x1: {  	s10 =	rddreg [dreg:$0x0]  }
0x2: {  	s6 =	rddreg [dreg:$0x1]  }
0x3: {  	s2 =	rddreg [dreg:$0x2]  }
0x4: {  	s0 =	srdreg.scid;
	s1 =	rddreg [dreg:$0x3];
	s3 =	simm.s32 $0x0  }
0x5: {  	s17 =	simm.s32 $0x200;
	s18 =	simm.s32 $0x1;
	s19 =	simm.s32 $0x80  }
0x6: {  	s20 =	simm.s32 $0x2200;
	s21 =	simm.s32 $0x100;
	s7 =	sand.u32 $0x1, s0  }
0x7: {  	s22 =	simm.s32 $0x0;
	s0 =	stileid.u32;
	s4 =	smul.u32 $0x140000, s7  }
0x8: {  	[smem:$0x7FF] =	sst s3;
	s8 =	sadd.s32 $0x3600, s10;
	s5 =	smul.u32 $0x14000, s0  }
0x9: {  	_ =	strace $0x80000053;
	s26 =	ssub.s32 $0x2, s7;
	s9 =	sshll.u32 s7, $0x4  }
0xa: {  	s11 =	smul.u32 $0x50000, s0;
	s7 =	sshll.u32 s7, $0xA;
	s28 =	sshrl.u32 s26, $0x1  }
0xb: {  	s9 =	sor.u32 s0, s9;
	s4 =	sadd.s32 s5, s4;
	s13 =	ssub.s32 s26, s28  }
0xc: {  	s29 =	sshrl.u32 s11, $0x2;
	s30 =	smul.u32 $0xA000, s9;
	s5 =	sshll.u32 s0, $0x6  }
0xd: {  	s9 =	smul.u32 $0x1400, s9;
	s4 =	sshrl.u32 s4, $0x3;
	s6 =	sadd.s32 s6, s5  }
0xe: {  	s12 =	sadd.s32 s4, s10;
	s4 =	sadd.s32 s29, s2;
	s11 =	sshrl.u32 s30, $0x3  }
0xf: {  	s6 =	sadd.s32 s7, s6;
	s7 =	sadd.s32 s8, s9;
	s10 =	sadd.s32 $0x2A700, s10  }
0x10: {  	s31 =	sadd.s32 s8, s11;
	s11 =	sadd.s32 $0x48600, s12;
	s12 =	smax.u32 s13, $0x1  }
0x11: {  	s13 =	sadd.s32 $0x4000, s4;
	s14 =	sadd.s32 $0x8000, s4;
	s15 =	sadd.s32 $0xC000, s4  }
0x12: {  	v0 =	vimm.f32 $0.0e+00;
	s16 =	sadd.s32 $0x10000, s4;
	s8 =	sadd.s32 $0x800, s31;
	s9 =	sadd.s32 $0x1000, s31  }
.LBB2_1:
0x13: {  	s23 =	simm.s32 $0x0;
	s24 =	simm.s32 $0x200  }
.LBB2_2:
0x14: {  	p0 =	sne.s32 s24, $0xFE00;
	[tilespmem:s23+$0x270] =	vst v0  }
0x15: {  	[tilespmem:s23+$0x200] =	vst v0  }
0x16: {  	[tilespmem:s23+$0x210] =	vst v0  }
.Ltmp0:
0x17: {  	[tilespmem:s23+$0x220] =	vst v0;
	(pc) =	sbr.rel @p0 .LBB2_2-.Ltmp0, $4  }
0x18: {  	[tilespmem:s23+$0x230] =	vst v0  }
0x19: {  	[tilespmem:s23+$0x240] =	vst v0  }
0x1a: {  	[tilespmem:s23+$0x250] =	vst v0  }
0x1b: {  	[tilespmem:s23+$0x260] =	vst v0;
	s23 =	sshra.s32 s24, $0x2;
	s24 =	sadd.s32 $0x200, s24  }
0x1c: {  	[tilespmem:s23+$0x270] =	vst v0  }
0x1d: {  	[tilespmem:s23+$0x200] =	vst v0  }
0x1e: {  	[tilespmem:s23+$0x210] =	vst v0  }
0x1f: {  	[tilespmem:s23+$0x220] =	vst v0  }
0x20: {  	[tilespmem:s23+$0x230] =	vst v0  }
0x21: {  	[tilespmem:s23+$0x240] =	vst v0  }
0x22: {  	[tilespmem:s23+$0x250] =	vst v0  }
0x23: {  	[tilespmem:s23+$0x260] =	vst v0  }
0x24: {  	[spmem:s4] =	stream.linear.scatter [tilespmem:s17], [sflag:$0x1], $0x4000, $0x38;
	[tilespmem:$0x18200] =	vst v63  }
0x25: {  	_ =	swait.ge [sflag:s18], $0x4000  }
0x26: {  	[sflag:s18] =	ssyncset.done $0x0  }
0x27: {  	[sflag:s18] =	ssyncadd.s32 $0xFFFFC000  }
0x28: {  	[spmem:s13] =	stream.linear.scatter [tilespmem:s17], [sflag:$0x1], $0x4000, $0x38;
	[tilespmem:$0x18200] =	vst v63  }
0x29: {  	_ =	swait.ge [sflag:s18], $0x4000  }
0x2a: {  	[sflag:s18] =	ssyncset.done $0x0  }
0x2b: {  	[sflag:s18] =	ssyncadd.s32 $0xFFFFC000  }
0x2c: {  	[spmem:s14] =	stream.linear.scatter [tilespmem:s17], [sflag:$0x1], $0x4000, $0x38;
	[tilespmem:$0x18200] =	vst v63  }
0x2d: {  	_ =	swait.ge [sflag:s18], $0x4000  }
0x2e: {  	[sflag:s18] =	ssyncset.done $0x0  }
0x2f: {  	[sflag:s18] =	ssyncadd.s32 $0xFFFFC000  }
0x30: {  	[spmem:s15] =	stream.linear.scatter [tilespmem:s17], [sflag:$0x1], $0x4000, $0x38;
	[tilespmem:$0x18200] =	vst v63  }
0x31: {  	_ =	swait.ge [sflag:s18], $0x4000  }
0x32: {  	[sflag:s18] =	ssyncset.done $0x0  }
0x33: {  	[sflag:s18] =	ssyncadd.s32 $0xFFFFC000  }
0x34: {  	[spmem:s16] =	stream.linear.scatter [tilespmem:s17], [sflag:$0x1], $0x4000, $0x38;
	[tilespmem:$0x18200] =	vst v63  }
0x35: {  	_ =	swait.ge [sflag:s18], $0x4000  }
0x36: {  	[sflag:s18] =	ssyncset.done $0x0  }
0x37: {  	[sflag:s18] =	ssyncadd.s32 $0xFFFFC000  }
0x38: {  	[tilespmem:s3], [sflag:$0x1] =	stream.linear.gather [hbm4b:s6+s3], $0x180, $0x38;
	[tilespmem:$0x18200] =	vst v63  }
0x39: {  	_ =	swait.ge [sflag:s18], $0x180  }
0x3a: {  	[sflag:s18] =	ssyncset.done $0x0  }
0x3b: {  	[sflag:s18] =	ssyncadd.s32 $0xFFFFFE80  }
0x3c: {  	[bflag:$0x0] =	sbarrier.arrive $0xFFFF  }
0x3d: {  	[tilespmem:s17], [sflag:$0x1] =	stream.linear.gather [hbm4b:s7+s3], $0x4000, $0x38;
	[tilespmem:$0x18200] =	vst v63  }
0x3e: {  	_ =	swait.ge [sflag:s18], $0x4000  }
0x3f: {  	[sflag:s18] =	ssyncset.done $0x0  }
0x40: {  	[sflag:s18] =	ssyncadd.s32 $0xFFFFC000  }
0x41: {  	[spmem:s2] =	stream.indirect.scatter [tilespmem:s17], [sflag:$0x1], $0x80, s3, s19, $0xb8;
	[tilespmem:$0x18200] =	vst v63  }
0x42: {  	_ =	swait.ge [sflag:s18], $0x4000  }
0x43: {  	[sflag:s18] =	ssyncset.done $0x0  }
0x44: {  	[sflag:s18] =	ssyncadd.s32 $0xFFFFC000  }
0x45: {  	[tilespmem:s17], [sflag:$0x1] =	stream.linear.gather [hbm4b:s8+s3], $0x4000, $0x38;
	[tilespmem:$0x18200] =	vst v63  }
0x46: {  	_ =	swait.ge [sflag:s18], $0x4000  }
0x47: {  	[sflag:s18] =	ssyncset.done $0x0  }
0x48: {  	[sflag:s18] =	ssyncadd.s32 $0xFFFFC000  }
0x49: {  	[spmem:s2] =	stream.indirect.scatter [tilespmem:s17], [sflag:$0x1], $0x80, s19, s19, $0xb8;
	[tilespmem:$0x18200] =	vst v63  }
0x4a: {  	_ =	swait.ge [sflag:s18], $0x4000  }
0x4b: {  	[sflag:s18] =	ssyncset.done $0x0  }
0x4c: {  	[sflag:s18] =	ssyncadd.s32 $0xFFFFC000  }
0x4d: {  	[tilespmem:s17], [sflag:$0x1] =	stream.linear.gather [hbm4b:s9+s3], $0x2000, $0x38;
	[tilespmem:$0x18200] =	vst v63  }
0x4e: {  	_ =	swait.ge [sflag:s18], $0x2000  }
0x4f: {  	[sflag:s18] =	ssyncset.done $0x0  }
0x50: {  	[sflag:s18] =	ssyncadd.s32 $0xFFFFE000  }
0x51: {  	[tilespmem:s20], [sflag:$0x1] =	stream.linear.gather [hbm4b:s10+s3], $0x2000, $0x38;
	[tilespmem:$0x18200] =	vst v63  }
0x52: {  	_ =	swait.ge [sflag:s18], $0x2000  }
0x53: {  	[sflag:s18] =	ssyncset.done $0x0  }
0x54: {  	[sflag:s18] =	ssyncadd.s32 $0xFFFFE000  }
0x55: {  	[spmem:s2] =	stream.indirect.scatter [tilespmem:s17], [sflag:$0x1], $0x80, s21, s19, $0xb8;
	[tilespmem:$0x18200] =	vst v63  }
0x56: {  	_ =	swait.ge [sflag:s18], $0x4000  }
0x57: {  	s22 =	sadd.s32 $0x1, s22;
	[sflag:s18] =	ssyncset.done $0x0  }
0x58: {  	s31 =	sor.u32 $0x1C01, s5;
	p0 =	sne.s32 s22, s12;
	[sflag:s18] =	ssyncadd.s32 $0xFFFFC000  }
.Ltmp1:
0x59: {  	s24 =	sshrl.u32 s4, $0x3;
	[bflag:$0x0] =	sbarrier.arrive $0xFFFF;
	(pc) =	sbr.rel @p0 .LBB2_1-.Ltmp1, $4  }
0x5a: {  	[hbm:s11], [sflag:s31] =	dma.local [spmem:s24], $0x2800  }
0x5b: {  	_ =	swait.ge [sflag:s18], $0x2800  }
0x5c: {  	[sflag:s18] =	ssyncset.done $0x0  }
0x5d: {  	[sflag:s18] =	ssyncadd.s32 $0xFFFFD800  }
0x5e: {  	_ =	sfence.sel $0x180000  }
0x5f: {  	[bflag:$0x0] =	sbarrier.arrive $0xFFFF  }
0x60: {  	p0 =	sne.s32 s0, $0x0;
	_ =	strace $0x90000053  }
0x61: {  	s0 =	sadd.s32 @!p0 $0x100000, s1;
	[bflag:$0x2] =	sbarrier.arrive $0xFFFF  }
0x62: {  	[sflag:s0] =	ssyncadd.tile.s32 @!p0 $0x1;
	_ =	shalt  }
.Lfunc_end2:
_tile_overlayer_lowered:
.L_overlay_start_2:
0x63: {  	(tag) =	ssettag $0x2  }
0x64: {  	s0 =	rddreg [dreg:$0x0];
	s2 =	stileid.u32  }
0x65: {  	s1 =	rddreg [dreg:$0x1];
	p0 =	sne.s32 s2, $0x0  }
0x66: {  	s3 =	rddreg [dreg:$0x2];
	[bflag:$0x3] =	sbarrier.arrive $0xFFFF;
	s2 =	simm.s32 @!p0 $0x1C01  }
0x67: {  	[timem:s3], [sflag:s2] =	dma.local @!p0 [hbm:s0], s1  }
0x68: {  	s0 =	simm.s32 @!p0 $0x1  }
0x69: {  	_ =	swait.ge @!p0 [sflag:s0], s1  }
0x6a: {  	s1 =	ssub.s32 @!p0 $0x0, s1;
	[sflag:s0] =	ssyncset.done @!p0 $0x0  }
0x6b: {  	[sflag:s0] =	ssyncadd.s32 @!p0 s1  }
0x6c: {  	[bflag:$0x3] =	sbarrier.arrive $0xFFFF  }
0x6d: {  	_ =	shalt  }

// kernel: kernel.29.cloned.1.call-start
scs
__scs_entry_jumppad:
0x0: {  	(pc) =	sbr.rel $0x88, $3  }
0x1: {  	(tag) =	ssettag $0x0;
	lr =	simm.s32 $0x1  }
0x2: {  	[smem:$0x3F99] =	sst lr;
	_ =	strace $0xD0000000  }
0x3: {  	_ = 	snop  }
0x4: {  	_ = 	snop  }
0x5: {  	_ = 	snop  }
0x6: {  	_ = 	snop  }
0x7: {  	_ = 	snop  }
__scs_overlays_trampoline_lowered:
0x8: {  	[smem:$0x3FA8] =	sst s0  }
0x9: {  	[smem:$0x3FA9] =	sst s1  }
0xa: {  	[smem:$0x3FAA] =	sst s2  }
0xb: {  	[smem:$0x3FAB] =	sst s3  }
0xc: {  	[smem:$0x3FAC] =	sst s4  }
0xd: {  	[smem:$0x3FAD] =	sst s5  }
0xe: {  	[smem:$0x3FAE] =	sst s6  }
0xf: {  	[smem:$0x3FAF] =	sst s7  }
0x10: {  	[smem:$0x3FB0] =	sst s8  }
0x11: {  	[smem:$0x3FB1] =	sst s9;
	s0 =	simm.s32 @!p0 $0x0  }
0x12: {  	s1 =	sld [smem:$0x3F97];
	s0 =	simm.s32 @p0 $0x1  }
0x13: {  	[smem:$0x3FB2] =	sst s0;
	s0 =	simm.s32 @!p1 $0x0  }
0x14: {  	s2 =	sld [smem:$0x3F96];
	s0 =	simm.s32 @p1 $0x1  }
0x15: {  	[smem:$0x3FB3] =	sst s0;
	s0 =	simm.s32 @!p2 $0x0  }
0x16: {  	s3 =	sld [smem:$0x3FDB];
	s0 =	simm.s32 @p2 $0x1  }
0x17: {  	s4 =	simm.s32 $0x1BF5;
	[smem:$0x3FB5] =	sst s0  }
0x18: {  	s0 =	sld [smem:$0x3F98];
	_ =	swait.ge [sflag:s4], $0x0  }
0x19: {  	s7 =	sld [smem:$0x3F99]  }
0x1a: {  	s8 =	sadd.s32 $0xFFFFE003, lr  }
0x1b: {  	s9 =	sadd.s32 $0xFFFFFEF7, lr;
	s5 =	simm.s32 $0xFFFFFFFF;
	p2 =	slt.u32 s8, $0xFFFFF086  }
0x1c: {  	p1 =	slt.u32 s9, $0xF7A;
	s5 =	simm.s32 @!p2 $0x0  }
0x1d: {  	s5 =	simm.s32 @p1 $0x1;
	p0 =	seq.s32 s7, s2  }
0x1e: {  	s7 =	smul.u32 @!p0 $0xF7A, s2;
	p2 =	seq.s32 @!p0 s5, $0x0  }
0x1f: {  	s9 =	smul.u32 $0xF7A, s1;
	s8 =	simm.s32 @!p0 $0x1BF5;
	p2 =	por !p2, p0  }
0x20: {  	[sflag:s8] =	ssyncset.s32 @!p0 $0xFFFFF086;
	s6 =	sadd.s32 @!p0 s3, s7;
	s7 =	simm.s32 @!p0 $0x108  }
0x21: {  	s3 =	sadd.s32 s3, s9;
	s6 =	sadd.s32 @!p0 $0x88, s6;
	s7 =	simm.s32 @p2 $0x1082  }
0x22: {  	[simem:s7], [sflag:s8] =	dma.local @!p0 [hbm:s6], $0xF7A  }
0x23: {  	s9 =	sor.u32 $0xD0000000, s2;
	s6 =	simm.s32 $0x108;
	_ =	swait.ge @!p0 [sflag:s8], $0x0  }
0x24: {  	s3 =	sadd.s32 $0x88, s3;
	s6 =	simm.s32 @!p1 $0x1082;
	[sflag:s4] =	ssyncset.s32 $0xFFFFF086  }
0x25: {  	[simem:s6], [sflag:s4] =	dma.local [hbm:s3], $0xF7A  }
0x26: {  	[smem:$0x3F99] =	sst s1;
	(tag) =	ssettag s2;
	_ =	strace s9  }
0x27: {  	s1 =	sld [smem:$0x3FA9]  }
0x28: {  	s2 =	sld [smem:$0x3FAA]  }
0x29: {  	s4 =	sld [smem:$0x3FAC]  }
0x2a: {  	p0 =	seq.s32 s5, $0x0;
	s5 =	sld [smem:$0x3FAD]  }
0x2b: {  	s6 =	sld [smem:$0x3FAE]  }
0x2c: {  	s7 =	sld [smem:$0x3FAF]  }
0x2d: {  	s3 =	simm.s32 $0x108;
	s8 =	sld [smem:$0x3FB0]  }
0x2e: {  	s3 =	simm.s32 @!p0 $0x1082;
	s9 =	sld [smem:$0x3FB1]  }
0x2f: {  	lr =	sadd.s32 s0, s3;
	s0 =	sld [smem:$0x3FA8]  }
0x30: {  	s3 =	sld [smem:$0x3FAB]  }
0x31: {  	[smem:$0x3FB4] =	sst s10  }
0x32: {  	s10 =	sld [smem:$0x3FB2];
	_ =	sdelay $0x3  }
0x33: {  	p0 =	seq.s32 s10, $0x1;
	s10 =	sld [smem:$0x3FB4];
	_ =	sdelay $0x3  }
0x34: {  	[smem:$0x3FB4] =	sst s10  }
0x35: {  	s10 =	sld [smem:$0x3FB3];
	_ =	sdelay $0x3  }
0x36: {  	p1 =	seq.s32 s10, $0x1;
	s10 =	sld [smem:$0x3FB4];
	_ =	sdelay $0x3  }
0x37: {  	[smem:$0x3FB4] =	sst s10  }
0x38: {  	s10 =	sld [smem:$0x3FB5]  }
0x39: {  	_ = 	snop;
	(pc) =	sbr.ind lr, $3  }
0x3a: {  	_ = 	snop  }
0x3b: {  	_ = 	snop  }
0x3c: {  	p2 =	seq.s32 s10, $0x1;
	s10 =	sld [smem:$0x3FB4]  }
0x3d: {  	_ =	shalt  }
0x3e: {  	_ =	shalt  }
0x3f: {  	_ =	shalt  }
0x40: {  	_ =	shalt  }
0x41: {  	_ =	shalt  }
0x42: {  	_ =	shalt  }
0x43: {  	_ =	shalt  }
0x44: {  	_ =	shalt  }
0x45: {  	_ =	shalt  }
0x46: {  	_ =	shalt  }
0x47: {  	_ =	shalt  }
0x48: {  	_ =	shalt  }
0x49: {  	_ =	shalt  }
0x4a: {  	_ =	shalt  }
0x4b: {  	_ =	shalt  }
0x4c: {  	_ =	shalt  }
0x4d: {  	_ =	shalt  }
0x4e: {  	_ =	shalt  }
0x4f: {  	_ =	shalt  }
0x50: {  	_ =	shalt  }
0x51: {  	_ =	shalt  }
0x52: {  	_ =	shalt  }
0x53: {  	_ =	shalt  }
0x54: {  	_ =	shalt  }
0x55: {  	_ =	shalt  }
0x56: {  	_ =	shalt  }
0x57: {  	_ =	shalt  }
0x58: {  	_ =	shalt  }
0x59: {  	_ =	shalt  }
0x5a: {  	_ =	shalt  }
0x5b: {  	_ =	shalt  }
0x5c: {  	_ =	shalt  }
0x5d: {  	_ =	shalt  }
0x5e: {  	_ =	shalt  }
0x5f: {  	_ =	shalt  }
0x60: {  	_ =	shalt  }
0x61: {  	_ =	shalt  }
0x62: {  	_ =	shalt  }
0x63: {  	_ =	shalt  }
0x64: {  	_ =	shalt  }
0x65: {  	_ =	shalt  }
0x66: {  	_ =	shalt  }
0x67: {  	_ =	shalt  }
0x68: {  	_ =	shalt  }
0x69: {  	_ =	shalt  }
0x6a: {  	_ =	shalt  }
0x6b: {  	_ =	shalt  }
0x6c: {  	_ =	shalt  }
0x6d: {  	_ =	shalt  }
0x6e: {  	_ =	shalt  }
0x6f: {  	_ =	shalt  }
0x70: {  	_ =	shalt  }
0x71: {  	_ =	shalt  }
0x72: {  	_ =	shalt  }
0x73: {  	_ =	shalt  }
0x74: {  	_ =	shalt  }
0x75: {  	_ =	shalt  }
0x76: {  	_ =	shalt  }
0x77: {  	_ =	shalt  }
0x78: {  	_ =	shalt  }
0x79: {  	_ =	shalt  }
0x7a: {  	_ =	shalt  }
0x7b: {  	_ =	shalt  }
0x7c: {  	_ =	shalt  }
0x7d: {  	_ =	shalt  }
0x7e: {  	_ =	shalt  }
0x7f: {  	_ =	shalt  }
0x80: {  	_ =	shalt  }
0x81: {  	_ =	shalt  }
0x82: {  	_ =	shalt  }
0x83: {  	_ =	shalt  }
0x84: {  	_ =	shalt  }
0x85: {  	_ =	shalt  }
0x86: {  	_ =	shalt  }
0x87: {  	_ =	shalt  }
.Lfunc_end0:
.L_simem_size_0:
called_computation.5_lowered:
.L_overlay_start_0:
0x88: {  	s2 =	sld [smem:$0x3FD9]  }
0x89: {  	s3 =	sld [smem:$0x3FFE];
	_ =	sdelay $0x1  }
0x8a: {  	s1 =	srdreg.scid  }
0x8b: {  	s0 =	sand.u32 $0x1, s1  }
0x8c: {  	s16 =	sshll.u32 s0, $0xA;
	s2 =	sadd.s32 s3, s2  }
0x8d: {  	s2 =	sadd.s32 s2, s16  }
0x8e: {  	[smem:$0x3FC0] =	sst s2  }
0x8f: {  	_ = 	snop  }
0x90: {  	(tm) =	ssettm $0x1  }
0x91: {  	s17 =	sld [smem:$0x3FFB];
	_ =	sdelay $0x3  }
0x92: {  	_ =	strace s17  }
0x93: {  	s2 =	sld [smem:$0x3FFC];
	_ =	sdelay $0x3  }
0x94: {  	_ =	strace s2  }
0x95: {  	s2 =	sld [smem:$0x3FFD];
	_ =	sdelay $0x3  }
0x96: {  	_ =	strace s2  }
0x97: {  	_ =	strace $0x8FFFFFFF  }
0x98: {  	s18 =	sld [smem:$0x3FDB];
	_ =	sdelay $0x1  }
0x99: {  	s19 =	simm.s32 $_scs_section_size  }
0x9a: {  	s4 =	simm.s32 $_size__tile_overlayer_lowered;
	s5 =	simm.s32 $_tile_overlayer_lowered  }
0x9b: {  	s22 =	simm.s32 $0x1BFF;
	s21 =	sshll.u32 s5, $0x1;
	s2 =	sadd.s32 s19, s18  }
0x9c: {  	s6 =	simm.s32 $0x0;
	s20 =	sshll.u32 s4, $0x1;
	s4 =	sadd.s32 s21, s2  }
0x9d: {  	[timem:s6], [sflag:s22] =	dma.local [hbm:s4], s20  }
0x9e: {  	_ =	swait.ge [sflag:s22], s20  }
0x9f: {  	s3 =	ssub.s32 $0x0, s20;
	[sflag:s22] =	ssyncset.done $0x0  }
0xa0: {  	[sflag:s22] =	ssyncadd.s32 s3;
	_ =	sdelay $0x1  }
0xa1: {  	s23 =	simm.s32 $0x1B8B  }
0xa2: {  	_ =	swait.ge [sflag:s23], $0x1  }
0xa3: {  	[sflag:s23] =	ssyncset.done $0x0  }
0xa4: {  	s25 =	simm.s32 $0x1B8E;
	s24 =	sld [smem:$0x3FFE];
	[sflag:s23] =	ssyncadd.s32 $0xFFFFFFFF  }
0xa5: {  	s26 =	simm.s32 $execute0_lowered;
	[smem:$0x3FD2] =	sst s25  }
0xa6: {  	s4 =	sshll.u32 s26, $0x1;
	_ =	strace $0x80000055;
	[dreg:$0x1] =	wrdreg $0xFFFFFFFF  }
0xa7: {  	s28 =	simm.s32 $_size_execute0_lowered;
	s2 =	sadd.s32 s2, s4;
	[dreg:$0x0] =	wrdreg $0x0  }
0xa8: {  	s4 =	sshll.u32 s28, $0x1;
	[dreg:$0x2] =	wrdreg s2  }
0xa9: {  	[dreg:$0x3] =	wrdreg s4  }
0xaa: {  	[dreg:$0x4] =	wrdreg $0xC0  }
0xab: {  	_ =	task [dreg:s6], $0x5FFFF  }
0xac: {  	[dreg:$0x1] =	wrdreg $0xFFFFFFFF  }
0xad: {  	[dreg:$0x0] =	wrdreg $0x60  }
0xae: {  	[dreg:$0x2] =	wrdreg s24  }
0xaf: {  	[dreg:$0x3] =	wrdreg $0x90000  }
0xb0: {  	[dreg:$0x4] =	wrdreg $0x9  }
0xb1: {  	_ =	task.clear_ibuf [dreg:s6], $0x5FFFF;
	_ =	strace $0x90000055  }
0xb2: {  	s29 =	simm.s32 $0x9;
	_ =	strace $0x80000057  }
0xb3: {  	_ =	swait.ge [sflag:s29], $0x1  }
0xb4: {  	[sflag:s29] =	ssyncadd.s32 $0xFFFFFFFF  }
0xb5: {  	_ =	strace $0x90000057  }
0xb6: {  	_ =	sfence  }
0xb7: {  	s30 =	sld [smem:$0x0];
	_ =	sdelay $0x2  }
0xb8: {  	s31 =	sshll.u32 s1, $0xD;
	s1 =	sshrl.u32 s1, $0x2  }
0xb9: {  	s3 =	sand.u32 $0x4000, s31;
	s1 =	sadd.s32 s1, s30  }
0xba: {  	s0 =	sor.u32 s3, s0;
	s1 =	sshll.u32 s1, $0x11  }
0xbb: {  	s0 =	sor.u32 s1, s0  }
0xbc: {  	s0 =	sadd.s32 $0x8F2B, s0  }
0xbd: {  	[sflag:s0] =	ssyncadd.remote.s32 $0x1  }
0xbe: {  	_ =	sfence.sel $0xFFFF  }
0xbf: {  	[dreg:$0x0] =	wrdreg $0xFFFFFFFF;
	(pc) =	sbr.abs _section_cstart, $3  }
0xc0: {  	[dreg:$0x1] =	wrdreg $0xFFFFFFFF  }
0xc1: {  	_ =	task.clear_ibuf [dreg:s6], $0x2FFFF;
	_ =	strace $0x9FFFFFFF  }
0xc2: {  	(tm) =	ssettm $0x7FFFFFFF  }
0xc3: {  	_ =	shalt  }
tec
execute0_lowered:
.L_overlay_start_1:
0x0: {  	(tag) =	ssettag $0x1  }
0x1: {  	s5 =	rddreg [dreg:$0x0]  }
0x2: {  	s0 =	srdreg.scid;
	s2 =	rddreg [dreg:$0x1]  }
0x3: {  	s1 =	rddreg [dreg:$0x2];
	s3 =	simm.s32 $0x0;
	s6 =	sand.u32 $0x1, s0  }
0x4: {  	s14 =	simm.s32 $0x5000;
	s0 =	stileid.u32;
	s7 =	smul.u32 $0x28000, s6  }
0x5: {  	s15 =	simm.s32 $0x2;
	s16 =	simm.s32 $0x2800;
	s8 =	smul.u32 $0x2800, s0  }
0x6: {  	s17 =	simm.s32 $0x80;
	s18 =	simm.s32 $0x1;
	s9 =	smul.u32 $0x140000, s6  }
0x7: {  	[smem:$0x7FF] =	sst s3;
	s4 =	sadd.s32 $0x3600, s5;
	s10 =	smul.u32 $0x14000, s0  }
0x8: {  	s29 =	smul.u32 $0x50000, s0;
	s6 =	ssub.s32 $0x2, s6;
	s19 =	sshll.u32 s0, $0x6  }
0x9: {  	_ =	strace $0x80000056;
	s30 =	sshrl.u32 s6, $0x1;
	s19 =	sor.u32 $0x1C02, s19  }
0xa: {  	s7 =	sadd.s32 s8, s7;
	s28 =	sadd.s32 s10, s9;
	s9 =	sshrl.u32 s29, $0x2  }
0xb: {  	s31 =	ssub.s32 s6, s30;
	s7 =	sshrl.u32 s7, $0x3;
	s8 =	sshrl.u32 s28, $0x3  }
0xc: {  	s7 =	sadd.s32 s7, s5;
	s8 =	sadd.s32 s8, s5;
	s5 =	sadd.s32 s9, s2  }
0xd: {  	s9 =	smax.u32 s31, $0x1;
	s6 =	sadd.s32 $0x34600, s7;
	s7 =	sadd.s32 $0x3E600, s7  }
0xe: {  	s8 =	sadd.s32 $0x48600, s8;
	s10 =	sadd.s32 $0x4000, s5;
	s11 =	sadd.s32 $0x8000, s5  }
0xf: {  	v0 =	vimm.f32 $0.0e+00;
	s12 =	sadd.s32 $0xC000, s5;
	s13 =	sadd.s32 $0x10000, s5;
	s20 =	sshrl.u32 s5, $0x3  }
.LBB2_1:
0x10: {  	s21 =	simm.s32 $0x0;
	s22 =	simm.s32 $0x200  }
.LBB2_2:
0x11: {  	p0 =	sne.s32 s22, $0xFE00;
	[tilespmem:s21+$0x5070] =	vst v0  }
0x12: {  	[tilespmem:s21+$0x5000] =	vst v0  }
0x13: {  	[tilespmem:s21+$0x5010] =	vst v0  }
.Ltmp0:
0x14: {  	[tilespmem:s21+$0x5020] =	vst v0;
	(pc) =	sbr.rel @p0 .LBB2_2-.Ltmp0, $4  }
0x15: {  	[tilespmem:s21+$0x5030] =	vst v0  }
0x16: {  	[tilespmem:s21+$0x5040] =	vst v0  }
0x17: {  	[tilespmem:s21+$0x5050] =	vst v0  }
0x18: {  	[tilespmem:s21+$0x5060] =	vst v0;
	s21 =	sshra.s32 s22, $0x2;
	s22 =	sadd.s32 $0x200, s22  }
0x19: {  	[tilespmem:s21+$0x5070] =	vst v0  }
0x1a: {  	[tilespmem:s21+$0x5000] =	vst v0  }
0x1b: {  	[tilespmem:s21+$0x5010] =	vst v0  }
0x1c: {  	[tilespmem:s21+$0x5020] =	vst v0  }
0x1d: {  	[tilespmem:s21+$0x5030] =	vst v0  }
0x1e: {  	[tilespmem:s21+$0x5040] =	vst v0  }
0x1f: {  	[tilespmem:s21+$0x5050] =	vst v0  }
0x20: {  	[tilespmem:s21+$0x5060] =	vst v0  }
0x21: {  	[spmem:s5] =	stream.linear.scatter [tilespmem:s14], [sflag:$0x2], $0x4000, $0x38;
	[tilespmem:$0x1D000] =	vst v63  }
0x22: {  	_ =	swait.ge [sflag:s15], $0x4000  }
0x23: {  	[sflag:s15] =	ssyncset.done $0x0  }
0x24: {  	[sflag:s15] =	ssyncadd.s32 $0xFFFFC000  }
0x25: {  	[spmem:s10] =	stream.linear.scatter [tilespmem:s14], [sflag:$0x2], $0x4000, $0x38;
	[tilespmem:$0x1D000] =	vst v63  }
0x26: {  	_ =	swait.ge [sflag:s15], $0x4000  }
0x27: {  	[sflag:s15] =	ssyncset.done $0x0  }
0x28: {  	[sflag:s15] =	ssyncadd.s32 $0xFFFFC000  }
0x29: {  	[spmem:s11] =	stream.linear.scatter [tilespmem:s14], [sflag:$0x2], $0x4000, $0x38;
	[tilespmem:$0x1D000] =	vst v63  }
0x2a: {  	_ =	swait.ge [sflag:s15], $0x4000  }
0x2b: {  	[sflag:s15] =	ssyncset.done $0x0  }
0x2c: {  	[sflag:s15] =	ssyncadd.s32 $0xFFFFC000  }
0x2d: {  	[spmem:s12] =	stream.linear.scatter [tilespmem:s14], [sflag:$0x2], $0x4000, $0x38;
	[tilespmem:$0x1D000] =	vst v63  }
0x2e: {  	_ =	swait.ge [sflag:s15], $0x4000  }
0x2f: {  	[sflag:s15] =	ssyncset.done $0x0  }
0x30: {  	[sflag:s15] =	ssyncadd.s32 $0xFFFFC000  }
0x31: {  	[spmem:s13] =	stream.linear.scatter [tilespmem:s14], [sflag:$0x2], $0x4000, $0x38;
	[tilespmem:$0x1D000] =	vst v63  }
0x32: {  	_ =	swait.ge [sflag:s15], $0x4000  }
0x33: {  	[sflag:s15] =	ssyncset.done $0x0  }
0x34: {  	s29 =	simm.s32 $0x0;
	[sflag:s15] =	ssyncadd.s32 $0xFFFFC000  }
0x35: {  	[tilespmem:s29], [sflag:$0x2] =	stream.linear.gather [hbm4b:s6+s29], $0x2780, $0x38;
	[tilespmem:$0x1D000] =	vst v63  }
0x36: {  	_ =	swait.ge [sflag:s15], $0x2780  }
0x37: {  	[sflag:s15] =	ssyncset.done $0x0  }
0x38: {  	[sflag:s15] =	ssyncadd.s32 $0xFFFFD880  }
0x39: {  	[tilespmem:s16], [sflag:$0x2] =	stream.linear.gather [hbm4b:s7+s29], $0x2780, $0x38;
	[tilespmem:$0x1D000] =	vst v63  }
0x3a: {  	_ =	swait.ge [sflag:s15], $0x2780  }
0x3b: {  	[sflag:s15] =	ssyncset.done $0x0  }
0x3c: {  	[sflag:s15] =	ssyncadd.s32 $0xFFFFD880  }
0x3d: {  	s30 =	simm.s32 $0x0;
	[bflag:$0x0] =	sbarrier.arrive $0xFFFF  }
0x3e: {  	[tilespmem:s14], [sflag:$0x1] =	stream.indirect.gather [hbm4b:s4+s17], $0x80, s30, s17, $0xb8;
	[tilespmem:$0x1D000] =	vst v63  }
0x3f: {  	_ =	swait.ge [sflag:s18], $0x4000  }
0x40: {  	[sflag:s18] =	ssyncset.done $0x0  }
0x41: {  	s31 =	simm.s32 $0x2800;
	[sflag:s18] =	ssyncadd.s32 $0xFFFFC000  }
0x42: {  	[spmem:s2] =	stream.indirect.scatter.add.f32 [tilespmem:s14], [sflag:$0x2], $0x80, s31, s17, $0xb8;
	[tilespmem:$0x1D000] =	vst v63  }
0x43: {  	_ =	swait.ge [sflag:s15], $0x4000  }
0x44: {  	s21 =	simm.s32 $0x200;
	s22 =	simm.s32 $0x400;
	[sflag:s15] =	ssyncset.done $0x0  }
.LBB2_4:
0x45: {  	s23 =	sshra.s32 s21, $0x2  }
0x46: {  	[sflag:s15] =	ssyncadd.s32 $0xFFFFC000;
	s21 =	smov.u32 s22;
	s24 =	sadd.s32 $0x200, s22  }
0x47: {  	[tilespmem:s14], [sflag:$0x1] =	stream.indirect.gather [hbm4b:s4+s17], $0x80, s23, s17, $0xb8;
	[tilespmem:$0x1D000] =	vst v63  }
0x48: {  	p0 =	sne.s32 s22, $0x9C00;
	_ =	swait.ge [sflag:s18], $0x4000  }
.Ltmp1:
0x49: {  	[sflag:s18] =	ssyncset.done $0x0;
	(pc) =	sbr.rel @p0 .LBB2_4-.Ltmp1, $4  }
0x4a: {  	s22 =	sadd.s32 $0x2800, s23;
	[sflag:s18] =	ssyncadd.s32 $0xFFFFC000  }
0x4b: {  	[spmem:s2] =	stream.indirect.scatter.add.f32 [tilespmem:s14], [sflag:$0x2], $0x80, s22, s17, $0xb8;
	[tilespmem:$0x1D000] =	vst v63  }
0x4c: {  	_ =	swait.ge [sflag:s15], $0x4000  }
0x4d: {  	s22 =	smov.u32 s24;
	[sflag:s15] =	ssyncset.done $0x0  }
0x4e: {  	s21 =	sshra.s32 s21, $0x2;
	[sflag:s15] =	ssyncadd.s32 $0xFFFFC000  }
0x4f: {  	[tilespmem:s14], [sflag:$0x1] =	stream.indirect.gather [hbm4b:s4+s17], $0x80, s21, s17, $0xb8;
	[tilespmem:$0x1D000] =	vst v63  }
0x50: {  	_ =	swait.ge [sflag:s18], $0x4000  }
0x51: {  	[sflag:s18] =	ssyncset.done $0x0  }
0x52: {  	s21 =	sadd.s32 $0x2800, s21;
	[sflag:s18] =	ssyncadd.s32 $0xFFFFC000  }
0x53: {  	[spmem:s2] =	stream.indirect.scatter.add.f32 [tilespmem:s14], [sflag:$0x2], $0x80, s21, s17, $0xb8;
	[tilespmem:$0x1D000] =	vst v63  }
0x54: {  	_ =	swait.ge [sflag:s15], $0x4000  }
0x55: {  	s3 =	sadd.s32 $0x1, s3;
	[sflag:s15] =	ssyncset.done $0x0  }
0x56: {  	p0 =	sne.s32 s3, s9;
	[sflag:s15] =	ssyncadd.s32 $0xFFFFC000  }
.Ltmp2:
0x57: {  	[bflag:$0x0] =	sbarrier.arrive $0xFFFF;
	(pc) =	sbr.rel @p0 .LBB2_1-.Ltmp2, $4  }
0x58: {  	[hbm:s8], [sflag:s19] =	dma.local [spmem:s20], $0x2800  }
0x59: {  	_ =	swait.ge [sflag:s15], $0x2800  }
0x5a: {  	[sflag:s15] =	ssyncset.done $0x0  }
0x5b: {  	[sflag:s15] =	ssyncadd.s32 $0xFFFFD800  }
0x5c: {  	_ =	sfence.sel $0x180000  }
0x5d: {  	[bflag:$0x0] =	sbarrier.arrive $0xFFFF  }
0x5e: {  	p0 =	sne.s32 s0, $0x0;
	_ =	strace $0x90000056  }
0x5f: {  	s0 =	sadd.s32 @!p0 $0x100000, s1;
	[bflag:$0x2] =	sbarrier.arrive $0xFFFF  }
0x60: {  	[sflag:s0] =	ssyncadd.tile.s32 @!p0 $0x1;
	_ =	shalt  }
.Lfunc_end2:
_tile_overlayer_lowered:
.L_overlay_start_2:
0x61: {  	(tag) =	ssettag $0x2  }
0x62: {  	s0 =	rddreg [dreg:$0x0];
	s2 =	stileid.u32  }
0x63: {  	s1 =	rddreg [dreg:$0x1];
	p0 =	sne.s32 s2, $0x0  }
0x64: {  	s3 =	rddreg [dreg:$0x2];
	[bflag:$0x3] =	sbarrier.arrive $0xFFFF;
	s2 =	simm.s32 @!p0 $0x1C02  }
0x65: {  	[timem:s3], [sflag:s2] =	dma.local @!p0 [hbm:s0], s1  }
0x66: {  	s0 =	simm.s32 @!p0 $0x2  }
0x67: {  	_ =	swait.ge @!p0 [sflag:s0], s1  }
0x68: {  	s1 =	ssub.s32 @!p0 $0x0, s1;
	[sflag:s0] =	ssyncset.done @!p0 $0x0  }
0x69: {  	[sflag:s0] =	ssyncadd.s32 @!p0 s1  }
0x6a: {  	[bflag:$0x3] =	sbarrier.arrive $0xFFFF  }
0x6b: {  	_ =	shalt  }

</sc_bundles>
